<compile_context>
chip_gen: v7x
topology: tpu7x:2x2x1
jax: 0.10.2.dev20260603
libtpu: 0.0.44.dev20260713+nightly
codegen_flags: <defaults>
</compile_context>

<pallas_src>
import functools

import jax
import jax.numpy as jnp
from jax import lax
from jax.experimental import pallas as pl
from jax.experimental.pallas import tpu as pltpu
from jax.experimental.pallas import tpu_sc as plsc

H = 128
N = 16384
E = 65536
B = 16
NC, NS, LANES = 2, 16, 16
NW = NC * NS

F32 = jnp.float32
HIGH = lax.Precision.HIGHEST


def _dotT(a, b):
    return jnp.dot(a, b, preferred_element_type=F32, precision=HIGH)


def _dotD(a, b):
    return jnp.dot(a, b, preferred_element_type=F32)


def _dot_c0(a, b):
    return lax.dot_general(a, b, (((0,), (0,)), ((), ())),
                           preferred_element_type=F32, precision=HIGH)


ROWS_PER_W = N // NW
GCH = 128
GITER = ROWS_PER_W // GCH

_SC_MESH_KW = dict(core_axis_name="c", subcore_axis_name="s",
                   num_cores=NC, num_subcores=NS)


@functools.cache
def _sc_mesh():
    return plsc.VectorSubcoreMesh(**_SC_MESH_KW)


@functools.cache
def _sc_gather_fn():
    @functools.partial(
        pl.kernel,
        out_type=jax.ShapeDtypeStruct((N, H), F32),
        mesh=_sc_mesh(),
        scratch_types=[
            pltpu.VMEM((GITER, GCH), jnp.int32),
            pltpu.VMEM((GCH, H), F32),
            pltpu.VMEM((GCH, H), F32),
            pltpu.SemaphoreType.DMA,
            pltpu.SemaphoreType.DMA,
        ],
    )
    def _sc_gather(table_hbm, idx_hbm, out_hbm, idx_v, rows0, rows1,
                   sem0, sem1):
        wid = lax.axis_index("s") * NC + lax.axis_index("c")
        base = wid * ROWS_PER_W
        pltpu.sync_copy(idx_hbm.at[pl.ds(wid * GITER, GITER)], idx_v)
        bufs = (rows0, rows1)
        sems = (sem0, sem1)
        pltpu.async_copy(table_hbm.at[idx_v.at[0]], rows0, sem0)
        for j in range(GITER):
            b = j % 2
            if j + 1 < GITER:
                pltpu.async_copy(table_hbm.at[idx_v.at[j + 1]],
                                 bufs[1 - b], sems[1 - b])
            pltpu.make_async_copy(table_hbm.at[idx_v.at[j]],
                                  bufs[b], sems[b]).wait()
            pltpu.sync_copy(bufs[b], out_hbm.at[pl.ds(base + j * GCH, GCH)])

    return _sc_gather


NHALF = N // NC
E_PER_TILE = E // NS
ECH = 128
EITER = E_PER_TILE // ECH
OUT_ROWS_PER_TILE = NHALF // NS


@functools.cache
def _sc_edge_agg_fn():
    @functools.partial(
        pl.kernel,
        out_type=jax.ShapeDtypeStruct((N, H), F32),
        mesh=_sc_mesh(),
        scratch_types=[
            pltpu.VMEM((EITER, ECH), jnp.int32),
            pltpu.VMEM((EITER, ECH), jnp.int32),
            pltpu.VMEM((ECH, H), F32),
            pltpu.VMEM((ECH, H), F32),
            pltpu.VMEM((ECH, H), F32),
            pltpu.VMEM_SHARED((NHALF + ECH, H), F32),
            pltpu.SemaphoreType.DMA,
            pltpu.SemaphoreType.DMA,
            pltpu.SemaphoreType.DMA,
        ],
    )
    def _sc_edge_agg(h_hbm, src_hbm, dst_hbm, out_hbm,
                     srcv, dstv, rows0, rows1, rows2, agg_sh,
                     sem0, sem1, sem2):
        c = lax.axis_index("c")
        s = lax.axis_index("s")

        pltpu.sync_copy(src_hbm.at[pl.ds(s * EITER, EITER)], srcv)
        pltpu.sync_copy(dst_hbm.at[pl.ds(s * EITER, EITER)], dstv)

        rbase = c * NHALF

        def _locrow(j, carry):
            for q in range(ECH // LANES):
                d = dstv[j, pl.ds(q * LANES, LANES)] - rbase
                bad = (d < 0) | (d >= NHALF)
                dstv[j, pl.ds(q * LANES, LANES)] = jnp.where(bad, NHALF, d)
            return carry
        lax.fori_loop(0, EITER, _locrow, 0)

        def _zrow(i, carry):
            for q in range(H // LANES):
                rows0[i, pl.ds(q * LANES, LANES)] = jnp.zeros((LANES,), F32)
            return carry
        lax.fori_loop(0, ECH, _zrow, 0)
        for j in range(OUT_ROWS_PER_TILE // ECH):
            pltpu.sync_copy(
                rows0,
                agg_sh.at[pl.ds(s * OUT_ROWS_PER_TILE + j * ECH, ECH)])

        @pl.when(s == 0)
        def _():
            pltpu.sync_copy(rows0, agg_sh.at[pl.ds(NHALF, ECH)])

        plsc.subcore_barrier()

        bufs = (rows0, rows1, rows2)
        sems = (sem0, sem1, sem2)
        for j in range(2):
            pltpu.async_copy(h_hbm.at[srcv.at[j]], bufs[j], sems[j])
        for j in range(EITER):
            b = j % 3
            if j + 2 < EITER:
                nb = (j + 2) % 3
                pltpu.async_copy(h_hbm.at[srcv.at[j + 2]], bufs[nb],
                                 sems[nb])
            pltpu.make_async_copy(h_hbm.at[srcv.at[j]],
                                  bufs[b], sems[b]).wait()
            pltpu.sync_copy(bufs[b], agg_sh.at[dstv.at[j]], add=True)
        plsc.subcore_barrier()

        pltpu.sync_copy(
            agg_sh.at[pl.ds(s * OUT_ROWS_PER_TILE, OUT_ROWS_PER_TILE)],
            out_hbm.at[pl.ds(rbase + s * OUT_ROWS_PER_TILE,
                             OUT_ROWS_PER_TILE)])

    return _sc_edge_agg


MBLK = 2048


def _gru_math(h, aggm, wihT_ref, whhT_ref, bih_ref, bhh_ref):
    gi = _dotD(aggm, wihT_ref[...]) + bih_ref[...]
    gh = _dotD(h, whhT_ref[...]) + bhh_ref[...]
    i_r, i_z, i_n = gi[:, :H], gi[:, H:2 * H], gi[:, 2 * H:]
    h_r, h_z, h_n = gh[:, :H], gh[:, H:2 * H], gh[:, 2 * H:]
    r = jax.nn.sigmoid(i_r + h_r)
    z = jax.nn.sigmoid(i_z + h_z)
    n = jnp.tanh(i_n + r * h_n)
    return (1.0 - z) * n + z * h


def _tc_m_body(h_ref, w_ref, m_ref):
    m_ref[...] = _dotD(h_ref[...], w_ref[...])


def _tc_m(h, w):
    zero = lambda i: (0, 0)
    return pl.pallas_call(
        _tc_m_body,
        grid=(N // MBLK,),
        in_specs=[pl.BlockSpec((MBLK, H), lambda i: (i, 0)),
                  pl.BlockSpec((H, H), zero)],
        out_specs=pl.BlockSpec((MBLK, H), lambda i: (i, 0)),
        out_shape=jax.ShapeDtypeStruct((N, H), F32),
    )(h, w)


def _tc_gru_m_body(h_ref, agg_ref, wihT_ref, whhT_ref, bih_ref,
                   bhh_ref, ggn_ref, hout_ref, m_ref):
    hn = _gru_math(h_ref[...], agg_ref[...], wihT_ref,
                   whhT_ref, bih_ref, bhh_ref)
    hout_ref[...] = hn
    m_ref[...] = _dotD(hn, ggn_ref[...])


def _tc_gru_m(h, aggm, wihT, whhT, bih, bhh, ggn):
    zero = lambda i: (0, 0)
    return pl.pallas_call(
        _tc_gru_m_body,
        grid=(N // MBLK,),
        in_specs=[pl.BlockSpec((MBLK, H), lambda i: (i, 0)),
                  pl.BlockSpec((MBLK, H), lambda i: (i, 0)),
                  pl.BlockSpec((H, 3 * H), zero),
                  pl.BlockSpec((H, 3 * H), zero),
                  pl.BlockSpec((1, 3 * H), zero),
                  pl.BlockSpec((1, 3 * H), zero),
                  pl.BlockSpec((H, H), zero)],
        out_specs=[pl.BlockSpec((MBLK, H), lambda i: (i, 0)),
                   pl.BlockSpec((MBLK, H), lambda i: (i, 0))],
        out_shape=[jax.ShapeDtypeStruct((N, H), F32),
                   jax.ShapeDtypeStruct((N, H), F32)],
    )(h, aggm, wihT, whhT, bih, bhh, ggn)


def _tc_gru_vn_body(h_ref, agg_ref, wihT_ref, whhT_ref, bih_ref,
                    bhh_ref, b_ref, bn_ref, hout_ref, v1_ref, cnt_ref):
    i = pl.program_id(0)
    hn = _gru_math(h_ref[...], agg_ref[...], wihT_ref,
                   whhT_ref, bih_ref, bhh_ref)
    hout_ref[...] = hn
    bvec = b_ref[...]
    iota_b = lax.broadcasted_iota(jnp.int32, (MBLK, B), 1)
    moh = (bvec == iota_b).astype(F32)
    islast = (bvec != bn_ref[...]).astype(F32)
    v1 = _dot_c0(moh * islast, hn)
    cnt = jnp.broadcast_to(jnp.sum(moh, axis=0, keepdims=True), (8, B))

    @pl.when(i == 0)
    def _():
        v1_ref[...] = v1
        cnt_ref[...] = cnt

    @pl.when(i > 0)
    def _():
        v1_ref[...] += v1
        cnt_ref[...] += cnt


def _tc_gru_vn(h, aggm, wihT, whhT, bih, bhh, batch2d, batchnext2d):
    zero = lambda i: (0, 0)
    return pl.pallas_call(
        _tc_gru_vn_body,
        grid=(N // MBLK,),
        in_specs=[pl.BlockSpec((MBLK, H), lambda i: (i, 0)),
                  pl.BlockSpec((MBLK, H), lambda i: (i, 0)),
                  pl.BlockSpec((H, 3 * H), zero),
                  pl.BlockSpec((H, 3 * H), zero),
                  pl.BlockSpec((1, 3 * H), zero),
                  pl.BlockSpec((1, 3 * H), zero),
                  pl.BlockSpec((MBLK, 1), lambda i: (i, 0)),
                  pl.BlockSpec((MBLK, 1), lambda i: (i, 0))],
        out_specs=[pl.BlockSpec((MBLK, H), lambda i: (i, 0)),
                   pl.BlockSpec((B, H), zero),
                   pl.BlockSpec((8, B), zero)],
        out_shape=[jax.ShapeDtypeStruct((N, H), F32),
                   jax.ShapeDtypeStruct((B, H), F32),
                   jax.ShapeDtypeStruct((8, B), F32)],
    )(h, aggm, wihT, whhT, bih, bhh, batch2d, batchnext2d)


RBLK = 2048


def _fixup_vn(v1, cnt_row, hlast):
    ii = lax.broadcasted_iota(jnp.int32, (B, B), 0)
    bb = lax.broadcasted_iota(jnp.int32, (B, B), 1)
    eye = (ii == bb).astype(F32)
    cand = jnp.where(
        cnt_row > 0.0,
        lax.broadcasted_iota(jnp.int32, (1, B), 1).astype(F32), -1.0)
    candT = lax.dot_general(eye, cand, (((1,), (1,)), ((), ())),
                            preferred_element_type=F32,
                            precision=HIGH)
    jmat = jnp.where(ii <= bb, jnp.broadcast_to(candT, (B, B)), -1.0)
    jrow = jnp.max(jmat, axis=0, keepdims=True)
    onehot = (ii == jrow.astype(jnp.int32)).astype(F32)
    v_n = _dot_c0(onehot, v1)
    jT = lax.dot_general(eye, jrow, (((1,), (1,)), ((), ())),
                         preferred_element_type=F32, precision=HIGH)
    return jnp.where(jT < 0.0, jnp.broadcast_to(hlast, (B, H)), v_n)


ZBLK = 16384
RSTEPS = N // RBLK


def _tc_readout_logits_body(h_ref, b_ref, v1_ref, cnt_ref, hlast_ref,
                            w1T_ref, w2T_ref, b12_ref, qw8_ref, qb_ref,
                            w3aT_ref, w3bT_ref, b3_ref, emb_ref, z_ref,
                            sh_ref):
    i = pl.program_id(0)

    @pl.when(i < RSTEPS)
    def _():
        v_n = _fixup_vn(v1_ref[...], cnt_ref[0:1, :], hlast_ref[...])
        h = h_ref[...]
        bvec = b_ref[...]
        iota_b = lax.broadcasted_iota(jnp.int32, (RBLK, B), 1)
        moh = (bvec == iota_b).astype(F32)
        vrep = _dotT(moh, v_n)
        pre = (_dotD(vrep, w1T_ref[...]) + _dotD(h, w2T_ref[...])
               + b12_ref[...])
        sig = jax.nn.sigmoid(pre)
        alpha = _dotD(sig, qw8_ref[...])[:, :1] + qb_ref[...][:, :1]
        s_g = _dot_c0(moh, alpha * h)
        part = _dotD(s_g, w3bT_ref[...])

        @pl.when(i == 0)
        def _():
            sh_ref[...] = _dotD(v_n, w3aT_ref[...]) + b3_ref[...] + part

        @pl.when(i > 0)
        def _():
            sh_ref[...] += part

    @pl.when(i >= RSTEPS)
    def _():
        z_ref[...] = lax.dot_general(
            sh_ref[...], emb_ref[...], (((1,), (1,)), ((), ())),
            preferred_element_type=F32)


def _tc_readout_logits(h, batch2d, v1, cnt, hlast, w1T, w2T, b12, qw8, qb,
                       w3aT, w3bT, b3, emb):
    n_vocab = emb.shape[0]
    zsteps = (n_vocab + ZBLK - 1) // ZBLK
    zero = lambda i: (0, 0)
    hidx = lambda i: (jnp.minimum(i, RSTEPS - 1), 0)
    zidx = lambda i: (0, jnp.maximum(i - RSTEPS, 0))
    eidx = lambda i: (jnp.maximum(i - RSTEPS, 0), 0)
    return pl.pallas_call(
        _tc_readout_logits_body,
        grid=(RSTEPS + zsteps,),
        in_specs=[pl.BlockSpec((RBLK, H), hidx),
                  pl.BlockSpec((RBLK, 1), hidx),
                  pl.BlockSpec((B, H), zero),
                  pl.BlockSpec((8, B), zero),
                  pl.BlockSpec((1, H), zero),
                  pl.BlockSpec((H, H), zero),
                  pl.BlockSpec((H, H), zero),
                  pl.BlockSpec((1, H), zero),
                  pl.BlockSpec((H, 8), zero),
                  pl.BlockSpec((1, H), zero),
                  pl.BlockSpec((H, H), zero),
                  pl.BlockSpec((H, H), zero),
                  pl.BlockSpec((1, H), zero),
                  pl.BlockSpec((ZBLK, H), eidx)],
        out_specs=pl.BlockSpec((B, ZBLK), zidx),
        out_shape=jax.ShapeDtypeStruct((B, n_vocab), F32),
        scratch_shapes=[pltpu.VMEM((B, H), F32)],
    )(h, batch2d, v1, cnt, hlast, w1T, w2T, b12, qw8, qb, w3aT, w3bT, b3,
      emb)


def kernel(x, edge_index, batch, edge_attr, emb, gg_weight, w_ih, w_hh,
           b_ih, b_hh, W1, b1, W2, b2, q_w, q_b, W3, b3):
    del edge_attr
    xm1 = (x - 1).reshape(N // GCH, GCH)
    src2d = edge_index[0].reshape(E // ECH, ECH)
    dst2d = edge_index[1].reshape(E // ECH, ECH)

    wihT = w_ih.T
    whhT = w_hh.T
    bih = b_ih.reshape(1, 3 * H)
    bhh = b_hh.reshape(1, 3 * H)

    h0 = _sc_gather_fn()(emb, xm1)

    batch2d = batch.astype(jnp.int32).reshape(N, 1)
    batchnext2d = jnp.concatenate(
        [batch2d[1:], jnp.full((1, 1), -1, jnp.int32)], axis=0)

    m0 = _tc_m(h0, gg_weight[0])
    aggm0 = _sc_edge_agg_fn()(m0, src2d, dst2d)
    h1, m1 = _tc_gru_m(h0, aggm0, wihT, whhT, bih, bhh, gg_weight[1])
    aggm1 = _sc_edge_agg_fn()(m1, src2d, dst2d)
    h2, v1, cnt = _tc_gru_vn(h1, aggm1, wihT, whhT, bih, bhh,
                             batch2d, batchnext2d)

    return _tc_readout_logits(
        h2, batch2d, v1, cnt, h2[N - 1:N],
        W1.T, W2.T, (b1 + b2).reshape(1, H),
        jnp.broadcast_to(q_w.reshape(H, 1), (H, 8)),
        jnp.broadcast_to(q_b.reshape(1, 1), (1, H)),
        W3[:, :H].T, W3[:, H:].T, b3.reshape(1, H), emb)

# --- scband reference (transcript-rebuilt; emitter-appended) ---
"""Pipeline reference for scband-gnnmodel-80513456930926 (READ-ONLY COPY).

The authoritative reference and input builder live on the scoring server;
editing this copy changes nothing except your own understanding.
"""

import jax, jax.numpy as jnp
import numpy as np

H = 128
N_NODE = 100000
N = 16384
E = 65536
B = 16


def setup_inputs(seed: int = 0) -> dict:
    key = jax.random.key(seed)
    ks = jax.random.split(key, 20)
    stdv = 1.0 / np.sqrt(H)

    def u(k, shape):
        return jax.random.uniform(k, shape, jnp.float32, -stdv, stdv)

    # x values in [1, N_NODE) because forward computes x - 1 (must stay >= 0)
    x = jax.random.randint(ks[0], (N,), 1, N_NODE)
    edge_index = jax.random.randint(ks[1], (2, E), 0, N)
    batch = jnp.sort(jax.random.randint(ks[2], (N,), 0, B))
    edge_attr = jax.random.normal(ks[3], (E, 4), jnp.float32)

    # parameters (reset_parameters: uniform(-stdv, stdv))
    emb = u(ks[4], (N_NODE, H))
    gg_weight = u(ks[5], (2, H, H))  # GatedGraphConv per-layer weights
    w_ih = u(ks[6], (3 * H, H))      # GRUCell input weights (r|z|n)
    w_hh = u(ks[7], (3 * H, H))
    b_ih = u(ks[8], (3 * H,))
    b_hh = u(ks[9], (3 * H,))
    W1 = u(ks[10], (H, H)); b1 = u(ks[11], (H,))
    W2 = u(ks[12], (H, H)); b2 = u(ks[13], (H,))
    q_w = u(ks[14], (1, H)); q_b = u(ks[15], (1,))
    W3 = u(ks[16], (H, 2 * H)); b3 = u(ks[17], (H,))

    return {
        'x': x, 'edge_index': edge_index, 'batch': batch, 'edge_attr': edge_attr,
        'emb': emb, 'gg_weight': gg_weight, 'w_ih': w_ih, 'w_hh': w_hh,
        'b_ih': b_ih, 'b_hh': b_hh, 'W1': W1, 'b1': b1, 'W2': W2, 'b2': b2,
        'q_w': q_w, 'q_b': q_b, 'W3': W3, 'b3': b3,
    }


def reference(x, edge_index, batch, edge_attr, emb, gg_weight, w_ih, w_hh,
              b_ih, b_hh, W1, b1, W2, b2, q_w, q_b, W3, b3):
    # embedding lookup (x - 1, as in torch forward)
    h = emb[x - 1]

    # GatedGraphConv, num_layers=2, aggr='add', GRUCell update
    src = edge_index[0]
    dst = edge_index[1]
    for i in range(2):
        m = h @ gg_weight[i]
        agg = jax.ops.segment_sum(m[src], dst, num_segments=N)
        gi = agg @ w_ih.T + b_ih
        gh = h @ w_hh.T + b_hh
        i_r, i_z, i_n = jnp.split(gi, 3, axis=1)
        h_r, h_z, h_n = jnp.split(gh, 3, axis=1)
        r = jax.nn.sigmoid(i_r + h_r)
        zg = jax.nn.sigmoid(i_z + h_z)
        ng = jnp.tanh(i_n + r * h_n)
        h = (1.0 - zg) * ng + zg * h

    # Embedding2Score
    counts = jnp.bincount(batch, length=B)
    last_idx = jnp.cumsum(counts) - 1          # index of last node per session
    v_n = h[last_idx]                           # [B, H]
    v_n_repeat = v_n[batch]                     # [N, H] (batch is sorted)
    alpha = jax.nn.sigmoid(v_n_repeat @ W1.T + b1 + h @ W2.T + b2) @ q_w.T + q_b
    s_g = jax.ops.segment_sum(alpha * h, batch, num_segments=B)
    s_h = jnp.concatenate([v_n, s_g], axis=1) @ W3.T + b3
    z_i_hat = s_h @ emb.T                       # [B, N_NODE]
    return z_i_hat

if __name__ == "__main__":
    import jax
    _d = setup_inputs()
    print(jax.jit(kernel)(*tuple(_d.values())))

</pallas_src>

<mosaic_0001>
#map = affine_map<(d0, d1) -> (0, 0)>
module attributes {stable_mosaic.version = 14 : i64} {
  func.func @_sc_edge_agg(%arg0: i32, %arg1: i32, %arg2: memref<16384x128xf32, #tpu.memory_space<hbm>>, %arg3: memref<512x128xi32, #tpu.memory_space<hbm>>, %arg4: memref<512x128xi32, #tpu.memory_space<hbm>>, %arg5: memref<16384x128xf32, #tpu.memory_space<hbm>>, %arg6: memref<32x128xi32, #tpu.memory_space<vmem>>, %arg7: memref<32x128xi32, #tpu.memory_space<vmem>>, %arg8: memref<128x128xf32, #tpu.memory_space<vmem>>, %arg9: memref<128x128xf32, #tpu.memory_space<vmem>>, %arg10: memref<128x128xf32, #tpu.memory_space<vmem>>, %arg11: memref<8320x128xf32, #tpu.memory_space<vmem_shared>>, %arg12: memref<!tpu.dma_semaphore, #tpu.memory_space<semaphore_mem>>, %arg13: memref<!tpu.dma_semaphore, #tpu.memory_space<semaphore_mem>>, %arg14: memref<!tpu.dma_semaphore, #tpu.memory_space<semaphore_mem>>) attributes {dimension_semantics = [#tpu.dimension_semantics<core_parallel>, #tpu.dimension_semantics<subcore_parallel>], iteration_bounds = array<i64: 2, 16>, scalar_prefetch = 0 : i64, scratch_operands = 9 : i64, tpu.core_type = #tpu.core_type<sc_vector_subcore>, window_params = [{transform_indices = #map}, {transform_indices = #map}, {transform_indices = #map}, {transform_indices = #map}]} {
    %mul3A = arith.constant 32 : i32
    %mul3A_0 = arith.muli %arg1, %mul3A : i32
    "tpu.region"() ({
      %run_scoped3A_516 = tpu.sem_alloc : memref<!tpu.dma_semaphore, #tpu.memory_space<semaphore_mem>>
      %dma_start3A_517 = arith.constant 0 : i32
      %dma_start3A_518 = tpu.memref_slice %arg3[%mul3A_0, %dma_start3A_517] : memref<512x128xi32, #tpu.memory_space<hbm>> -> memref<32x128xi32, #tpu.memory_space<hbm>>
      %dma_start3A_519 = arith.constant 0 : i32
      %dma_start3A_520 = tpu.memref_slice %arg3[%mul3A_0, %dma_start3A_519] : memref<512x128xi32, #tpu.memory_space<hbm>> -> memref<32x128xi32, #tpu.memory_space<hbm>>
      tpu.enqueue_dma source(%dma_start3A_520 : memref<32x128xi32, #tpu.memory_space<hbm>>) target(%arg6 : memref<32x128xi32, #tpu.memory_space<vmem>>) target_semaphore(%run_scoped3A_516 : memref<!tpu.dma_semaphore, #tpu.memory_space<semaphore_mem>>)
      %dma_wait3A_521 = arith.constant 0 : i32
      %dma_wait3A_522 = tpu.memref_slice %arg3[%mul3A_0, %dma_wait3A_521] : memref<512x128xi32, #tpu.memory_space<hbm>> -> memref<32x128xi32, #tpu.memory_space<hbm>>
      %dma_wait3A_523 = arith.constant 0 : i32
      %dma_wait3A_524 = tpu.memref_slice %arg3[%mul3A_0, %dma_wait3A_523] : memref<512x128xi32, #tpu.memory_space<hbm>> -> memref<32x128xi32, #tpu.memory_space<hbm>>
      tpu.wait_dma2 semaphore(%run_scoped3A_516 : memref<!tpu.dma_semaphore, #tpu.memory_space<semaphore_mem>>) src(%dma_wait3A_524 : memref<32x128xi32, #tpu.memory_space<hbm>>) dst(%arg6 : memref<32x128xi32, #tpu.memory_space<vmem>>)
      tpu.yield
    }) : () -> ()
    %mul3A_1 = arith.constant 32 : i32
    %mul3A_2 = arith.muli %arg1, %mul3A_1 : i32
    "tpu.region"() ({
      %run_scoped3A_516 = tpu.sem_alloc : memref<!tpu.dma_semaphore, #tpu.memory_space<semaphore_mem>>
      %dma_start3A_517 = arith.constant 0 : i32
      %dma_start3A_518 = tpu.memref_slice %arg4[%mul3A_2, %dma_start3A_517] : memref<512x128xi32, #tpu.memory_space<hbm>> -> memref<32x128xi32, #tpu.memory_space<hbm>>
      %dma_start3A_519 = arith.constant 0 : i32
      %dma_start3A_520 = tpu.memref_slice %arg4[%mul3A_2, %dma_start3A_519] : memref<512x128xi32, #tpu.memory_space<hbm>> -> memref<32x128xi32, #tpu.memory_space<hbm>>
      tpu.enqueue_dma source(%dma_start3A_520 : memref<32x128xi32, #tpu.memory_space<hbm>>) target(%arg7 : memref<32x128xi32, #tpu.memory_space<vmem>>) target_semaphore(%run_scoped3A_516 : memref<!tpu.dma_semaphore, #tpu.memory_space<semaphore_mem>>)
      %dma_wait3A_521 = arith.constant 0 : i32
      %dma_wait3A_522 = tpu.memref_slice %arg4[%mul3A_2, %dma_wait3A_521] : memref<512x128xi32, #tpu.memory_space<hbm>> -> memref<32x128xi32, #tpu.memory_space<hbm>>
      %dma_wait3A_523 = arith.constant 0 : i32
      %dma_wait3A_524 = tpu.memref_slice %arg4[%mul3A_2, %dma_wait3A_523] : memref<512x128xi32, #tpu.memory_space<hbm>> -> memref<32x128xi32, #tpu.memory_space<hbm>>
      tpu.wait_dma2 semaphore(%run_scoped3A_516 : memref<!tpu.dma_semaphore, #tpu.memory_space<semaphore_mem>>) src(%dma_wait3A_524 : memref<32x128xi32, #tpu.memory_space<hbm>>) dst(%arg7 : memref<32x128xi32, #tpu.memory_space<vmem>>)
      tpu.yield
    }) : () -> ()
    %mul3A_3 = arith.constant 8192 : i32
    %mul3A_4 = arith.muli %arg0, %mul3A_3 : i32
    %scan3A = arith.constant 0 : i32
    %scan3A_5 = arith.constant 0 : i32
    %scan3A_6 = arith.constant 32 : i32
    %scan3A_7 = arith.addi %scan3A_5, %scan3A_6 : i32
    %scan3A_8 = arith.constant 1 : i32
    scf.for %scan3A_516 = %scan3A_5 to %scan3A_7 step %scan3A_8  : i32 {
      %get3A = arith.index_cast %scan3A_516 : i32 to index
      %get3A_517 = arith.constant 0 : index
      %get3A_518 = tpu.vector_load %arg7[%get3A, %get3A_517] {strides = array<i32>} : memref<32x128xi32, #tpu.memory_space<vmem>>, vector<1x16xi32>,
      %get3A_519 = vector.shape_cast %get3A_518 : vector<1x16xi32> to vector<16xi32>
      %sub3A = vector.broadcast %mul3A_4 : i32 to vector<16xi32>
      %sub3A_520 = arith.subi %get3A_519, %sub3A : vector<16xi32>
      %lt3A = arith.constant 0 : i32
      %lt3A_521 = vector.broadcast %lt3A : i32 to vector<16xi32>
      %lt3A_522 = arith.cmpi slt, %sub3A_520, %lt3A_521 : vector<16xi32>
      %ge3A = arith.constant 8192 : i32
      %ge3A_523 = vector.broadcast %ge3A : i32 to vector<16xi32>
      %ge3A_524 = arith.cmpi sge, %sub3A_520, %ge3A_523 : vector<16xi32>
      %or3A = arith.ori %lt3A_522, %ge3A_524 : vector<16xi1>
      %jit3A = arith.constant 8192 : i32
      %broadcast_in_dim3A = vector.broadcast %jit3A : i32 to vector<16xi32>
      %select_n3A = arith.select %or3A, %broadcast_in_dim3A, %sub3A_520 : vector<16xi1>, vector<16xi32>
      %swap3A = arith.index_cast %scan3A_516 : i32 to index
      %swap3A_525 = arith.constant 0 : index
      %swap3A_526 = tpu.vector_load %arg7[%swap3A, %swap3A_525] {strides = array<i32>} : memref<32x128xi32, #tpu.memory_space<vmem>>, vector<1x16xi32>,
      %swap3A_527 = vector.shape_cast %swap3A_526 : vector<1x16xi32> to vector<16xi32>
      %swap3A_528 = vector.shape_cast %select_n3A : vector<16xi32> to vector<1x16xi32>
      tpu.vector_store %arg7[%swap3A, %swap3A_525], %swap3A_528 {strides = array<i32>} : memref<32x128xi32, #tpu.memory_space<vmem>>, vector<1x16xi32>,
      %get3A_529 = arith.index_cast %scan3A_516 : i32 to index
      %get3A_530 = arith.constant 16 : index
      %get3A_531 = tpu.vector_load %arg7[%get3A_529, %get3A_530] {strides = array<i32>} : memref<32x128xi32, #tpu.memory_space<vmem>>, vector<1x16xi32>,
      %get3A_532 = vector.shape_cast %get3A_531 : vector<1x16xi32> to vector<16xi32>
      %sub3A_533 = vector.broadcast %mul3A_4 : i32 to vector<16xi32>
      %sub3A_534 = arith.subi %get3A_532, %sub3A_533 : vector<16xi32>
      %lt3A_535 = arith.constant 0 : i32
      %lt3A_536 = vector.broadcast %lt3A_535 : i32 to vector<16xi32>
      %lt3A_537 = arith.cmpi slt, %sub3A_534, %lt3A_536 : vector<16xi32>
      %ge3A_538 = arith.constant 8192 : i32
      %ge3A_539 = vector.broadcast %ge3A_538 : i32 to vector<16xi32>
      %ge3A_540 = arith.cmpi sge, %sub3A_534, %ge3A_539 : vector<16xi32>
      %or3A_541 = arith.ori %lt3A_537, %ge3A_540 : vector<16xi1>
      %jit3A_542 = arith.constant 8192 : i32
      %broadcast_in_dim3A_543 = vector.broadcast %jit3A_542 : i32 to vector<16xi32>
      %select_n3A_544 = arith.select %or3A_541, %broadcast_in_dim3A_543, %sub3A_534 : vector<16xi1>, vector<16xi32>
      %swap3A_545 = arith.index_cast %scan3A_516 : i32 to index
      %swap3A_546 = arith.constant 16 : index
      %swap3A_547 = tpu.vector_load %arg7[%swap3A_545, %swap3A_546] {strides = array<i32>} : memref<32x128xi32, #tpu.memory_space<vmem>>, vector<1x16xi32>,
      %swap3A_548 = vector.shape_cast %swap3A_547 : vector<1x16xi32> to vector<16xi32>
      %swap3A_549 = vector.shape_cast %select_n3A_544 : vector<16xi32> to vector<1x16xi32>
      tpu.vector_store %arg7[%swap3A_545, %swap3A_546], %swap3A_549 {strides = array<i32>} : memref<32x128xi32, #tpu.memory_space<vmem>>, vector<1x16xi32>,
      %get3A_550 = arith.index_cast %scan3A_516 : i32 to index
      %get3A_551 = arith.constant 32 : index
      %get3A_552 = tpu.vector_load %arg7[%get3A_550, %get3A_551] {strides = array<i32>} : memref<32x128xi32, #tpu.memory_space<vmem>>, vector<1x16xi32>,
      %get3A_553 = vector.shape_cast %get3A_552 : vector<1x16xi32> to vector<16xi32>
      %sub3A_554 = vector.broadcast %mul3A_4 : i32 to vector<16xi32>
      %sub3A_555 = arith.subi %get3A_553, %sub3A_554 : vector<16xi32>
      %lt3A_556 = arith.constant 0 : i32
      %lt3A_557 = vector.broadcast %lt3A_556 : i32 to vector<16xi32>
      %lt3A_558 = arith.cmpi slt, %sub3A_555, %lt3A_557 : vector<16xi32>
      %ge3A_559 = arith.constant 8192 : i32
      %ge3A_560 = vector.broadcast %ge3A_559 : i32 to vector<16xi32>
      %ge3A_561 = arith.cmpi sge, %sub3A_555, %ge3A_560 : vector<16xi32>
      %or3A_562 = arith.ori %lt3A_558, %ge3A_561 : vector<16xi1>
      %jit3A_563 = arith.constant 8192 : i32
      %broadcast_in_dim3A_564 = vector.broadcast %jit3A_563 : i32 to vector<16xi32>
      %select_n3A_565 = arith.select %or3A_562, %broadcast_in_dim3A_564, %sub3A_555 : vector<16xi1>, vector<16xi32>
      %swap3A_566 = arith.index_cast %scan3A_516 : i32 to index
      %swap3A_567 = arith.constant 32 : index
      %swap3A_568 = tpu.vector_load %arg7[%swap3A_566, %swap3A_567] {strides = array<i32>} : memref<32x128xi32, #tpu.memory_space<vmem>>, vector<1x16xi32>,
      %swap3A_569 = vector.shape_cast %swap3A_568 : vector<1x16xi32> to vector<16xi32>
      %swap3A_570 = vector.shape_cast %select_n3A_565 : vector<16xi32> to vector<1x16xi32>
      tpu.vector_store %arg7[%swap3A_566, %swap3A_567], %swap3A_570 {strides = array<i32>} : memref<32x128xi32, #tpu.memory_space<vmem>>, vector<1x16xi32>,
      %get3A_571 = arith.index_cast %scan3A_516 : i32 to index
      %get3A_572 = arith.constant 48 : index
      %get3A_573 = tpu.vector_load %arg7[%get3A_571, %get3A_572] {strides = array<i32>} : memref<32x128xi32, #tpu.memory_space<vmem>>, vector<1x16xi32>,
      %get3A_574 = vector.shape_cast %get3A_573 : vector<1x16xi32> to vector<16xi32>
      %sub3A_575 = vector.broadcast %mul3A_4 : i32 to vector<16xi32>
      %sub3A_576 = arith.subi %get3A_574, %sub3A_575 : vector<16xi32>
      %lt3A_577 = arith.constant 0 : i32
      %lt3A_578 = vector.broadcast %lt3A_577 : i32 to vector<16xi32>
      %lt3A_579 = arith.cmpi slt, %sub3A_576, %lt3A_578 : vector<16xi32>
      %ge3A_580 = arith.constant 8192 : i32
      %ge3A_581 = vector.broadcast %ge3A_580 : i32 to vector<16xi32>
      %ge3A_582 = arith.cmpi sge, %sub3A_576, %ge3A_581 : vector<16xi32>
      %or3A_583 = arith.ori %lt3A_579, %ge3A_582 : vector<16xi1>
      %jit3A_584 = arith.constant 8192 : i32
      %broadcast_in_dim3A_585 = vector.broadcast %jit3A_584 : i32 to vector<16xi32>
      %select_n3A_586 = arith.select %or3A_583, %broadcast_in_dim3A_585, %sub3A_576 : vector<16xi1>, vector<16xi32>
      %swap3A_587 = arith.index_cast %scan3A_516 : i32 to index
      %swap3A_588 = arith.constant 48 : index
      %swap3A_589 = tpu.vector_load %arg7[%swap3A_587, %swap3A_588] {strides = array<i32>} : memref<32x128xi32, #tpu.memory_space<vmem>>, vector<1x16xi32>,
      %swap3A_590 = vector.shape_cast %swap3A_589 : vector<1x16xi32> to vector<16xi32>
      %swap3A_591 = vector.shape_cast %select_n3A_586 : vector<16xi32> to vector<1x16xi32>
      tpu.vector_store %arg7[%swap3A_587, %swap3A_588], %swap3A_591 {strides = array<i32>} : memref<32x128xi32, #tpu.memory_space<vmem>>, vector<1x16xi32>,
      %get3A_592 = arith.index_cast %scan3A_516 : i32 to index
      %get3A_593 = arith.constant 64 : index
      %get3A_594 = tpu.vector_load %arg7[%get3A_592, %get3A_593] {strides = array<i32>} : memref<32x128xi32, #tpu.memory_space<vmem>>, vector<1x16xi32>,
      %get3A_595 = vector.shape_cast %get3A_594 : vector<1x16xi32> to vector<16xi32>
      %sub3A_596 = vector.broadcast %mul3A_4 : i32 to vector<16xi32>
      %sub3A_597 = arith.subi %get3A_595, %sub3A_596 : vector<16xi32>
      %lt3A_598 = arith.constant 0 : i32
      %lt3A_599 = vector.broadcast %lt3A_598 : i32 to vector<16xi32>
      %lt3A_600 = arith.cmpi slt, %sub3A_597, %lt3A_599 : vector<16xi32>
      %ge3A_601 = arith.constant 8192 : i32
      %ge3A_602 = vector.broadcast %ge3A_601 : i32 to vector<16xi32>
      %ge3A_603 = arith.cmpi sge, %sub3A_597, %ge3A_602 : vector<16xi32>
      %or3A_604 = arith.ori %lt3A_600, %ge3A_603 : vector<16xi1>
      %jit3A_605 = arith.constant 8192 : i32
      %broadcast_in_dim3A_606 = vector.broadcast %jit3A_605 : i32 to vector<16xi32>
      %select_n3A_607 = arith.select %or3A_604, %broadcast_in_dim3A_606, %sub3A_597 : vector<16xi1>, vector<16xi32>
      %swap3A_608 = arith.index_cast %scan3A_516 : i32 to index
      %swap3A_609 = arith.constant 64 : index
      %swap3A_610 = tpu.vector_load %arg7[%swap3A_608, %swap3A_609] {strides = array<i32>} : memref<32x128xi32, #tpu.memory_space<vmem>>, vector<1x16xi32>,
      %swap3A_611 = vector.shape_cast %swap3A_610 : vector<1x16xi32> to vector<16xi32>
      %swap3A_612 = vector.shape_cast %select_n3A_607 : vector<16xi32> to vector<1x16xi32>
      tpu.vector_store %arg7[%swap3A_608, %swap3A_609], %swap3A_612 {strides = array<i32>} : memref<32x128xi32, #tpu.memory_space<vmem>>, vector<1x16xi32>,
      %get3A_613 = arith.index_cast %scan3A_516 : i32 to index
      %get3A_614 = arith.constant 80 : index
      %get3A_615 = tpu.vector_load %arg7[%get3A_613, %get3A_614] {strides = array<i32>} : memref<32x128xi32, #tpu.memory_space<vmem>>, vector<1x16xi32>,
      %get3A_616 = vector.shape_cast %get3A_615 : vector<1x16xi32> to vector<16xi32>
      %sub3A_617 = vector.broadcast %mul3A_4 : i32 to vector<16xi32>
      %sub3A_618 = arith.subi %get3A_616, %sub3A_617 : vector<16xi32>
      %lt3A_619 = arith.constant 0 : i32
      %lt3A_620 = vector.broadcast %lt3A_619 : i32 to vector<16xi32>
      %lt3A_621 = arith.cmpi slt, %sub3A_618, %lt3A_620 : vector<16xi32>
      %ge3A_622 = arith.constant 8192 : i32
      %ge3A_623 = vector.broadcast %ge3A_622 : i32 to vector<16xi32>
      %ge3A_624 = arith.cmpi sge, %sub3A_618, %ge3A_623 : vector<16xi32>
      %or3A_625 = arith.ori %lt3A_621, %ge3A_624 : vector<16xi1>
      %jit3A_626 = arith.constant 8192 : i32
      %broadcast_in_dim3A_627 = vector.broadcast %jit3A_626 : i32 to vector<16xi32>
      %select_n3A_628 = arith.select %or3A_625, %broadcast_in_dim3A_627, %sub3A_618 : vector<16xi1>, vector<16xi32>
      %swap3A_629 = arith.index_cast %scan3A_516 : i32 to index
      %swap3A_630 = arith.constant 80 : index
      %swap3A_631 = tpu.vector_load %arg7[%swap3A_629, %swap3A_630] {strides = array<i32>} : memref<32x128xi32, #tpu.memory_space<vmem>>, vector<1x16xi32>,
      %swap3A_632 = vector.shape_cast %swap3A_631 : vector<1x16xi32> to vector<16xi32>
      %swap3A_633 = vector.shape_cast %select_n3A_628 : vector<16xi32> to vector<1x16xi32>
      tpu.vector_store %arg7[%swap3A_629, %swap3A_630], %swap3A_633 {strides = array<i32>} : memref<32x128xi32, #tpu.memory_space<vmem>>, vector<1x16xi32>,
      %get3A_634 = arith.index_cast %scan3A_516 : i32 to index
      %get3A_635 = arith.constant 96 : index
      %get3A_636 = tpu.vector_load %arg7[%get3A_634, %get3A_635] {strides = array<i32>} : memref<32x128xi32, #tpu.memory_space<vmem>>, vector<1x16xi32>,
      %get3A_637 = vector.shape_cast %get3A_636 : vector<1x16xi32> to vector<16xi32>
      %sub3A_638 = vector.broadcast %mul3A_4 : i32 to vector<16xi32>
      %sub3A_639 = arith.subi %get3A_637, %sub3A_638 : vector<16xi32>
      %lt3A_640 = arith.constant 0 : i32
      %lt3A_641 = vector.broadcast %lt3A_640 : i32 to vector<16xi32>
      %lt3A_642 = arith.cmpi slt, %sub3A_639, %lt3A_641 : vector<16xi32>
      %ge3A_643 = arith.constant 8192 : i32
      %ge3A_644 = vector.broadcast %ge3A_643 : i32 to vector<16xi32>
      %ge3A_645 = arith.cmpi sge, %sub3A_639, %ge3A_644 : vector<16xi32>
      %or3A_646 = arith.ori %lt3A_642, %ge3A_645 : vector<16xi1>
      %jit3A_647 = arith.constant 8192 : i32
      %broadcast_in_dim3A_648 = vector.broadcast %jit3A_647 : i32 to vector<16xi32>
      %select_n3A_649 = arith.select %or3A_646, %broadcast_in_dim3A_648, %sub3A_639 : vector<16xi1>, vector<16xi32>
      %swap3A_650 = arith.index_cast %scan3A_516 : i32 to index
      %swap3A_651 = arith.constant 96 : index
      %swap3A_652 = tpu.vector_load %arg7[%swap3A_650, %swap3A_651] {strides = array<i32>} : memref<32x128xi32, #tpu.memory_space<vmem>>, vector<1x16xi32>,
      %swap3A_653 = vector.shape_cast %swap3A_652 : vector<1x16xi32> to vector<16xi32>
      %swap3A_654 = vector.shape_cast %select_n3A_649 : vector<16xi32> to vector<1x16xi32>
      tpu.vector_store %arg7[%swap3A_650, %swap3A_651], %swap3A_654 {strides = array<i32>} : memref<32x128xi32, #tpu.memory_space<vmem>>, vector<1x16xi32>,
      %get3A_655 = arith.index_cast %scan3A_516 : i32 to index
      %get3A_656 = arith.constant 112 : index
      %get3A_657 = tpu.vector_load %arg7[%get3A_655, %get3A_656] {strides = array<i32>} : memref<32x128xi32, #tpu.memory_space<vmem>>, vector<1x16xi32>,
      %get3A_658 = vector.shape_cast %get3A_657 : vector<1x16xi32> to vector<16xi32>
      %sub3A_659 = vector.broadcast %mul3A_4 : i32 to vector<16xi32>
      %sub3A_660 = arith.subi %get3A_658, %sub3A_659 : vector<16xi32>
      %lt3A_661 = arith.constant 0 : i32
      %lt3A_662 = vector.broadcast %lt3A_661 : i32 to vector<16xi32>
      %lt3A_663 = arith.cmpi slt, %sub3A_660, %lt3A_662 : vector<16xi32>
      %ge3A_664 = arith.constant 8192 : i32
      %ge3A_665 = vector.broadcast %ge3A_664 : i32 to vector<16xi32>
      %ge3A_666 = arith.cmpi sge, %sub3A_660, %ge3A_665 : vector<16xi32>
      %or3A_667 = arith.ori %lt3A_663, %ge3A_666 : vector<16xi1>
      %jit3A_668 = arith.constant 8192 : i32
      %broadcast_in_dim3A_669 = vector.broadcast %jit3A_668 : i32 to vector<16xi32>
      %select_n3A_670 = arith.select %or3A_667, %broadcast_in_dim3A_669, %sub3A_660 : vector<16xi1>, vector<16xi32>
      %swap3A_671 = arith.index_cast %scan3A_516 : i32 to index
      %swap3A_672 = arith.constant 112 : index
      %swap3A_673 = tpu.vector_load %arg7[%swap3A_671, %swap3A_672] {strides = array<i32>} : memref<32x128xi32, #tpu.memory_space<vmem>>, vector<1x16xi32>,
      %swap3A_674 = vector.shape_cast %swap3A_673 : vector<1x16xi32> to vector<16xi32>
      %swap3A_675 = vector.shape_cast %select_n3A_670 : vector<16xi32> to vector<1x16xi32>
      tpu.vector_store %arg7[%swap3A_671, %swap3A_672], %swap3A_675 {strides = array<i32>} : memref<32x128xi32, #tpu.memory_space<vmem>>, vector<1x16xi32>,
    }
    %scan3A_9 = arith.constant 32 : i32
    %scan3A_10 = arith.constant 0 : i32
    %scan3A_11 = arith.constant 0 : i32
    %scan3A_12 = arith.constant 128 : i32
    %scan3A_13 = arith.addi %scan3A_11, %scan3A_12 : i32
    %scan3A_14 = arith.constant 1 : i32
    scf.for %scan3A_516 = %scan3A_11 to %scan3A_13 step %scan3A_14  : i32 {
      %broadcast_in_dim3A = arith.constant 0.000000e+00 : f32
      %broadcast_in_dim3A_517 = vector.broadcast %broadcast_in_dim3A : f32 to vector<16xf32>
      %swap3A = arith.index_cast %scan3A_516 : i32 to index
      %swap3A_518 = arith.constant 0 : index
      %swap3A_519 = tpu.vector_load %arg8[%swap3A, %swap3A_518] {strides = array<i32>} : memref<128x128xf32, #tpu.memory_space<vmem>>, vector<1x16xf32>,
      %swap3A_520 = vector.shape_cast %swap3A_519 : vector<1x16xf32> to vector<16xf32>
      %swap3A_521 = vector.shape_cast %broadcast_in_dim3A_517 : vector<16xf32> to vector<1x16xf32>
      tpu.vector_store %arg8[%swap3A, %swap3A_518], %swap3A_521 {strides = array<i32>} : memref<128x128xf32, #tpu.memory_space<vmem>>, vector<1x16xf32>,
      %broadcast_in_dim3A_522 = arith.constant 0.000000e+00 : f32
      %broadcast_in_dim3A_523 = vector.broadcast %broadcast_in_dim3A_522 : f32 to vector<16xf32>
      %swap3A_524 = arith.index_cast %scan3A_516 : i32 to index
      %swap3A_525 = arith.constant 16 : index
      %swap3A_526 = tpu.vector_load %arg8[%swap3A_524, %swap3A_525] {strides = array<i32>} : memref<128x128xf32, #tpu.memory_space<vmem>>, vector<1x16xf32>,
      %swap3A_527 = vector.shape_cast %swap3A_526 : vector<1x16xf32> to vector<16xf32>
      %swap3A_528 = vector.shape_cast %broadcast_in_dim3A_523 : vector<16xf32> to vector<1x16xf32>
      tpu.vector_store %arg8[%swap3A_524, %swap3A_525], %swap3A_528 {strides = array<i32>} : memref<128x128xf32, #tpu.memory_space<vmem>>, vector<1x16xf32>,
      %broadcast_in_dim3A_529 = arith.constant 0.000000e+00 : f32
      %broadcast_in_dim3A_530 = vector.broadcast %broadcast_in_dim3A_529 : f32 to vector<16xf32>
      %swap3A_531 = arith.index_cast %scan3A_516 : i32 to index
      %swap3A_532 = arith.constant 32 : index
      %swap3A_533 = tpu.vector_load %arg8[%swap3A_531, %swap3A_532] {strides = array<i32>} : memref<128x128xf32, #tpu.memory_space<vmem>>, vector<1x16xf32>,
      %swap3A_534 = vector.shape_cast %swap3A_533 : vector<1x16xf32> to vector<16xf32>
      %swap3A_535 = vector.shape_cast %broadcast_in_dim3A_530 : vector<16xf32> to vector<1x16xf32>
      tpu.vector_store %arg8[%swap3A_531, %swap3A_532], %swap3A_535 {strides = array<i32>} : memref<128x128xf32, #tpu.memory_space<vmem>>, vector<1x16xf32>,
      %broadcast_in_dim3A_536 = arith.constant 0.000000e+00 : f32
      %broadcast_in_dim3A_537 = vector.broadcast %broadcast_in_dim3A_536 : f32 to vector<16xf32>
      %swap3A_538 = arith.index_cast %scan3A_516 : i32 to index
      %swap3A_539 = arith.constant 48 : index
      %swap3A_540 = tpu.vector_load %arg8[%swap3A_538, %swap3A_539] {strides = array<i32>} : memref<128x128xf32, #tpu.memory_space<vmem>>, vector<1x16xf32>,
      %swap3A_541 = vector.shape_cast %swap3A_540 : vector<1x16xf32> to vector<16xf32>
      %swap3A_542 = vector.shape_cast %broadcast_in_dim3A_537 : vector<16xf32> to vector<1x16xf32>
      tpu.vector_store %arg8[%swap3A_538, %swap3A_539], %swap3A_542 {strides = array<i32>} : memref<128x128xf32, #tpu.memory_space<vmem>>, vector<1x16xf32>,
      %broadcast_in_dim3A_543 = arith.constant 0.000000e+00 : f32
      %broadcast_in_dim3A_544 = vector.broadcast %broadcast_in_dim3A_543 : f32 to vector<16xf32>
      %swap3A_545 = arith.index_cast %scan3A_516 : i32 to index
      %swap3A_546 = arith.constant 64 : index
      %swap3A_547 = tpu.vector_load %arg8[%swap3A_545, %swap3A_546] {strides = array<i32>} : memref<128x128xf32, #tpu.memory_space<vmem>>, vector<1x16xf32>,
      %swap3A_548 = vector.shape_cast %swap3A_547 : vector<1x16xf32> to vector<16xf32>
      %swap3A_549 = vector.shape_cast %broadcast_in_dim3A_544 : vector<16xf32> to vector<1x16xf32>
      tpu.vector_store %arg8[%swap3A_545, %swap3A_546], %swap3A_549 {strides = array<i32>} : memref<128x128xf32, #tpu.memory_space<vmem>>, vector<1x16xf32>,
      %broadcast_in_dim3A_550 = arith.constant 0.000000e+00 : f32
      %broadcast_in_dim3A_551 = vector.broadcast %broadcast_in_dim3A_550 : f32 to vector<16xf32>
      %swap3A_552 = arith.index_cast %scan3A_516 : i32 to index
      %swap3A_553 = arith.constant 80 : index
      %swap3A_554 = tpu.vector_load %arg8[%swap3A_552, %swap3A_553] {strides = array<i32>} : memref<128x128xf32, #tpu.memory_space<vmem>>, vector<1x16xf32>,
      %swap3A_555 = vector.shape_cast %swap3A_554 : vector<1x16xf32> to vector<16xf32>
      %swap3A_556 = vector.shape_cast %broadcast_in_dim3A_551 : vector<16xf32> to vector<1x16xf32>
      tpu.vector_store %arg8[%swap3A_552, %swap3A_553], %swap3A_556 {strides = array<i32>} : memref<128x128xf32, #tpu.memory_space<vmem>>, vector<1x16xf32>,
      %broadcast_in_dim3A_557 = arith.constant 0.000000e+00 : f32
      %broadcast_in_dim3A_558 = vector.broadcast %broadcast_in_dim3A_557 : f32 to vector<16xf32>
      %swap3A_559 = arith.index_cast %scan3A_516 : i32 to index
      %swap3A_560 = arith.constant 96 : index
      %swap3A_561 = tpu.vector_load %arg8[%swap3A_559, %swap3A_560] {strides = array<i32>} : memref<128x128xf32, #tpu.memory_space<vmem>>, vector<1x16xf32>,
      %swap3A_562 = vector.shape_cast %swap3A_561 : vector<1x16xf32> to vector<16xf32>
      %swap3A_563 = vector.shape_cast %broadcast_in_dim3A_558 : vector<16xf32> to vector<1x16xf32>
      tpu.vector_store %arg8[%swap3A_559, %swap3A_560], %swap3A_563 {strides = array<i32>} : memref<128x128xf32, #tpu.memory_space<vmem>>, vector<1x16xf32>,
      %broadcast_in_dim3A_564 = arith.constant 0.000000e+00 : f32
      %broadcast_in_dim3A_565 = vector.broadcast %broadcast_in_dim3A_564 : f32 to vector<16xf32>
      %swap3A_566 = arith.index_cast %scan3A_516 : i32 to index
      %swap3A_567 = arith.constant 112 : index
      %swap3A_568 = tpu.vector_load %arg8[%swap3A_566, %swap3A_567] {strides = array<i32>} : memref<128x128xf32, #tpu.memory_space<vmem>>, vector<1x16xf32>,
      %swap3A_569 = vector.shape_cast %swap3A_568 : vector<1x16xf32> to vector<16xf32>
      %swap3A_570 = vector.shape_cast %broadcast_in_dim3A_565 : vector<16xf32> to vector<1x16xf32>
      tpu.vector_store %arg8[%swap3A_566, %swap3A_567], %swap3A_570 {strides = array<i32>} : memref<128x128xf32, #tpu.memory_space<vmem>>, vector<1x16xf32>,
    }
    %scan3A_15 = arith.constant 128 : i32
    %mul3A_16 = arith.constant 512 : i32
    %mul3A_17 = arith.muli %arg1, %mul3A_16 : i32
    %add3A = arith.constant 0 : i32
    %add3A_18 = arith.addi %mul3A_17, %add3A : i32
    "tpu.region"() ({
      %run_scoped3A_516 = tpu.sem_alloc : memref<!tpu.dma_semaphore, #tpu.memory_space<semaphore_mem>>
      %dma_start3A_517 = arith.constant 0 : i32
      %dma_start3A_518 = tpu.memref_slice %arg11[%add3A_18, %dma_start3A_517] : memref<8320x128xf32, #tpu.memory_space<vmem_shared>> -> memref<128x128xf32, #tpu.memory_space<vmem_shared>>
      %dma_start3A_519 = arith.constant 0 : i32
      %dma_start3A_520 = tpu.memref_slice %arg11[%add3A_18, %dma_start3A_519] : memref<8320x128xf32, #tpu.memory_space<vmem_shared>> -> memref<128x128xf32, #tpu.memory_space<vmem_shared>>
      tpu.enqueue_dma source(%arg8 : memref<128x128xf32, #tpu.memory_space<vmem>>) target(%dma_start3A_520 : memref<128x128xf32, #tpu.memory_space<vmem_shared>>) target_semaphore(%run_scoped3A_516 : memref<!tpu.dma_semaphore, #tpu.memory_space<semaphore_mem>>)
      %dma_wait3A_521 = arith.constant 0 : i32
      %dma_wait3A_522 = tpu.memref_slice %arg11[%add3A_18, %dma_wait3A_521] : memref<8320x128xf32, #tpu.memory_space<vmem_shared>> -> memref<128x128xf32, #tpu.memory_space<vmem_shared>>
      %dma_wait3A_523 = arith.constant 0 : i32
      %dma_wait3A_524 = tpu.memref_slice %arg11[%add3A_18, %dma_wait3A_523] : memref<8320x128xf32, #tpu.memory_space<vmem_shared>> -> memref<128x128xf32, #tpu.memory_space<vmem_shared>>
      tpu.wait_dma2 semaphore(%run_scoped3A_516 : memref<!tpu.dma_semaphore, #tpu.memory_space<semaphore_mem>>) src(%arg8 : memref<128x128xf32, #tpu.memory_space<vmem>>) dst(%dma_wait3A_524 : memref<128x128xf32, #tpu.memory_space<vmem_shared>>)
      tpu.yield
    }) : () -> ()
    %mul3A_19 = arith.constant 512 : i32
    %mul3A_20 = arith.muli %arg1, %mul3A_19 : i32
    %add3A_21 = arith.constant 128 : i32
    %add3A_22 = arith.addi %mul3A_20, %add3A_21 : i32
    "tpu.region"() ({
      %run_scoped3A_516 = tpu.sem_alloc : memref<!tpu.dma_semaphore, #tpu.memory_space<semaphore_mem>>
      %dma_start3A_517 = arith.constant 0 : i32
      %dma_start3A_518 = tpu.memref_slice %arg11[%add3A_22, %dma_start3A_517] : memref<8320x128xf32, #tpu.memory_space<vmem_shared>> -> memref<128x128xf32, #tpu.memory_space<vmem_shared>>
      %dma_start3A_519 = arith.constant 0 : i32
      %dma_start3A_520 = tpu.memref_slice %arg11[%add3A_22, %dma_start3A_519] : memref<8320x128xf32, #tpu.memory_space<vmem_shared>> -> memref<128x128xf32, #tpu.memory_space<vmem_shared>>
      tpu.enqueue_dma source(%arg8 : memref<128x128xf32, #tpu.memory_space<vmem>>) target(%dma_start3A_520 : memref<128x128xf32, #tpu.memory_space<vmem_shared>>) target_semaphore(%run_scoped3A_516 : memref<!tpu.dma_semaphore, #tpu.memory_space<semaphore_mem>>)
      %dma_wait3A_521 = arith.constant 0 : i32
      %dma_wait3A_522 = tpu.memref_slice %arg11[%add3A_22, %dma_wait3A_521] : memref<8320x128xf32, #tpu.memory_space<vmem_shared>> -> memref<128x128xf32, #tpu.memory_space<vmem_shared>>
      %dma_wait3A_523 = arith.constant 0 : i32
      %dma_wait3A_524 = tpu.memref_slice %arg11[%add3A_22, %dma_wait3A_523] : memref<8320x128xf32, #tpu.memory_space<vmem_shared>> -> memref<128x128xf32, #tpu.memory_space<vmem_shared>>
      tpu.wait_dma2 semaphore(%run_scoped3A_516 : memref<!tpu.dma_semaphore, #tpu.memory_space<semaphore_mem>>) src(%arg8 : memref<128x128xf32, #tpu.memory_space<vmem>>) dst(%dma_wait3A_524 : memref<128x128xf32, #tpu.memory_space<vmem_shared>>)
      tpu.yield
    }) : () -> ()
    %mul3A_23 = arith.constant 512 : i32
    %mul3A_24 = arith.muli %arg1, %mul3A_23 : i32
    %add3A_25 = arith.constant 256 : i32
    %add3A_26 = arith.addi %mul3A_24, %add3A_25 : i32
    "tpu.region"() ({
      %run_scoped3A_516 = tpu.sem_alloc : memref<!tpu.dma_semaphore, #tpu.memory_space<semaphore_mem>>
      %dma_start3A_517 = arith.constant 0 : i32
      %dma_start3A_518 = tpu.memref_slice %arg11[%add3A_26, %dma_start3A_517] : memref<8320x128xf32, #tpu.memory_space<vmem_shared>> -> memref<128x128xf32, #tpu.memory_space<vmem_shared>>
      %dma_start3A_519 = arith.constant 0 : i32
      %dma_start3A_520 = tpu.memref_slice %arg11[%add3A_26, %dma_start3A_519] : memref<8320x128xf32, #tpu.memory_space<vmem_shared>> -> memref<128x128xf32, #tpu.memory_space<vmem_shared>>
      tpu.enqueue_dma source(%arg8 : memref<128x128xf32, #tpu.memory_space<vmem>>) target(%dma_start3A_520 : memref<128x128xf32, #tpu.memory_space<vmem_shared>>) target_semaphore(%run_scoped3A_516 : memref<!tpu.dma_semaphore, #tpu.memory_space<semaphore_mem>>)
      %dma_wait3A_521 = arith.constant 0 : i32
      %dma_wait3A_522 = tpu.memref_slice %arg11[%add3A_26, %dma_wait3A_521] : memref<8320x128xf32, #tpu.memory_space<vmem_shared>> -> memref<128x128xf32, #tpu.memory_space<vmem_shared>>
      %dma_wait3A_523 = arith.constant 0 : i32
      %dma_wait3A_524 = tpu.memref_slice %arg11[%add3A_26, %dma_wait3A_523] : memref<8320x128xf32, #tpu.memory_space<vmem_shared>> -> memref<128x128xf32, #tpu.memory_space<vmem_shared>>
      tpu.wait_dma2 semaphore(%run_scoped3A_516 : memref<!tpu.dma_semaphore, #tpu.memory_space<semaphore_mem>>) src(%arg8 : memref<128x128xf32, #tpu.memory_space<vmem>>) dst(%dma_wait3A_524 : memref<128x128xf32, #tpu.memory_space<vmem_shared>>)
      tpu.yield
    }) : () -> ()
    %mul3A_27 = arith.constant 512 : i32
    %mul3A_28 = arith.muli %arg1, %mul3A_27 : i32
    %add3A_29 = arith.constant 384 : i32
    %add3A_30 = arith.addi %mul3A_28, %add3A_29 : i32
    "tpu.region"() ({
      %run_scoped3A_516 = tpu.sem_alloc : memref<!tpu.dma_semaphore, #tpu.memory_space<semaphore_mem>>
      %dma_start3A_517 = arith.constant 0 : i32
      %dma_start3A_518 = tpu.memref_slice %arg11[%add3A_30, %dma_start3A_517] : memref<8320x128xf32, #tpu.memory_space<vmem_shared>> -> memref<128x128xf32, #tpu.memory_space<vmem_shared>>
      %dma_start3A_519 = arith.constant 0 : i32
      %dma_start3A_520 = tpu.memref_slice %arg11[%add3A_30, %dma_start3A_519] : memref<8320x128xf32, #tpu.memory_space<vmem_shared>> -> memref<128x128xf32, #tpu.memory_space<vmem_shared>>
      tpu.enqueue_dma source(%arg8 : memref<128x128xf32, #tpu.memory_space<vmem>>) target(%dma_start3A_520 : memref<128x128xf32, #tpu.memory_space<vmem_shared>>) target_semaphore(%run_scoped3A_516 : memref<!tpu.dma_semaphore, #tpu.memory_space<semaphore_mem>>)
      %dma_wait3A_521 = arith.constant 0 : i32
      %dma_wait3A_522 = tpu.memref_slice %arg11[%add3A_30, %dma_wait3A_521] : memref<8320x128xf32, #tpu.memory_space<vmem_shared>> -> memref<128x128xf32, #tpu.memory_space<vmem_shared>>
      %dma_wait3A_523 = arith.constant 0 : i32
      %dma_wait3A_524 = tpu.memref_slice %arg11[%add3A_30, %dma_wait3A_523] : memref<8320x128xf32, #tpu.memory_space<vmem_shared>> -> memref<128x128xf32, #tpu.memory_space<vmem_shared>>
      tpu.wait_dma2 semaphore(%run_scoped3A_516 : memref<!tpu.dma_semaphore, #tpu.memory_space<semaphore_mem>>) src(%arg8 : memref<128x128xf32, #tpu.memory_space<vmem>>) dst(%dma_wait3A_524 : memref<128x128xf32, #tpu.memory_space<vmem_shared>>)
      tpu.yield
    }) : () -> ()
    %eq3A = arith.constant 0 : i32
    %eq3A_31 = arith.cmpi eq, %arg1, %eq3A : i32
    %convert_element_type3A = arith.extui %eq3A_31 : i1 to i32
    %cond3A = arith.constant 0 : i32
    %cond3A_32 = arith.cmpi ne, %convert_element_type3A, %cond3A : i32
    scf.if %cond3A_32 {
      "tpu.region"() ({
        %run_scoped3A_516 = tpu.sem_alloc : memref<!tpu.dma_semaphore, #tpu.memory_space<semaphore_mem>>
        %dma_start3A_517 = arith.constant 8192 : i32
        %dma_start3A_518 = arith.constant 0 : i32
        %dma_start3A_519 = tpu.memref_slice %arg11[%dma_start3A_517, %dma_start3A_518] : memref<8320x128xf32, #tpu.memory_space<vmem_shared>> -> memref<128x128xf32, #tpu.memory_space<vmem_shared>>
        %dma_start3A_520 = arith.constant 8192 : i32
        %dma_start3A_521 = arith.constant 0 : i32
        %dma_start3A_522 = tpu.memref_slice %arg11[%dma_start3A_520, %dma_start3A_521] : memref<8320x128xf32, #tpu.memory_space<vmem_shared>> -> memref<128x128xf32, #tpu.memory_space<vmem_shared>>
        tpu.enqueue_dma source(%arg8 : memref<128x128xf32, #tpu.memory_space<vmem>>) target(%dma_start3A_522 : memref<128x128xf32, #tpu.memory_space<vmem_shared>>) target_semaphore(%run_scoped3A_516 : memref<!tpu.dma_semaphore, #tpu.memory_space<semaphore_mem>>)
        %dma_wait3A_523 = arith.constant 8192 : i32
        %dma_wait3A_524 = arith.constant 0 : i32
        %dma_wait3A_525 = tpu.memref_slice %arg11[%dma_wait3A_523, %dma_wait3A_524] : memref<8320x128xf32, #tpu.memory_space<vmem_shared>> -> memref<128x128xf32, #tpu.memory_space<vmem_shared>>
        %dma_wait3A_526 = arith.constant 8192 : i32
        %dma_wait3A_527 = arith.constant 0 : i32
        %dma_wait3A_528 = tpu.memref_slice %arg11[%dma_wait3A_526, %dma_wait3A_527] : memref<8320x128xf32, #tpu.memory_space<vmem_shared>> -> memref<128x128xf32, #tpu.memory_space<vmem_shared>>
        tpu.wait_dma2 semaphore(%run_scoped3A_516 : memref<!tpu.dma_semaphore, #tpu.memory_space<semaphore_mem>>) src(%arg8 : memref<128x128xf32, #tpu.memory_space<vmem>>) dst(%dma_wait3A_528 : memref<128x128xf32, #tpu.memory_space<vmem_shared>>)
        tpu.yield
      }) : () -> ()
    } else {
    }
    %barrier3A = arith.constant 0 : index
    tpu.barrier barrier_id(%barrier3A)
    %dma_start3A = arith.constant 0 : i32
    %dma_start3A_33 = arith.constant 0 : i32
    %dma_start3A_34 = tpu.memref_slice %arg6[%dma_start3A, %dma_start3A_33] : memref<32x128xi32, #tpu.memory_space<vmem>> -> memref<1x128xi32, #tpu.memory_space<vmem>>
    %dma_start3A_35 = tpu.memref_squeeze %dma_start3A_34 : memref<1x128xi32, #tpu.memory_space<vmem>> -> memref<128xi32, #tpu.memory_space<vmem>>
    %dma_start3A_36 = arith.constant 0 : i32
    %dma_start3A_37 = arith.constant 0 : i32
    %dma_start3A_38 = tpu.memref_slice %arg2[%dma_start3A_36, %dma_start3A_37] : memref<16384x128xf32, #tpu.memory_space<hbm>> -> memref<16384x128xf32, #tpu.memory_space<hbm>>
    tpu.enqueue_indirect_dma source(%dma_start3A_38 : memref<16384x128xf32, #tpu.memory_space<hbm>>) target(%arg8 : memref<128x128xf32, #tpu.memory_space<vmem>>) offsets(%dma_start3A_35 : memref<128xi32, #tpu.memory_space<vmem>>) semaphore(%arg12 : memref<!tpu.dma_semaphore, #tpu.memory_space<semaphore_mem>>)
    %dma_start3A_39 = arith.constant 1 : i32
    %dma_start3A_40 = arith.constant 0 : i32
    %dma_start3A_41 = tpu.memref_slice %arg6[%dma_start3A_39, %dma_start3A_40] : memref<32x128xi32, #tpu.memory_space<vmem>> -> memref<1x128xi32, #tpu.memory_space<vmem>>
    %dma_start3A_42 = tpu.memref_squeeze %dma_start3A_41 : memref<1x128xi32, #tpu.memory_space<vmem>> -> memref<128xi32, #tpu.memory_space<vmem>>
    %dma_start3A_43 = arith.constant 0 : i32
    %dma_start3A_44 = arith.constant 0 : i32
    %dma_start3A_45 = tpu.memref_slice %arg2[%dma_start3A_43, %dma_start3A_44] : memref<16384x128xf32, #tpu.memory_space<hbm>> -> memref<16384x128xf32, #tpu.memory_space<hbm>>
    tpu.enqueue_indirect_dma source(%dma_start3A_45 : memref<16384x128xf32, #tpu.memory_space<hbm>>) target(%arg9 : memref<128x128xf32, #tpu.memory_space<vmem>>) offsets(%dma_start3A_42 : memref<128xi32, #tpu.memory_space<vmem>>) semaphore(%arg13 : memref<!tpu.dma_semaphore, #tpu.memory_space<semaphore_mem>>)
    %dma_start3A_46 = arith.constant 2 : i32
    %dma_start3A_47 = arith.constant 0 : i32
    %dma_start3A_48 = tpu.memref_slice %arg6[%dma_start3A_46, %dma_start3A_47] : memref<32x128xi32, #tpu.memory_space<vmem>> -> memref<1x128xi32, #tpu.memory_space<vmem>>
    %dma_start3A_49 = tpu.memref_squeeze %dma_start3A_48 : memref<1x128xi32, #tpu.memory_space<vmem>> -> memref<128xi32, #tpu.memory_space<vmem>>
    %dma_start3A_50 = arith.constant 0 : i32
    %dma_start3A_51 = arith.constant 0 : i32
    %dma_start3A_52 = tpu.memref_slice %arg2[%dma_start3A_50, %dma_start3A_51] : memref<16384x128xf32, #tpu.memory_space<hbm>> -> memref<16384x128xf32, #tpu.memory_space<hbm>>
    tpu.enqueue_indirect_dma source(%dma_start3A_52 : memref<16384x128xf32, #tpu.memory_space<hbm>>) target(%arg10 : memref<128x128xf32, #tpu.memory_space<vmem>>) offsets(%dma_start3A_49 : memref<128xi32, #tpu.memory_space<vmem>>) semaphore(%arg14 : memref<!tpu.dma_semaphore, #tpu.memory_space<semaphore_mem>>)
    %dma_wait3A = arith.constant 0 : i32
    %dma_wait3A_53 = arith.constant 0 : i32
    %dma_wait3A_54 = tpu.memref_slice %arg6[%dma_wait3A, %dma_wait3A_53] : memref<32x128xi32, #tpu.memory_space<vmem>> -> memref<1x128xi32, #tpu.memory_space<vmem>>
    %dma_wait3A_55 = tpu.memref_squeeze %dma_wait3A_54 : memref<1x128xi32, #tpu.memory_space<vmem>> -> memref<128xi32, #tpu.memory_space<vmem>>
    %dma_wait3A_56 = arith.constant 0 : i32
    %dma_wait3A_57 = arith.constant 0 : i32
    %dma_wait3A_58 = tpu.memref_slice %arg2[%dma_wait3A_56, %dma_wait3A_57] : memref<16384x128xf32, #tpu.memory_space<hbm>> -> memref<16384x128xf32, #tpu.memory_space<hbm>>
    tpu.wait_indirect_dma semaphore(%arg12 : memref<!tpu.dma_semaphore, #tpu.memory_space<semaphore_mem>>) src(%dma_wait3A_58 : memref<16384x128xf32, #tpu.memory_space<hbm>>) dst(%arg8 : memref<128x128xf32, #tpu.memory_space<vmem>>)
    %run_scoped3A = arith.constant 0 : i32
    "tpu.region"() ({
      %run_scoped3A_516 = tpu.sem_alloc : memref<!tpu.dma_semaphore, #tpu.memory_space<semaphore_mem>>
      %dma_start3A_517 = arith.constant 0 : i32
      %dma_start3A_518 = tpu.memref_slice %arg7[%run_scoped3A, %dma_start3A_517] : memref<32x128xi32, #tpu.memory_space<vmem>> -> memref<1x128xi32, #tpu.memory_space<vmem>>
      %dma_start3A_519 = tpu.memref_squeeze %dma_start3A_518 : memref<1x128xi32, #tpu.memory_space<vmem>> -> memref<128xi32, #tpu.memory_space<vmem>>
      %dma_start3A_520 = arith.constant 0 : i32
      %dma_start3A_521 = arith.constant 0 : i32
      %dma_start3A_522 = tpu.memref_slice %arg11[%dma_start3A_520, %dma_start3A_521] : memref<8320x128xf32, #tpu.memory_space<vmem_shared>> -> memref<8320x128xf32, #tpu.memory_space<vmem_shared>>
      tpu.enqueue_indirect_dma source(%arg8 : memref<128x128xf32, #tpu.memory_space<vmem>>) target(%dma_start3A_522 : memref<8320x128xf32, #tpu.memory_space<vmem_shared>>) offsets(%dma_start3A_519 : memref<128xi32, #tpu.memory_space<vmem>>) semaphore(%run_scoped3A_516 : memref<!tpu.dma_semaphore, #tpu.memory_space<semaphore_mem>>) {add = true}
      %dma_wait3A_523 = arith.constant 0 : i32
      %dma_wait3A_524 = tpu.memref_slice %arg7[%run_scoped3A, %dma_wait3A_523] : memref<32x128xi32, #tpu.memory_space<vmem>> -> memref<1x128xi32, #tpu.memory_space<vmem>>
      %dma_wait3A_525 = tpu.memref_squeeze %dma_wait3A_524 : memref<1x128xi32, #tpu.memory_space<vmem>> -> memref<128xi32, #tpu.memory_space<vmem>>
      %dma_wait3A_526 = arith.constant 0 : i32
      %dma_wait3A_527 = arith.constant 0 : i32
      %dma_wait3A_528 = tpu.memref_slice %arg11[%dma_wait3A_526, %dma_wait3A_527] : memref<8320x128xf32, #tpu.memory_space<vmem_shared>> -> memref<8320x128xf32, #tpu.memory_space<vmem_shared>>
      tpu.wait_indirect_dma semaphore(%run_scoped3A_516 : memref<!tpu.dma_semaphore, #tpu.memory_space<semaphore_mem>>) src(%arg8 : memref<128x128xf32, #tpu.memory_space<vmem>>) dst(%dma_wait3A_528 : memref<8320x128xf32, #tpu.memory_space<vmem_shared>>)
      tpu.yield
    }) : () -> ()
    %dma_start3A_59 = arith.constant 3 : i32
    %dma_start3A_60 = arith.constant 0 : i32
    %dma_start3A_61 = tpu.memref_slice %arg6[%dma_start3A_59, %dma_start3A_60] : memref<32x128xi32, #tpu.memory_space<vmem>> -> memref<1x128xi32, #tpu.memory_space<vmem>>
    %dma_start3A_62 = tpu.memref_squeeze %dma_start3A_61 : memref<1x128xi32, #tpu.memory_space<vmem>> -> memref<128xi32, #tpu.memory_space<vmem>>
    %dma_start3A_63 = arith.constant 0 : i32
    %dma_start3A_64 = arith.constant 0 : i32
    %dma_start3A_65 = tpu.memref_slice %arg2[%dma_start3A_63, %dma_start3A_64] : memref<16384x128xf32, #tpu.memory_space<hbm>> -> memref<16384x128xf32, #tpu.memory_space<hbm>>
    tpu.enqueue_indirect_dma source(%dma_start3A_65 : memref<16384x128xf32, #tpu.memory_space<hbm>>) target(%arg8 : memref<128x128xf32, #tpu.memory_space<vmem>>) offsets(%dma_start3A_62 : memref<128xi32, #tpu.memory_space<vmem>>) semaphore(%arg12 : memref<!tpu.dma_semaphore, #tpu.memory_space<semaphore_mem>>)
    %dma_wait3A_66 = arith.constant 1 : i32
    %dma_wait3A_67 = arith.constant 0 : i32
    %dma_wait3A_68 = tpu.memref_slice %arg6[%dma_wait3A_66, %dma_wait3A_67] : memref<32x128xi32, #tpu.memory_space<vmem>> -> memref<1x128xi32, #tpu.memory_space<vmem>>
    %dma_wait3A_69 = tpu.memref_squeeze %dma_wait3A_68 : memref<1x128xi32, #tpu.memory_space<vmem>> -> memref<128xi32, #tpu.memory_space<vmem>>
    %dma_wait3A_70 = arith.constant 0 : i32
    %dma_wait3A_71 = arith.constant 0 : i32
    %dma_wait3A_72 = tpu.memref_slice %arg2[%dma_wait3A_70, %dma_wait3A_71] : memref<16384x128xf32, #tpu.memory_space<hbm>> -> memref<16384x128xf32, #tpu.memory_space<hbm>>
    tpu.wait_indirect_dma semaphore(%arg13 : memref<!tpu.dma_semaphore, #tpu.memory_space<semaphore_mem>>) src(%dma_wait3A_72 : memref<16384x128xf32, #tpu.memory_space<hbm>>) dst(%arg9 : memref<128x128xf32, #tpu.memory_space<vmem>>)
    %run_scoped3A_73 = arith.constant 1 : i32
    "tpu.region"() ({
      %run_scoped3A_516 = tpu.sem_alloc : memref<!tpu.dma_semaphore, #tpu.memory_space<semaphore_mem>>
      %dma_start3A_517 = arith.constant 0 : i32
      %dma_start3A_518 = tpu.memref_slice %arg7[%run_scoped3A_73, %dma_start3A_517] : memref<32x128xi32, #tpu.memory_space<vmem>> -> memref<1x128xi32, #tpu.memory_space<vmem>>
      %dma_start3A_519 = tpu.memref_squeeze %dma_start3A_518 : memref<1x128xi32, #tpu.memory_space<vmem>> -> memref<128xi32, #tpu.memory_space<vmem>>
      %dma_start3A_520 = arith.constant 0 : i32
      %dma_start3A_521 = arith.constant 0 : i32
      %dma_start3A_522 = tpu.memref_slice %arg11[%dma_start3A_520, %dma_start3A_521] : memref<8320x128xf32, #tpu.memory_space<vmem_shared>> -> memref<8320x128xf32, #tpu.memory_space<vmem_shared>>
      tpu.enqueue_indirect_dma source(%arg9 : memref<128x128xf32, #tpu.memory_space<vmem>>) target(%dma_start3A_522 : memref<8320x128xf32, #tpu.memory_space<vmem_shared>>) offsets(%dma_start3A_519 : memref<128xi32, #tpu.memory_space<vmem>>) semaphore(%run_scoped3A_516 : memref<!tpu.dma_semaphore, #tpu.memory_space<semaphore_mem>>) {add = true}
      %dma_wait3A_523 = arith.constant 0 : i32
      %dma_wait3A_524 = tpu.memref_slice %arg7[%run_scoped3A_73, %dma_wait3A_523] : memref<32x128xi32, #tpu.memory_space<vmem>> -> memref<1x128xi32, #tpu.memory_space<vmem>>
      %dma_wait3A_525 = tpu.memref_squeeze %dma_wait3A_524 : memref<1x128xi32, #tpu.memory_space<vmem>> -> memref<128xi32, #tpu.memory_space<vmem>>
      %dma_wait3A_526 = arith.constant 0 : i32
      %dma_wait3A_527 = arith.constant 0 : i32
      %dma_wait3A_528 = tpu.memref_slice %arg11[%dma_wait3A_526, %dma_wait3A_527] : memref<8320x128xf32, #tpu.memory_space<vmem_shared>> -> memref<8320x128xf32, #tpu.memory_space<vmem_shared>>
      tpu.wait_indirect_dma semaphore(%run_scoped3A_516 : memref<!tpu.dma_semaphore, #tpu.memory_space<semaphore_mem>>) src(%arg9 : memref<128x128xf32, #tpu.memory_space<vmem>>) dst(%dma_wait3A_528 : memref<8320x128xf32, #tpu.memory_space<vmem_shared>>)
      tpu.yield
    }) : () -> ()
    %dma_start3A_74 = arith.constant 4 : i32
    %dma_start3A_75 = arith.constant 0 : i32
    %dma_start3A_76 = tpu.memref_slice %arg6[%dma_start3A_74, %dma_start3A_75] : memref<32x128xi32, #tpu.memory_space<vmem>> -> memref<1x128xi32, #tpu.memory_space<vmem>>
    %dma_start3A_77 = tpu.memref_squeeze %dma_start3A_76 : memref<1x128xi32, #tpu.memory_space<vmem>> -> memref<128xi32, #tpu.memory_space<vmem>>
    %dma_start3A_78 = arith.constant 0 : i32
    %dma_start3A_79 = arith.constant 0 : i32
    %dma_start3A_80 = tpu.memref_slice %arg2[%dma_start3A_78, %dma_start3A_79] : memref<16384x128xf32, #tpu.memory_space<hbm>> -> memref<16384x128xf32, #tpu.memory_space<hbm>>
    tpu.enqueue_indirect_dma source(%dma_start3A_80 : memref<16384x128xf32, #tpu.memory_space<hbm>>) target(%arg9 : memref<128x128xf32, #tpu.memory_space<vmem>>) offsets(%dma_start3A_77 : memref<128xi32, #tpu.memory_space<vmem>>) semaphore(%arg13 : memref<!tpu.dma_semaphore, #tpu.memory_space<semaphore_mem>>)
    %dma_wait3A_81 = arith.constant 2 : i32
    %dma_wait3A_82 = arith.constant 0 : i32
    %dma_wait3A_83 = tpu.memref_slice %arg6[%dma_wait3A_81, %dma_wait3A_82] : memref<32x128xi32, #tpu.memory_space<vmem>> -> memref<1x128xi32, #tpu.memory_space<vmem>>
    %dma_wait3A_84 = tpu.memref_squeeze %dma_wait3A_83 : memref<1x128xi32, #tpu.memory_space<vmem>> -> memref<128xi32, #tpu.memory_space<vmem>>
    %dma_wait3A_85 = arith.constant 0 : i32
    %dma_wait3A_86 = arith.constant 0 : i32
    %dma_wait3A_87 = tpu.memref_slice %arg2[%dma_wait3A_85, %dma_wait3A_86] : memref<16384x128xf32, #tpu.memory_space<hbm>> -> memref<16384x128xf32, #tpu.memory_space<hbm>>
    tpu.wait_indirect_dma semaphore(%arg14 : memref<!tpu.dma_semaphore, #tpu.memory_space<semaphore_mem>>) src(%dma_wait3A_87 : memref<16384x128xf32, #tpu.memory_space<hbm>>) dst(%arg10 : memref<128x128xf32, #tpu.memory_space<vmem>>)
    %run_scoped3A_88 = arith.constant 2 : i32
    "tpu.region"() ({
      %run_scoped3A_516 = tpu.sem_alloc : memref<!tpu.dma_semaphore, #tpu.memory_space<semaphore_mem>>
      %dma_start3A_517 = arith.constant 0 : i32
      %dma_start3A_518 = tpu.memref_slice %arg7[%run_scoped3A_88, %dma_start3A_517] : memref<32x128xi32, #tpu.memory_space<vmem>> -> memref<1x128xi32, #tpu.memory_space<vmem>>
      %dma_start3A_519 = tpu.memref_squeeze %dma_start3A_518 : memref<1x128xi32, #tpu.memory_space<vmem>> -> memref<128xi32, #tpu.memory_space<vmem>>
      %dma_start3A_520 = arith.constant 0 : i32
      %dma_start3A_521 = arith.constant 0 : i32
      %dma_start3A_522 = tpu.memref_slice %arg11[%dma_start3A_520, %dma_start3A_521] : memref<8320x128xf32, #tpu.memory_space<vmem_shared>> -> memref<8320x128xf32, #tpu.memory_space<vmem_shared>>
      tpu.enqueue_indirect_dma source(%arg10 : memref<128x128xf32, #tpu.memory_space<vmem>>) target(%dma_start3A_522 : memref<8320x128xf32, #tpu.memory_space<vmem_shared>>) offsets(%dma_start3A_519 : memref<128xi32, #tpu.memory_space<vmem>>) semaphore(%run_scoped3A_516 : memref<!tpu.dma_semaphore, #tpu.memory_space<semaphore_mem>>) {add = true}
      %dma_wait3A_523 = arith.constant 0 : i32
      %dma_wait3A_524 = tpu.memref_slice %arg7[%run_scoped3A_88, %dma_wait3A_523] : memref<32x128xi32, #tpu.memory_space<vmem>> -> memref<1x128xi32, #tpu.memory_space<vmem>>
      %dma_wait3A_525 = tpu.memref_squeeze %dma_wait3A_524 : memref<1x128xi32, #tpu.memory_space<vmem>> -> memref<128xi32, #tpu.memory_space<vmem>>
      %dma_wait3A_526 = arith.constant 0 : i32
      %dma_wait3A_527 = arith.constant 0 : i32
      %dma_wait3A_528 = tpu.memref_slice %arg11[%dma_wait3A_526, %dma_wait3A_527] : memref<8320x128xf32, #tpu.memory_space<vmem_shared>> -> memref<8320x128xf32, #tpu.memory_space<vmem_shared>>
      tpu.wait_indirect_dma semaphore(%run_scoped3A_516 : memref<!tpu.dma_semaphore, #tpu.memory_space<semaphore_mem>>) src(%arg10 : memref<128x128xf32, #tpu.memory_space<vmem>>) dst(%dma_wait3A_528 : memref<8320x128xf32, #tpu.memory_space<vmem_shared>>)
      tpu.yield
    }) : () -> ()
    %dma_start3A_89 = arith.constant 5 : i32
    %dma_start3A_90 = arith.constant 0 : i32
    %dma_start3A_91 = tpu.memref_slice %arg6[%dma_start3A_89, %dma_start3A_90] : memref<32x128xi32, #tpu.memory_space<vmem>> -> memref<1x128xi32, #tpu.memory_space<vmem>>
    %dma_start3A_92 = tpu.memref_squeeze %dma_start3A_91 : memref<1x128xi32, #tpu.memory_space<vmem>> -> memref<128xi32, #tpu.memory_space<vmem>>
    %dma_start3A_93 = arith.constant 0 : i32
    %dma_start3A_94 = arith.constant 0 : i32
    %dma_start3A_95 = tpu.memref_slice %arg2[%dma_start3A_93, %dma_start3A_94] : memref<16384x128xf32, #tpu.memory_space<hbm>> -> memref<16384x128xf32, #tpu.memory_space<hbm>>
    tpu.enqueue_indirect_dma source(%dma_start3A_95 : memref<16384x128xf32, #tpu.memory_space<hbm>>) target(%arg10 : memref<128x128xf32, #tpu.memory_space<vmem>>) offsets(%dma_start3A_92 : memref<128xi32, #tpu.memory_space<vmem>>) semaphore(%arg14 : memref<!tpu.dma_semaphore, #tpu.memory_space<semaphore_mem>>)
    %dma_wait3A_96 = arith.constant 3 : i32
    %dma_wait3A_97 = arith.constant 0 : i32
    %dma_wait3A_98 = tpu.memref_slice %arg6[%dma_wait3A_96, %dma_wait3A_97] : memref<32x128xi32, #tpu.memory_space<vmem>> -> memref<1x128xi32, #tpu.memory_space<vmem>>
    %dma_wait3A_99 = tpu.memref_squeeze %dma_wait3A_98 : memref<1x128xi32, #tpu.memory_space<vmem>> -> memref<128xi32, #tpu.memory_space<vmem>>
    %dma_wait3A_100 = arith.constant 0 : i32
    %dma_wait3A_101 = arith.constant 0 : i32
    %dma_wait3A_102 = tpu.memref_slice %arg2[%dma_wait3A_100, %dma_wait3A_101] : memref<16384x128xf32, #tpu.memory_space<hbm>> -> memref<16384x128xf32, #tpu.memory_space<hbm>>
    tpu.wait_indirect_dma semaphore(%arg12 : memref<!tpu.dma_semaphore, #tpu.memory_space<semaphore_mem>>) src(%dma_wait3A_102 : memref<16384x128xf32, #tpu.memory_space<hbm>>) dst(%arg8 : memref<128x128xf32, #tpu.memory_space<vmem>>)
    %run_scoped3A_103 = arith.constant 3 : i32
    "tpu.region"() ({
      %run_scoped3A_516 = tpu.sem_alloc : memref<!tpu.dma_semaphore, #tpu.memory_space<semaphore_mem>>
      %dma_start3A_517 = arith.constant 0 : i32
      %dma_start3A_518 = tpu.memref_slice %arg7[%run_scoped3A_103, %dma_start3A_517] : memref<32x128xi32, #tpu.memory_space<vmem>> -> memref<1x128xi32, #tpu.memory_space<vmem>>
      %dma_start3A_519 = tpu.memref_squeeze %dma_start3A_518 : memref<1x128xi32, #tpu.memory_space<vmem>> -> memref<128xi32, #tpu.memory_space<vmem>>
      %dma_start3A_520 = arith.constant 0 : i32
      %dma_start3A_521 = arith.constant 0 : i32
      %dma_start3A_522 = tpu.memref_slice %arg11[%dma_start3A_520, %dma_start3A_521] : memref<8320x128xf32, #tpu.memory_space<vmem_shared>> -> memref<8320x128xf32, #tpu.memory_space<vmem_shared>>
      tpu.enqueue_indirect_dma source(%arg8 : memref<128x128xf32, #tpu.memory_space<vmem>>) target(%dma_start3A_522 : memref<8320x128xf32, #tpu.memory_space<vmem_shared>>) offsets(%dma_start3A_519 : memref<128xi32, #tpu.memory_space<vmem>>) semaphore(%run_scoped3A_516 : memref<!tpu.dma_semaphore, #tpu.memory_space<semaphore_mem>>) {add = true}
      %dma_wait3A_523 = arith.constant 0 : i32
      %dma_wait3A_524 = tpu.memref_slice %arg7[%run_scoped3A_103, %dma_wait3A_523] : memref<32x128xi32, #tpu.memory_space<vmem>> -> memref<1x128xi32, #tpu.memory_space<vmem>>
      %dma_wait3A_525 = tpu.memref_squeeze %dma_wait3A_524 : memref<1x128xi32, #tpu.memory_space<vmem>> -> memref<128xi32, #tpu.memory_space<vmem>>
      %dma_wait3A_526 = arith.constant 0 : i32
      %dma_wait3A_527 = arith.constant 0 : i32
      %dma_wait3A_528 = tpu.memref_slice %arg11[%dma_wait3A_526, %dma_wait3A_527] : memref<8320x128xf32, #tpu.memory_space<vmem_shared>> -> memref<8320x128xf32, #tpu.memory_space<vmem_shared>>
      tpu.wait_indirect_dma semaphore(%run_scoped3A_516 : memref<!tpu.dma_semaphore, #tpu.memory_space<semaphore_mem>>) src(%arg8 : memref<128x128xf32, #tpu.memory_space<vmem>>) dst(%dma_wait3A_528 : memref<8320x128xf32, #tpu.memory_space<vmem_shared>>)
      tpu.yield
    }) : () -> ()
    %dma_start3A_104 = arith.constant 6 : i32
    %dma_start3A_105 = arith.constant 0 : i32
    %dma_start3A_106 = tpu.memref_slice %arg6[%dma_start3A_104, %dma_start3A_105] : memref<32x128xi32, #tpu.memory_space<vmem>> -> memref<1x128xi32, #tpu.memory_space<vmem>>
    %dma_start3A_107 = tpu.memref_squeeze %dma_start3A_106 : memref<1x128xi32, #tpu.memory_space<vmem>> -> memref<128xi32, #tpu.memory_space<vmem>>
    %dma_start3A_108 = arith.constant 0 : i32
    %dma_start3A_109 = arith.constant 0 : i32
    %dma_start3A_110 = tpu.memref_slice %arg2[%dma_start3A_108, %dma_start3A_109] : memref<16384x128xf32, #tpu.memory_space<hbm>> -> memref<16384x128xf32, #tpu.memory_space<hbm>>
    tpu.enqueue_indirect_dma source(%dma_start3A_110 : memref<16384x128xf32, #tpu.memory_space<hbm>>) target(%arg8 : memref<128x128xf32, #tpu.memory_space<vmem>>) offsets(%dma_start3A_107 : memref<128xi32, #tpu.memory_space<vmem>>) semaphore(%arg12 : memref<!tpu.dma_semaphore, #tpu.memory_space<semaphore_mem>>)
    %dma_wait3A_111 = arith.constant 4 : i32
    %dma_wait3A_112 = arith.constant 0 : i32
    %dma_wait3A_113 = tpu.memref_slice %arg6[%dma_wait3A_111, %dma_wait3A_112] : memref<32x128xi32, #tpu.memory_space<vmem>> -> memref<1x128xi32, #tpu.memory_space<vmem>>
    %dma_wait3A_114 = tpu.memref_squeeze %dma_wait3A_113 : memref<1x128xi32, #tpu.memory_space<vmem>> -> memref<128xi32, #tpu.memory_space<vmem>>
    %dma_wait3A_115 = arith.constant 0 : i32
    %dma_wait3A_116 = arith.constant 0 : i32
    %dma_wait3A_117 = tpu.memref_slice %arg2[%dma_wait3A_115, %dma_wait3A_116] : memref<16384x128xf32, #tpu.memory_space<hbm>> -> memref<16384x128xf32, #tpu.memory_space<hbm>>
    tpu.wait_indirect_dma semaphore(%arg13 : memref<!tpu.dma_semaphore, #tpu.memory_space<semaphore_mem>>) src(%dma_wait3A_117 : memref<16384x128xf32, #tpu.memory_space<hbm>>) dst(%arg9 : memref<128x128xf32, #tpu.memory_space<vmem>>)
    %run_scoped3A_118 = arith.constant 4 : i32
    "tpu.region"() ({
      %run_scoped3A_516 = tpu.sem_alloc : memref<!tpu.dma_semaphore, #tpu.memory_space<semaphore_mem>>
      %dma_start3A_517 = arith.constant 0 : i32
      %dma_start3A_518 = tpu.memref_slice %arg7[%run_scoped3A_118, %dma_start3A_517] : memref<32x128xi32, #tpu.memory_space<vmem>> -> memref<1x128xi32, #tpu.memory_space<vmem>>
      %dma_start3A_519 = tpu.memref_squeeze %dma_start3A_518 : memref<1x128xi32, #tpu.memory_space<vmem>> -> memref<128xi32, #tpu.memory_space<vmem>>
      %dma_start3A_520 = arith.constant 0 : i32
      %dma_start3A_521 = arith.constant 0 : i32
      %dma_start3A_522 = tpu.memref_slice %arg11[%dma_start3A_520, %dma_start3A_521] : memref<8320x128xf32, #tpu.memory_space<vmem_shared>> -> memref<8320x128xf32, #tpu.memory_space<vmem_shared>>
      tpu.enqueue_indirect_dma source(%arg9 : memref<128x128xf32, #tpu.memory_space<vmem>>) target(%dma_start3A_522 : memref<8320x128xf32, #tpu.memory_space<vmem_shared>>) offsets(%dma_start3A_519 : memref<128xi32, #tpu.memory_space<vmem>>) semaphore(%run_scoped3A_516 : memref<!tpu.dma_semaphore, #tpu.memory_space<semaphore_mem>>) {add = true}
      %dma_wait3A_523 = arith.constant 0 : i32
      %dma_wait3A_524 = tpu.memref_slice %arg7[%run_scoped3A_118, %dma_wait3A_523] : memref<32x128xi32, #tpu.memory_space<vmem>> -> memref<1x128xi32, #tpu.memory_space<vmem>>
      %dma_wait3A_525 = tpu.memref_squeeze %dma_wait3A_524 : memref<1x128xi32, #tpu.memory_space<vmem>> -> memref<128xi32, #tpu.memory_space<vmem>>
      %dma_wait3A_526 = arith.constant 0 : i32
      %dma_wait3A_527 = arith.constant 0 : i32
      %dma_wait3A_528 = tpu.memref_slice %arg11[%dma_wait3A_526, %dma_wait3A_527] : memref<8320x128xf32, #tpu.memory_space<vmem_shared>> -> memref<8320x128xf32, #tpu.memory_space<vmem_shared>>
      tpu.wait_indirect_dma semaphore(%run_scoped3A_516 : memref<!tpu.dma_semaphore, #tpu.memory_space<semaphore_mem>>) src(%arg9 : memref<128x128xf32, #tpu.memory_space<vmem>>) dst(%dma_wait3A_528 : memref<8320x128xf32, #tpu.memory_space<vmem_shared>>)
      tpu.yield
    }) : () -> ()
    %dma_start3A_119 = arith.constant 7 : i32
    %dma_start3A_120 = arith.constant 0 : i32
    %dma_start3A_121 = tpu.memref_slice %arg6[%dma_start3A_119, %dma_start3A_120] : memref<32x128xi32, #tpu.memory_space<vmem>> -> memref<1x128xi32, #tpu.memory_space<vmem>>
    %dma_start3A_122 = tpu.memref_squeeze %dma_start3A_121 : memref<1x128xi32, #tpu.memory_space<vmem>> -> memref<128xi32, #tpu.memory_space<vmem>>
    %dma_start3A_123 = arith.constant 0 : i32
    %dma_start3A_124 = arith.constant 0 : i32
    %dma_start3A_125 = tpu.memref_slice %arg2[%dma_start3A_123, %dma_start3A_124] : memref<16384x128xf32, #tpu.memory_space<hbm>> -> memref<16384x128xf32, #tpu.memory_space<hbm>>
    tpu.enqueue_indirect_dma source(%dma_start3A_125 : memref<16384x128xf32, #tpu.memory_space<hbm>>) target(%arg9 : memref<128x128xf32, #tpu.memory_space<vmem>>) offsets(%dma_start3A_122 : memref<128xi32, #tpu.memory_space<vmem>>) semaphore(%arg13 : memref<!tpu.dma_semaphore, #tpu.memory_space<semaphore_mem>>)
    %dma_wait3A_126 = arith.constant 5 : i32
    %dma_wait3A_127 = arith.constant 0 : i32
    %dma_wait3A_128 = tpu.memref_slice %arg6[%dma_wait3A_126, %dma_wait3A_127] : memref<32x128xi32, #tpu.memory_space<vmem>> -> memref<1x128xi32, #tpu.memory_space<vmem>>
    %dma_wait3A_129 = tpu.memref_squeeze %dma_wait3A_128 : memref<1x128xi32, #tpu.memory_space<vmem>> -> memref<128xi32, #tpu.memory_space<vmem>>
    %dma_wait3A_130 = arith.constant 0 : i32
    %dma_wait3A_131 = arith.constant 0 : i32
    %dma_wait3A_132 = tpu.memref_slice %arg2[%dma_wait3A_130, %dma_wait3A_131] : memref<16384x128xf32, #tpu.memory_space<hbm>> -> memref<16384x128xf32, #tpu.memory_space<hbm>>
    tpu.wait_indirect_dma semaphore(%arg14 : memref<!tpu.dma_semaphore, #tpu.memory_space<semaphore_mem>>) src(%dma_wait3A_132 : memref<16384x128xf32, #tpu.memory_space<hbm>>) dst(%arg10 : memref<128x128xf32, #tpu.memory_space<vmem>>)
    %run_scoped3A_133 = arith.constant 5 : i32
    "tpu.region"() ({
      %run_scoped3A_516 = tpu.sem_alloc : memref<!tpu.dma_semaphore, #tpu.memory_space<semaphore_mem>>
      %dma_start3A_517 = arith.constant 0 : i32
      %dma_start3A_518 = tpu.memref_slice %arg7[%run_scoped3A_133, %dma_start3A_517] : memref<32x128xi32, #tpu.memory_space<vmem>> -> memref<1x128xi32, #tpu.memory_space<vmem>>
      %dma_start3A_519 = tpu.memref_squeeze %dma_start3A_518 : memref<1x128xi32, #tpu.memory_space<vmem>> -> memref<128xi32, #tpu.memory_space<vmem>>
      %dma_start3A_520 = arith.constant 0 : i32
      %dma_start3A_521 = arith.constant 0 : i32
      %dma_start3A_522 = tpu.memref_slice %arg11[%dma_start3A_520, %dma_start3A_521] : memref<8320x128xf32, #tpu.memory_space<vmem_shared>> -> memref<8320x128xf32, #tpu.memory_space<vmem_shared>>
      tpu.enqueue_indirect_dma source(%arg10 : memref<128x128xf32, #tpu.memory_space<vmem>>) target(%dma_start3A_522 : memref<8320x128xf32, #tpu.memory_space<vmem_shared>>) offsets(%dma_start3A_519 : memref<128xi32, #tpu.memory_space<vmem>>) semaphore(%run_scoped3A_516 : memref<!tpu.dma_semaphore, #tpu.memory_space<semaphore_mem>>) {add = true}
      %dma_wait3A_523 = arith.constant 0 : i32
      %dma_wait3A_524 = tpu.memref_slice %arg7[%run_scoped3A_133, %dma_wait3A_523] : memref<32x128xi32, #tpu.memory_space<vmem>> -> memref<1x128xi32, #tpu.memory_space<vmem>>
      %dma_wait3A_525 = tpu.memref_squeeze %dma_wait3A_524 : memref<1x128xi32, #tpu.memory_space<vmem>> -> memref<128xi32, #tpu.memory_space<vmem>>
      %dma_wait3A_526 = arith.constant 0 : i32
      %dma_wait3A_527 = arith.constant 0 : i32
      %dma_wait3A_528 = tpu.memref_slice %arg11[%dma_wait3A_526, %dma_wait3A_527] : memref<8320x128xf32, #tpu.memory_space<vmem_shared>> -> memref<8320x128xf32, #tpu.memory_space<vmem_shared>>
      tpu.wait_indirect_dma semaphore(%run_scoped3A_516 : memref<!tpu.dma_semaphore, #tpu.memory_space<semaphore_mem>>) src(%arg10 : memref<128x128xf32, #tpu.memory_space<vmem>>) dst(%dma_wait3A_528 : memref<8320x128xf32, #tpu.memory_space<vmem_shared>>)
      tpu.yield
    }) : () -> ()
    %dma_start3A_134 = arith.constant 8 : i32
    %dma_start3A_135 = arith.constant 0 : i32
    %dma_start3A_136 = tpu.memref_slice %arg6[%dma_start3A_134, %dma_start3A_135] : memref<32x128xi32, #tpu.memory_space<vmem>> -> memref<1x128xi32, #tpu.memory_space<vmem>>
    %dma_start3A_137 = tpu.memref_squeeze %dma_start3A_136 : memref<1x128xi32, #tpu.memory_space<vmem>> -> memref<128xi32, #tpu.memory_space<vmem>>
    %dma_start3A_138 = arith.constant 0 : i32
    %dma_start3A_139 = arith.constant 0 : i32
    %dma_start3A_140 = tpu.memref_slice %arg2[%dma_start3A_138, %dma_start3A_139] : memref<16384x128xf32, #tpu.memory_space<hbm>> -> memref<16384x128xf32, #tpu.memory_space<hbm>>
    tpu.enqueue_indirect_dma source(%dma_start3A_140 : memref<16384x128xf32, #tpu.memory_space<hbm>>) target(%arg10 : memref<128x128xf32, #tpu.memory_space<vmem>>) offsets(%dma_start3A_137 : memref<128xi32, #tpu.memory_space<vmem>>) semaphore(%arg14 : memref<!tpu.dma_semaphore, #tpu.memory_space<semaphore_mem>>)
    %dma_wait3A_141 = arith.constant 6 : i32
    %dma_wait3A_142 = arith.constant 0 : i32
    %dma_wait3A_143 = tpu.memref_slice %arg6[%dma_wait3A_141, %dma_wait3A_142] : memref<32x128xi32, #tpu.memory_space<vmem>> -> memref<1x128xi32, #tpu.memory_space<vmem>>
    %dma_wait3A_144 = tpu.memref_squeeze %dma_wait3A_143 : memref<1x128xi32, #tpu.memory_space<vmem>> -> memref<128xi32, #tpu.memory_space<vmem>>
    %dma_wait3A_145 = arith.constant 0 : i32
    %dma_wait3A_146 = arith.constant 0 : i32
    %dma_wait3A_147 = tpu.memref_slice %arg2[%dma_wait3A_145, %dma_wait3A_146] : memref<16384x128xf32, #tpu.memory_space<hbm>> -> memref<16384x128xf32, #tpu.memory_space<hbm>>
    tpu.wait_indirect_dma semaphore(%arg12 : memref<!tpu.dma_semaphore, #tpu.memory_space<semaphore_mem>>) src(%dma_wait3A_147 : memref<16384x128xf32, #tpu.memory_space<hbm>>) dst(%arg8 : memref<128x128xf32, #tpu.memory_space<vmem>>)
    %run_scoped3A_148 = arith.constant 6 : i32
    "tpu.region"() ({
      %run_scoped3A_516 = tpu.sem_alloc : memref<!tpu.dma_semaphore, #tpu.memory_space<semaphore_mem>>
      %dma_start3A_517 = arith.constant 0 : i32
      %dma_start3A_518 = tpu.memref_slice %arg7[%run_scoped3A_148, %dma_start3A_517] : memref<32x128xi32, #tpu.memory_space<vmem>> -> memref<1x128xi32, #tpu.memory_space<vmem>>
      %dma_start3A_519 = tpu.memref_squeeze %dma_start3A_518 : memref<1x128xi32, #tpu.memory_space<vmem>> -> memref<128xi32, #tpu.memory_space<vmem>>
      %dma_start3A_520 = arith.constant 0 : i32
      %dma_start3A_521 = arith.constant 0 : i32
      %dma_start3A_522 = tpu.memref_slice %arg11[%dma_start3A_520, %dma_start3A_521] : memref<8320x128xf32, #tpu.memory_space<vmem_shared>> -> memref<8320x128xf32, #tpu.memory_space<vmem_shared>>
      tpu.enqueue_indirect_dma source(%arg8 : memref<128x128xf32, #tpu.memory_space<vmem>>) target(%dma_start3A_522 : memref<8320x128xf32, #tpu.memory_space<vmem_shared>>) offsets(%dma_start3A_519 : memref<128xi32, #tpu.memory_space<vmem>>) semaphore(%run_scoped3A_516 : memref<!tpu.dma_semaphore, #tpu.memory_space<semaphore_mem>>) {add = true}
      %dma_wait3A_523 = arith.constant 0 : i32
      %dma_wait3A_524 = tpu.memref_slice %arg7[%run_scoped3A_148, %dma_wait3A_523] : memref<32x128xi32, #tpu.memory_space<vmem>> -> memref<1x128xi32, #tpu.memory_space<vmem>>
      %dma_wait3A_525 = tpu.memref_squeeze %dma_wait3A_524 : memref<1x128xi32, #tpu.memory_space<vmem>> -> memref<128xi32, #tpu.memory_space<vmem>>
      %dma_wait3A_526 = arith.constant 0 : i32
      %dma_wait3A_527 = arith.constant 0 : i32
      %dma_wait3A_528 = tpu.memref_slice %arg11[%dma_wait3A_526, %dma_wait3A_527] : memref<8320x128xf32, #tpu.memory_space<vmem_shared>> -> memref<8320x128xf32, #tpu.memory_space<vmem_shared>>
      tpu.wait_indirect_dma semaphore(%run_scoped3A_516 : memref<!tpu.dma_semaphore, #tpu.memory_space<semaphore_mem>>) src(%arg8 : memref<128x128xf32, #tpu.memory_space<vmem>>) dst(%dma_wait3A_528 : memref<8320x128xf32, #tpu.memory_space<vmem_shared>>)
      tpu.yield
    }) : () -> ()
    %dma_start3A_149 = arith.constant 9 : i32
    %dma_start3A_150 = arith.constant 0 : i32
    %dma_start3A_151 = tpu.memref_slice %arg6[%dma_start3A_149, %dma_start3A_150] : memref<32x128xi32, #tpu.memory_space<vmem>> -> memref<1x128xi32, #tpu.memory_space<vmem>>
    %dma_start3A_152 = tpu.memref_squeeze %dma_start3A_151 : memref<1x128xi32, #tpu.memory_space<vmem>> -> memref<128xi32, #tpu.memory_space<vmem>>
    %dma_start3A_153 = arith.constant 0 : i32
    %dma_start3A_154 = arith.constant 0 : i32
    %dma_start3A_155 = tpu.memref_slice %arg2[%dma_start3A_153, %dma_start3A_154] : memref<16384x128xf32, #tpu.memory_space<hbm>> -> memref<16384x128xf32, #tpu.memory_space<hbm>>
    tpu.enqueue_indirect_dma source(%dma_start3A_155 : memref<16384x128xf32, #tpu.memory_space<hbm>>) target(%arg8 : memref<128x128xf32, #tpu.memory_space<vmem>>) offsets(%dma_start3A_152 : memref<128xi32, #tpu.memory_space<vmem>>) semaphore(%arg12 : memref<!tpu.dma_semaphore, #tpu.memory_space<semaphore_mem>>)
    %dma_wait3A_156 = arith.constant 7 : i32
    %dma_wait3A_157 = arith.constant 0 : i32
    %dma_wait3A_158 = tpu.memref_slice %arg6[%dma_wait3A_156, %dma_wait3A_157] : memref<32x128xi32, #tpu.memory_space<vmem>> -> memref<1x128xi32, #tpu.memory_space<vmem>>
    %dma_wait3A_159 = tpu.memref_squeeze %dma_wait3A_158 : memref<1x128xi32, #tpu.memory_space<vmem>> -> memref<128xi32, #tpu.memory_space<vmem>>
    %dma_wait3A_160 = arith.constant 0 : i32
    %dma_wait3A_161 = arith.constant 0 : i32
    %dma_wait3A_162 = tpu.memref_slice %arg2[%dma_wait3A_160, %dma_wait3A_161] : memref<16384x128xf32, #tpu.memory_space<hbm>> -> memref<16384x128xf32, #tpu.memory_space<hbm>>
    tpu.wait_indirect_dma semaphore(%arg13 : memref<!tpu.dma_semaphore, #tpu.memory_space<semaphore_mem>>) src(%dma_wait3A_162 : memref<16384x128xf32, #tpu.memory_space<hbm>>) dst(%arg9 : memref<128x128xf32, #tpu.memory_space<vmem>>)
    %run_scoped3A_163 = arith.constant 7 : i32
    "tpu.region"() ({
      %run_scoped3A_516 = tpu.sem_alloc : memref<!tpu.dma_semaphore, #tpu.memory_space<semaphore_mem>>
      %dma_start3A_517 = arith.constant 0 : i32
      %dma_start3A_518 = tpu.memref_slice %arg7[%run_scoped3A_163, %dma_start3A_517] : memref<32x128xi32, #tpu.memory_space<vmem>> -> memref<1x128xi32, #tpu.memory_space<vmem>>
      %dma_start3A_519 = tpu.memref_squeeze %dma_start3A_518 : memref<1x128xi32, #tpu.memory_space<vmem>> -> memref<128xi32, #tpu.memory_space<vmem>>
      %dma_start3A_520 = arith.constant 0 : i32
      %dma_start3A_521 = arith.constant 0 : i32
      %dma_start3A_522 = tpu.memref_slice %arg11[%dma_start3A_520, %dma_start3A_521] : memref<8320x128xf32, #tpu.memory_space<vmem_shared>> -> memref<8320x128xf32, #tpu.memory_space<vmem_shared>>
      tpu.enqueue_indirect_dma source(%arg9 : memref<128x128xf32, #tpu.memory_space<vmem>>) target(%dma_start3A_522 : memref<8320x128xf32, #tpu.memory_space<vmem_shared>>) offsets(%dma_start3A_519 : memref<128xi32, #tpu.memory_space<vmem>>) semaphore(%run_scoped3A_516 : memref<!tpu.dma_semaphore, #tpu.memory_space<semaphore_mem>>) {add = true}
      %dma_wait3A_523 = arith.constant 0 : i32
      %dma_wait3A_524 = tpu.memref_slice %arg7[%run_scoped3A_163, %dma_wait3A_523] : memref<32x128xi32, #tpu.memory_space<vmem>> -> memref<1x128xi32, #tpu.memory_space<vmem>>
      %dma_wait3A_525 = tpu.memref_squeeze %dma_wait3A_524 : memref<1x128xi32, #tpu.memory_space<vmem>> -> memref<128xi32, #tpu.memory_space<vmem>>
      %dma_wait3A_526 = arith.constant 0 : i32
      %dma_wait3A_527 = arith.constant 0 : i32
      %dma_wait3A_528 = tpu.memref_slice %arg11[%dma_wait3A_526, %dma_wait3A_527] : memref<8320x128xf32, #tpu.memory_space<vmem_shared>> -> memref<8320x128xf32, #tpu.memory_space<vmem_shared>>
      tpu.wait_indirect_dma semaphore(%run_scoped3A_516 : memref<!tpu.dma_semaphore, #tpu.memory_space<semaphore_mem>>) src(%arg9 : memref<128x128xf32, #tpu.memory_space<vmem>>) dst(%dma_wait3A_528 : memref<8320x128xf32, #tpu.memory_space<vmem_shared>>)
      tpu.yield
    }) : () -> ()
    %dma_start3A_164 = arith.constant 10 : i32
    %dma_start3A_165 = arith.constant 0 : i32
    %dma_start3A_166 = tpu.memref_slice %arg6[%dma_start3A_164, %dma_start3A_165] : memref<32x128xi32, #tpu.memory_space<vmem>> -> memref<1x128xi32, #tpu.memory_space<vmem>>
    %dma_start3A_167 = tpu.memref_squeeze %dma_start3A_166 : memref<1x128xi32, #tpu.memory_space<vmem>> -> memref<128xi32, #tpu.memory_space<vmem>>
    %dma_start3A_168 = arith.constant 0 : i32
    %dma_start3A_169 = arith.constant 0 : i32
    %dma_start3A_170 = tpu.memref_slice %arg2[%dma_start3A_168, %dma_start3A_169] : memref<16384x128xf32, #tpu.memory_space<hbm>> -> memref<16384x128xf32, #tpu.memory_space<hbm>>
    tpu.enqueue_indirect_dma source(%dma_start3A_170 : memref<16384x128xf32, #tpu.memory_space<hbm>>) target(%arg9 : memref<128x128xf32, #tpu.memory_space<vmem>>) offsets(%dma_start3A_167 : memref<128xi32, #tpu.memory_space<vmem>>) semaphore(%arg13 : memref<!tpu.dma_semaphore, #tpu.memory_space<semaphore_mem>>)
    %dma_wait3A_171 = arith.constant 8 : i32
    %dma_wait3A_172 = arith.constant 0 : i32
    %dma_wait3A_173 = tpu.memref_slice %arg6[%dma_wait3A_171, %dma_wait3A_172] : memref<32x128xi32, #tpu.memory_space<vmem>> -> memref<1x128xi32, #tpu.memory_space<vmem>>
    %dma_wait3A_174 = tpu.memref_squeeze %dma_wait3A_173 : memref<1x128xi32, #tpu.memory_space<vmem>> -> memref<128xi32, #tpu.memory_space<vmem>>
    %dma_wait3A_175 = arith.constant 0 : i32
    %dma_wait3A_176 = arith.constant 0 : i32
    %dma_wait3A_177 = tpu.memref_slice %arg2[%dma_wait3A_175, %dma_wait3A_176] : memref<16384x128xf32, #tpu.memory_space<hbm>> -> memref<16384x128xf32, #tpu.memory_space<hbm>>
    tpu.wait_indirect_dma semaphore(%arg14 : memref<!tpu.dma_semaphore, #tpu.memory_space<semaphore_mem>>) src(%dma_wait3A_177 : memref<16384x128xf32, #tpu.memory_space<hbm>>) dst(%arg10 : memref<128x128xf32, #tpu.memory_space<vmem>>)
    %run_scoped3A_178 = arith.constant 8 : i32
    "tpu.region"() ({
      %run_scoped3A_516 = tpu.sem_alloc : memref<!tpu.dma_semaphore, #tpu.memory_space<semaphore_mem>>
      %dma_start3A_517 = arith.constant 0 : i32
      %dma_start3A_518 = tpu.memref_slice %arg7[%run_scoped3A_178, %dma_start3A_517] : memref<32x128xi32, #tpu.memory_space<vmem>> -> memref<1x128xi32, #tpu.memory_space<vmem>>
      %dma_start3A_519 = tpu.memref_squeeze %dma_start3A_518 : memref<1x128xi32, #tpu.memory_space<vmem>> -> memref<128xi32, #tpu.memory_space<vmem>>
      %dma_start3A_520 = arith.constant 0 : i32
      %dma_start3A_521 = arith.constant 0 : i32
      %dma_start3A_522 = tpu.memref_slice %arg11[%dma_start3A_520, %dma_start3A_521] : memref<8320x128xf32, #tpu.memory_space<vmem_shared>> -> memref<8320x128xf32, #tpu.memory_space<vmem_shared>>
      tpu.enqueue_indirect_dma source(%arg10 : memref<128x128xf32, #tpu.memory_space<vmem>>) target(%dma_start3A_522 : memref<8320x128xf32, #tpu.memory_space<vmem_shared>>) offsets(%dma_start3A_519 : memref<128xi32, #tpu.memory_space<vmem>>) semaphore(%run_scoped3A_516 : memref<!tpu.dma_semaphore, #tpu.memory_space<semaphore_mem>>) {add = true}
      %dma_wait3A_523 = arith.constant 0 : i32
      %dma_wait3A_524 = tpu.memref_slice %arg7[%run_scoped3A_178, %dma_wait3A_523] : memref<32x128xi32, #tpu.memory_space<vmem>> -> memref<1x128xi32, #tpu.memory_space<vmem>>
      %dma_wait3A_525 = tpu.memref_squeeze %dma_wait3A_524 : memref<1x128xi32, #tpu.memory_space<vmem>> -> memref<128xi32, #tpu.memory_space<vmem>>
      %dma_wait3A_526 = arith.constant 0 : i32
      %dma_wait3A_527 = arith.constant 0 : i32
      %dma_wait3A_528 = tpu.memref_slice %arg11[%dma_wait3A_526, %dma_wait3A_527] : memref<8320x128xf32, #tpu.memory_space<vmem_shared>> -> memref<8320x128xf32, #tpu.memory_space<vmem_shared>>
      tpu.wait_indirect_dma semaphore(%run_scoped3A_516 : memref<!tpu.dma_semaphore, #tpu.memory_space<semaphore_mem>>) src(%arg10 : memref<128x128xf32, #tpu.memory_space<vmem>>) dst(%dma_wait3A_528 : memref<8320x128xf32, #tpu.memory_space<vmem_shared>>)
      tpu.yield
    }) : () -> ()
    %dma_start3A_179 = arith.constant 11 : i32
    %dma_start3A_180 = arith.constant 0 : i32
    %dma_start3A_181 = tpu.memref_slice %arg6[%dma_start3A_179, %dma_start3A_180] : memref<32x128xi32, #tpu.memory_space<vmem>> -> memref<1x128xi32, #tpu.memory_space<vmem>>
    %dma_start3A_182 = tpu.memref_squeeze %dma_start3A_181 : memref<1x128xi32, #tpu.memory_space<vmem>> -> memref<128xi32, #tpu.memory_space<vmem>>
    %dma_start3A_183 = arith.constant 0 : i32
    %dma_start3A_184 = arith.constant 0 : i32
    %dma_start3A_185 = tpu.memref_slice %arg2[%dma_start3A_183, %dma_start3A_184] : memref<16384x128xf32, #tpu.memory_space<hbm>> -> memref<16384x128xf32, #tpu.memory_space<hbm>>
    tpu.enqueue_indirect_dma source(%dma_start3A_185 : memref<16384x128xf32, #tpu.memory_space<hbm>>) target(%arg10 : memref<128x128xf32, #tpu.memory_space<vmem>>) offsets(%dma_start3A_182 : memref<128xi32, #tpu.memory_space<vmem>>) semaphore(%arg14 : memref<!tpu.dma_semaphore, #tpu.memory_space<semaphore_mem>>)
    %dma_wait3A_186 = arith.constant 9 : i32
    %dma_wait3A_187 = arith.constant 0 : i32
    %dma_wait3A_188 = tpu.memref_slice %arg6[%dma_wait3A_186, %dma_wait3A_187] : memref<32x128xi32, #tpu.memory_space<vmem>> -> memref<1x128xi32, #tpu.memory_space<vmem>>
    %dma_wait3A_189 = tpu.memref_squeeze %dma_wait3A_188 : memref<1x128xi32, #tpu.memory_space<vmem>> -> memref<128xi32, #tpu.memory_space<vmem>>
    %dma_wait3A_190 = arith.constant 0 : i32
    %dma_wait3A_191 = arith.constant 0 : i32
    %dma_wait3A_192 = tpu.memref_slice %arg2[%dma_wait3A_190, %dma_wait3A_191] : memref<16384x128xf32, #tpu.memory_space<hbm>> -> memref<16384x128xf32, #tpu.memory_space<hbm>>
    tpu.wait_indirect_dma semaphore(%arg12 : memref<!tpu.dma_semaphore, #tpu.memory_space<semaphore_mem>>) src(%dma_wait3A_192 : memref<16384x128xf32, #tpu.memory_space<hbm>>) dst(%arg8 : memref<128x128xf32, #tpu.memory_space<vmem>>)
    %run_scoped3A_193 = arith.constant 9 : i32
    "tpu.region"() ({
      %run_scoped3A_516 = tpu.sem_alloc : memref<!tpu.dma_semaphore, #tpu.memory_space<semaphore_mem>>
      %dma_start3A_517 = arith.constant 0 : i32
      %dma_start3A_518 = tpu.memref_slice %arg7[%run_scoped3A_193, %dma_start3A_517] : memref<32x128xi32, #tpu.memory_space<vmem>> -> memref<1x128xi32, #tpu.memory_space<vmem>>
      %dma_start3A_519 = tpu.memref_squeeze %dma_start3A_518 : memref<1x128xi32, #tpu.memory_space<vmem>> -> memref<128xi32, #tpu.memory_space<vmem>>
      %dma_start3A_520 = arith.constant 0 : i32
      %dma_start3A_521 = arith.constant 0 : i32
      %dma_start3A_522 = tpu.memref_slice %arg11[%dma_start3A_520, %dma_start3A_521] : memref<8320x128xf32, #tpu.memory_space<vmem_shared>> -> memref<8320x128xf32, #tpu.memory_space<vmem_shared>>
      tpu.enqueue_indirect_dma source(%arg8 : memref<128x128xf32, #tpu.memory_space<vmem>>) target(%dma_start3A_522 : memref<8320x128xf32, #tpu.memory_space<vmem_shared>>) offsets(%dma_start3A_519 : memref<128xi32, #tpu.memory_space<vmem>>) semaphore(%run_scoped3A_516 : memref<!tpu.dma_semaphore, #tpu.memory_space<semaphore_mem>>) {add = true}
      %dma_wait3A_523 = arith.constant 0 : i32
      %dma_wait3A_524 = tpu.memref_slice %arg7[%run_scoped3A_193, %dma_wait3A_523] : memref<32x128xi32, #tpu.memory_space<vmem>> -> memref<1x128xi32, #tpu.memory_space<vmem>>
      %dma_wait3A_525 = tpu.memref_squeeze %dma_wait3A_524 : memref<1x128xi32, #tpu.memory_space<vmem>> -> memref<128xi32, #tpu.memory_space<vmem>>
      %dma_wait3A_526 = arith.constant 0 : i32
      %dma_wait3A_527 = arith.constant 0 : i32
      %dma_wait3A_528 = tpu.memref_slice %arg11[%dma_wait3A_526, %dma_wait3A_527] : memref<8320x128xf32, #tpu.memory_space<vmem_shared>> -> memref<8320x128xf32, #tpu.memory_space<vmem_shared>>
      tpu.wait_indirect_dma semaphore(%run_scoped3A_516 : memref<!tpu.dma_semaphore, #tpu.memory_space<semaphore_mem>>) src(%arg8 : memref<128x128xf32, #tpu.memory_space<vmem>>) dst(%dma_wait3A_528 : memref<8320x128xf32, #tpu.memory_space<vmem_shared>>)
      tpu.yield
    }) : () -> ()
    %dma_start3A_194 = arith.constant 12 : i32
    %dma_start3A_195 = arith.constant 0 : i32
    %dma_start3A_196 = tpu.memref_slice %arg6[%dma_start3A_194, %dma_start3A_195] : memref<32x128xi32, #tpu.memory_space<vmem>> -> memref<1x128xi32, #tpu.memory_space<vmem>>
    %dma_start3A_197 = tpu.memref_squeeze %dma_start3A_196 : memref<1x128xi32, #tpu.memory_space<vmem>> -> memref<128xi32, #tpu.memory_space<vmem>>
    %dma_start3A_198 = arith.constant 0 : i32
    %dma_start3A_199 = arith.constant 0 : i32
    %dma_start3A_200 = tpu.memref_slice %arg2[%dma_start3A_198, %dma_start3A_199] : memref<16384x128xf32, #tpu.memory_space<hbm>> -> memref<16384x128xf32, #tpu.memory_space<hbm>>
    tpu.enqueue_indirect_dma source(%dma_start3A_200 : memref<16384x128xf32, #tpu.memory_space<hbm>>) target(%arg8 : memref<128x128xf32, #tpu.memory_space<vmem>>) offsets(%dma_start3A_197 : memref<128xi32, #tpu.memory_space<vmem>>) semaphore(%arg12 : memref<!tpu.dma_semaphore, #tpu.memory_space<semaphore_mem>>)
    %dma_wait3A_201 = arith.constant 10 : i32
    %dma_wait3A_202 = arith.constant 0 : i32
    %dma_wait3A_203 = tpu.memref_slice %arg6[%dma_wait3A_201, %dma_wait3A_202] : memref<32x128xi32, #tpu.memory_space<vmem>> -> memref<1x128xi32, #tpu.memory_space<vmem>>
    %dma_wait3A_204 = tpu.memref_squeeze %dma_wait3A_203 : memref<1x128xi32, #tpu.memory_space<vmem>> -> memref<128xi32, #tpu.memory_space<vmem>>
    %dma_wait3A_205 = arith.constant 0 : i32
    %dma_wait3A_206 = arith.constant 0 : i32
    %dma_wait3A_207 = tpu.memref_slice %arg2[%dma_wait3A_205, %dma_wait3A_206] : memref<16384x128xf32, #tpu.memory_space<hbm>> -> memref<16384x128xf32, #tpu.memory_space<hbm>>
    tpu.wait_indirect_dma semaphore(%arg13 : memref<!tpu.dma_semaphore, #tpu.memory_space<semaphore_mem>>) src(%dma_wait3A_207 : memref<16384x128xf32, #tpu.memory_space<hbm>>) dst(%arg9 : memref<128x128xf32, #tpu.memory_space<vmem>>)
    %run_scoped3A_208 = arith.constant 10 : i32
    "tpu.region"() ({
      %run_scoped3A_516 = tpu.sem_alloc : memref<!tpu.dma_semaphore, #tpu.memory_space<semaphore_mem>>
      %dma_start3A_517 = arith.constant 0 : i32
      %dma_start3A_518 = tpu.memref_slice %arg7[%run_scoped3A_208, %dma_start3A_517] : memref<32x128xi32, #tpu.memory_space<vmem>> -> memref<1x128xi32, #tpu.memory_space<vmem>>
      %dma_start3A_519 = tpu.memref_squeeze %dma_start3A_518 : memref<1x128xi32, #tpu.memory_space<vmem>> -> memref<128xi32, #tpu.memory_space<vmem>>
      %dma_start3A_520 = arith.constant 0 : i32
      %dma_start3A_521 = arith.constant 0 : i32
      %dma_start3A_522 = tpu.memref_slice %arg11[%dma_start3A_520, %dma_start3A_521] : memref<8320x128xf32, #tpu.memory_space<vmem_shared>> -> memref<8320x128xf32, #tpu.memory_space<vmem_shared>>
      tpu.enqueue_indirect_dma source(%arg9 : memref<128x128xf32, #tpu.memory_space<vmem>>) target(%dma_start3A_522 : memref<8320x128xf32, #tpu.memory_space<vmem_shared>>) offsets(%dma_start3A_519 : memref<128xi32, #tpu.memory_space<vmem>>) semaphore(%run_scoped3A_516 : memref<!tpu.dma_semaphore, #tpu.memory_space<semaphore_mem>>) {add = true}
      %dma_wait3A_523 = arith.constant 0 : i32
      %dma_wait3A_524 = tpu.memref_slice %arg7[%run_scoped3A_208, %dma_wait3A_523] : memref<32x128xi32, #tpu.memory_space<vmem>> -> memref<1x128xi32, #tpu.memory_space<vmem>>
      %dma_wait3A_525 = tpu.memref_squeeze %dma_wait3A_524 : memref<1x128xi32, #tpu.memory_space<vmem>> -> memref<128xi32, #tpu.memory_space<vmem>>
      %dma_wait3A_526 = arith.constant 0 : i32
      %dma_wait3A_527 = arith.constant 0 : i32
      %dma_wait3A_528 = tpu.memref_slice %arg11[%dma_wait3A_526, %dma_wait3A_527] : memref<8320x128xf32, #tpu.memory_space<vmem_shared>> -> memref<8320x128xf32, #tpu.memory_space<vmem_shared>>
      tpu.wait_indirect_dma semaphore(%run_scoped3A_516 : memref<!tpu.dma_semaphore, #tpu.memory_space<semaphore_mem>>) src(%arg9 : memref<128x128xf32, #tpu.memory_space<vmem>>) dst(%dma_wait3A_528 : memref<8320x128xf32, #tpu.memory_space<vmem_shared>>)
      tpu.yield
    }) : () -> ()
    %dma_start3A_209 = arith.constant 13 : i32
    %dma_start3A_210 = arith.constant 0 : i32
    %dma_start3A_211 = tpu.memref_slice %arg6[%dma_start3A_209, %dma_start3A_210] : memref<32x128xi32, #tpu.memory_space<vmem>> -> memref<1x128xi32, #tpu.memory_space<vmem>>
    %dma_start3A_212 = tpu.memref_squeeze %dma_start3A_211 : memref<1x128xi32, #tpu.memory_space<vmem>> -> memref<128xi32, #tpu.memory_space<vmem>>
    %dma_start3A_213 = arith.constant 0 : i32
    %dma_start3A_214 = arith.constant 0 : i32
    %dma_start3A_215 = tpu.memref_slice %arg2[%dma_start3A_213, %dma_start3A_214] : memref<16384x128xf32, #tpu.memory_space<hbm>> -> memref<16384x128xf32, #tpu.memory_space<hbm>>
    tpu.enqueue_indirect_dma source(%dma_start3A_215 : memref<16384x128xf32, #tpu.memory_space<hbm>>) target(%arg9 : memref<128x128xf32, #tpu.memory_space<vmem>>) offsets(%dma_start3A_212 : memref<128xi32, #tpu.memory_space<vmem>>) semaphore(%arg13 : memref<!tpu.dma_semaphore, #tpu.memory_space<semaphore_mem>>)
    %dma_wait3A_216 = arith.constant 11 : i32
    %dma_wait3A_217 = arith.constant 0 : i32
    %dma_wait3A_218 = tpu.memref_slice %arg6[%dma_wait3A_216, %dma_wait3A_217] : memref<32x128xi32, #tpu.memory_space<vmem>> -> memref<1x128xi32, #tpu.memory_space<vmem>>
    %dma_wait3A_219 = tpu.memref_squeeze %dma_wait3A_218 : memref<1x128xi32, #tpu.memory_space<vmem>> -> memref<128xi32, #tpu.memory_space<vmem>>
    %dma_wait3A_220 = arith.constant 0 : i32
    %dma_wait3A_221 = arith.constant 0 : i32
    %dma_wait3A_222 = tpu.memref_slice %arg2[%dma_wait3A_220, %dma_wait3A_221] : memref<16384x128xf32, #tpu.memory_space<hbm>> -> memref<16384x128xf32, #tpu.memory_space<hbm>>
    tpu.wait_indirect_dma semaphore(%arg14 : memref<!tpu.dma_semaphore, #tpu.memory_space<semaphore_mem>>) src(%dma_wait3A_222 : memref<16384x128xf32, #tpu.memory_space<hbm>>) dst(%arg10 : memref<128x128xf32, #tpu.memory_space<vmem>>)
    %run_scoped3A_223 = arith.constant 11 : i32
    "tpu.region"() ({
      %run_scoped3A_516 = tpu.sem_alloc : memref<!tpu.dma_semaphore, #tpu.memory_space<semaphore_mem>>
      %dma_start3A_517 = arith.constant 0 : i32
      %dma_start3A_518 = tpu.memref_slice %arg7[%run_scoped3A_223, %dma_start3A_517] : memref<32x128xi32, #tpu.memory_space<vmem>> -> memref<1x128xi32, #tpu.memory_space<vmem>>
      %dma_start3A_519 = tpu.memref_squeeze %dma_start3A_518 : memref<1x128xi32, #tpu.memory_space<vmem>> -> memref<128xi32, #tpu.memory_space<vmem>>
      %dma_start3A_520 = arith.constant 0 : i32
      %dma_start3A_521 = arith.constant 0 : i32
      %dma_start3A_522 = tpu.memref_slice %arg11[%dma_start3A_520, %dma_start3A_521] : memref<8320x128xf32, #tpu.memory_space<vmem_shared>> -> memref<8320x128xf32, #tpu.memory_space<vmem_shared>>
      tpu.enqueue_indirect_dma source(%arg10 : memref<128x128xf32, #tpu.memory_space<vmem>>) target(%dma_start3A_522 : memref<8320x128xf32, #tpu.memory_space<vmem_shared>>) offsets(%dma_start3A_519 : memref<128xi32, #tpu.memory_space<vmem>>) semaphore(%run_scoped3A_516 : memref<!tpu.dma_semaphore, #tpu.memory_space<semaphore_mem>>) {add = true}
      %dma_wait3A_523 = arith.constant 0 : i32
      %dma_wait3A_524 = tpu.memref_slice %arg7[%run_scoped3A_223, %dma_wait3A_523] : memref<32x128xi32, #tpu.memory_space<vmem>> -> memref<1x128xi32, #tpu.memory_space<vmem>>
      %dma_wait3A_525 = tpu.memref_squeeze %dma_wait3A_524 : memref<1x128xi32, #tpu.memory_space<vmem>> -> memref<128xi32, #tpu.memory_space<vmem>>
      %dma_wait3A_526 = arith.constant 0 : i32
      %dma_wait3A_527 = arith.constant 0 : i32
      %dma_wait3A_528 = tpu.memref_slice %arg11[%dma_wait3A_526, %dma_wait3A_527] : memref<8320x128xf32, #tpu.memory_space<vmem_shared>> -> memref<8320x128xf32, #tpu.memory_space<vmem_shared>>
      tpu.wait_indirect_dma semaphore(%run_scoped3A_516 : memref<!tpu.dma_semaphore, #tpu.memory_space<semaphore_mem>>) src(%arg10 : memref<128x128xf32, #tpu.memory_space<vmem>>) dst(%dma_wait3A_528 : memref<8320x128xf32, #tpu.memory_space<vmem_shared>>)
      tpu.yield
    }) : () -> ()
    %dma_start3A_224 = arith.constant 14 : i32
    %dma_start3A_225 = arith.constant 0 : i32
    %dma_start3A_226 = tpu.memref_slice %arg6[%dma_start3A_224, %dma_start3A_225] : memref<32x128xi32, #tpu.memory_space<vmem>> -> memref<1x128xi32, #tpu.memory_space<vmem>>
    %dma_start3A_227 = tpu.memref_squeeze %dma_start3A_226 : memref<1x128xi32, #tpu.memory_space<vmem>> -> memref<128xi32, #tpu.memory_space<vmem>>
    %dma_start3A_228 = arith.constant 0 : i32
    %dma_start3A_229 = arith.constant 0 : i32
    %dma_start3A_230 = tpu.memref_slice %arg2[%dma_start3A_228, %dma_start3A_229] : memref<16384x128xf32, #tpu.memory_space<hbm>> -> memref<16384x128xf32, #tpu.memory_space<hbm>>
    tpu.enqueue_indirect_dma source(%dma_start3A_230 : memref<16384x128xf32, #tpu.memory_space<hbm>>) target(%arg10 : memref<128x128xf32, #tpu.memory_space<vmem>>) offsets(%dma_start3A_227 : memref<128xi32, #tpu.memory_space<vmem>>) semaphore(%arg14 : memref<!tpu.dma_semaphore, #tpu.memory_space<semaphore_mem>>)
    %dma_wait3A_231 = arith.constant 12 : i32
    %dma_wait3A_232 = arith.constant 0 : i32
    %dma_wait3A_233 = tpu.memref_slice %arg6[%dma_wait3A_231, %dma_wait3A_232] : memref<32x128xi32, #tpu.memory_space<vmem>> -> memref<1x128xi32, #tpu.memory_space<vmem>>
    %dma_wait3A_234 = tpu.memref_squeeze %dma_wait3A_233 : memref<1x128xi32, #tpu.memory_space<vmem>> -> memref<128xi32, #tpu.memory_space<vmem>>
    %dma_wait3A_235 = arith.constant 0 : i32
    %dma_wait3A_236 = arith.constant 0 : i32
    %dma_wait3A_237 = tpu.memref_slice %arg2[%dma_wait3A_235, %dma_wait3A_236] : memref<16384x128xf32, #tpu.memory_space<hbm>> -> memref<16384x128xf32, #tpu.memory_space<hbm>>
    tpu.wait_indirect_dma semaphore(%arg12 : memref<!tpu.dma_semaphore, #tpu.memory_space<semaphore_mem>>) src(%dma_wait3A_237 : memref<16384x128xf32, #tpu.memory_space<hbm>>) dst(%arg8 : memref<128x128xf32, #tpu.memory_space<vmem>>)
    %run_scoped3A_238 = arith.constant 12 : i32
    "tpu.region"() ({
      %run_scoped3A_516 = tpu.sem_alloc : memref<!tpu.dma_semaphore, #tpu.memory_space<semaphore_mem>>
      %dma_start3A_517 = arith.constant 0 : i32
      %dma_start3A_518 = tpu.memref_slice %arg7[%run_scoped3A_238, %dma_start3A_517] : memref<32x128xi32, #tpu.memory_space<vmem>> -> memref<1x128xi32, #tpu.memory_space<vmem>>
      %dma_start3A_519 = tpu.memref_squeeze %dma_start3A_518 : memref<1x128xi32, #tpu.memory_space<vmem>> -> memref<128xi32, #tpu.memory_space<vmem>>
      %dma_start3A_520 = arith.constant 0 : i32
      %dma_start3A_521 = arith.constant 0 : i32
      %dma_start3A_522 = tpu.memref_slice %arg11[%dma_start3A_520, %dma_start3A_521] : memref<8320x128xf32, #tpu.memory_space<vmem_shared>> -> memref<8320x128xf32, #tpu.memory_space<vmem_shared>>
      tpu.enqueue_indirect_dma source(%arg8 : memref<128x128xf32, #tpu.memory_space<vmem>>) target(%dma_start3A_522 : memref<8320x128xf32, #tpu.memory_space<vmem_shared>>) offsets(%dma_start3A_519 : memref<128xi32, #tpu.memory_space<vmem>>) semaphore(%run_scoped3A_516 : memref<!tpu.dma_semaphore, #tpu.memory_space<semaphore_mem>>) {add = true}
      %dma_wait3A_523 = arith.constant 0 : i32
      %dma_wait3A_524 = tpu.memref_slice %arg7[%run_scoped3A_238, %dma_wait3A_523] : memref<32x128xi32, #tpu.memory_space<vmem>> -> memref<1x128xi32, #tpu.memory_space<vmem>>
      %dma_wait3A_525 = tpu.memref_squeeze %dma_wait3A_524 : memref<1x128xi32, #tpu.memory_space<vmem>> -> memref<128xi32, #tpu.memory_space<vmem>>
      %dma_wait3A_526 = arith.constant 0 : i32
      %dma_wait3A_527 = arith.constant 0 : i32
      %dma_wait3A_528 = tpu.memref_slice %arg11[%dma_wait3A_526, %dma_wait3A_527] : memref<8320x128xf32, #tpu.memory_space<vmem_shared>> -> memref<8320x128xf32, #tpu.memory_space<vmem_shared>>
      tpu.wait_indirect_dma semaphore(%run_scoped3A_516 : memref<!tpu.dma_semaphore, #tpu.memory_space<semaphore_mem>>) src(%arg8 : memref<128x128xf32, #tpu.memory_space<vmem>>) dst(%dma_wait3A_528 : memref<8320x128xf32, #tpu.memory_space<vmem_shared>>)
      tpu.yield
    }) : () -> ()
    %dma_start3A_239 = arith.constant 15 : i32
    %dma_start3A_240 = arith.constant 0 : i32
    %dma_start3A_241 = tpu.memref_slice %arg6[%dma_start3A_239, %dma_start3A_240] : memref<32x128xi32, #tpu.memory_space<vmem>> -> memref<1x128xi32, #tpu.memory_space<vmem>>
    %dma_start3A_242 = tpu.memref_squeeze %dma_start3A_241 : memref<1x128xi32, #tpu.memory_space<vmem>> -> memref<128xi32, #tpu.memory_space<vmem>>
    %dma_start3A_243 = arith.constant 0 : i32
    %dma_start3A_244 = arith.constant 0 : i32
    %dma_start3A_245 = tpu.memref_slice %arg2[%dma_start3A_243, %dma_start3A_244] : memref<16384x128xf32, #tpu.memory_space<hbm>> -> memref<16384x128xf32, #tpu.memory_space<hbm>>
    tpu.enqueue_indirect_dma source(%dma_start3A_245 : memref<16384x128xf32, #tpu.memory_space<hbm>>) target(%arg8 : memref<128x128xf32, #tpu.memory_space<vmem>>) offsets(%dma_start3A_242 : memref<128xi32, #tpu.memory_space<vmem>>) semaphore(%arg12 : memref<!tpu.dma_semaphore, #tpu.memory_space<semaphore_mem>>)
    %dma_wait3A_246 = arith.constant 13 : i32
    %dma_wait3A_247 = arith.constant 0 : i32
    %dma_wait3A_248 = tpu.memref_slice %arg6[%dma_wait3A_246, %dma_wait3A_247] : memref<32x128xi32, #tpu.memory_space<vmem>> -> memref<1x128xi32, #tpu.memory_space<vmem>>
    %dma_wait3A_249 = tpu.memref_squeeze %dma_wait3A_248 : memref<1x128xi32, #tpu.memory_space<vmem>> -> memref<128xi32, #tpu.memory_space<vmem>>
    %dma_wait3A_250 = arith.constant 0 : i32
    %dma_wait3A_251 = arith.constant 0 : i32
    %dma_wait3A_252 = tpu.memref_slice %arg2[%dma_wait3A_250, %dma_wait3A_251] : memref<16384x128xf32, #tpu.memory_space<hbm>> -> memref<16384x128xf32, #tpu.memory_space<hbm>>
    tpu.wait_indirect_dma semaphore(%arg13 : memref<!tpu.dma_semaphore, #tpu.memory_space<semaphore_mem>>) src(%dma_wait3A_252 : memref<16384x128xf32, #tpu.memory_space<hbm>>) dst(%arg9 : memref<128x128xf32, #tpu.memory_space<vmem>>)
    %run_scoped3A_253 = arith.constant 13 : i32
    "tpu.region"() ({
      %run_scoped3A_516 = tpu.sem_alloc : memref<!tpu.dma_semaphore, #tpu.memory_space<semaphore_mem>>
      %dma_start3A_517 = arith.constant 0 : i32
      %dma_start3A_518 = tpu.memref_slice %arg7[%run_scoped3A_253, %dma_start3A_517] : memref<32x128xi32, #tpu.memory_space<vmem>> -> memref<1x128xi32, #tpu.memory_space<vmem>>
      %dma_start3A_519 = tpu.memref_squeeze %dma_start3A_518 : memref<1x128xi32, #tpu.memory_space<vmem>> -> memref<128xi32, #tpu.memory_space<vmem>>
      %dma_start3A_520 = arith.constant 0 : i32
      %dma_start3A_521 = arith.constant 0 : i32
      %dma_start3A_522 = tpu.memref_slice %arg11[%dma_start3A_520, %dma_start3A_521] : memref<8320x128xf32, #tpu.memory_space<vmem_shared>> -> memref<8320x128xf32, #tpu.memory_space<vmem_shared>>
      tpu.enqueue_indirect_dma source(%arg9 : memref<128x128xf32, #tpu.memory_space<vmem>>) target(%dma_start3A_522 : memref<8320x128xf32, #tpu.memory_space<vmem_shared>>) offsets(%dma_start3A_519 : memref<128xi32, #tpu.memory_space<vmem>>) semaphore(%run_scoped3A_516 : memref<!tpu.dma_semaphore, #tpu.memory_space<semaphore_mem>>) {add = true}
      %dma_wait3A_523 = arith.constant 0 : i32
      %dma_wait3A_524 = tpu.memref_slice %arg7[%run_scoped3A_253, %dma_wait3A_523] : memref<32x128xi32, #tpu.memory_space<vmem>> -> memref<1x128xi32, #tpu.memory_space<vmem>>
      %dma_wait3A_525 = tpu.memref_squeeze %dma_wait3A_524 : memref<1x128xi32, #tpu.memory_space<vmem>> -> memref<128xi32, #tpu.memory_space<vmem>>
      %dma_wait3A_526 = arith.constant 0 : i32
      %dma_wait3A_527 = arith.constant 0 : i32
      %dma_wait3A_528 = tpu.memref_slice %arg11[%dma_wait3A_526, %dma_wait3A_527] : memref<8320x128xf32, #tpu.memory_space<vmem_shared>> -> memref<8320x128xf32, #tpu.memory_space<vmem_shared>>
      tpu.wait_indirect_dma semaphore(%run_scoped3A_516 : memref<!tpu.dma_semaphore, #tpu.memory_space<semaphore_mem>>) src(%arg9 : memref<128x128xf32, #tpu.memory_space<vmem>>) dst(%dma_wait3A_528 : memref<8320x128xf32, #tpu.memory_space<vmem_shared>>)
      tpu.yield
    }) : () -> ()
    %dma_start3A_254 = arith.constant 16 : i32
    %dma_start3A_255 = arith.constant 0 : i32
    %dma_start3A_256 = tpu.memref_slice %arg6[%dma_start3A_254, %dma_start3A_255] : memref<32x128xi32, #tpu.memory_space<vmem>> -> memref<1x128xi32, #tpu.memory_space<vmem>>
    %dma_start3A_257 = tpu.memref_squeeze %dma_start3A_256 : memref<1x128xi32, #tpu.memory_space<vmem>> -> memref<128xi32, #tpu.memory_space<vmem>>
    %dma_start3A_258 = arith.constant 0 : i32
    %dma_start3A_259 = arith.constant 0 : i32
    %dma_start3A_260 = tpu.memref_slice %arg2[%dma_start3A_258, %dma_start3A_259] : memref<16384x128xf32, #tpu.memory_space<hbm>> -> memref<16384x128xf32, #tpu.memory_space<hbm>>
    tpu.enqueue_indirect_dma source(%dma_start3A_260 : memref<16384x128xf32, #tpu.memory_space<hbm>>) target(%arg9 : memref<128x128xf32, #tpu.memory_space<vmem>>) offsets(%dma_start3A_257 : memref<128xi32, #tpu.memory_space<vmem>>) semaphore(%arg13 : memref<!tpu.dma_semaphore, #tpu.memory_space<semaphore_mem>>)
    %dma_wait3A_261 = arith.constant 14 : i32
    %dma_wait3A_262 = arith.constant 0 : i32
    %dma_wait3A_263 = tpu.memref_slice %arg6[%dma_wait3A_261, %dma_wait3A_262] : memref<32x128xi32, #tpu.memory_space<vmem>> -> memref<1x128xi32, #tpu.memory_space<vmem>>
    %dma_wait3A_264 = tpu.memref_squeeze %dma_wait3A_263 : memref<1x128xi32, #tpu.memory_space<vmem>> -> memref<128xi32, #tpu.memory_space<vmem>>
    %dma_wait3A_265 = arith.constant 0 : i32
    %dma_wait3A_266 = arith.constant 0 : i32
    %dma_wait3A_267 = tpu.memref_slice %arg2[%dma_wait3A_265, %dma_wait3A_266] : memref<16384x128xf32, #tpu.memory_space<hbm>> -> memref<16384x128xf32, #tpu.memory_space<hbm>>
    tpu.wait_indirect_dma semaphore(%arg14 : memref<!tpu.dma_semaphore, #tpu.memory_space<semaphore_mem>>) src(%dma_wait3A_267 : memref<16384x128xf32, #tpu.memory_space<hbm>>) dst(%arg10 : memref<128x128xf32, #tpu.memory_space<vmem>>)
    %run_scoped3A_268 = arith.constant 14 : i32
    "tpu.region"() ({
      %run_scoped3A_516 = tpu.sem_alloc : memref<!tpu.dma_semaphore, #tpu.memory_space<semaphore_mem>>
      %dma_start3A_517 = arith.constant 0 : i32
      %dma_start3A_518 = tpu.memref_slice %arg7[%run_scoped3A_268, %dma_start3A_517] : memref<32x128xi32, #tpu.memory_space<vmem>> -> memref<1x128xi32, #tpu.memory_space<vmem>>
      %dma_start3A_519 = tpu.memref_squeeze %dma_start3A_518 : memref<1x128xi32, #tpu.memory_space<vmem>> -> memref<128xi32, #tpu.memory_space<vmem>>
      %dma_start3A_520 = arith.constant 0 : i32
      %dma_start3A_521 = arith.constant 0 : i32
      %dma_start3A_522 = tpu.memref_slice %arg11[%dma_start3A_520, %dma_start3A_521] : memref<8320x128xf32, #tpu.memory_space<vmem_shared>> -> memref<8320x128xf32, #tpu.memory_space<vmem_shared>>
      tpu.enqueue_indirect_dma source(%arg10 : memref<128x128xf32, #tpu.memory_space<vmem>>) target(%dma_start3A_522 : memref<8320x128xf32, #tpu.memory_space<vmem_shared>>) offsets(%dma_start3A_519 : memref<128xi32, #tpu.memory_space<vmem>>) semaphore(%run_scoped3A_516 : memref<!tpu.dma_semaphore, #tpu.memory_space<semaphore_mem>>) {add = true}
      %dma_wait3A_523 = arith.constant 0 : i32
      %dma_wait3A_524 = tpu.memref_slice %arg7[%run_scoped3A_268, %dma_wait3A_523] : memref<32x128xi32, #tpu.memory_space<vmem>> -> memref<1x128xi32, #tpu.memory_space<vmem>>
      %dma_wait3A_525 = tpu.memref_squeeze %dma_wait3A_524 : memref<1x128xi32, #tpu.memory_space<vmem>> -> memref<128xi32, #tpu.memory_space<vmem>>
      %dma_wait3A_526 = arith.constant 0 : i32
      %dma_wait3A_527 = arith.constant 0 : i32
      %dma_wait3A_528 = tpu.memref_slice %arg11[%dma_wait3A_526, %dma_wait3A_527] : memref<8320x128xf32, #tpu.memory_space<vmem_shared>> -> memref<8320x128xf32, #tpu.memory_space<vmem_shared>>
      tpu.wait_indirect_dma semaphore(%run_scoped3A_516 : memref<!tpu.dma_semaphore, #tpu.memory_space<semaphore_mem>>) src(%arg10 : memref<128x128xf32, #tpu.memory_space<vmem>>) dst(%dma_wait3A_528 : memref<8320x128xf32, #tpu.memory_space<vmem_shared>>)
      tpu.yield
    }) : () -> ()
    %dma_start3A_269 = arith.constant 17 : i32
    %dma_start3A_270 = arith.constant 0 : i32
    %dma_start3A_271 = tpu.memref_slice %arg6[%dma_start3A_269, %dma_start3A_270] : memref<32x128xi32, #tpu.memory_space<vmem>> -> memref<1x128xi32, #tpu.memory_space<vmem>>
    %dma_start3A_272 = tpu.memref_squeeze %dma_start3A_271 : memref<1x128xi32, #tpu.memory_space<vmem>> -> memref<128xi32, #tpu.memory_space<vmem>>
    %dma_start3A_273 = arith.constant 0 : i32
    %dma_start3A_274 = arith.constant 0 : i32
    %dma_start3A_275 = tpu.memref_slice %arg2[%dma_start3A_273, %dma_start3A_274] : memref<16384x128xf32, #tpu.memory_space<hbm>> -> memref<16384x128xf32, #tpu.memory_space<hbm>>
    tpu.enqueue_indirect_dma source(%dma_start3A_275 : memref<16384x128xf32, #tpu.memory_space<hbm>>) target(%arg10 : memref<128x128xf32, #tpu.memory_space<vmem>>) offsets(%dma_start3A_272 : memref<128xi32, #tpu.memory_space<vmem>>) semaphore(%arg14 : memref<!tpu.dma_semaphore, #tpu.memory_space<semaphore_mem>>)
    %dma_wait3A_276 = arith.constant 15 : i32
    %dma_wait3A_277 = arith.constant 0 : i32
    %dma_wait3A_278 = tpu.memref_slice %arg6[%dma_wait3A_276, %dma_wait3A_277] : memref<32x128xi32, #tpu.memory_space<vmem>> -> memref<1x128xi32, #tpu.memory_space<vmem>>
    %dma_wait3A_279 = tpu.memref_squeeze %dma_wait3A_278 : memref<1x128xi32, #tpu.memory_space<vmem>> -> memref<128xi32, #tpu.memory_space<vmem>>
    %dma_wait3A_280 = arith.constant 0 : i32
    %dma_wait3A_281 = arith.constant 0 : i32
    %dma_wait3A_282 = tpu.memref_slice %arg2[%dma_wait3A_280, %dma_wait3A_281] : memref<16384x128xf32, #tpu.memory_space<hbm>> -> memref<16384x128xf32, #tpu.memory_space<hbm>>
    tpu.wait_indirect_dma semaphore(%arg12 : memref<!tpu.dma_semaphore, #tpu.memory_space<semaphore_mem>>) src(%dma_wait3A_282 : memref<16384x128xf32, #tpu.memory_space<hbm>>) dst(%arg8 : memref<128x128xf32, #tpu.memory_space<vmem>>)
    %run_scoped3A_283 = arith.constant 15 : i32
    "tpu.region"() ({
      %run_scoped3A_516 = tpu.sem_alloc : memref<!tpu.dma_semaphore, #tpu.memory_space<semaphore_mem>>
      %dma_start3A_517 = arith.constant 0 : i32
      %dma_start3A_518 = tpu.memref_slice %arg7[%run_scoped3A_283, %dma_start3A_517] : memref<32x128xi32, #tpu.memory_space<vmem>> -> memref<1x128xi32, #tpu.memory_space<vmem>>
      %dma_start3A_519 = tpu.memref_squeeze %dma_start3A_518 : memref<1x128xi32, #tpu.memory_space<vmem>> -> memref<128xi32, #tpu.memory_space<vmem>>
      %dma_start3A_520 = arith.constant 0 : i32
      %dma_start3A_521 = arith.constant 0 : i32
      %dma_start3A_522 = tpu.memref_slice %arg11[%dma_start3A_520, %dma_start3A_521] : memref<8320x128xf32, #tpu.memory_space<vmem_shared>> -> memref<8320x128xf32, #tpu.memory_space<vmem_shared>>
      tpu.enqueue_indirect_dma source(%arg8 : memref<128x128xf32, #tpu.memory_space<vmem>>) target(%dma_start3A_522 : memref<8320x128xf32, #tpu.memory_space<vmem_shared>>) offsets(%dma_start3A_519 : memref<128xi32, #tpu.memory_space<vmem>>) semaphore(%run_scoped3A_516 : memref<!tpu.dma_semaphore, #tpu.memory_space<semaphore_mem>>) {add = true}
      %dma_wait3A_523 = arith.constant 0 : i32
      %dma_wait3A_524 = tpu.memref_slice %arg7[%run_scoped3A_283, %dma_wait3A_523] : memref<32x128xi32, #tpu.memory_space<vmem>> -> memref<1x128xi32, #tpu.memory_space<vmem>>
      %dma_wait3A_525 = tpu.memref_squeeze %dma_wait3A_524 : memref<1x128xi32, #tpu.memory_space<vmem>> -> memref<128xi32, #tpu.memory_space<vmem>>
      %dma_wait3A_526 = arith.constant 0 : i32
      %dma_wait3A_527 = arith.constant 0 : i32
      %dma_wait3A_528 = tpu.memref_slice %arg11[%dma_wait3A_526, %dma_wait3A_527] : memref<8320x128xf32, #tpu.memory_space<vmem_shared>> -> memref<8320x128xf32, #tpu.memory_space<vmem_shared>>
      tpu.wait_indirect_dma semaphore(%run_scoped3A_516 : memref<!tpu.dma_semaphore, #tpu.memory_space<semaphore_mem>>) src(%arg8 : memref<128x128xf32, #tpu.memory_space<vmem>>) dst(%dma_wait3A_528 : memref<8320x128xf32, #tpu.memory_space<vmem_shared>>)
      tpu.yield
    }) : () -> ()
    %dma_start3A_284 = arith.constant 18 : i32
    %dma_start3A_285 = arith.constant 0 : i32
    %dma_start3A_286 = tpu.memref_slice %arg6[%dma_start3A_284, %dma_start3A_285] : memref<32x128xi32, #tpu.memory_space<vmem>> -> memref<1x128xi32, #tpu.memory_space<vmem>>
    %dma_start3A_287 = tpu.memref_squeeze %dma_start3A_286 : memref<1x128xi32, #tpu.memory_space<vmem>> -> memref<128xi32, #tpu.memory_space<vmem>>
    %dma_start3A_288 = arith.constant 0 : i32
    %dma_start3A_289 = arith.constant 0 : i32
    %dma_start3A_290 = tpu.memref_slice %arg2[%dma_start3A_288, %dma_start3A_289] : memref<16384x128xf32, #tpu.memory_space<hbm>> -> memref<16384x128xf32, #tpu.memory_space<hbm>>
    tpu.enqueue_indirect_dma source(%dma_start3A_290 : memref<16384x128xf32, #tpu.memory_space<hbm>>) target(%arg8 : memref<128x128xf32, #tpu.memory_space<vmem>>) offsets(%dma_start3A_287 : memref<128xi32, #tpu.memory_space<vmem>>) semaphore(%arg12 : memref<!tpu.dma_semaphore, #tpu.memory_space<semaphore_mem>>)
    %dma_wait3A_291 = arith.constant 16 : i32
    %dma_wait3A_292 = arith.constant 0 : i32
    %dma_wait3A_293 = tpu.memref_slice %arg6[%dma_wait3A_291, %dma_wait3A_292] : memref<32x128xi32, #tpu.memory_space<vmem>> -> memref<1x128xi32, #tpu.memory_space<vmem>>
    %dma_wait3A_294 = tpu.memref_squeeze %dma_wait3A_293 : memref<1x128xi32, #tpu.memory_space<vmem>> -> memref<128xi32, #tpu.memory_space<vmem>>
    %dma_wait3A_295 = arith.constant 0 : i32
    %dma_wait3A_296 = arith.constant 0 : i32
    %dma_wait3A_297 = tpu.memref_slice %arg2[%dma_wait3A_295, %dma_wait3A_296] : memref<16384x128xf32, #tpu.memory_space<hbm>> -> memref<16384x128xf32, #tpu.memory_space<hbm>>
    tpu.wait_indirect_dma semaphore(%arg13 : memref<!tpu.dma_semaphore, #tpu.memory_space<semaphore_mem>>) src(%dma_wait3A_297 : memref<16384x128xf32, #tpu.memory_space<hbm>>) dst(%arg9 : memref<128x128xf32, #tpu.memory_space<vmem>>)
    %run_scoped3A_298 = arith.constant 16 : i32
    "tpu.region"() ({
      %run_scoped3A_516 = tpu.sem_alloc : memref<!tpu.dma_semaphore, #tpu.memory_space<semaphore_mem>>
      %dma_start3A_517 = arith.constant 0 : i32
      %dma_start3A_518 = tpu.memref_slice %arg7[%run_scoped3A_298, %dma_start3A_517] : memref<32x128xi32, #tpu.memory_space<vmem>> -> memref<1x128xi32, #tpu.memory_space<vmem>>
      %dma_start3A_519 = tpu.memref_squeeze %dma_start3A_518 : memref<1x128xi32, #tpu.memory_space<vmem>> -> memref<128xi32, #tpu.memory_space<vmem>>
      %dma_start3A_520 = arith.constant 0 : i32
      %dma_start3A_521 = arith.constant 0 : i32
      %dma_start3A_522 = tpu.memref_slice %arg11[%dma_start3A_520, %dma_start3A_521] : memref<8320x128xf32, #tpu.memory_space<vmem_shared>> -> memref<8320x128xf32, #tpu.memory_space<vmem_shared>>
      tpu.enqueue_indirect_dma source(%arg9 : memref<128x128xf32, #tpu.memory_space<vmem>>) target(%dma_start3A_522 : memref<8320x128xf32, #tpu.memory_space<vmem_shared>>) offsets(%dma_start3A_519 : memref<128xi32, #tpu.memory_space<vmem>>) semaphore(%run_scoped3A_516 : memref<!tpu.dma_semaphore, #tpu.memory_space<semaphore_mem>>) {add = true}
      %dma_wait3A_523 = arith.constant 0 : i32
      %dma_wait3A_524 = tpu.memref_slice %arg7[%run_scoped3A_298, %dma_wait3A_523] : memref<32x128xi32, #tpu.memory_space<vmem>> -> memref<1x128xi32, #tpu.memory_space<vmem>>
      %dma_wait3A_525 = tpu.memref_squeeze %dma_wait3A_524 : memref<1x128xi32, #tpu.memory_space<vmem>> -> memref<128xi32, #tpu.memory_space<vmem>>
      %dma_wait3A_526 = arith.constant 0 : i32
      %dma_wait3A_527 = arith.constant 0 : i32
      %dma_wait3A_528 = tpu.memref_slice %arg11[%dma_wait3A_526, %dma_wait3A_527] : memref<8320x128xf32, #tpu.memory_space<vmem_shared>> -> memref<8320x128xf32, #tpu.memory_space<vmem_shared>>
      tpu.wait_indirect_dma semaphore(%run_scoped3A_516 : memref<!tpu.dma_semaphore, #tpu.memory_space<semaphore_mem>>) src(%arg9 : memref<128x128xf32, #tpu.memory_space<vmem>>) dst(%dma_wait3A_528 : memref<8320x128xf32, #tpu.memory_space<vmem_shared>>)
      tpu.yield
    }) : () -> ()
    %dma_start3A_299 = arith.constant 19 : i32
    %dma_start3A_300 = arith.constant 0 : i32
    %dma_start3A_301 = tpu.memref_slice %arg6[%dma_start3A_299, %dma_start3A_300] : memref<32x128xi32, #tpu.memory_space<vmem>> -> memref<1x128xi32, #tpu.memory_space<vmem>>
    %dma_start3A_302 = tpu.memref_squeeze %dma_start3A_301 : memref<1x128xi32, #tpu.memory_space<vmem>> -> memref<128xi32, #tpu.memory_space<vmem>>
    %dma_start3A_303 = arith.constant 0 : i32
    %dma_start3A_304 = arith.constant 0 : i32
    %dma_start3A_305 = tpu.memref_slice %arg2[%dma_start3A_303, %dma_start3A_304] : memref<16384x128xf32, #tpu.memory_space<hbm>> -> memref<16384x128xf32, #tpu.memory_space<hbm>>
    tpu.enqueue_indirect_dma source(%dma_start3A_305 : memref<16384x128xf32, #tpu.memory_space<hbm>>) target(%arg9 : memref<128x128xf32, #tpu.memory_space<vmem>>) offsets(%dma_start3A_302 : memref<128xi32, #tpu.memory_space<vmem>>) semaphore(%arg13 : memref<!tpu.dma_semaphore, #tpu.memory_space<semaphore_mem>>)
    %dma_wait3A_306 = arith.constant 17 : i32
    %dma_wait3A_307 = arith.constant 0 : i32
    %dma_wait3A_308 = tpu.memref_slice %arg6[%dma_wait3A_306, %dma_wait3A_307] : memref<32x128xi32, #tpu.memory_space<vmem>> -> memref<1x128xi32, #tpu.memory_space<vmem>>
    %dma_wait3A_309 = tpu.memref_squeeze %dma_wait3A_308 : memref<1x128xi32, #tpu.memory_space<vmem>> -> memref<128xi32, #tpu.memory_space<vmem>>
    %dma_wait3A_310 = arith.constant 0 : i32
    %dma_wait3A_311 = arith.constant 0 : i32
    %dma_wait3A_312 = tpu.memref_slice %arg2[%dma_wait3A_310, %dma_wait3A_311] : memref<16384x128xf32, #tpu.memory_space<hbm>> -> memref<16384x128xf32, #tpu.memory_space<hbm>>
    tpu.wait_indirect_dma semaphore(%arg14 : memref<!tpu.dma_semaphore, #tpu.memory_space<semaphore_mem>>) src(%dma_wait3A_312 : memref<16384x128xf32, #tpu.memory_space<hbm>>) dst(%arg10 : memref<128x128xf32, #tpu.memory_space<vmem>>)
    %run_scoped3A_313 = arith.constant 17 : i32
    "tpu.region"() ({
      %run_scoped3A_516 = tpu.sem_alloc : memref<!tpu.dma_semaphore, #tpu.memory_space<semaphore_mem>>
      %dma_start3A_517 = arith.constant 0 : i32
      %dma_start3A_518 = tpu.memref_slice %arg7[%run_scoped3A_313, %dma_start3A_517] : memref<32x128xi32, #tpu.memory_space<vmem>> -> memref<1x128xi32, #tpu.memory_space<vmem>>
      %dma_start3A_519 = tpu.memref_squeeze %dma_start3A_518 : memref<1x128xi32, #tpu.memory_space<vmem>> -> memref<128xi32, #tpu.memory_space<vmem>>
      %dma_start3A_520 = arith.constant 0 : i32
      %dma_start3A_521 = arith.constant 0 : i32
      %dma_start3A_522 = tpu.memref_slice %arg11[%dma_start3A_520, %dma_start3A_521] : memref<8320x128xf32, #tpu.memory_space<vmem_shared>> -> memref<8320x128xf32, #tpu.memory_space<vmem_shared>>
      tpu.enqueue_indirect_dma source(%arg10 : memref<128x128xf32, #tpu.memory_space<vmem>>) target(%dma_start3A_522 : memref<8320x128xf32, #tpu.memory_space<vmem_shared>>) offsets(%dma_start3A_519 : memref<128xi32, #tpu.memory_space<vmem>>) semaphore(%run_scoped3A_516 : memref<!tpu.dma_semaphore, #tpu.memory_space<semaphore_mem>>) {add = true}
      %dma_wait3A_523 = arith.constant 0 : i32
      %dma_wait3A_524 = tpu.memref_slice %arg7[%run_scoped3A_313, %dma_wait3A_523] : memref<32x128xi32, #tpu.memory_space<vmem>> -> memref<1x128xi32, #tpu.memory_space<vmem>>
      %dma_wait3A_525 = tpu.memref_squeeze %dma_wait3A_524 : memref<1x128xi32, #tpu.memory_space<vmem>> -> memref<128xi32, #tpu.memory_space<vmem>>
      %dma_wait3A_526 = arith.constant 0 : i32
      %dma_wait3A_527 = arith.constant 0 : i32
      %dma_wait3A_528 = tpu.memref_slice %arg11[%dma_wait3A_526, %dma_wait3A_527] : memref<8320x128xf32, #tpu.memory_space<vmem_shared>> -> memref<8320x128xf32, #tpu.memory_space<vmem_shared>>
      tpu.wait_indirect_dma semaphore(%run_scoped3A_516 : memref<!tpu.dma_semaphore, #tpu.memory_space<semaphore_mem>>) src(%arg10 : memref<128x128xf32, #tpu.memory_space<vmem>>) dst(%dma_wait3A_528 : memref<8320x128xf32, #tpu.memory_space<vmem_shared>>)
      tpu.yield
    }) : () -> ()
    %dma_start3A_314 = arith.constant 20 : i32
    %dma_start3A_315 = arith.constant 0 : i32
    %dma_start3A_316 = tpu.memref_slice %arg6[%dma_start3A_314, %dma_start3A_315] : memref<32x128xi32, #tpu.memory_space<vmem>> -> memref<1x128xi32, #tpu.memory_space<vmem>>
    %dma_start3A_317 = tpu.memref_squeeze %dma_start3A_316 : memref<1x128xi32, #tpu.memory_space<vmem>> -> memref<128xi32, #tpu.memory_space<vmem>>
    %dma_start3A_318 = arith.constant 0 : i32
    %dma_start3A_319 = arith.constant 0 : i32
    %dma_start3A_320 = tpu.memref_slice %arg2[%dma_start3A_318, %dma_start3A_319] : memref<16384x128xf32, #tpu.memory_space<hbm>> -> memref<16384x128xf32, #tpu.memory_space<hbm>>
    tpu.enqueue_indirect_dma source(%dma_start3A_320 : memref<16384x128xf32, #tpu.memory_space<hbm>>) target(%arg10 : memref<128x128xf32, #tpu.memory_space<vmem>>) offsets(%dma_start3A_317 : memref<128xi32, #tpu.memory_space<vmem>>) semaphore(%arg14 : memref<!tpu.dma_semaphore, #tpu.memory_space<semaphore_mem>>)
    %dma_wait3A_321 = arith.constant 18 : i32
    %dma_wait3A_322 = arith.constant 0 : i32
    %dma_wait3A_323 = tpu.memref_slice %arg6[%dma_wait3A_321, %dma_wait3A_322] : memref<32x128xi32, #tpu.memory_space<vmem>> -> memref<1x128xi32, #tpu.memory_space<vmem>>
    %dma_wait3A_324 = tpu.memref_squeeze %dma_wait3A_323 : memref<1x128xi32, #tpu.memory_space<vmem>> -> memref<128xi32, #tpu.memory_space<vmem>>
    %dma_wait3A_325 = arith.constant 0 : i32
    %dma_wait3A_326 = arith.constant 0 : i32
    %dma_wait3A_327 = tpu.memref_slice %arg2[%dma_wait3A_325, %dma_wait3A_326] : memref<16384x128xf32, #tpu.memory_space<hbm>> -> memref<16384x128xf32, #tpu.memory_space<hbm>>
    tpu.wait_indirect_dma semaphore(%arg12 : memref<!tpu.dma_semaphore, #tpu.memory_space<semaphore_mem>>) src(%dma_wait3A_327 : memref<16384x128xf32, #tpu.memory_space<hbm>>) dst(%arg8 : memref<128x128xf32, #tpu.memory_space<vmem>>)
    %run_scoped3A_328 = arith.constant 18 : i32
    "tpu.region"() ({
      %run_scoped3A_516 = tpu.sem_alloc : memref<!tpu.dma_semaphore, #tpu.memory_space<semaphore_mem>>
      %dma_start3A_517 = arith.constant 0 : i32
      %dma_start3A_518 = tpu.memref_slice %arg7[%run_scoped3A_328, %dma_start3A_517] : memref<32x128xi32, #tpu.memory_space<vmem>> -> memref<1x128xi32, #tpu.memory_space<vmem>>
      %dma_start3A_519 = tpu.memref_squeeze %dma_start3A_518 : memref<1x128xi32, #tpu.memory_space<vmem>> -> memref<128xi32, #tpu.memory_space<vmem>>
      %dma_start3A_520 = arith.constant 0 : i32
      %dma_start3A_521 = arith.constant 0 : i32
      %dma_start3A_522 = tpu.memref_slice %arg11[%dma_start3A_520, %dma_start3A_521] : memref<8320x128xf32, #tpu.memory_space<vmem_shared>> -> memref<8320x128xf32, #tpu.memory_space<vmem_shared>>
      tpu.enqueue_indirect_dma source(%arg8 : memref<128x128xf32, #tpu.memory_space<vmem>>) target(%dma_start3A_522 : memref<8320x128xf32, #tpu.memory_space<vmem_shared>>) offsets(%dma_start3A_519 : memref<128xi32, #tpu.memory_space<vmem>>) semaphore(%run_scoped3A_516 : memref<!tpu.dma_semaphore, #tpu.memory_space<semaphore_mem>>) {add = true}
      %dma_wait3A_523 = arith.constant 0 : i32
      %dma_wait3A_524 = tpu.memref_slice %arg7[%run_scoped3A_328, %dma_wait3A_523] : memref<32x128xi32, #tpu.memory_space<vmem>> -> memref<1x128xi32, #tpu.memory_space<vmem>>
      %dma_wait3A_525 = tpu.memref_squeeze %dma_wait3A_524 : memref<1x128xi32, #tpu.memory_space<vmem>> -> memref<128xi32, #tpu.memory_space<vmem>>
      %dma_wait3A_526 = arith.constant 0 : i32
      %dma_wait3A_527 = arith.constant 0 : i32
      %dma_wait3A_528 = tpu.memref_slice %arg11[%dma_wait3A_526, %dma_wait3A_527] : memref<8320x128xf32, #tpu.memory_space<vmem_shared>> -> memref<8320x128xf32, #tpu.memory_space<vmem_shared>>
      tpu.wait_indirect_dma semaphore(%run_scoped3A_516 : memref<!tpu.dma_semaphore, #tpu.memory_space<semaphore_mem>>) src(%arg8 : memref<128x128xf32, #tpu.memory_space<vmem>>) dst(%dma_wait3A_528 : memref<8320x128xf32, #tpu.memory_space<vmem_shared>>)
      tpu.yield
    }) : () -> ()
    %dma_start3A_329 = arith.constant 21 : i32
    %dma_start3A_330 = arith.constant 0 : i32
    %dma_start3A_331 = tpu.memref_slice %arg6[%dma_start3A_329, %dma_start3A_330] : memref<32x128xi32, #tpu.memory_space<vmem>> -> memref<1x128xi32, #tpu.memory_space<vmem>>
    %dma_start3A_332 = tpu.memref_squeeze %dma_start3A_331 : memref<1x128xi32, #tpu.memory_space<vmem>> -> memref<128xi32, #tpu.memory_space<vmem>>
    %dma_start3A_333 = arith.constant 0 : i32
    %dma_start3A_334 = arith.constant 0 : i32
    %dma_start3A_335 = tpu.memref_slice %arg2[%dma_start3A_333, %dma_start3A_334] : memref<16384x128xf32, #tpu.memory_space<hbm>> -> memref<16384x128xf32, #tpu.memory_space<hbm>>
    tpu.enqueue_indirect_dma source(%dma_start3A_335 : memref<16384x128xf32, #tpu.memory_space<hbm>>) target(%arg8 : memref<128x128xf32, #tpu.memory_space<vmem>>) offsets(%dma_start3A_332 : memref<128xi32, #tpu.memory_space<vmem>>) semaphore(%arg12 : memref<!tpu.dma_semaphore, #tpu.memory_space<semaphore_mem>>)
    %dma_wait3A_336 = arith.constant 19 : i32
    %dma_wait3A_337 = arith.constant 0 : i32
    %dma_wait3A_338 = tpu.memref_slice %arg6[%dma_wait3A_336, %dma_wait3A_337] : memref<32x128xi32, #tpu.memory_space<vmem>> -> memref<1x128xi32, #tpu.memory_space<vmem>>
    %dma_wait3A_339 = tpu.memref_squeeze %dma_wait3A_338 : memref<1x128xi32, #tpu.memory_space<vmem>> -> memref<128xi32, #tpu.memory_space<vmem>>
    %dma_wait3A_340 = arith.constant 0 : i32
    %dma_wait3A_341 = arith.constant 0 : i32
    %dma_wait3A_342 = tpu.memref_slice %arg2[%dma_wait3A_340, %dma_wait3A_341] : memref<16384x128xf32, #tpu.memory_space<hbm>> -> memref<16384x128xf32, #tpu.memory_space<hbm>>
    tpu.wait_indirect_dma semaphore(%arg13 : memref<!tpu.dma_semaphore, #tpu.memory_space<semaphore_mem>>) src(%dma_wait3A_342 : memref<16384x128xf32, #tpu.memory_space<hbm>>) dst(%arg9 : memref<128x128xf32, #tpu.memory_space<vmem>>)
    %run_scoped3A_343 = arith.constant 19 : i32
    "tpu.region"() ({
      %run_scoped3A_516 = tpu.sem_alloc : memref<!tpu.dma_semaphore, #tpu.memory_space<semaphore_mem>>
      %dma_start3A_517 = arith.constant 0 : i32
      %dma_start3A_518 = tpu.memref_slice %arg7[%run_scoped3A_343, %dma_start3A_517] : memref<32x128xi32, #tpu.memory_space<vmem>> -> memref<1x128xi32, #tpu.memory_space<vmem>>
      %dma_start3A_519 = tpu.memref_squeeze %dma_start3A_518 : memref<1x128xi32, #tpu.memory_space<vmem>> -> memref<128xi32, #tpu.memory_space<vmem>>
      %dma_start3A_520 = arith.constant 0 : i32
      %dma_start3A_521 = arith.constant 0 : i32
      %dma_start3A_522 = tpu.memref_slice %arg11[%dma_start3A_520, %dma_start3A_521] : memref<8320x128xf32, #tpu.memory_space<vmem_shared>> -> memref<8320x128xf32, #tpu.memory_space<vmem_shared>>
      tpu.enqueue_indirect_dma source(%arg9 : memref<128x128xf32, #tpu.memory_space<vmem>>) target(%dma_start3A_522 : memref<8320x128xf32, #tpu.memory_space<vmem_shared>>) offsets(%dma_start3A_519 : memref<128xi32, #tpu.memory_space<vmem>>) semaphore(%run_scoped3A_516 : memref<!tpu.dma_semaphore, #tpu.memory_space<semaphore_mem>>) {add = true}
      %dma_wait3A_523 = arith.constant 0 : i32
      %dma_wait3A_524 = tpu.memref_slice %arg7[%run_scoped3A_343, %dma_wait3A_523] : memref<32x128xi32, #tpu.memory_space<vmem>> -> memref<1x128xi32, #tpu.memory_space<vmem>>
      %dma_wait3A_525 = tpu.memref_squeeze %dma_wait3A_524 : memref<1x128xi32, #tpu.memory_space<vmem>> -> memref<128xi32, #tpu.memory_space<vmem>>
      %dma_wait3A_526 = arith.constant 0 : i32
      %dma_wait3A_527 = arith.constant 0 : i32
      %dma_wait3A_528 = tpu.memref_slice %arg11[%dma_wait3A_526, %dma_wait3A_527] : memref<8320x128xf32, #tpu.memory_space<vmem_shared>> -> memref<8320x128xf32, #tpu.memory_space<vmem_shared>>
      tpu.wait_indirect_dma semaphore(%run_scoped3A_516 : memref<!tpu.dma_semaphore, #tpu.memory_space<semaphore_mem>>) src(%arg9 : memref<128x128xf32, #tpu.memory_space<vmem>>) dst(%dma_wait3A_528 : memref<8320x128xf32, #tpu.memory_space<vmem_shared>>)
      tpu.yield
    }) : () -> ()
    %dma_start3A_344 = arith.constant 22 : i32
    %dma_start3A_345 = arith.constant 0 : i32
    %dma_start3A_346 = tpu.memref_slice %arg6[%dma_start3A_344, %dma_start3A_345] : memref<32x128xi32, #tpu.memory_space<vmem>> -> memref<1x128xi32, #tpu.memory_space<vmem>>
    %dma_start3A_347 = tpu.memref_squeeze %dma_start3A_346 : memref<1x128xi32, #tpu.memory_space<vmem>> -> memref<128xi32, #tpu.memory_space<vmem>>
    %dma_start3A_348 = arith.constant 0 : i32
    %dma_start3A_349 = arith.constant 0 : i32
    %dma_start3A_350 = tpu.memref_slice %arg2[%dma_start3A_348, %dma_start3A_349] : memref<16384x128xf32, #tpu.memory_space<hbm>> -> memref<16384x128xf32, #tpu.memory_space<hbm>>
    tpu.enqueue_indirect_dma source(%dma_start3A_350 : memref<16384x128xf32, #tpu.memory_space<hbm>>) target(%arg9 : memref<128x128xf32, #tpu.memory_space<vmem>>) offsets(%dma_start3A_347 : memref<128xi32, #tpu.memory_space<vmem>>) semaphore(%arg13 : memref<!tpu.dma_semaphore, #tpu.memory_space<semaphore_mem>>)
    %dma_wait3A_351 = arith.constant 20 : i32
    %dma_wait3A_352 = arith.constant 0 : i32
    %dma_wait3A_353 = tpu.memref_slice %arg6[%dma_wait3A_351, %dma_wait3A_352] : memref<32x128xi32, #tpu.memory_space<vmem>> -> memref<1x128xi32, #tpu.memory_space<vmem>>
    %dma_wait3A_354 = tpu.memref_squeeze %dma_wait3A_353 : memref<1x128xi32, #tpu.memory_space<vmem>> -> memref<128xi32, #tpu.memory_space<vmem>>
    %dma_wait3A_355 = arith.constant 0 : i32
    %dma_wait3A_356 = arith.constant 0 : i32
    %dma_wait3A_357 = tpu.memref_slice %arg2[%dma_wait3A_355, %dma_wait3A_356] : memref<16384x128xf32, #tpu.memory_space<hbm>> -> memref<16384x128xf32, #tpu.memory_space<hbm>>
    tpu.wait_indirect_dma semaphore(%arg14 : memref<!tpu.dma_semaphore, #tpu.memory_space<semaphore_mem>>) src(%dma_wait3A_357 : memref<16384x128xf32, #tpu.memory_space<hbm>>) dst(%arg10 : memref<128x128xf32, #tpu.memory_space<vmem>>)
    %run_scoped3A_358 = arith.constant 20 : i32
    "tpu.region"() ({
      %run_scoped3A_516 = tpu.sem_alloc : memref<!tpu.dma_semaphore, #tpu.memory_space<semaphore_mem>>
      %dma_start3A_517 = arith.constant 0 : i32
      %dma_start3A_518 = tpu.memref_slice %arg7[%run_scoped3A_358, %dma_start3A_517] : memref<32x128xi32, #tpu.memory_space<vmem>> -> memref<1x128xi32, #tpu.memory_space<vmem>>
      %dma_start3A_519 = tpu.memref_squeeze %dma_start3A_518 : memref<1x128xi32, #tpu.memory_space<vmem>> -> memref<128xi32, #tpu.memory_space<vmem>>
      %dma_start3A_520 = arith.constant 0 : i32
      %dma_start3A_521 = arith.constant 0 : i32
      %dma_start3A_522 = tpu.memref_slice %arg11[%dma_start3A_520, %dma_start3A_521] : memref<8320x128xf32, #tpu.memory_space<vmem_shared>> -> memref<8320x128xf32, #tpu.memory_space<vmem_shared>>
      tpu.enqueue_indirect_dma source(%arg10 : memref<128x128xf32, #tpu.memory_space<vmem>>) target(%dma_start3A_522 : memref<8320x128xf32, #tpu.memory_space<vmem_shared>>) offsets(%dma_start3A_519 : memref<128xi32, #tpu.memory_space<vmem>>) semaphore(%run_scoped3A_516 : memref<!tpu.dma_semaphore, #tpu.memory_space<semaphore_mem>>) {add = true}
      %dma_wait3A_523 = arith.constant 0 : i32
      %dma_wait3A_524 = tpu.memref_slice %arg7[%run_scoped3A_358, %dma_wait3A_523] : memref<32x128xi32, #tpu.memory_space<vmem>> -> memref<1x128xi32, #tpu.memory_space<vmem>>
      %dma_wait3A_525 = tpu.memref_squeeze %dma_wait3A_524 : memref<1x128xi32, #tpu.memory_space<vmem>> -> memref<128xi32, #tpu.memory_space<vmem>>
      %dma_wait3A_526 = arith.constant 0 : i32
      %dma_wait3A_527 = arith.constant 0 : i32
      %dma_wait3A_528 = tpu.memref_slice %arg11[%dma_wait3A_526, %dma_wait3A_527] : memref<8320x128xf32, #tpu.memory_space<vmem_shared>> -> memref<8320x128xf32, #tpu.memory_space<vmem_shared>>
      tpu.wait_indirect_dma semaphore(%run_scoped3A_516 : memref<!tpu.dma_semaphore, #tpu.memory_space<semaphore_mem>>) src(%arg10 : memref<128x128xf32, #tpu.memory_space<vmem>>) dst(%dma_wait3A_528 : memref<8320x128xf32, #tpu.memory_space<vmem_shared>>)
      tpu.yield
    }) : () -> ()
    %dma_start3A_359 = arith.constant 23 : i32
    %dma_start3A_360 = arith.constant 0 : i32
    %dma_start3A_361 = tpu.memref_slice %arg6[%dma_start3A_359, %dma_start3A_360] : memref<32x128xi32, #tpu.memory_space<vmem>> -> memref<1x128xi32, #tpu.memory_space<vmem>>
    %dma_start3A_362 = tpu.memref_squeeze %dma_start3A_361 : memref<1x128xi32, #tpu.memory_space<vmem>> -> memref<128xi32, #tpu.memory_space<vmem>>
    %dma_start3A_363 = arith.constant 0 : i32
    %dma_start3A_364 = arith.constant 0 : i32
    %dma_start3A_365 = tpu.memref_slice %arg2[%dma_start3A_363, %dma_start3A_364] : memref<16384x128xf32, #tpu.memory_space<hbm>> -> memref<16384x128xf32, #tpu.memory_space<hbm>>
    tpu.enqueue_indirect_dma source(%dma_start3A_365 : memref<16384x128xf32, #tpu.memory_space<hbm>>) target(%arg10 : memref<128x128xf32, #tpu.memory_space<vmem>>) offsets(%dma_start3A_362 : memref<128xi32, #tpu.memory_space<vmem>>) semaphore(%arg14 : memref<!tpu.dma_semaphore, #tpu.memory_space<semaphore_mem>>)
    %dma_wait3A_366 = arith.constant 21 : i32
    %dma_wait3A_367 = arith.constant 0 : i32
    %dma_wait3A_368 = tpu.memref_slice %arg6[%dma_wait3A_366, %dma_wait3A_367] : memref<32x128xi32, #tpu.memory_space<vmem>> -> memref<1x128xi32, #tpu.memory_space<vmem>>
    %dma_wait3A_369 = tpu.memref_squeeze %dma_wait3A_368 : memref<1x128xi32, #tpu.memory_space<vmem>> -> memref<128xi32, #tpu.memory_space<vmem>>
    %dma_wait3A_370 = arith.constant 0 : i32
    %dma_wait3A_371 = arith.constant 0 : i32
    %dma_wait3A_372 = tpu.memref_slice %arg2[%dma_wait3A_370, %dma_wait3A_371] : memref<16384x128xf32, #tpu.memory_space<hbm>> -> memref<16384x128xf32, #tpu.memory_space<hbm>>
    tpu.wait_indirect_dma semaphore(%arg12 : memref<!tpu.dma_semaphore, #tpu.memory_space<semaphore_mem>>) src(%dma_wait3A_372 : memref<16384x128xf32, #tpu.memory_space<hbm>>) dst(%arg8 : memref<128x128xf32, #tpu.memory_space<vmem>>)
    %run_scoped3A_373 = arith.constant 21 : i32
    "tpu.region"() ({
      %run_scoped3A_516 = tpu.sem_alloc : memref<!tpu.dma_semaphore, #tpu.memory_space<semaphore_mem>>
      %dma_start3A_517 = arith.constant 0 : i32
      %dma_start3A_518 = tpu.memref_slice %arg7[%run_scoped3A_373, %dma_start3A_517] : memref<32x128xi32, #tpu.memory_space<vmem>> -> memref<1x128xi32, #tpu.memory_space<vmem>>
      %dma_start3A_519 = tpu.memref_squeeze %dma_start3A_518 : memref<1x128xi32, #tpu.memory_space<vmem>> -> memref<128xi32, #tpu.memory_space<vmem>>
      %dma_start3A_520 = arith.constant 0 : i32
      %dma_start3A_521 = arith.constant 0 : i32
      %dma_start3A_522 = tpu.memref_slice %arg11[%dma_start3A_520, %dma_start3A_521] : memref<8320x128xf32, #tpu.memory_space<vmem_shared>> -> memref<8320x128xf32, #tpu.memory_space<vmem_shared>>
      tpu.enqueue_indirect_dma source(%arg8 : memref<128x128xf32, #tpu.memory_space<vmem>>) target(%dma_start3A_522 : memref<8320x128xf32, #tpu.memory_space<vmem_shared>>) offsets(%dma_start3A_519 : memref<128xi32, #tpu.memory_space<vmem>>) semaphore(%run_scoped3A_516 : memref<!tpu.dma_semaphore, #tpu.memory_space<semaphore_mem>>) {add = true}
      %dma_wait3A_523 = arith.constant 0 : i32
      %dma_wait3A_524 = tpu.memref_slice %arg7[%run_scoped3A_373, %dma_wait3A_523] : memref<32x128xi32, #tpu.memory_space<vmem>> -> memref<1x128xi32, #tpu.memory_space<vmem>>
      %dma_wait3A_525 = tpu.memref_squeeze %dma_wait3A_524 : memref<1x128xi32, #tpu.memory_space<vmem>> -> memref<128xi32, #tpu.memory_space<vmem>>
      %dma_wait3A_526 = arith.constant 0 : i32
      %dma_wait3A_527 = arith.constant 0 : i32
      %dma_wait3A_528 = tpu.memref_slice %arg11[%dma_wait3A_526, %dma_wait3A_527] : memref<8320x128xf32, #tpu.memory_space<vmem_shared>> -> memref<8320x128xf32, #tpu.memory_space<vmem_shared>>
      tpu.wait_indirect_dma semaphore(%run_scoped3A_516 : memref<!tpu.dma_semaphore, #tpu.memory_space<semaphore_mem>>) src(%arg8 : memref<128x128xf32, #tpu.memory_space<vmem>>) dst(%dma_wait3A_528 : memref<8320x128xf32, #tpu.memory_space<vmem_shared>>)
      tpu.yield
    }) : () -> ()
    %dma_start3A_374 = arith.constant 24 : i32
    %dma_start3A_375 = arith.constant 0 : i32
    %dma_start3A_376 = tpu.memref_slice %arg6[%dma_start3A_374, %dma_start3A_375] : memref<32x128xi32, #tpu.memory_space<vmem>> -> memref<1x128xi32, #tpu.memory_space<vmem>>
    %dma_start3A_377 = tpu.memref_squeeze %dma_start3A_376 : memref<1x128xi32, #tpu.memory_space<vmem>> -> memref<128xi32, #tpu.memory_space<vmem>>
    %dma_start3A_378 = arith.constant 0 : i32
    %dma_start3A_379 = arith.constant 0 : i32
    %dma_start3A_380 = tpu.memref_slice %arg2[%dma_start3A_378, %dma_start3A_379] : memref<16384x128xf32, #tpu.memory_space<hbm>> -> memref<16384x128xf32, #tpu.memory_space<hbm>>
    tpu.enqueue_indirect_dma source(%dma_start3A_380 : memref<16384x128xf32, #tpu.memory_space<hbm>>) target(%arg8 : memref<128x128xf32, #tpu.memory_space<vmem>>) offsets(%dma_start3A_377 : memref<128xi32, #tpu.memory_space<vmem>>) semaphore(%arg12 : memref<!tpu.dma_semaphore, #tpu.memory_space<semaphore_mem>>)
    %dma_wait3A_381 = arith.constant 22 : i32
    %dma_wait3A_382 = arith.constant 0 : i32
    %dma_wait3A_383 = tpu.memref_slice %arg6[%dma_wait3A_381, %dma_wait3A_382] : memref<32x128xi32, #tpu.memory_space<vmem>> -> memref<1x128xi32, #tpu.memory_space<vmem>>
    %dma_wait3A_384 = tpu.memref_squeeze %dma_wait3A_383 : memref<1x128xi32, #tpu.memory_space<vmem>> -> memref<128xi32, #tpu.memory_space<vmem>>
    %dma_wait3A_385 = arith.constant 0 : i32
    %dma_wait3A_386 = arith.constant 0 : i32
    %dma_wait3A_387 = tpu.memref_slice %arg2[%dma_wait3A_385, %dma_wait3A_386] : memref<16384x128xf32, #tpu.memory_space<hbm>> -> memref<16384x128xf32, #tpu.memory_space<hbm>>
    tpu.wait_indirect_dma semaphore(%arg13 : memref<!tpu.dma_semaphore, #tpu.memory_space<semaphore_mem>>) src(%dma_wait3A_387 : memref<16384x128xf32, #tpu.memory_space<hbm>>) dst(%arg9 : memref<128x128xf32, #tpu.memory_space<vmem>>)
    %run_scoped3A_388 = arith.constant 22 : i32
    "tpu.region"() ({
      %run_scoped3A_516 = tpu.sem_alloc : memref<!tpu.dma_semaphore, #tpu.memory_space<semaphore_mem>>
      %dma_start3A_517 = arith.constant 0 : i32
      %dma_start3A_518 = tpu.memref_slice %arg7[%run_scoped3A_388, %dma_start3A_517] : memref<32x128xi32, #tpu.memory_space<vmem>> -> memref<1x128xi32, #tpu.memory_space<vmem>>
      %dma_start3A_519 = tpu.memref_squeeze %dma_start3A_518 : memref<1x128xi32, #tpu.memory_space<vmem>> -> memref<128xi32, #tpu.memory_space<vmem>>
      %dma_start3A_520 = arith.constant 0 : i32
      %dma_start3A_521 = arith.constant 0 : i32
      %dma_start3A_522 = tpu.memref_slice %arg11[%dma_start3A_520, %dma_start3A_521] : memref<8320x128xf32, #tpu.memory_space<vmem_shared>> -> memref<8320x128xf32, #tpu.memory_space<vmem_shared>>
      tpu.enqueue_indirect_dma source(%arg9 : memref<128x128xf32, #tpu.memory_space<vmem>>) target(%dma_start3A_522 : memref<8320x128xf32, #tpu.memory_space<vmem_shared>>) offsets(%dma_start3A_519 : memref<128xi32, #tpu.memory_space<vmem>>) semaphore(%run_scoped3A_516 : memref<!tpu.dma_semaphore, #tpu.memory_space<semaphore_mem>>) {add = true}
      %dma_wait3A_523 = arith.constant 0 : i32
      %dma_wait3A_524 = tpu.memref_slice %arg7[%run_scoped3A_388, %dma_wait3A_523] : memref<32x128xi32, #tpu.memory_space<vmem>> -> memref<1x128xi32, #tpu.memory_space<vmem>>
      %dma_wait3A_525 = tpu.memref_squeeze %dma_wait3A_524 : memref<1x128xi32, #tpu.memory_space<vmem>> -> memref<128xi32, #tpu.memory_space<vmem>>
      %dma_wait3A_526 = arith.constant 0 : i32
      %dma_wait3A_527 = arith.constant 0 : i32
      %dma_wait3A_528 = tpu.memref_slice %arg11[%dma_wait3A_526, %dma_wait3A_527] : memref<8320x128xf32, #tpu.memory_space<vmem_shared>> -> memref<8320x128xf32, #tpu.memory_space<vmem_shared>>
      tpu.wait_indirect_dma semaphore(%run_scoped3A_516 : memref<!tpu.dma_semaphore, #tpu.memory_space<semaphore_mem>>) src(%arg9 : memref<128x128xf32, #tpu.memory_space<vmem>>) dst(%dma_wait3A_528 : memref<8320x128xf32, #tpu.memory_space<vmem_shared>>)
      tpu.yield
    }) : () -> ()
    %dma_start3A_389 = arith.constant 25 : i32
    %dma_start3A_390 = arith.constant 0 : i32
    %dma_start3A_391 = tpu.memref_slice %arg6[%dma_start3A_389, %dma_start3A_390] : memref<32x128xi32, #tpu.memory_space<vmem>> -> memref<1x128xi32, #tpu.memory_space<vmem>>
    %dma_start3A_392 = tpu.memref_squeeze %dma_start3A_391 : memref<1x128xi32, #tpu.memory_space<vmem>> -> memref<128xi32, #tpu.memory_space<vmem>>
    %dma_start3A_393 = arith.constant 0 : i32
    %dma_start3A_394 = arith.constant 0 : i32
    %dma_start3A_395 = tpu.memref_slice %arg2[%dma_start3A_393, %dma_start3A_394] : memref<16384x128xf32, #tpu.memory_space<hbm>> -> memref<16384x128xf32, #tpu.memory_space<hbm>>
    tpu.enqueue_indirect_dma source(%dma_start3A_395 : memref<16384x128xf32, #tpu.memory_space<hbm>>) target(%arg9 : memref<128x128xf32, #tpu.memory_space<vmem>>) offsets(%dma_start3A_392 : memref<128xi32, #tpu.memory_space<vmem>>) semaphore(%arg13 : memref<!tpu.dma_semaphore, #tpu.memory_space<semaphore_mem>>)
    %dma_wait3A_396 = arith.constant 23 : i32
    %dma_wait3A_397 = arith.constant 0 : i32
    %dma_wait3A_398 = tpu.memref_slice %arg6[%dma_wait3A_396, %dma_wait3A_397] : memref<32x128xi32, #tpu.memory_space<vmem>> -> memref<1x128xi32, #tpu.memory_space<vmem>>
    %dma_wait3A_399 = tpu.memref_squeeze %dma_wait3A_398 : memref<1x128xi32, #tpu.memory_space<vmem>> -> memref<128xi32, #tpu.memory_space<vmem>>
    %dma_wait3A_400 = arith.constant 0 : i32
    %dma_wait3A_401 = arith.constant 0 : i32
    %dma_wait3A_402 = tpu.memref_slice %arg2[%dma_wait3A_400, %dma_wait3A_401] : memref<16384x128xf32, #tpu.memory_space<hbm>> -> memref<16384x128xf32, #tpu.memory_space<hbm>>
    tpu.wait_indirect_dma semaphore(%arg14 : memref<!tpu.dma_semaphore, #tpu.memory_space<semaphore_mem>>) src(%dma_wait3A_402 : memref<16384x128xf32, #tpu.memory_space<hbm>>) dst(%arg10 : memref<128x128xf32, #tpu.memory_space<vmem>>)
    %run_scoped3A_403 = arith.constant 23 : i32
    "tpu.region"() ({
      %run_scoped3A_516 = tpu.sem_alloc : memref<!tpu.dma_semaphore, #tpu.memory_space<semaphore_mem>>
      %dma_start3A_517 = arith.constant 0 : i32
      %dma_start3A_518 = tpu.memref_slice %arg7[%run_scoped3A_403, %dma_start3A_517] : memref<32x128xi32, #tpu.memory_space<vmem>> -> memref<1x128xi32, #tpu.memory_space<vmem>>
      %dma_start3A_519 = tpu.memref_squeeze %dma_start3A_518 : memref<1x128xi32, #tpu.memory_space<vmem>> -> memref<128xi32, #tpu.memory_space<vmem>>
      %dma_start3A_520 = arith.constant 0 : i32
      %dma_start3A_521 = arith.constant 0 : i32
      %dma_start3A_522 = tpu.memref_slice %arg11[%dma_start3A_520, %dma_start3A_521] : memref<8320x128xf32, #tpu.memory_space<vmem_shared>> -> memref<8320x128xf32, #tpu.memory_space<vmem_shared>>
      tpu.enqueue_indirect_dma source(%arg10 : memref<128x128xf32, #tpu.memory_space<vmem>>) target(%dma_start3A_522 : memref<8320x128xf32, #tpu.memory_space<vmem_shared>>) offsets(%dma_start3A_519 : memref<128xi32, #tpu.memory_space<vmem>>) semaphore(%run_scoped3A_516 : memref<!tpu.dma_semaphore, #tpu.memory_space<semaphore_mem>>) {add = true}
      %dma_wait3A_523 = arith.constant 0 : i32
      %dma_wait3A_524 = tpu.memref_slice %arg7[%run_scoped3A_403, %dma_wait3A_523] : memref<32x128xi32, #tpu.memory_space<vmem>> -> memref<1x128xi32, #tpu.memory_space<vmem>>
      %dma_wait3A_525 = tpu.memref_squeeze %dma_wait3A_524 : memref<1x128xi32, #tpu.memory_space<vmem>> -> memref<128xi32, #tpu.memory_space<vmem>>
      %dma_wait3A_526 = arith.constant 0 : i32
      %dma_wait3A_527 = arith.constant 0 : i32
      %dma_wait3A_528 = tpu.memref_slice %arg11[%dma_wait3A_526, %dma_wait3A_527] : memref<8320x128xf32, #tpu.memory_space<vmem_shared>> -> memref<8320x128xf32, #tpu.memory_space<vmem_shared>>
      tpu.wait_indirect_dma semaphore(%run_scoped3A_516 : memref<!tpu.dma_semaphore, #tpu.memory_space<semaphore_mem>>) src(%arg10 : memref<128x128xf32, #tpu.memory_space<vmem>>) dst(%dma_wait3A_528 : memref<8320x128xf32, #tpu.memory_space<vmem_shared>>)
      tpu.yield
    }) : () -> ()
    %dma_start3A_404 = arith.constant 26 : i32
    %dma_start3A_405 = arith.constant 0 : i32
    %dma_start3A_406 = tpu.memref_slice %arg6[%dma_start3A_404, %dma_start3A_405] : memref<32x128xi32, #tpu.memory_space<vmem>> -> memref<1x128xi32, #tpu.memory_space<vmem>>
    %dma_start3A_407 = tpu.memref_squeeze %dma_start3A_406 : memref<1x128xi32, #tpu.memory_space<vmem>> -> memref<128xi32, #tpu.memory_space<vmem>>
    %dma_start3A_408 = arith.constant 0 : i32
    %dma_start3A_409 = arith.constant 0 : i32
    %dma_start3A_410 = tpu.memref_slice %arg2[%dma_start3A_408, %dma_start3A_409] : memref<16384x128xf32, #tpu.memory_space<hbm>> -> memref<16384x128xf32, #tpu.memory_space<hbm>>
    tpu.enqueue_indirect_dma source(%dma_start3A_410 : memref<16384x128xf32, #tpu.memory_space<hbm>>) target(%arg10 : memref<128x128xf32, #tpu.memory_space<vmem>>) offsets(%dma_start3A_407 : memref<128xi32, #tpu.memory_space<vmem>>) semaphore(%arg14 : memref<!tpu.dma_semaphore, #tpu.memory_space<semaphore_mem>>)
    %dma_wait3A_411 = arith.constant 24 : i32
    %dma_wait3A_412 = arith.constant 0 : i32
    %dma_wait3A_413 = tpu.memref_slice %arg6[%dma_wait3A_411, %dma_wait3A_412] : memref<32x128xi32, #tpu.memory_space<vmem>> -> memref<1x128xi32, #tpu.memory_space<vmem>>
    %dma_wait3A_414 = tpu.memref_squeeze %dma_wait3A_413 : memref<1x128xi32, #tpu.memory_space<vmem>> -> memref<128xi32, #tpu.memory_space<vmem>>
    %dma_wait3A_415 = arith.constant 0 : i32
    %dma_wait3A_416 = arith.constant 0 : i32
    %dma_wait3A_417 = tpu.memref_slice %arg2[%dma_wait3A_415, %dma_wait3A_416] : memref<16384x128xf32, #tpu.memory_space<hbm>> -> memref<16384x128xf32, #tpu.memory_space<hbm>>
    tpu.wait_indirect_dma semaphore(%arg12 : memref<!tpu.dma_semaphore, #tpu.memory_space<semaphore_mem>>) src(%dma_wait3A_417 : memref<16384x128xf32, #tpu.memory_space<hbm>>) dst(%arg8 : memref<128x128xf32, #tpu.memory_space<vmem>>)
    %run_scoped3A_418 = arith.constant 24 : i32
    "tpu.region"() ({
      %run_scoped3A_516 = tpu.sem_alloc : memref<!tpu.dma_semaphore, #tpu.memory_space<semaphore_mem>>
      %dma_start3A_517 = arith.constant 0 : i32
      %dma_start3A_518 = tpu.memref_slice %arg7[%run_scoped3A_418, %dma_start3A_517] : memref<32x128xi32, #tpu.memory_space<vmem>> -> memref<1x128xi32, #tpu.memory_space<vmem>>
      %dma_start3A_519 = tpu.memref_squeeze %dma_start3A_518 : memref<1x128xi32, #tpu.memory_space<vmem>> -> memref<128xi32, #tpu.memory_space<vmem>>
      %dma_start3A_520 = arith.constant 0 : i32
      %dma_start3A_521 = arith.constant 0 : i32
      %dma_start3A_522 = tpu.memref_slice %arg11[%dma_start3A_520, %dma_start3A_521] : memref<8320x128xf32, #tpu.memory_space<vmem_shared>> -> memref<8320x128xf32, #tpu.memory_space<vmem_shared>>
      tpu.enqueue_indirect_dma source(%arg8 : memref<128x128xf32, #tpu.memory_space<vmem>>) target(%dma_start3A_522 : memref<8320x128xf32, #tpu.memory_space<vmem_shared>>) offsets(%dma_start3A_519 : memref<128xi32, #tpu.memory_space<vmem>>) semaphore(%run_scoped3A_516 : memref<!tpu.dma_semaphore, #tpu.memory_space<semaphore_mem>>) {add = true}
      %dma_wait3A_523 = arith.constant 0 : i32
      %dma_wait3A_524 = tpu.memref_slice %arg7[%run_scoped3A_418, %dma_wait3A_523] : memref<32x128xi32, #tpu.memory_space<vmem>> -> memref<1x128xi32, #tpu.memory_space<vmem>>
      %dma_wait3A_525 = tpu.memref_squeeze %dma_wait3A_524 : memref<1x128xi32, #tpu.memory_space<vmem>> -> memref<128xi32, #tpu.memory_space<vmem>>
      %dma_wait3A_526 = arith.constant 0 : i32
      %dma_wait3A_527 = arith.constant 0 : i32
      %dma_wait3A_528 = tpu.memref_slice %arg11[%dma_wait3A_526, %dma_wait3A_527] : memref<8320x128xf32, #tpu.memory_space<vmem_shared>> -> memref<8320x128xf32, #tpu.memory_space<vmem_shared>>
      tpu.wait_indirect_dma semaphore(%run_scoped3A_516 : memref<!tpu.dma_semaphore, #tpu.memory_space<semaphore_mem>>) src(%arg8 : memref<128x128xf32, #tpu.memory_space<vmem>>) dst(%dma_wait3A_528 : memref<8320x128xf32, #tpu.memory_space<vmem_shared>>)
      tpu.yield
    }) : () -> ()
    %dma_start3A_419 = arith.constant 27 : i32
    %dma_start3A_420 = arith.constant 0 : i32
    %dma_start3A_421 = tpu.memref_slice %arg6[%dma_start3A_419, %dma_start3A_420] : memref<32x128xi32, #tpu.memory_space<vmem>> -> memref<1x128xi32, #tpu.memory_space<vmem>>
    %dma_start3A_422 = tpu.memref_squeeze %dma_start3A_421 : memref<1x128xi32, #tpu.memory_space<vmem>> -> memref<128xi32, #tpu.memory_space<vmem>>
    %dma_start3A_423 = arith.constant 0 : i32
    %dma_start3A_424 = arith.constant 0 : i32
    %dma_start3A_425 = tpu.memref_slice %arg2[%dma_start3A_423, %dma_start3A_424] : memref<16384x128xf32, #tpu.memory_space<hbm>> -> memref<16384x128xf32, #tpu.memory_space<hbm>>
    tpu.enqueue_indirect_dma source(%dma_start3A_425 : memref<16384x128xf32, #tpu.memory_space<hbm>>) target(%arg8 : memref<128x128xf32, #tpu.memory_space<vmem>>) offsets(%dma_start3A_422 : memref<128xi32, #tpu.memory_space<vmem>>) semaphore(%arg12 : memref<!tpu.dma_semaphore, #tpu.memory_space<semaphore_mem>>)
    %dma_wait3A_426 = arith.constant 25 : i32
    %dma_wait3A_427 = arith.constant 0 : i32
    %dma_wait3A_428 = tpu.memref_slice %arg6[%dma_wait3A_426, %dma_wait3A_427] : memref<32x128xi32, #tpu.memory_space<vmem>> -> memref<1x128xi32, #tpu.memory_space<vmem>>
    %dma_wait3A_429 = tpu.memref_squeeze %dma_wait3A_428 : memref<1x128xi32, #tpu.memory_space<vmem>> -> memref<128xi32, #tpu.memory_space<vmem>>
    %dma_wait3A_430 = arith.constant 0 : i32
    %dma_wait3A_431 = arith.constant 0 : i32
    %dma_wait3A_432 = tpu.memref_slice %arg2[%dma_wait3A_430, %dma_wait3A_431] : memref<16384x128xf32, #tpu.memory_space<hbm>> -> memref<16384x128xf32, #tpu.memory_space<hbm>>
    tpu.wait_indirect_dma semaphore(%arg13 : memref<!tpu.dma_semaphore, #tpu.memory_space<semaphore_mem>>) src(%dma_wait3A_432 : memref<16384x128xf32, #tpu.memory_space<hbm>>) dst(%arg9 : memref<128x128xf32, #tpu.memory_space<vmem>>)
    %run_scoped3A_433 = arith.constant 25 : i32
    "tpu.region"() ({
      %run_scoped3A_516 = tpu.sem_alloc : memref<!tpu.dma_semaphore, #tpu.memory_space<semaphore_mem>>
      %dma_start3A_517 = arith.constant 0 : i32
      %dma_start3A_518 = tpu.memref_slice %arg7[%run_scoped3A_433, %dma_start3A_517] : memref<32x128xi32, #tpu.memory_space<vmem>> -> memref<1x128xi32, #tpu.memory_space<vmem>>
      %dma_start3A_519 = tpu.memref_squeeze %dma_start3A_518 : memref<1x128xi32, #tpu.memory_space<vmem>> -> memref<128xi32, #tpu.memory_space<vmem>>
      %dma_start3A_520 = arith.constant 0 : i32
      %dma_start3A_521 = arith.constant 0 : i32
      %dma_start3A_522 = tpu.memref_slice %arg11[%dma_start3A_520, %dma_start3A_521] : memref<8320x128xf32, #tpu.memory_space<vmem_shared>> -> memref<8320x128xf32, #tpu.memory_space<vmem_shared>>
      tpu.enqueue_indirect_dma source(%arg9 : memref<128x128xf32, #tpu.memory_space<vmem>>) target(%dma_start3A_522 : memref<8320x128xf32, #tpu.memory_space<vmem_shared>>) offsets(%dma_start3A_519 : memref<128xi32, #tpu.memory_space<vmem>>) semaphore(%run_scoped3A_516 : memref<!tpu.dma_semaphore, #tpu.memory_space<semaphore_mem>>) {add = true}
      %dma_wait3A_523 = arith.constant 0 : i32
      %dma_wait3A_524 = tpu.memref_slice %arg7[%run_scoped3A_433, %dma_wait3A_523] : memref<32x128xi32, #tpu.memory_space<vmem>> -> memref<1x128xi32, #tpu.memory_space<vmem>>
      %dma_wait3A_525 = tpu.memref_squeeze %dma_wait3A_524 : memref<1x128xi32, #tpu.memory_space<vmem>> -> memref<128xi32, #tpu.memory_space<vmem>>
      %dma_wait3A_526 = arith.constant 0 : i32
      %dma_wait3A_527 = arith.constant 0 : i32
      %dma_wait3A_528 = tpu.memref_slice %arg11[%dma_wait3A_526, %dma_wait3A_527] : memref<8320x128xf32, #tpu.memory_space<vmem_shared>> -> memref<8320x128xf32, #tpu.memory_space<vmem_shared>>
      tpu.wait_indirect_dma semaphore(%run_scoped3A_516 : memref<!tpu.dma_semaphore, #tpu.memory_space<semaphore_mem>>) src(%arg9 : memref<128x128xf32, #tpu.memory_space<vmem>>) dst(%dma_wait3A_528 : memref<8320x128xf32, #tpu.memory_space<vmem_shared>>)
      tpu.yield
    }) : () -> ()
    %dma_start3A_434 = arith.constant 28 : i32
    %dma_start3A_435 = arith.constant 0 : i32
    %dma_start3A_436 = tpu.memref_slice %arg6[%dma_start3A_434, %dma_start3A_435] : memref<32x128xi32, #tpu.memory_space<vmem>> -> memref<1x128xi32, #tpu.memory_space<vmem>>
    %dma_start3A_437 = tpu.memref_squeeze %dma_start3A_436 : memref<1x128xi32, #tpu.memory_space<vmem>> -> memref<128xi32, #tpu.memory_space<vmem>>
    %dma_start3A_438 = arith.constant 0 : i32
    %dma_start3A_439 = arith.constant 0 : i32
    %dma_start3A_440 = tpu.memref_slice %arg2[%dma_start3A_438, %dma_start3A_439] : memref<16384x128xf32, #tpu.memory_space<hbm>> -> memref<16384x128xf32, #tpu.memory_space<hbm>>
    tpu.enqueue_indirect_dma source(%dma_start3A_440 : memref<16384x128xf32, #tpu.memory_space<hbm>>) target(%arg9 : memref<128x128xf32, #tpu.memory_space<vmem>>) offsets(%dma_start3A_437 : memref<128xi32, #tpu.memory_space<vmem>>) semaphore(%arg13 : memref<!tpu.dma_semaphore, #tpu.memory_space<semaphore_mem>>)
    %dma_wait3A_441 = arith.constant 26 : i32
    %dma_wait3A_442 = arith.constant 0 : i32
    %dma_wait3A_443 = tpu.memref_slice %arg6[%dma_wait3A_441, %dma_wait3A_442] : memref<32x128xi32, #tpu.memory_space<vmem>> -> memref<1x128xi32, #tpu.memory_space<vmem>>
    %dma_wait3A_444 = tpu.memref_squeeze %dma_wait3A_443 : memref<1x128xi32, #tpu.memory_space<vmem>> -> memref<128xi32, #tpu.memory_space<vmem>>
    %dma_wait3A_445 = arith.constant 0 : i32
    %dma_wait3A_446 = arith.constant 0 : i32
    %dma_wait3A_447 = tpu.memref_slice %arg2[%dma_wait3A_445, %dma_wait3A_446] : memref<16384x128xf32, #tpu.memory_space<hbm>> -> memref<16384x128xf32, #tpu.memory_space<hbm>>
    tpu.wait_indirect_dma semaphore(%arg14 : memref<!tpu.dma_semaphore, #tpu.memory_space<semaphore_mem>>) src(%dma_wait3A_447 : memref<16384x128xf32, #tpu.memory_space<hbm>>) dst(%arg10 : memref<128x128xf32, #tpu.memory_space<vmem>>)
    %run_scoped3A_448 = arith.constant 26 : i32
    "tpu.region"() ({
      %run_scoped3A_516 = tpu.sem_alloc : memref<!tpu.dma_semaphore, #tpu.memory_space<semaphore_mem>>
      %dma_start3A_517 = arith.constant 0 : i32
      %dma_start3A_518 = tpu.memref_slice %arg7[%run_scoped3A_448, %dma_start3A_517] : memref<32x128xi32, #tpu.memory_space<vmem>> -> memref<1x128xi32, #tpu.memory_space<vmem>>
      %dma_start3A_519 = tpu.memref_squeeze %dma_start3A_518 : memref<1x128xi32, #tpu.memory_space<vmem>> -> memref<128xi32, #tpu.memory_space<vmem>>
      %dma_start3A_520 = arith.constant 0 : i32
      %dma_start3A_521 = arith.constant 0 : i32
      %dma_start3A_522 = tpu.memref_slice %arg11[%dma_start3A_520, %dma_start3A_521] : memref<8320x128xf32, #tpu.memory_space<vmem_shared>> -> memref<8320x128xf32, #tpu.memory_space<vmem_shared>>
      tpu.enqueue_indirect_dma source(%arg10 : memref<128x128xf32, #tpu.memory_space<vmem>>) target(%dma_start3A_522 : memref<8320x128xf32, #tpu.memory_space<vmem_shared>>) offsets(%dma_start3A_519 : memref<128xi32, #tpu.memory_space<vmem>>) semaphore(%run_scoped3A_516 : memref<!tpu.dma_semaphore, #tpu.memory_space<semaphore_mem>>) {add = true}
      %dma_wait3A_523 = arith.constant 0 : i32
      %dma_wait3A_524 = tpu.memref_slice %arg7[%run_scoped3A_448, %dma_wait3A_523] : memref<32x128xi32, #tpu.memory_space<vmem>> -> memref<1x128xi32, #tpu.memory_space<vmem>>
      %dma_wait3A_525 = tpu.memref_squeeze %dma_wait3A_524 : memref<1x128xi32, #tpu.memory_space<vmem>> -> memref<128xi32, #tpu.memory_space<vmem>>
      %dma_wait3A_526 = arith.constant 0 : i32
      %dma_wait3A_527 = arith.constant 0 : i32
      %dma_wait3A_528 = tpu.memref_slice %arg11[%dma_wait3A_526, %dma_wait3A_527] : memref<8320x128xf32, #tpu.memory_space<vmem_shared>> -> memref<8320x128xf32, #tpu.memory_space<vmem_shared>>
      tpu.wait_indirect_dma semaphore(%run_scoped3A_516 : memref<!tpu.dma_semaphore, #tpu.memory_space<semaphore_mem>>) src(%arg10 : memref<128x128xf32, #tpu.memory_space<vmem>>) dst(%dma_wait3A_528 : memref<8320x128xf32, #tpu.memory_space<vmem_shared>>)
      tpu.yield
    }) : () -> ()
    %dma_start3A_449 = arith.constant 29 : i32
    %dma_start3A_450 = arith.constant 0 : i32
    %dma_start3A_451 = tpu.memref_slice %arg6[%dma_start3A_449, %dma_start3A_450] : memref<32x128xi32, #tpu.memory_space<vmem>> -> memref<1x128xi32, #tpu.memory_space<vmem>>
    %dma_start3A_452 = tpu.memref_squeeze %dma_start3A_451 : memref<1x128xi32, #tpu.memory_space<vmem>> -> memref<128xi32, #tpu.memory_space<vmem>>
    %dma_start3A_453 = arith.constant 0 : i32
    %dma_start3A_454 = arith.constant 0 : i32
    %dma_start3A_455 = tpu.memref_slice %arg2[%dma_start3A_453, %dma_start3A_454] : memref<16384x128xf32, #tpu.memory_space<hbm>> -> memref<16384x128xf32, #tpu.memory_space<hbm>>
    tpu.enqueue_indirect_dma source(%dma_start3A_455 : memref<16384x128xf32, #tpu.memory_space<hbm>>) target(%arg10 : memref<128x128xf32, #tpu.memory_space<vmem>>) offsets(%dma_start3A_452 : memref<128xi32, #tpu.memory_space<vmem>>) semaphore(%arg14 : memref<!tpu.dma_semaphore, #tpu.memory_space<semaphore_mem>>)
    %dma_wait3A_456 = arith.constant 27 : i32
    %dma_wait3A_457 = arith.constant 0 : i32
    %dma_wait3A_458 = tpu.memref_slice %arg6[%dma_wait3A_456, %dma_wait3A_457] : memref<32x128xi32, #tpu.memory_space<vmem>> -> memref<1x128xi32, #tpu.memory_space<vmem>>
    %dma_wait3A_459 = tpu.memref_squeeze %dma_wait3A_458 : memref<1x128xi32, #tpu.memory_space<vmem>> -> memref<128xi32, #tpu.memory_space<vmem>>
    %dma_wait3A_460 = arith.constant 0 : i32
    %dma_wait3A_461 = arith.constant 0 : i32
    %dma_wait3A_462 = tpu.memref_slice %arg2[%dma_wait3A_460, %dma_wait3A_461] : memref<16384x128xf32, #tpu.memory_space<hbm>> -> memref<16384x128xf32, #tpu.memory_space<hbm>>
    tpu.wait_indirect_dma semaphore(%arg12 : memref<!tpu.dma_semaphore, #tpu.memory_space<semaphore_mem>>) src(%dma_wait3A_462 : memref<16384x128xf32, #tpu.memory_space<hbm>>) dst(%arg8 : memref<128x128xf32, #tpu.memory_space<vmem>>)
    %run_scoped3A_463 = arith.constant 27 : i32
    "tpu.region"() ({
      %run_scoped3A_516 = tpu.sem_alloc : memref<!tpu.dma_semaphore, #tpu.memory_space<semaphore_mem>>
      %dma_start3A_517 = arith.constant 0 : i32
      %dma_start3A_518 = tpu.memref_slice %arg7[%run_scoped3A_463, %dma_start3A_517] : memref<32x128xi32, #tpu.memory_space<vmem>> -> memref<1x128xi32, #tpu.memory_space<vmem>>
      %dma_start3A_519 = tpu.memref_squeeze %dma_start3A_518 : memref<1x128xi32, #tpu.memory_space<vmem>> -> memref<128xi32, #tpu.memory_space<vmem>>
      %dma_start3A_520 = arith.constant 0 : i32
      %dma_start3A_521 = arith.constant 0 : i32
      %dma_start3A_522 = tpu.memref_slice %arg11[%dma_start3A_520, %dma_start3A_521] : memref<8320x128xf32, #tpu.memory_space<vmem_shared>> -> memref<8320x128xf32, #tpu.memory_space<vmem_shared>>
      tpu.enqueue_indirect_dma source(%arg8 : memref<128x128xf32, #tpu.memory_space<vmem>>) target(%dma_start3A_522 : memref<8320x128xf32, #tpu.memory_space<vmem_shared>>) offsets(%dma_start3A_519 : memref<128xi32, #tpu.memory_space<vmem>>) semaphore(%run_scoped3A_516 : memref<!tpu.dma_semaphore, #tpu.memory_space<semaphore_mem>>) {add = true}
      %dma_wait3A_523 = arith.constant 0 : i32
      %dma_wait3A_524 = tpu.memref_slice %arg7[%run_scoped3A_463, %dma_wait3A_523] : memref<32x128xi32, #tpu.memory_space<vmem>> -> memref<1x128xi32, #tpu.memory_space<vmem>>
      %dma_wait3A_525 = tpu.memref_squeeze %dma_wait3A_524 : memref<1x128xi32, #tpu.memory_space<vmem>> -> memref<128xi32, #tpu.memory_space<vmem>>
      %dma_wait3A_526 = arith.constant 0 : i32
      %dma_wait3A_527 = arith.constant 0 : i32
      %dma_wait3A_528 = tpu.memref_slice %arg11[%dma_wait3A_526, %dma_wait3A_527] : memref<8320x128xf32, #tpu.memory_space<vmem_shared>> -> memref<8320x128xf32, #tpu.memory_space<vmem_shared>>
      tpu.wait_indirect_dma semaphore(%run_scoped3A_516 : memref<!tpu.dma_semaphore, #tpu.memory_space<semaphore_mem>>) src(%arg8 : memref<128x128xf32, #tpu.memory_space<vmem>>) dst(%dma_wait3A_528 : memref<8320x128xf32, #tpu.memory_space<vmem_shared>>)
      tpu.yield
    }) : () -> ()
    %dma_start3A_464 = arith.constant 30 : i32
    %dma_start3A_465 = arith.constant 0 : i32
    %dma_start3A_466 = tpu.memref_slice %arg6[%dma_start3A_464, %dma_start3A_465] : memref<32x128xi32, #tpu.memory_space<vmem>> -> memref<1x128xi32, #tpu.memory_space<vmem>>
    %dma_start3A_467 = tpu.memref_squeeze %dma_start3A_466 : memref<1x128xi32, #tpu.memory_space<vmem>> -> memref<128xi32, #tpu.memory_space<vmem>>
    %dma_start3A_468 = arith.constant 0 : i32
    %dma_start3A_469 = arith.constant 0 : i32
    %dma_start3A_470 = tpu.memref_slice %arg2[%dma_start3A_468, %dma_start3A_469] : memref<16384x128xf32, #tpu.memory_space<hbm>> -> memref<16384x128xf32, #tpu.memory_space<hbm>>
    tpu.enqueue_indirect_dma source(%dma_start3A_470 : memref<16384x128xf32, #tpu.memory_space<hbm>>) target(%arg8 : memref<128x128xf32, #tpu.memory_space<vmem>>) offsets(%dma_start3A_467 : memref<128xi32, #tpu.memory_space<vmem>>) semaphore(%arg12 : memref<!tpu.dma_semaphore, #tpu.memory_space<semaphore_mem>>)
    %dma_wait3A_471 = arith.constant 28 : i32
    %dma_wait3A_472 = arith.constant 0 : i32
    %dma_wait3A_473 = tpu.memref_slice %arg6[%dma_wait3A_471, %dma_wait3A_472] : memref<32x128xi32, #tpu.memory_space<vmem>> -> memref<1x128xi32, #tpu.memory_space<vmem>>
    %dma_wait3A_474 = tpu.memref_squeeze %dma_wait3A_473 : memref<1x128xi32, #tpu.memory_space<vmem>> -> memref<128xi32, #tpu.memory_space<vmem>>
    %dma_wait3A_475 = arith.constant 0 : i32
    %dma_wait3A_476 = arith.constant 0 : i32
    %dma_wait3A_477 = tpu.memref_slice %arg2[%dma_wait3A_475, %dma_wait3A_476] : memref<16384x128xf32, #tpu.memory_space<hbm>> -> memref<16384x128xf32, #tpu.memory_space<hbm>>
    tpu.wait_indirect_dma semaphore(%arg13 : memref<!tpu.dma_semaphore, #tpu.memory_space<semaphore_mem>>) src(%dma_wait3A_477 : memref<16384x128xf32, #tpu.memory_space<hbm>>) dst(%arg9 : memref<128x128xf32, #tpu.memory_space<vmem>>)
    %run_scoped3A_478 = arith.constant 28 : i32
    "tpu.region"() ({
      %run_scoped3A_516 = tpu.sem_alloc : memref<!tpu.dma_semaphore, #tpu.memory_space<semaphore_mem>>
      %dma_start3A_517 = arith.constant 0 : i32
      %dma_start3A_518 = tpu.memref_slice %arg7[%run_scoped3A_478, %dma_start3A_517] : memref<32x128xi32, #tpu.memory_space<vmem>> -> memref<1x128xi32, #tpu.memory_space<vmem>>
      %dma_start3A_519 = tpu.memref_squeeze %dma_start3A_518 : memref<1x128xi32, #tpu.memory_space<vmem>> -> memref<128xi32, #tpu.memory_space<vmem>>
      %dma_start3A_520 = arith.constant 0 : i32
      %dma_start3A_521 = arith.constant 0 : i32
      %dma_start3A_522 = tpu.memref_slice %arg11[%dma_start3A_520, %dma_start3A_521] : memref<8320x128xf32, #tpu.memory_space<vmem_shared>> -> memref<8320x128xf32, #tpu.memory_space<vmem_shared>>
      tpu.enqueue_indirect_dma source(%arg9 : memref<128x128xf32, #tpu.memory_space<vmem>>) target(%dma_start3A_522 : memref<8320x128xf32, #tpu.memory_space<vmem_shared>>) offsets(%dma_start3A_519 : memref<128xi32, #tpu.memory_space<vmem>>) semaphore(%run_scoped3A_516 : memref<!tpu.dma_semaphore, #tpu.memory_space<semaphore_mem>>) {add = true}
      %dma_wait3A_523 = arith.constant 0 : i32
      %dma_wait3A_524 = tpu.memref_slice %arg7[%run_scoped3A_478, %dma_wait3A_523] : memref<32x128xi32, #tpu.memory_space<vmem>> -> memref<1x128xi32, #tpu.memory_space<vmem>>
      %dma_wait3A_525 = tpu.memref_squeeze %dma_wait3A_524 : memref<1x128xi32, #tpu.memory_space<vmem>> -> memref<128xi32, #tpu.memory_space<vmem>>
      %dma_wait3A_526 = arith.constant 0 : i32
      %dma_wait3A_527 = arith.constant 0 : i32
      %dma_wait3A_528 = tpu.memref_slice %arg11[%dma_wait3A_526, %dma_wait3A_527] : memref<8320x128xf32, #tpu.memory_space<vmem_shared>> -> memref<8320x128xf32, #tpu.memory_space<vmem_shared>>
      tpu.wait_indirect_dma semaphore(%run_scoped3A_516 : memref<!tpu.dma_semaphore, #tpu.memory_space<semaphore_mem>>) src(%arg9 : memref<128x128xf32, #tpu.memory_space<vmem>>) dst(%dma_wait3A_528 : memref<8320x128xf32, #tpu.memory_space<vmem_shared>>)
      tpu.yield
    }) : () -> ()
    %dma_start3A_479 = arith.constant 31 : i32
    %dma_start3A_480 = arith.constant 0 : i32
    %dma_start3A_481 = tpu.memref_slice %arg6[%dma_start3A_479, %dma_start3A_480] : memref<32x128xi32, #tpu.memory_space<vmem>> -> memref<1x128xi32, #tpu.memory_space<vmem>>
    %dma_start3A_482 = tpu.memref_squeeze %dma_start3A_481 : memref<1x128xi32, #tpu.memory_space<vmem>> -> memref<128xi32, #tpu.memory_space<vmem>>
    %dma_start3A_483 = arith.constant 0 : i32
    %dma_start3A_484 = arith.constant 0 : i32
    %dma_start3A_485 = tpu.memref_slice %arg2[%dma_start3A_483, %dma_start3A_484] : memref<16384x128xf32, #tpu.memory_space<hbm>> -> memref<16384x128xf32, #tpu.memory_space<hbm>>
    tpu.enqueue_indirect_dma source(%dma_start3A_485 : memref<16384x128xf32, #tpu.memory_space<hbm>>) target(%arg9 : memref<128x128xf32, #tpu.memory_space<vmem>>) offsets(%dma_start3A_482 : memref<128xi32, #tpu.memory_space<vmem>>) semaphore(%arg13 : memref<!tpu.dma_semaphore, #tpu.memory_space<semaphore_mem>>)
    %dma_wait3A_486 = arith.constant 29 : i32
    %dma_wait3A_487 = arith.constant 0 : i32
    %dma_wait3A_488 = tpu.memref_slice %arg6[%dma_wait3A_486, %dma_wait3A_487] : memref<32x128xi32, #tpu.memory_space<vmem>> -> memref<1x128xi32, #tpu.memory_space<vmem>>
    %dma_wait3A_489 = tpu.memref_squeeze %dma_wait3A_488 : memref<1x128xi32, #tpu.memory_space<vmem>> -> memref<128xi32, #tpu.memory_space<vmem>>
    %dma_wait3A_490 = arith.constant 0 : i32
    %dma_wait3A_491 = arith.constant 0 : i32
    %dma_wait3A_492 = tpu.memref_slice %arg2[%dma_wait3A_490, %dma_wait3A_491] : memref<16384x128xf32, #tpu.memory_space<hbm>> -> memref<16384x128xf32, #tpu.memory_space<hbm>>
    tpu.wait_indirect_dma semaphore(%arg14 : memref<!tpu.dma_semaphore, #tpu.memory_space<semaphore_mem>>) src(%dma_wait3A_492 : memref<16384x128xf32, #tpu.memory_space<hbm>>) dst(%arg10 : memref<128x128xf32, #tpu.memory_space<vmem>>)
    %run_scoped3A_493 = arith.constant 29 : i32
    "tpu.region"() ({
      %run_scoped3A_516 = tpu.sem_alloc : memref<!tpu.dma_semaphore, #tpu.memory_space<semaphore_mem>>
      %dma_start3A_517 = arith.constant 0 : i32
      %dma_start3A_518 = tpu.memref_slice %arg7[%run_scoped3A_493, %dma_start3A_517] : memref<32x128xi32, #tpu.memory_space<vmem>> -> memref<1x128xi32, #tpu.memory_space<vmem>>
      %dma_start3A_519 = tpu.memref_squeeze %dma_start3A_518 : memref<1x128xi32, #tpu.memory_space<vmem>> -> memref<128xi32, #tpu.memory_space<vmem>>
      %dma_start3A_520 = arith.constant 0 : i32
      %dma_start3A_521 = arith.constant 0 : i32
      %dma_start3A_522 = tpu.memref_slice %arg11[%dma_start3A_520, %dma_start3A_521] : memref<8320x128xf32, #tpu.memory_space<vmem_shared>> -> memref<8320x128xf32, #tpu.memory_space<vmem_shared>>
      tpu.enqueue_indirect_dma source(%arg10 : memref<128x128xf32, #tpu.memory_space<vmem>>) target(%dma_start3A_522 : memref<8320x128xf32, #tpu.memory_space<vmem_shared>>) offsets(%dma_start3A_519 : memref<128xi32, #tpu.memory_space<vmem>>) semaphore(%run_scoped3A_516 : memref<!tpu.dma_semaphore, #tpu.memory_space<semaphore_mem>>) {add = true}
      %dma_wait3A_523 = arith.constant 0 : i32
      %dma_wait3A_524 = tpu.memref_slice %arg7[%run_scoped3A_493, %dma_wait3A_523] : memref<32x128xi32, #tpu.memory_space<vmem>> -> memref<1x128xi32, #tpu.memory_space<vmem>>
      %dma_wait3A_525 = tpu.memref_squeeze %dma_wait3A_524 : memref<1x128xi32, #tpu.memory_space<vmem>> -> memref<128xi32, #tpu.memory_space<vmem>>
      %dma_wait3A_526 = arith.constant 0 : i32
      %dma_wait3A_527 = arith.constant 0 : i32
      %dma_wait3A_528 = tpu.memref_slice %arg11[%dma_wait3A_526, %dma_wait3A_527] : memref<8320x128xf32, #tpu.memory_space<vmem_shared>> -> memref<8320x128xf32, #tpu.memory_space<vmem_shared>>
      tpu.wait_indirect_dma semaphore(%run_scoped3A_516 : memref<!tpu.dma_semaphore, #tpu.memory_space<semaphore_mem>>) src(%arg10 : memref<128x128xf32, #tpu.memory_space<vmem>>) dst(%dma_wait3A_528 : memref<8320x128xf32, #tpu.memory_space<vmem_shared>>)
      tpu.yield
    }) : () -> ()
    %dma_wait3A_494 = arith.constant 30 : i32
    %dma_wait3A_495 = arith.constant 0 : i32
    %dma_wait3A_496 = tpu.memref_slice %arg6[%dma_wait3A_494, %dma_wait3A_495] : memref<32x128xi32, #tpu.memory_space<vmem>> -> memref<1x128xi32, #tpu.memory_space<vmem>>
    %dma_wait3A_497 = tpu.memref_squeeze %dma_wait3A_496 : memref<1x128xi32, #tpu.memory_space<vmem>> -> memref<128xi32, #tpu.memory_space<vmem>>
    %dma_wait3A_498 = arith.constant 0 : i32
    %dma_wait3A_499 = arith.constant 0 : i32
    %dma_wait3A_500 = tpu.memref_slice %arg2[%dma_wait3A_498, %dma_wait3A_499] : memref<16384x128xf32, #tpu.memory_space<hbm>> -> memref<16384x128xf32, #tpu.memory_space<hbm>>
    tpu.wait_indirect_dma semaphore(%arg12 : memref<!tpu.dma_semaphore, #tpu.memory_space<semaphore_mem>>) src(%dma_wait3A_500 : memref<16384x128xf32, #tpu.memory_space<hbm>>) dst(%arg8 : memref<128x128xf32, #tpu.memory_space<vmem>>)
    %run_scoped3A_501 = arith.constant 30 : i32
    "tpu.region"() ({
      %run_scoped3A_516 = tpu.sem_alloc : memref<!tpu.dma_semaphore, #tpu.memory_space<semaphore_mem>>
      %dma_start3A_517 = arith.constant 0 : i32
      %dma_start3A_518 = tpu.memref_slice %arg7[%run_scoped3A_501, %dma_start3A_517] : memref<32x128xi32, #tpu.memory_space<vmem>> -> memref<1x128xi32, #tpu.memory_space<vmem>>
      %dma_start3A_519 = tpu.memref_squeeze %dma_start3A_518 : memref<1x128xi32, #tpu.memory_space<vmem>> -> memref<128xi32, #tpu.memory_space<vmem>>
      %dma_start3A_520 = arith.constant 0 : i32
      %dma_start3A_521 = arith.constant 0 : i32
      %dma_start3A_522 = tpu.memref_slice %arg11[%dma_start3A_520, %dma_start3A_521] : memref<8320x128xf32, #tpu.memory_space<vmem_shared>> -> memref<8320x128xf32, #tpu.memory_space<vmem_shared>>
      tpu.enqueue_indirect_dma source(%arg8 : memref<128x128xf32, #tpu.memory_space<vmem>>) target(%dma_start3A_522 : memref<8320x128xf32, #tpu.memory_space<vmem_shared>>) offsets(%dma_start3A_519 : memref<128xi32, #tpu.memory_space<vmem>>) semaphore(%run_scoped3A_516 : memref<!tpu.dma_semaphore, #tpu.memory_space<semaphore_mem>>) {add = true}
      %dma_wait3A_523 = arith.constant 0 : i32
      %dma_wait3A_524 = tpu.memref_slice %arg7[%run_scoped3A_501, %dma_wait3A_523] : memref<32x128xi32, #tpu.memory_space<vmem>> -> memref<1x128xi32, #tpu.memory_space<vmem>>
      %dma_wait3A_525 = tpu.memref_squeeze %dma_wait3A_524 : memref<1x128xi32, #tpu.memory_space<vmem>> -> memref<128xi32, #tpu.memory_space<vmem>>
      %dma_wait3A_526 = arith.constant 0 : i32
      %dma_wait3A_527 = arith.constant 0 : i32
      %dma_wait3A_528 = tpu.memref_slice %arg11[%dma_wait3A_526, %dma_wait3A_527] : memref<8320x128xf32, #tpu.memory_space<vmem_shared>> -> memref<8320x128xf32, #tpu.memory_space<vmem_shared>>
      tpu.wait_indirect_dma semaphore(%run_scoped3A_516 : memref<!tpu.dma_semaphore, #tpu.memory_space<semaphore_mem>>) src(%arg8 : memref<128x128xf32, #tpu.memory_space<vmem>>) dst(%dma_wait3A_528 : memref<8320x128xf32, #tpu.memory_space<vmem_shared>>)
      tpu.yield
    }) : () -> ()
    %dma_wait3A_502 = arith.constant 31 : i32
    %dma_wait3A_503 = arith.constant 0 : i32
    %dma_wait3A_504 = tpu.memref_slice %arg6[%dma_wait3A_502, %dma_wait3A_503] : memref<32x128xi32, #tpu.memory_space<vmem>> -> memref<1x128xi32, #tpu.memory_space<vmem>>
    %dma_wait3A_505 = tpu.memref_squeeze %dma_wait3A_504 : memref<1x128xi32, #tpu.memory_space<vmem>> -> memref<128xi32, #tpu.memory_space<vmem>>
    %dma_wait3A_506 = arith.constant 0 : i32
    %dma_wait3A_507 = arith.constant 0 : i32
    %dma_wait3A_508 = tpu.memref_slice %arg2[%dma_wait3A_506, %dma_wait3A_507] : memref<16384x128xf32, #tpu.memory_space<hbm>> -> memref<16384x128xf32, #tpu.memory_space<hbm>>
    tpu.wait_indirect_dma semaphore(%arg13 : memref<!tpu.dma_semaphore, #tpu.memory_space<semaphore_mem>>) src(%dma_wait3A_508 : memref<16384x128xf32, #tpu.memory_space<hbm>>) dst(%arg9 : memref<128x128xf32, #tpu.memory_space<vmem>>)
    %run_scoped3A_509 = arith.constant 31 : i32
    "tpu.region"() ({
      %run_scoped3A_516 = tpu.sem_alloc : memref<!tpu.dma_semaphore, #tpu.memory_space<semaphore_mem>>
      %dma_start3A_517 = arith.constant 0 : i32
      %dma_start3A_518 = tpu.memref_slice %arg7[%run_scoped3A_509, %dma_start3A_517] : memref<32x128xi32, #tpu.memory_space<vmem>> -> memref<1x128xi32, #tpu.memory_space<vmem>>
      %dma_start3A_519 = tpu.memref_squeeze %dma_start3A_518 : memref<1x128xi32, #tpu.memory_space<vmem>> -> memref<128xi32, #tpu.memory_space<vmem>>
      %dma_start3A_520 = arith.constant 0 : i32
      %dma_start3A_521 = arith.constant 0 : i32
      %dma_start3A_522 = tpu.memref_slice %arg11[%dma_start3A_520, %dma_start3A_521] : memref<8320x128xf32, #tpu.memory_space<vmem_shared>> -> memref<8320x128xf32, #tpu.memory_space<vmem_shared>>
      tpu.enqueue_indirect_dma source(%arg9 : memref<128x128xf32, #tpu.memory_space<vmem>>) target(%dma_start3A_522 : memref<8320x128xf32, #tpu.memory_space<vmem_shared>>) offsets(%dma_start3A_519 : memref<128xi32, #tpu.memory_space<vmem>>) semaphore(%run_scoped3A_516 : memref<!tpu.dma_semaphore, #tpu.memory_space<semaphore_mem>>) {add = true}
      %dma_wait3A_523 = arith.constant 0 : i32
      %dma_wait3A_524 = tpu.memref_slice %arg7[%run_scoped3A_509, %dma_wait3A_523] : memref<32x128xi32, #tpu.memory_space<vmem>> -> memref<1x128xi32, #tpu.memory_space<vmem>>
      %dma_wait3A_525 = tpu.memref_squeeze %dma_wait3A_524 : memref<1x128xi32, #tpu.memory_space<vmem>> -> memref<128xi32, #tpu.memory_space<vmem>>
      %dma_wait3A_526 = arith.constant 0 : i32
      %dma_wait3A_527 = arith.constant 0 : i32
      %dma_wait3A_528 = tpu.memref_slice %arg11[%dma_wait3A_526, %dma_wait3A_527] : memref<8320x128xf32, #tpu.memory_space<vmem_shared>> -> memref<8320x128xf32, #tpu.memory_space<vmem_shared>>
      tpu.wait_indirect_dma semaphore(%run_scoped3A_516 : memref<!tpu.dma_semaphore, #tpu.memory_space<semaphore_mem>>) src(%arg9 : memref<128x128xf32, #tpu.memory_space<vmem>>) dst(%dma_wait3A_528 : memref<8320x128xf32, #tpu.memory_space<vmem_shared>>)
      tpu.yield
    }) : () -> ()
    %barrier3A_510 = arith.constant 0 : index
    tpu.barrier barrier_id(%barrier3A_510)
    %mul3A_511 = arith.constant 512 : i32
    %mul3A_512 = arith.muli %arg1, %mul3A_511 : i32
    %mul3A_513 = arith.constant 512 : i32
    %mul3A_514 = arith.muli %arg1, %mul3A_513 : i32
    %add3A_515 = arith.addi %mul3A_4, %mul3A_514 : i32
    "tpu.region"() ({
      %run_scoped3A_516 = tpu.sem_alloc : memref<!tpu.dma_semaphore, #tpu.memory_space<semaphore_mem>>
      %dma_start3A_517 = arith.constant 0 : i32
      %dma_start3A_518 = tpu.memref_slice %arg5[%add3A_515, %dma_start3A_517] : memref<16384x128xf32, #tpu.memory_space<hbm>> -> memref<512x128xf32, #tpu.memory_space<hbm>>
      %dma_start3A_519 = arith.constant 0 : i32
      %dma_start3A_520 = tpu.memref_slice %arg11[%mul3A_512, %dma_start3A_519] : memref<8320x128xf32, #tpu.memory_space<vmem_shared>> -> memref<512x128xf32, #tpu.memory_space<vmem_shared>>
      tpu.enqueue_dma source(%dma_start3A_520 : memref<512x128xf32, #tpu.memory_space<vmem_shared>>) target(%dma_start3A_518 : memref<512x128xf32, #tpu.memory_space<hbm>>) target_semaphore(%run_scoped3A_516 : memref<!tpu.dma_semaphore, #tpu.memory_space<semaphore_mem>>)
      %dma_wait3A_521 = arith.constant 0 : i32
      %dma_wait3A_522 = tpu.memref_slice %arg5[%add3A_515, %dma_wait3A_521] : memref<16384x128xf32, #tpu.memory_space<hbm>> -> memref<512x128xf32, #tpu.memory_space<hbm>>
      %dma_wait3A_523 = arith.constant 0 : i32
      %dma_wait3A_524 = tpu.memref_slice %arg11[%mul3A_512, %dma_wait3A_523] : memref<8320x128xf32, #tpu.memory_space<vmem_shared>> -> memref<512x128xf32, #tpu.memory_space<vmem_shared>>
      tpu.wait_dma2 semaphore(%run_scoped3A_516 : memref<!tpu.dma_semaphore, #tpu.memory_space<semaphore_mem>>) src(%dma_wait3A_524 : memref<512x128xf32, #tpu.memory_space<vmem_shared>>) dst(%dma_wait3A_522 : memref<512x128xf32, #tpu.memory_space<hbm>>)
      tpu.yield
    }) : () -> ()
    return
  }
}

#map = affine_map<(d0, d1) -> (0, 0)>
module attributes {stable_mosaic.version = 14 : i64} {
  func.func @_sc_edge_agg(%arg0: i32, %arg1: i32, %arg2: memref<16384x128xf32, #tpu.memory_space<hbm>>, %arg3: memref<512x128xi32, #tpu.memory_space<hbm>>, %arg4: memref<512x128xi32, #tpu.memory_space<hbm>>, %arg5: memref<16384x128xf32, #tpu.memory_space<hbm>>, %arg6: memref<32x128xi32, #tpu.memory_space<vmem>>, %arg7: memref<32x128xi32, #tpu.memory_space<vmem>>, %arg8: memref<128x128xf32, #tpu.memory_space<vmem>>, %arg9: memref<128x128xf32, #tpu.memory_space<vmem>>, %arg10: memref<128x128xf32, #tpu.memory_space<vmem>>, %arg11: memref<8320x128xf32, #tpu.memory_space<vmem_shared>>, %arg12: memref<!tpu.dma_semaphore, #tpu.memory_space<semaphore_mem>>, %arg13: memref<!tpu.dma_semaphore, #tpu.memory_space<semaphore_mem>>, %arg14: memref<!tpu.dma_semaphore, #tpu.memory_space<semaphore_mem>>) attributes {dimension_semantics = [#tpu.dimension_semantics<core_parallel>, #tpu.dimension_semantics<subcore_parallel>], iteration_bounds = array<i64: 2, 16>, scalar_prefetch = 0 : i64, scratch_operands = 9 : i64, tpu.core_type = #tpu.core_type<sc_vector_subcore>, window_params = [{transform_indices = #map}, {transform_indices = #map}, {transform_indices = #map}, {transform_indices = #map}]} {
    %mul3A = arith.constant 32 : i32
    %mul3A_0 = arith.muli %arg1, %mul3A : i32
    "tpu.region"() ({
      %run_scoped3A_516 = tpu.sem_alloc : memref<!tpu.dma_semaphore, #tpu.memory_space<semaphore_mem>>
      %dma_start3A_517 = arith.constant 0 : i32
      %dma_start3A_518 = tpu.memref_slice %arg3[%mul3A_0, %dma_start3A_517] : memref<512x128xi32, #tpu.memory_space<hbm>> -> memref<32x128xi32, #tpu.memory_space<hbm>>
      %dma_start3A_519 = arith.constant 0 : i32
      %dma_start3A_520 = tpu.memref_slice %arg3[%mul3A_0, %dma_start3A_519] : memref<512x128xi32, #tpu.memory_space<hbm>> -> memref<32x128xi32, #tpu.memory_space<hbm>>
      tpu.enqueue_dma source(%dma_start3A_520 : memref<32x128xi32, #tpu.memory_space<hbm>>) target(%arg6 : memref<32x128xi32, #tpu.memory_space<vmem>>) target_semaphore(%run_scoped3A_516 : memref<!tpu.dma_semaphore, #tpu.memory_space<semaphore_mem>>)
      %dma_wait3A_521 = arith.constant 0 : i32
      %dma_wait3A_522 = tpu.memref_slice %arg3[%mul3A_0, %dma_wait3A_521] : memref<512x128xi32, #tpu.memory_space<hbm>> -> memref<32x128xi32, #tpu.memory_space<hbm>>
      %dma_wait3A_523 = arith.constant 0 : i32
      %dma_wait3A_524 = tpu.memref_slice %arg3[%mul3A_0, %dma_wait3A_523] : memref<512x128xi32, #tpu.memory_space<hbm>> -> memref<32x128xi32, #tpu.memory_space<hbm>>
      tpu.wait_dma2 semaphore(%run_scoped3A_516 : memref<!tpu.dma_semaphore, #tpu.memory_space<semaphore_mem>>) src(%dma_wait3A_524 : memref<32x128xi32, #tpu.memory_space<hbm>>) dst(%arg6 : memref<32x128xi32, #tpu.memory_space<vmem>>)
      tpu.yield
    }) : () -> ()
    %mul3A_1 = arith.constant 32 : i32
    %mul3A_2 = arith.muli %arg1, %mul3A_1 : i32
    "tpu.region"() ({
      %run_scoped3A_516 = tpu.sem_alloc : memref<!tpu.dma_semaphore, #tpu.memory_space<semaphore_mem>>
      %dma_start3A_517 = arith.constant 0 : i32
      %dma_start3A_518 = tpu.memref_slice %arg4[%mul3A_2, %dma_start3A_517] : memref<512x128xi32, #tpu.memory_space<hbm>> -> memref<32x128xi32, #tpu.memory_space<hbm>>
      %dma_start3A_519 = arith.constant 0 : i32
      %dma_start3A_520 = tpu.memref_slice %arg4[%mul3A_2, %dma_start3A_519] : memref<512x128xi32, #tpu.memory_space<hbm>> -> memref<32x128xi32, #tpu.memory_space<hbm>>
      tpu.enqueue_dma source(%dma_start3A_520 : memref<32x128xi32, #tpu.memory_space<hbm>>) target(%arg7 : memref<32x128xi32, #tpu.memory_space<vmem>>) target_semaphore(%run_scoped3A_516 : memref<!tpu.dma_semaphore, #tpu.memory_space<semaphore_mem>>)
      %dma_wait3A_521 = arith.constant 0 : i32
      %dma_wait3A_522 = tpu.memref_slice %arg4[%mul3A_2, %dma_wait3A_521] : memref<512x128xi32, #tpu.memory_space<hbm>> -> memref<32x128xi32, #tpu.memory_space<hbm>>
      %dma_wait3A_523 = arith.constant 0 : i32
      %dma_wait3A_524 = tpu.memref_slice %arg4[%mul3A_2, %dma_wait3A_523] : memref<512x128xi32, #tpu.memory_space<hbm>> -> memref<32x128xi32, #tpu.memory_space<hbm>>
      tpu.wait_dma2 semaphore(%run_scoped3A_516 : memref<!tpu.dma_semaphore, #tpu.memory_space<semaphore_mem>>) src(%dma_wait3A_524 : memref<32x128xi32, #tpu.memory_space<hbm>>) dst(%arg7 : memref<32x128xi32, #tpu.memory_space<vmem>>)
      tpu.yield
    }) : () -> ()
    %mul3A_3 = arith.constant 8192 : i32
    %mul3A_4 = arith.muli %arg0, %mul3A_3 : i32
    %scan3A = arith.constant 0 : i32
    %scan3A_5 = arith.constant 0 : i32
    %scan3A_6 = arith.constant 32 : i32
    %scan3A_7 = arith.addi %scan3A_5, %scan3A_6 : i32
    %scan3A_8 = arith.constant 1 : i32
    scf.for %scan3A_516 = %scan3A_5 to %scan3A_7 step %scan3A_8  : i32 {
      %get3A = arith.index_cast %scan3A_516 : i32 to index
      %get3A_517 = arith.constant 0 : index
      %get3A_518 = tpu.vector_load %arg7[%get3A, %get3A_517] {strides = array<i32>} : memref<32x128xi32, #tpu.memory_space<vmem>>, vector<1x16xi32>,
      %get3A_519 = vector.shape_cast %get3A_518 : vector<1x16xi32> to vector<16xi32>
      %sub3A = vector.broadcast %mul3A_4 : i32 to vector<16xi32>
      %sub3A_520 = arith.subi %get3A_519, %sub3A : vector<16xi32>
      %lt3A = arith.constant 0 : i32
      %lt3A_521 = vector.broadcast %lt3A : i32 to vector<16xi32>
      %lt3A_522 = arith.cmpi slt, %sub3A_520, %lt3A_521 : vector<16xi32>
      %ge3A = arith.constant 8192 : i32
      %ge3A_523 = vector.broadcast %ge3A : i32 to vector<16xi32>
      %ge3A_524 = arith.cmpi sge, %sub3A_520, %ge3A_523 : vector<16xi32>
      %or3A = arith.ori %lt3A_522, %ge3A_524 : vector<16xi1>
      %jit3A = arith.constant 8192 : i32
      %broadcast_in_dim3A = vector.broadcast %jit3A : i32 to vector<16xi32>
      %select_n3A = arith.select %or3A, %broadcast_in_dim3A, %sub3A_520 : vector<16xi1>, vector<16xi32>
      %swap3A = arith.index_cast %scan3A_516 : i32 to index
      %swap3A_525 = arith.constant 0 : index
      %swap3A_526 = tpu.vector_load %arg7[%swap3A, %swap3A_525] {strides = array<i32>} : memref<32x128xi32, #tpu.memory_space<vmem>>, vector<1x16xi32>,
      %swap3A_527 = vector.shape_cast %swap3A_526 : vector<1x16xi32> to vector<16xi32>
      %swap3A_528 = vector.shape_cast %select_n3A : vector<16xi32> to vector<1x16xi32>
      tpu.vector_store %arg7[%swap3A, %swap3A_525], %swap3A_528 {strides = array<i32>} : memref<32x128xi32, #tpu.memory_space<vmem>>, vector<1x16xi32>,
      %get3A_529 = arith.index_cast %scan3A_516 : i32 to index
      %get3A_530 = arith.constant 16 : index
      %get3A_531 = tpu.vector_load %arg7[%get3A_529, %get3A_530] {strides = array<i32>} : memref<32x128xi32, #tpu.memory_space<vmem>>, vector<1x16xi32>,
      %get3A_532 = vector.shape_cast %get3A_531 : vector<1x16xi32> to vector<16xi32>
      %sub3A_533 = vector.broadcast %mul3A_4 : i32 to vector<16xi32>
      %sub3A_534 = arith.subi %get3A_532, %sub3A_533 : vector<16xi32>
      %lt3A_535 = arith.constant 0 : i32
      %lt3A_536 = vector.broadcast %lt3A_535 : i32 to vector<16xi32>
      %lt3A_537 = arith.cmpi slt, %sub3A_534, %lt3A_536 : vector<16xi32>
      %ge3A_538 = arith.constant 8192 : i32
      %ge3A_539 = vector.broadcast %ge3A_538 : i32 to vector<16xi32>
      %ge3A_540 = arith.cmpi sge, %sub3A_534, %ge3A_539 : vector<16xi32>
      %or3A_541 = arith.ori %lt3A_537, %ge3A_540 : vector<16xi1>
      %jit3A_542 = arith.constant 8192 : i32
      %broadcast_in_dim3A_543 = vector.broadcast %jit3A_542 : i32 to vector<16xi32>
      %select_n3A_544 = arith.select %or3A_541, %broadcast_in_dim3A_543, %sub3A_534 : vector<16xi1>, vector<16xi32>
      %swap3A_545 = arith.index_cast %scan3A_516 : i32 to index
      %swap3A_546 = arith.constant 16 : index
      %swap3A_547 = tpu.vector_load %arg7[%swap3A_545, %swap3A_546] {strides = array<i32>} : memref<32x128xi32, #tpu.memory_space<vmem>>, vector<1x16xi32>,
      %swap3A_548 = vector.shape_cast %swap3A_547 : vector<1x16xi32> to vector<16xi32>
      %swap3A_549 = vector.shape_cast %select_n3A_544 : vector<16xi32> to vector<1x16xi32>
      tpu.vector_store %arg7[%swap3A_545, %swap3A_546], %swap3A_549 {strides = array<i32>} : memref<32x128xi32, #tpu.memory_space<vmem>>, vector<1x16xi32>,
      %get3A_550 = arith.index_cast %scan3A_516 : i32 to index
      %get3A_551 = arith.constant 32 : index
      %get3A_552 = tpu.vector_load %arg7[%get3A_550, %get3A_551] {strides = array<i32>} : memref<32x128xi32, #tpu.memory_space<vmem>>, vector<1x16xi32>,
      %get3A_553 = vector.shape_cast %get3A_552 : vector<1x16xi32> to vector<16xi32>
      %sub3A_554 = vector.broadcast %mul3A_4 : i32 to vector<16xi32>
      %sub3A_555 = arith.subi %get3A_553, %sub3A_554 : vector<16xi32>
      %lt3A_556 = arith.constant 0 : i32
      %lt3A_557 = vector.broadcast %lt3A_556 : i32 to vector<16xi32>
      %lt3A_558 = arith.cmpi slt, %sub3A_555, %lt3A_557 : vector<16xi32>
      %ge3A_559 = arith.constant 8192 : i32
      %ge3A_560 = vector.broadcast %ge3A_559 : i32 to vector<16xi32>
      %ge3A_561 = arith.cmpi sge, %sub3A_555, %ge3A_560 : vector<16xi32>
      %or3A_562 = arith.ori %lt3A_558, %ge3A_561 : vector<16xi1>
      %jit3A_563 = arith.constant 8192 : i32
      %broadcast_in_dim3A_564 = vector.broadcast %jit3A_563 : i32 to vector<16xi32>
      %select_n3A_565 = arith.select %or3A_562, %broadcast_in_dim3A_564, %sub3A_555 : vector<16xi1>, vector<16xi32>
      %swap3A_566 = arith.index_cast %scan3A_516 : i32 to index
      %swap3A_567 = arith.constant 32 : index
      %swap3A_568 = tpu.vector_load %arg7[%swap3A_566, %swap3A_567] {strides = array<i32>} : memref<32x128xi32, #tpu.memory_space<vmem>>, vector<1x16xi32>,
      %swap3A_569 = vector.shape_cast %swap3A_568 : vector<1x16xi32> to vector<16xi32>
      %swap3A_570 = vector.shape_cast %select_n3A_565 : vector<16xi32> to vector<1x16xi32>
      tpu.vector_store %arg7[%swap3A_566, %swap3A_567], %swap3A_570 {strides = array<i32>} : memref<32x128xi32, #tpu.memory_space<vmem>>, vector<1x16xi32>,
      %get3A_571 = arith.index_cast %scan3A_516 : i32 to index
      %get3A_572 = arith.constant 48 : index
      %get3A_573 = tpu.vector_load %arg7[%get3A_571, %get3A_572] {strides = array<i32>} : memref<32x128xi32, #tpu.memory_space<vmem>>, vector<1x16xi32>,
      %get3A_574 = vector.shape_cast %get3A_573 : vector<1x16xi32> to vector<16xi32>
      %sub3A_575 = vector.broadcast %mul3A_4 : i32 to vector<16xi32>
      %sub3A_576 = arith.subi %get3A_574, %sub3A_575 : vector<16xi32>
      %lt3A_577 = arith.constant 0 : i32
      %lt3A_578 = vector.broadcast %lt3A_577 : i32 to vector<16xi32>
      %lt3A_579 = arith.cmpi slt, %sub3A_576, %lt3A_578 : vector<16xi32>
      %ge3A_580 = arith.constant 8192 : i32
      %ge3A_581 = vector.broadcast %ge3A_580 : i32 to vector<16xi32>
      %ge3A_582 = arith.cmpi sge, %sub3A_576, %ge3A_581 : vector<16xi32>
      %or3A_583 = arith.ori %lt3A_579, %ge3A_582 : vector<16xi1>
      %jit3A_584 = arith.constant 8192 : i32
      %broadcast_in_dim3A_585 = vector.broadcast %jit3A_584 : i32 to vector<16xi32>
      %select_n3A_586 = arith.select %or3A_583, %broadcast_in_dim3A_585, %sub3A_576 : vector<16xi1>, vector<16xi32>
      %swap3A_587 = arith.index_cast %scan3A_516 : i32 to index
      %swap3A_588 = arith.constant 48 : index
      %swap3A_589 = tpu.vector_load %arg7[%swap3A_587, %swap3A_588] {strides = array<i32>} : memref<32x128xi32, #tpu.memory_space<vmem>>, vector<1x16xi32>,
      %swap3A_590 = vector.shape_cast %swap3A_589 : vector<1x16xi32> to vector<16xi32>
      %swap3A_591 = vector.shape_cast %select_n3A_586 : vector<16xi32> to vector<1x16xi32>
      tpu.vector_store %arg7[%swap3A_587, %swap3A_588], %swap3A_591 {strides = array<i32>} : memref<32x128xi32, #tpu.memory_space<vmem>>, vector<1x16xi32>,
      %get3A_592 = arith.index_cast %scan3A_516 : i32 to index
      %get3A_593 = arith.constant 64 : index
      %get3A_594 = tpu.vector_load %arg7[%get3A_592, %get3A_593] {strides = array<i32>} : memref<32x128xi32, #tpu.memory_space<vmem>>, vector<1x16xi32>,
      %get3A_595 = vector.shape_cast %get3A_594 : vector<1x16xi32> to vector<16xi32>
      %sub3A_596 = vector.broadcast %mul3A_4 : i32 to vector<16xi32>
      %sub3A_597 = arith.subi %get3A_595, %sub3A_596 : vector<16xi32>
      %lt3A_598 = arith.constant 0 : i32
      %lt3A_599 = vector.broadcast %lt3A_598 : i32 to vector<16xi32>
      %lt3A_600 = arith.cmpi slt, %sub3A_597, %lt3A_599 : vector<16xi32>
      %ge3A_601 = arith.constant 8192 : i32
      %ge3A_602 = vector.broadcast %ge3A_601 : i32 to vector<16xi32>
      %ge3A_603 = arith.cmpi sge, %sub3A_597, %ge3A_602 : vector<16xi32>
      %or3A_604 = arith.ori %lt3A_600, %ge3A_603 : vector<16xi1>
      %jit3A_605 = arith.constant 8192 : i32
      %broadcast_in_dim3A_606 = vector.broadcast %jit3A_605 : i32 to vector<16xi32>
      %select_n3A_607 = arith.select %or3A_604, %broadcast_in_dim3A_606, %sub3A_597 : vector<16xi1>, vector<16xi32>
      %swap3A_608 = arith.index_cast %scan3A_516 : i32 to index
      %swap3A_609 = arith.constant 64 : index
      %swap3A_610 = tpu.vector_load %arg7[%swap3A_608, %swap3A_609] {strides = array<i32>} : memref<32x128xi32, #tpu.memory_space<vmem>>, vector<1x16xi32>,
      %swap3A_611 = vector.shape_cast %swap3A_610 : vector<1x16xi32> to vector<16xi32>
      %swap3A_612 = vector.shape_cast %select_n3A_607 : vector<16xi32> to vector<1x16xi32>
      tpu.vector_store %arg7[%swap3A_608, %swap3A_609], %swap3A_612 {strides = array<i32>} : memref<32x128xi32, #tpu.memory_space<vmem>>, vector<1x16xi32>,
      %get3A_613 = arith.index_cast %scan3A_516 : i32 to index
      %get3A_614 = arith.constant 80 : index
      %get3A_615 = tpu.vector_load %arg7[%get3A_613, %get3A_614] {strides = array<i32>} : memref<32x128xi32, #tpu.memory_space<vmem>>, vector<1x16xi32>,
      %get3A_616 = vector.shape_cast %get3A_615 : vector<1x16xi32> to vector<16xi32>
      %sub3A_617 = vector.broadcast %mul3A_4 : i32 to vector<16xi32>
      %sub3A_618 = arith.subi %get3A_616, %sub3A_617 : vector<16xi32>
      %lt3A_619 = arith.constant 0 : i32
      %lt3A_620 = vector.broadcast %lt3A_619 : i32 to vector<16xi32>
      %lt3A_621 = arith.cmpi slt, %sub3A_618, %lt3A_620 : vector<16xi32>
      %ge3A_622 = arith.constant 8192 : i32
      %ge3A_623 = vector.broadcast %ge3A_622 : i32 to vector<16xi32>
      %ge3A_624 = arith.cmpi sge, %sub3A_618, %ge3A_623 : vector<16xi32>
      %or3A_625 = arith.ori %lt3A_621, %ge3A_624 : vector<16xi1>
      %jit3A_626 = arith.constant 8192 : i32
      %broadcast_in_dim3A_627 = vector.broadcast %jit3A_626 : i32 to vector<16xi32>
      %select_n3A_628 = arith.select %or3A_625, %broadcast_in_dim3A_627, %sub3A_618 : vector<16xi1>, vector<16xi32>
      %swap3A_629 = arith.index_cast %scan3A_516 : i32 to index
      %swap3A_630 = arith.constant 80 : index
      %swap3A_631 = tpu.vector_load %arg7[%swap3A_629, %swap3A_630] {strides = array<i32>} : memref<32x128xi32, #tpu.memory_space<vmem>>, vector<1x16xi32>,
      %swap3A_632 = vector.shape_cast %swap3A_631 : vector<1x16xi32> to vector<16xi32>
      %swap3A_633 = vector.shape_cast %select_n3A_628 : vector<16xi32> to vector<1x16xi32>
      tpu.vector_store %arg7[%swap3A_629, %swap3A_630], %swap3A_633 {strides = array<i32>} : memref<32x128xi32, #tpu.memory_space<vmem>>, vector<1x16xi32>,
      %get3A_634 = arith.index_cast %scan3A_516 : i32 to index
      %get3A_635 = arith.constant 96 : index
      %get3A_636 = tpu.vector_load %arg7[%get3A_634, %get3A_635] {strides = array<i32>} : memref<32x128xi32, #tpu.memory_space<vmem>>, vector<1x16xi32>,
      %get3A_637 = vector.shape_cast %get3A_636 : vector<1x16xi32> to vector<16xi32>
      %sub3A_638 = vector.broadcast %mul3A_4 : i32 to vector<16xi32>
      %sub3A_639 = arith.subi %get3A_637, %sub3A_638 : vector<16xi32>
      %lt3A_640 = arith.constant 0 : i32
      %lt3A_641 = vector.broadcast %lt3A_640 : i32 to vector<16xi32>
      %lt3A_642 = arith.cmpi slt, %sub3A_639, %lt3A_641 : vector<16xi32>
      %ge3A_643 = arith.constant 8192 : i32
      %ge3A_644 = vector.broadcast %ge3A_643 : i32 to vector<16xi32>
      %ge3A_645 = arith.cmpi sge, %sub3A_639, %ge3A_644 : vector<16xi32>
      %or3A_646 = arith.ori %lt3A_642, %ge3A_645 : vector<16xi1>
      %jit3A_647 = arith.constant 8192 : i32
      %broadcast_in_dim3A_648 = vector.broadcast %jit3A_647 : i32 to vector<16xi32>
      %select_n3A_649 = arith.select %or3A_646, %broadcast_in_dim3A_648, %sub3A_639 : vector<16xi1>, vector<16xi32>
      %swap3A_650 = arith.index_cast %scan3A_516 : i32 to index
      %swap3A_651 = arith.constant 96 : index
      %swap3A_652 = tpu.vector_load %arg7[%swap3A_650, %swap3A_651] {strides = array<i32>} : memref<32x128xi32, #tpu.memory_space<vmem>>, vector<1x16xi32>,
      %swap3A_653 = vector.shape_cast %swap3A_652 : vector<1x16xi32> to vector<16xi32>
      %swap3A_654 = vector.shape_cast %select_n3A_649 : vector<16xi32> to vector<1x16xi32>
      tpu.vector_store %arg7[%swap3A_650, %swap3A_651], %swap3A_654 {strides = array<i32>} : memref<32x128xi32, #tpu.memory_space<vmem>>, vector<1x16xi32>,
      %get3A_655 = arith.index_cast %scan3A_516 : i32 to index
      %get3A_656 = arith.constant 112 : index
      %get3A_657 = tpu.vector_load %arg7[%get3A_655, %get3A_656] {strides = array<i32>} : memref<32x128xi32, #tpu.memory_space<vmem>>, vector<1x16xi32>,
      %get3A_658 = vector.shape_cast %get3A_657 : vector<1x16xi32> to vector<16xi32>
      %sub3A_659 = vector.broadcast %mul3A_4 : i32 to vector<16xi32>
      %sub3A_660 = arith.subi %get3A_658, %sub3A_659 : vector<16xi32>
      %lt3A_661 = arith.constant 0 : i32
      %lt3A_662 = vector.broadcast %lt3A_661 : i32 to vector<16xi32>
      %lt3A_663 = arith.cmpi slt, %sub3A_660, %lt3A_662 : vector<16xi32>
      %ge3A_664 = arith.constant 8192 : i32
      %ge3A_665 = vector.broadcast %ge3A_664 : i32 to vector<16xi32>
      %ge3A_666 = arith.cmpi sge, %sub3A_660, %ge3A_665 : vector<16xi32>
      %or3A_667 = arith.ori %lt3A_663, %ge3A_666 : vector<16xi1>
      %jit3A_668 = arith.constant 8192 : i32
      %broadcast_in_dim3A_669 = vector.broadcast %jit3A_668 : i32 to vector<16xi32>
      %select_n3A_670 = arith.select %or3A_667, %broadcast_in_dim3A_669, %sub3A_660 : vector<16xi1>, vector<16xi32>
      %swap3A_671 = arith.index_cast %scan3A_516 : i32 to index
      %swap3A_672 = arith.constant 112 : index
      %swap3A_673 = tpu.vector_load %arg7[%swap3A_671, %swap3A_672] {strides = array<i32>} : memref<32x128xi32, #tpu.memory_space<vmem>>, vector<1x16xi32>,
      %swap3A_674 = vector.shape_cast %swap3A_673 : vector<1x16xi32> to vector<16xi32>
      %swap3A_675 = vector.shape_cast %select_n3A_670 : vector<16xi32> to vector<1x16xi32>
      tpu.vector_store %arg7[%swap3A_671, %swap3A_672], %swap3A_675 {strides = array<i32>} : memref<32x128xi32, #tpu.memory_space<vmem>>, vector<1x16xi32>,
    }
    %scan3A_9 = arith.constant 32 : i32
    %scan3A_10 = arith.constant 0 : i32
    %scan3A_11 = arith.constant 0 : i32
    %scan3A_12 = arith.constant 128 : i32
    %scan3A_13 = arith.addi %scan3A_11, %scan3A_12 : i32
    %scan3A_14 = arith.constant 1 : i32
    scf.for %scan3A_516 = %scan3A_11 to %scan3A_13 step %scan3A_14  : i32 {
      %broadcast_in_dim3A = arith.constant 0.000000e+00 : f32
      %broadcast_in_dim3A_517 = vector.broadcast %broadcast_in_dim3A : f32 to vector<16xf32>
      %swap3A = arith.index_cast %scan3A_516 : i32 to index
      %swap3A_518 = arith.constant 0 : index
      %swap3A_519 = tpu.vector_load %arg8[%swap3A, %swap3A_518] {strides = array<i32>} : memref<128x128xf32, #tpu.memory_space<vmem>>, vector<1x16xf32>,
      %swap3A_520 = vector.shape_cast %swap3A_519 : vector<1x16xf32> to vector<16xf32>
      %swap3A_521 = vector.shape_cast %broadcast_in_dim3A_517 : vector<16xf32> to vector<1x16xf32>
      tpu.vector_store %arg8[%swap3A, %swap3A_518], %swap3A_521 {strides = array<i32>} : memref<128x128xf32, #tpu.memory_space<vmem>>, vector<1x16xf32>,
      %broadcast_in_dim3A_522 = arith.constant 0.000000e+00 : f32
      %broadcast_in_dim3A_523 = vector.broadcast %broadcast_in_dim3A_522 : f32 to vector<16xf32>
      %swap3A_524 = arith.index_cast %scan3A_516 : i32 to index
      %swap3A_525 = arith.constant 16 : index
      %swap3A_526 = tpu.vector_load %arg8[%swap3A_524, %swap3A_525] {strides = array<i32>} : memref<128x128xf32, #tpu.memory_space<vmem>>, vector<1x16xf32>,
      %swap3A_527 = vector.shape_cast %swap3A_526 : vector<1x16xf32> to vector<16xf32>
      %swap3A_528 = vector.shape_cast %broadcast_in_dim3A_523 : vector<16xf32> to vector<1x16xf32>
      tpu.vector_store %arg8[%swap3A_524, %swap3A_525], %swap3A_528 {strides = array<i32>} : memref<128x128xf32, #tpu.memory_space<vmem>>, vector<1x16xf32>,
      %broadcast_in_dim3A_529 = arith.constant 0.000000e+00 : f32
      %broadcast_in_dim3A_530 = vector.broadcast %broadcast_in_dim3A_529 : f32 to vector<16xf32>
      %swap3A_531 = arith.index_cast %scan3A_516 : i32 to index
      %swap3A_532 = arith.constant 32 : index
      %swap3A_533 = tpu.vector_load %arg8[%swap3A_531, %swap3A_532] {strides = array<i32>} : memref<128x128xf32, #tpu.memory_space<vmem>>, vector<1x16xf32>,
      %swap3A_534 = vector.shape_cast %swap3A_533 : vector<1x16xf32> to vector<16xf32>
      %swap3A_535 = vector.shape_cast %broadcast_in_dim3A_530 : vector<16xf32> to vector<1x16xf32>
      tpu.vector_store %arg8[%swap3A_531, %swap3A_532], %swap3A_535 {strides = array<i32>} : memref<128x128xf32, #tpu.memory_space<vmem>>, vector<1x16xf32>,
      %broadcast_in_dim3A_536 = arith.constant 0.000000e+00 : f32
      %broadcast_in_dim3A_537 = vector.broadcast %broadcast_in_dim3A_536 : f32 to vector<16xf32>
      %swap3A_538 = arith.index_cast %scan3A_516 : i32 to index
      %swap3A_539 = arith.constant 48 : index
      %swap3A_540 = tpu.vector_load %arg8[%swap3A_538, %swap3A_539] {strides = array<i32>} : memref<128x128xf32, #tpu.memory_space<vmem>>, vector<1x16xf32>,
      %swap3A_541 = vector.shape_cast %swap3A_540 : vector<1x16xf32> to vector<16xf32>
      %swap3A_542 = vector.shape_cast %broadcast_in_dim3A_537 : vector<16xf32> to vector<1x16xf32>
      tpu.vector_store %arg8[%swap3A_538, %swap3A_539], %swap3A_542 {strides = array<i32>} : memref<128x128xf32, #tpu.memory_space<vmem>>, vector<1x16xf32>,
      %broadcast_in_dim3A_543 = arith.constant 0.000000e+00 : f32
      %broadcast_in_dim3A_544 = vector.broadcast %broadcast_in_dim3A_543 : f32 to vector<16xf32>
      %swap3A_545 = arith.index_cast %scan3A_516 : i32 to index
      %swap3A_546 = arith.constant 64 : index
      %swap3A_547 = tpu.vector_load %arg8[%swap3A_545, %swap3A_546] {strides = array<i32>} : memref<128x128xf32, #tpu.memory_space<vmem>>, vector<1x16xf32>,
      %swap3A_548 = vector.shape_cast %swap3A_547 : vector<1x16xf32> to vector<16xf32>
      %swap3A_549 = vector.shape_cast %broadcast_in_dim3A_544 : vector<16xf32> to vector<1x16xf32>
      tpu.vector_store %arg8[%swap3A_545, %swap3A_546], %swap3A_549 {strides = array<i32>} : memref<128x128xf32, #tpu.memory_space<vmem>>, vector<1x16xf32>,
      %broadcast_in_dim3A_550 = arith.constant 0.000000e+00 : f32
      %broadcast_in_dim3A_551 = vector.broadcast %broadcast_in_dim3A_550 : f32 to vector<16xf32>
      %swap3A_552 = arith.index_cast %scan3A_516 : i32 to index
      %swap3A_553 = arith.constant 80 : index
      %swap3A_554 = tpu.vector_load %arg8[%swap3A_552, %swap3A_553] {strides = array<i32>} : memref<128x128xf32, #tpu.memory_space<vmem>>, vector<1x16xf32>,
      %swap3A_555 = vector.shape_cast %swap3A_554 : vector<1x16xf32> to vector<16xf32>
      %swap3A_556 = vector.shape_cast %broadcast_in_dim3A_551 : vector<16xf32> to vector<1x16xf32>
      tpu.vector_store %arg8[%swap3A_552, %swap3A_553], %swap3A_556 {strides = array<i32>} : memref<128x128xf32, #tpu.memory_space<vmem>>, vector<1x16xf32>,
      %broadcast_in_dim3A_557 = arith.constant 0.000000e+00 : f32
      %broadcast_in_dim3A_558 = vector.broadcast %broadcast_in_dim3A_557 : f32 to vector<16xf32>
      %swap3A_559 = arith.index_cast %scan3A_516 : i32 to index
      %swap3A_560 = arith.constant 96 : index
      %swap3A_561 = tpu.vector_load %arg8[%swap3A_559, %swap3A_560] {strides = array<i32>} : memref<128x128xf32, #tpu.memory_space<vmem>>, vector<1x16xf32>,
      %swap3A_562 = vector.shape_cast %swap3A_561 : vector<1x16xf32> to vector<16xf32>
      %swap3A_563 = vector.shape_cast %broadcast_in_dim3A_558 : vector<16xf32> to vector<1x16xf32>
      tpu.vector_store %arg8[%swap3A_559, %swap3A_560], %swap3A_563 {strides = array<i32>} : memref<128x128xf32, #tpu.memory_space<vmem>>, vector<1x16xf32>,
      %broadcast_in_dim3A_564 = arith.constant 0.000000e+00 : f32
      %broadcast_in_dim3A_565 = vector.broadcast %broadcast_in_dim3A_564 : f32 to vector<16xf32>
      %swap3A_566 = arith.index_cast %scan3A_516 : i32 to index
      %swap3A_567 = arith.constant 112 : index
      %swap3A_568 = tpu.vector_load %arg8[%swap3A_566, %swap3A_567] {strides = array<i32>} : memref<128x128xf32, #tpu.memory_space<vmem>>, vector<1x16xf32>,
      %swap3A_569 = vector.shape_cast %swap3A_568 : vector<1x16xf32> to vector<16xf32>
      %swap3A_570 = vector.shape_cast %broadcast_in_dim3A_565 : vector<16xf32> to vector<1x16xf32>
      tpu.vector_store %arg8[%swap3A_566, %swap3A_567], %swap3A_570 {strides = array<i32>} : memref<128x128xf32, #tpu.memory_space<vmem>>, vector<1x16xf32>,
    }
    %scan3A_15 = arith.constant 128 : i32
    %mul3A_16 = arith.constant 512 : i32
    %mul3A_17 = arith.muli %arg1, %mul3A_16 : i32
    %add3A = arith.constant 0 : i32
    %add3A_18 = arith.addi %mul3A_17, %add3A : i32
    "tpu.region"() ({
      %run_scoped3A_516 = tpu.sem_alloc : memref<!tpu.dma_semaphore, #tpu.memory_space<semaphore_mem>>
      %dma_start3A_517 = arith.constant 0 : i32
      %dma_start3A_518 = tpu.memref_slice %arg11[%add3A_18, %dma_start3A_517] : memref<8320x128xf32, #tpu.memory_space<vmem_shared>> -> memref<128x128xf32, #tpu.memory_space<vmem_shared>>
      %dma_start3A_519 = arith.constant 0 : i32
      %dma_start3A_520 = tpu.memref_slice %arg11[%add3A_18, %dma_start3A_519] : memref<8320x128xf32, #tpu.memory_space<vmem_shared>> -> memref<128x128xf32, #tpu.memory_space<vmem_shared>>
      tpu.enqueue_dma source(%arg8 : memref<128x128xf32, #tpu.memory_space<vmem>>) target(%dma_start3A_520 : memref<128x128xf32, #tpu.memory_space<vmem_shared>>) target_semaphore(%run_scoped3A_516 : memref<!tpu.dma_semaphore, #tpu.memory_space<semaphore_mem>>)
      %dma_wait3A_521 = arith.constant 0 : i32
      %dma_wait3A_522 = tpu.memref_slice %arg11[%add3A_18, %dma_wait3A_521] : memref<8320x128xf32, #tpu.memory_space<vmem_shared>> -> memref<128x128xf32, #tpu.memory_space<vmem_shared>>
      %dma_wait3A_523 = arith.constant 0 : i32
      %dma_wait3A_524 = tpu.memref_slice %arg11[%add3A_18, %dma_wait3A_523] : memref<8320x128xf32, #tpu.memory_space<vmem_shared>> -> memref<128x128xf32, #tpu.memory_space<vmem_shared>>
      tpu.wait_dma2 semaphore(%run_scoped3A_516 : memref<!tpu.dma_semaphore, #tpu.memory_space<semaphore_mem>>) src(%arg8 : memref<128x128xf32, #tpu.memory_space<vmem>>) dst(%dma_wait3A_524 : memref<128x128xf32, #tpu.memory_space<vmem_shared>>)
      tpu.yield
    }) : () -> ()
    %mul3A_19 = arith.constant 512 : i32
    %mul3A_20 = arith.muli %arg1, %mul3A_19 : i32
    %add3A_21 = arith.constant 128 : i32
    %add3A_22 = arith.addi %mul3A_20, %add3A_21 : i32
    "tpu.region"() ({
      %run_scoped3A_516 = tpu.sem_alloc : memref<!tpu.dma_semaphore, #tpu.memory_space<semaphore_mem>>
      %dma_start3A_517 = arith.constant 0 : i32
      %dma_start3A_518 = tpu.memref_slice %arg11[%add3A_22, %dma_start3A_517] : memref<8320x128xf32, #tpu.memory_space<vmem_shared>> -> memref<128x128xf32, #tpu.memory_space<vmem_shared>>
      %dma_start3A_519 = arith.constant 0 : i32
      %dma_start3A_520 = tpu.memref_slice %arg11[%add3A_22, %dma_start3A_519] : memref<8320x128xf32, #tpu.memory_space<vmem_shared>> -> memref<128x128xf32, #tpu.memory_space<vmem_shared>>
      tpu.enqueue_dma source(%arg8 : memref<128x128xf32, #tpu.memory_space<vmem>>) target(%dma_start3A_520 : memref<128x128xf32, #tpu.memory_space<vmem_shared>>) target_semaphore(%run_scoped3A_516 : memref<!tpu.dma_semaphore, #tpu.memory_space<semaphore_mem>>)
      %dma_wait3A_521 = arith.constant 0 : i32
      %dma_wait3A_522 = tpu.memref_slice %arg11[%add3A_22, %dma_wait3A_521] : memref<8320x128xf32, #tpu.memory_space<vmem_shared>> -> memref<128x128xf32, #tpu.memory_space<vmem_shared>>
      %dma_wait3A_523 = arith.constant 0 : i32
      %dma_wait3A_524 = tpu.memref_slice %arg11[%add3A_22, %dma_wait3A_523] : memref<8320x128xf32, #tpu.memory_space<vmem_shared>> -> memref<128x128xf32, #tpu.memory_space<vmem_shared>>
      tpu.wait_dma2 semaphore(%run_scoped3A_516 : memref<!tpu.dma_semaphore, #tpu.memory_space<semaphore_mem>>) src(%arg8 : memref<128x128xf32, #tpu.memory_space<vmem>>) dst(%dma_wait3A_524 : memref<128x128xf32, #tpu.memory_space<vmem_shared>>)
      tpu.yield
    }) : () -> ()
    %mul3A_23 = arith.constant 512 : i32
    %mul3A_24 = arith.muli %arg1, %mul3A_23 : i32
    %add3A_25 = arith.constant 256 : i32
    %add3A_26 = arith.addi %mul3A_24, %add3A_25 : i32
    "tpu.region"() ({
      %run_scoped3A_516 = tpu.sem_alloc : memref<!tpu.dma_semaphore, #tpu.memory_space<semaphore_mem>>
      %dma_start3A_517 = arith.constant 0 : i32
      %dma_start3A_518 = tpu.memref_slice %arg11[%add3A_26, %dma_start3A_517] : memref<8320x128xf32, #tpu.memory_space<vmem_shared>> -> memref<128x128xf32, #tpu.memory_space<vmem_shared>>
      %dma_start3A_519 = arith.constant 0 : i32
      %dma_start3A_520 = tpu.memref_slice %arg11[%add3A_26, %dma_start3A_519] : memref<8320x128xf32, #tpu.memory_space<vmem_shared>> -> memref<128x128xf32, #tpu.memory_space<vmem_shared>>
      tpu.enqueue_dma source(%arg8 : memref<128x128xf32, #tpu.memory_space<vmem>>) target(%dma_start3A_520 : memref<128x128xf32, #tpu.memory_space<vmem_shared>>) target_semaphore(%run_scoped3A_516 : memref<!tpu.dma_semaphore, #tpu.memory_space<semaphore_mem>>)
      %dma_wait3A_521 = arith.constant 0 : i32
      %dma_wait3A_522 = tpu.memref_slice %arg11[%add3A_26, %dma_wait3A_521] : memref<8320x128xf32, #tpu.memory_space<vmem_shared>> -> memref<128x128xf32, #tpu.memory_space<vmem_shared>>
      %dma_wait3A_523 = arith.constant 0 : i32
      %dma_wait3A_524 = tpu.memref_slice %arg11[%add3A_26, %dma_wait3A_523] : memref<8320x128xf32, #tpu.memory_space<vmem_shared>> -> memref<128x128xf32, #tpu.memory_space<vmem_shared>>
      tpu.wait_dma2 semaphore(%run_scoped3A_516 : memref<!tpu.dma_semaphore, #tpu.memory_space<semaphore_mem>>) src(%arg8 : memref<128x128xf32, #tpu.memory_space<vmem>>) dst(%dma_wait3A_524 : memref<128x128xf32, #tpu.memory_space<vmem_shared>>)
      tpu.yield
    }) : () -> ()
    %mul3A_27 = arith.constant 512 : i32
    %mul3A_28 = arith.muli %arg1, %mul3A_27 : i32
    %add3A_29 = arith.constant 384 : i32
    %add3A_30 = arith.addi %mul3A_28, %add3A_29 : i32
    "tpu.region"() ({
      %run_scoped3A_516 = tpu.sem_alloc : memref<!tpu.dma_semaphore, #tpu.memory_space<semaphore_mem>>
      %dma_start3A_517 = arith.constant 0 : i32
      %dma_start3A_518 = tpu.memref_slice %arg11[%add3A_30, %dma_start3A_517] : memref<8320x128xf32, #tpu.memory_space<vmem_shared>> -> memref<128x128xf32, #tpu.memory_space<vmem_shared>>
      %dma_start3A_519 = arith.constant 0 : i32
      %dma_start3A_520 = tpu.memref_slice %arg11[%add3A_30, %dma_start3A_519] : memref<8320x128xf32, #tpu.memory_space<vmem_shared>> -> memref<128x128xf32, #tpu.memory_space<vmem_shared>>
      tpu.enqueue_dma source(%arg8 : memref<128x128xf32, #tpu.memory_space<vmem>>) target(%dma_start3A_520 : memref<128x128xf32, #tpu.memory_space<vmem_shared>>) target_semaphore(%run_scoped3A_516 : memref<!tpu.dma_semaphore, #tpu.memory_space<semaphore_mem>>)
      %dma_wait3A_521 = arith.constant 0 : i32
      %dma_wait3A_522 = tpu.memref_slice %arg11[%add3A_30, %dma_wait3A_521] : memref<8320x128xf32, #tpu.memory_space<vmem_shared>> -> memref<128x128xf32, #tpu.memory_space<vmem_shared>>
      %dma_wait3A_523 = arith.constant 0 : i32
      %dma_wait3A_524 = tpu.memref_slice %arg11[%add3A_30, %dma_wait3A_523] : memref<8320x128xf32, #tpu.memory_space<vmem_shared>> -> memref<128x128xf32, #tpu.memory_space<vmem_shared>>
      tpu.wait_dma2 semaphore(%run_scoped3A_516 : memref<!tpu.dma_semaphore, #tpu.memory_space<semaphore_mem>>) src(%arg8 : memref<128x128xf32, #tpu.memory_space<vmem>>) dst(%dma_wait3A_524 : memref<128x128xf32, #tpu.memory_space<vmem_shared>>)
      tpu.yield
    }) : () -> ()
    %eq3A = arith.constant 0 : i32
    %eq3A_31 = arith.cmpi eq, %arg1, %eq3A : i32
    %convert_element_type3A = arith.extui %eq3A_31 : i1 to i32
    %cond3A = arith.constant 0 : i32
    %cond3A_32 = arith.cmpi ne, %convert_element_type3A, %cond3A : i32
    scf.if %cond3A_32 {
      "tpu.region"() ({
        %run_scoped3A_516 = tpu.sem_alloc : memref<!tpu.dma_semaphore, #tpu.memory_space<semaphore_mem>>
        %dma_start3A_517 = arith.constant 8192 : i32
        %dma_start3A_518 = arith.constant 0 : i32
        %dma_start3A_519 = tpu.memref_slice %arg11[%dma_start3A_517, %dma_start3A_518] : memref<8320x128xf32, #tpu.memory_space<vmem_shared>> -> memref<128x128xf32, #tpu.memory_space<vmem_shared>>
        %dma_start3A_520 = arith.constant 8192 : i32
        %dma_start3A_521 = arith.constant 0 : i32
        %dma_start3A_522 = tpu.memref_slice %arg11[%dma_start3A_520, %dma_start3A_521] : memref<8320x128xf32, #tpu.memory_space<vmem_shared>> -> memref<128x128xf32, #tpu.memory_space<vmem_shared>>
        tpu.enqueue_dma source(%arg8 : memref<128x128xf32, #tpu.memory_space<vmem>>) target(%dma_start3A_522 : memref<128x128xf32, #tpu.memory_space<vmem_shared>>) target_semaphore(%run_scoped3A_516 : memref<!tpu.dma_semaphore, #tpu.memory_space<semaphore_mem>>)
        %dma_wait3A_523 = arith.constant 8192 : i32
        %dma_wait3A_524 = arith.constant 0 : i32
        %dma_wait3A_525 = tpu.memref_slice %arg11[%dma_wait3A_523, %dma_wait3A_524] : memref<8320x128xf32, #tpu.memory_space<vmem_shared>> -> memref<128x128xf32, #tpu.memory_space<vmem_shared>>
        %dma_wait3A_526 = arith.constant 8192 : i32
        %dma_wait3A_527 = arith.constant 0 : i32
        %dma_wait3A_528 = tpu.memref_slice %arg11[%dma_wait3A_526, %dma_wait3A_527] : memref<8320x128xf32, #tpu.memory_space<vmem_shared>> -> memref<128x128xf32, #tpu.memory_space<vmem_shared>>
        tpu.wait_dma2 semaphore(%run_scoped3A_516 : memref<!tpu.dma_semaphore, #tpu.memory_space<semaphore_mem>>) src(%arg8 : memref<128x128xf32, #tpu.memory_space<vmem>>) dst(%dma_wait3A_528 : memref<128x128xf32, #tpu.memory_space<vmem_shared>>)
        tpu.yield
      }) : () -> ()
    } else {
    }
    %barrier3A = arith.constant 0 : index
    tpu.barrier barrier_id(%barrier3A)
    %dma_start3A = arith.constant 0 : i32
    %dma_start3A_33 = arith.constant 0 : i32
    %dma_start3A_34 = tpu.memref_slice %arg6[%dma_start3A, %dma_start3A_33] : memref<32x128xi32, #tpu.memory_space<vmem>> -> memref<1x128xi32, #tpu.memory_space<vmem>>
    %dma_start3A_35 = tpu.memref_squeeze %dma_start3A_34 : memref<1x128xi32, #tpu.memory_space<vmem>> -> memref<128xi32, #tpu.memory_space<vmem>>
    %dma_start3A_36 = arith.constant 0 : i32
    %dma_start3A_37 = arith.constant 0 : i32
    %dma_start3A_38 = tpu.memref_slice %arg2[%dma_start3A_36, %dma_start3A_37] : memref<16384x128xf32, #tpu.memory_space<hbm>> -> memref<16384x128xf32, #tpu.memory_space<hbm>>
    tpu.enqueue_indirect_dma source(%dma_start3A_38 : memref<16384x128xf32, #tpu.memory_space<hbm>>) target(%arg8 : memref<128x128xf32, #tpu.memory_space<vmem>>) offsets(%dma_start3A_35 : memref<128xi32, #tpu.memory_space<vmem>>) semaphore(%arg12 : memref<!tpu.dma_semaphore, #tpu.memory_space<semaphore_mem>>)
    %dma_start3A_39 = arith.constant 1 : i32
    %dma_start3A_40 = arith.constant 0 : i32
    %dma_start3A_41 = tpu.memref_slice %arg6[%dma_start3A_39, %dma_start3A_40] : memref<32x128xi32, #tpu.memory_space<vmem>> -> memref<1x128xi32, #tpu.memory_space<vmem>>
    %dma_start3A_42 = tpu.memref_squeeze %dma_start3A_41 : memref<1x128xi32, #tpu.memory_space<vmem>> -> memref<128xi32, #tpu.memory_space<vmem>>
    %dma_start3A_43 = arith.constant 0 : i32
    %dma_start3A_44 = arith.constant 0 : i32
    %dma_start3A_45 = tpu.memref_slice %arg2[%dma_start3A_43, %dma_start3A_44] : memref<16384x128xf32, #tpu.memory_space<hbm>> -> memref<16384x128xf32, #tpu.memory_space<hbm>>
    tpu.enqueue_indirect_dma source(%dma_start3A_45 : memref<16384x128xf32, #tpu.memory_space<hbm>>) target(%arg9 : memref<128x128xf32, #tpu.memory_space<vmem>>) offsets(%dma_start3A_42 : memref<128xi32, #tpu.memory_space<vmem>>) semaphore(%arg13 : memref<!tpu.dma_semaphore, #tpu.memory_space<semaphore_mem>>)
    %dma_start3A_46 = arith.constant 2 : i32
    %dma_start3A_47 = arith.constant 0 : i32
    %dma_start3A_48 = tpu.memref_slice %arg6[%dma_start3A_46, %dma_start3A_47] : memref<32x128xi32, #tpu.memory_space<vmem>> -> memref<1x128xi32, #tpu.memory_space<vmem>>
    %dma_start3A_49 = tpu.memref_squeeze %dma_start3A_48 : memref<1x128xi32, #tpu.memory_space<vmem>> -> memref<128xi32, #tpu.memory_space<vmem>>
    %dma_start3A_50 = arith.constant 0 : i32
    %dma_start3A_51 = arith.constant 0 : i32
    %dma_start3A_52 = tpu.memref_slice %arg2[%dma_start3A_50, %dma_start3A_51] : memref<16384x128xf32, #tpu.memory_space<hbm>> -> memref<16384x128xf32, #tpu.memory_space<hbm>>
    tpu.enqueue_indirect_dma source(%dma_start3A_52 : memref<16384x128xf32, #tpu.memory_space<hbm>>) target(%arg10 : memref<128x128xf32, #tpu.memory_space<vmem>>) offsets(%dma_start3A_49 : memref<128xi32, #tpu.memory_space<vmem>>) semaphore(%arg14 : memref<!tpu.dma_semaphore, #tpu.memory_space<semaphore_mem>>)
    %dma_wait3A = arith.constant 0 : i32
    %dma_wait3A_53 = arith.constant 0 : i32
    %dma_wait3A_54 = tpu.memref_slice %arg6[%dma_wait3A, %dma_wait3A_53] : memref<32x128xi32, #tpu.memory_space<vmem>> -> memref<1x128xi32, #tpu.memory_space<vmem>>
    %dma_wait3A_55 = tpu.memref_squeeze %dma_wait3A_54 : memref<1x128xi32, #tpu.memory_space<vmem>> -> memref<128xi32, #tpu.memory_space<vmem>>
    %dma_wait3A_56 = arith.constant 0 : i32
    %dma_wait3A_57 = arith.constant 0 : i32
    %dma_wait3A_58 = tpu.memref_slice %arg2[%dma_wait3A_56, %dma_wait3A_57] : memref<16384x128xf32, #tpu.memory_space<hbm>> -> memref<16384x128xf32, #tpu.memory_space<hbm>>
    tpu.wait_indirect_dma semaphore(%arg12 : memref<!tpu.dma_semaphore, #tpu.memory_space<semaphore_mem>>) src(%dma_wait3A_58 : memref<16384x128xf32, #tpu.memory_space<hbm>>) dst(%arg8 : memref<128x128xf32, #tpu.memory_space<vmem>>)
    %run_scoped3A = arith.constant 0 : i32
    "tpu.region"() ({
      %run_scoped3A_516 = tpu.sem_alloc : memref<!tpu.dma_semaphore, #tpu.memory_space<semaphore_mem>>
      %dma_start3A_517 = arith.constant 0 : i32
      %dma_start3A_518 = tpu.memref_slice %arg7[%run_scoped3A, %dma_start3A_517] : memref<32x128xi32, #tpu.memory_space<vmem>> -> memref<1x128xi32, #tpu.memory_space<vmem>>
      %dma_start3A_519 = tpu.memref_squeeze %dma_start3A_518 : memref<1x128xi32, #tpu.memory_space<vmem>> -> memref<128xi32, #tpu.memory_space<vmem>>
      %dma_start3A_520 = arith.constant 0 : i32
      %dma_start3A_521 = arith.constant 0 : i32
      %dma_start3A_522 = tpu.memref_slice %arg11[%dma_start3A_520, %dma_start3A_521] : memref<8320x128xf32, #tpu.memory_space<vmem_shared>> -> memref<8320x128xf32, #tpu.memory_space<vmem_shared>>
      tpu.enqueue_indirect_dma source(%arg8 : memref<128x128xf32, #tpu.memory_space<vmem>>) target(%dma_start3A_522 : memref<8320x128xf32, #tpu.memory_space<vmem_shared>>) offsets(%dma_start3A_519 : memref<128xi32, #tpu.memory_space<vmem>>) semaphore(%run_scoped3A_516 : memref<!tpu.dma_semaphore, #tpu.memory_space<semaphore_mem>>) {add = true}
      %dma_wait3A_523 = arith.constant 0 : i32
      %dma_wait3A_524 = tpu.memref_slice %arg7[%run_scoped3A, %dma_wait3A_523] : memref<32x128xi32, #tpu.memory_space<vmem>> -> memref<1x128xi32, #tpu.memory_space<vmem>>
      %dma_wait3A_525 = tpu.memref_squeeze %dma_wait3A_524 : memref<1x128xi32, #tpu.memory_space<vmem>> -> memref<128xi32, #tpu.memory_space<vmem>>
      %dma_wait3A_526 = arith.constant 0 : i32
      %dma_wait3A_527 = arith.constant 0 : i32
      %dma_wait3A_528 = tpu.memref_slice %arg11[%dma_wait3A_526, %dma_wait3A_527] : memref<8320x128xf32, #tpu.memory_space<vmem_shared>> -> memref<8320x128xf32, #tpu.memory_space<vmem_shared>>
      tpu.wait_indirect_dma semaphore(%run_scoped3A_516 : memref<!tpu.dma_semaphore, #tpu.memory_space<semaphore_mem>>) src(%arg8 : memref<128x128xf32, #tpu.memory_space<vmem>>) dst(%dma_wait3A_528 : memref<8320x128xf32, #tpu.memory_space<vmem_shared>>)
      tpu.yield
    }) : () -> ()
    %dma_start3A_59 = arith.constant 3 : i32
    %dma_start3A_60 = arith.constant 0 : i32
    %dma_start3A_61 = tpu.memref_slice %arg6[%dma_start3A_59, %dma_start3A_60] : memref<32x128xi32, #tpu.memory_space<vmem>> -> memref<1x128xi32, #tpu.memory_space<vmem>>
    %dma_start3A_62 = tpu.memref_squeeze %dma_start3A_61 : memref<1x128xi32, #tpu.memory_space<vmem>> -> memref<128xi32, #tpu.memory_space<vmem>>
    %dma_start3A_63 = arith.constant 0 : i32
    %dma_start3A_64 = arith.constant 0 : i32
    %dma_start3A_65 = tpu.memref_slice %arg2[%dma_start3A_63, %dma_start3A_64] : memref<16384x128xf32, #tpu.memory_space<hbm>> -> memref<16384x128xf32, #tpu.memory_space<hbm>>
    tpu.enqueue_indirect_dma source(%dma_start3A_65 : memref<16384x128xf32, #tpu.memory_space<hbm>>) target(%arg8 : memref<128x128xf32, #tpu.memory_space<vmem>>) offsets(%dma_start3A_62 : memref<128xi32, #tpu.memory_space<vmem>>) semaphore(%arg12 : memref<!tpu.dma_semaphore, #tpu.memory_space<semaphore_mem>>)
    %dma_wait3A_66 = arith.constant 1 : i32
    %dma_wait3A_67 = arith.constant 0 : i32
    %dma_wait3A_68 = tpu.memref_slice %arg6[%dma_wait3A_66, %dma_wait3A_67] : memref<32x128xi32, #tpu.memory_space<vmem>> -> memref<1x128xi32, #tpu.memory_space<vmem>>
    %dma_wait3A_69 = tpu.memref_squeeze %dma_wait3A_68 : memref<1x128xi32, #tpu.memory_space<vmem>> -> memref<128xi32, #tpu.memory_space<vmem>>
    %dma_wait3A_70 = arith.constant 0 : i32
    %dma_wait3A_71 = arith.constant 0 : i32
    %dma_wait3A_72 = tpu.memref_slice %arg2[%dma_wait3A_70, %dma_wait3A_71] : memref<16384x128xf32, #tpu.memory_space<hbm>> -> memref<16384x128xf32, #tpu.memory_space<hbm>>
    tpu.wait_indirect_dma semaphore(%arg13 : memref<!tpu.dma_semaphore, #tpu.memory_space<semaphore_mem>>) src(%dma_wait3A_72 : memref<16384x128xf32, #tpu.memory_space<hbm>>) dst(%arg9 : memref<128x128xf32, #tpu.memory_space<vmem>>)
    %run_scoped3A_73 = arith.constant 1 : i32
    "tpu.region"() ({
      %run_scoped3A_516 = tpu.sem_alloc : memref<!tpu.dma_semaphore, #tpu.memory_space<semaphore_mem>>
      %dma_start3A_517 = arith.constant 0 : i32
      %dma_start3A_518 = tpu.memref_slice %arg7[%run_scoped3A_73, %dma_start3A_517] : memref<32x128xi32, #tpu.memory_space<vmem>> -> memref<1x128xi32, #tpu.memory_space<vmem>>
      %dma_start3A_519 = tpu.memref_squeeze %dma_start3A_518 : memref<1x128xi32, #tpu.memory_space<vmem>> -> memref<128xi32, #tpu.memory_space<vmem>>
      %dma_start3A_520 = arith.constant 0 : i32
      %dma_start3A_521 = arith.constant 0 : i32
      %dma_start3A_522 = tpu.memref_slice %arg11[%dma_start3A_520, %dma_start3A_521] : memref<8320x128xf32, #tpu.memory_space<vmem_shared>> -> memref<8320x128xf32, #tpu.memory_space<vmem_shared>>
      tpu.enqueue_indirect_dma source(%arg9 : memref<128x128xf32, #tpu.memory_space<vmem>>) target(%dma_start3A_522 : memref<8320x128xf32, #tpu.memory_space<vmem_shared>>) offsets(%dma_start3A_519 : memref<128xi32, #tpu.memory_space<vmem>>) semaphore(%run_scoped3A_516 : memref<!tpu.dma_semaphore, #tpu.memory_space<semaphore_mem>>) {add = true}
      %dma_wait3A_523 = arith.constant 0 : i32
      %dma_wait3A_524 = tpu.memref_slice %arg7[%run_scoped3A_73, %dma_wait3A_523] : memref<32x128xi32, #tpu.memory_space<vmem>> -> memref<1x128xi32, #tpu.memory_space<vmem>>
      %dma_wait3A_525 = tpu.memref_squeeze %dma_wait3A_524 : memref<1x128xi32, #tpu.memory_space<vmem>> -> memref<128xi32, #tpu.memory_space<vmem>>
      %dma_wait3A_526 = arith.constant 0 : i32
      %dma_wait3A_527 = arith.constant 0 : i32
      %dma_wait3A_528 = tpu.memref_slice %arg11[%dma_wait3A_526, %dma_wait3A_527] : memref<8320x128xf32, #tpu.memory_space<vmem_shared>> -> memref<8320x128xf32, #tpu.memory_space<vmem_shared>>
      tpu.wait_indirect_dma semaphore(%run_scoped3A_516 : memref<!tpu.dma_semaphore, #tpu.memory_space<semaphore_mem>>) src(%arg9 : memref<128x128xf32, #tpu.memory_space<vmem>>) dst(%dma_wait3A_528 : memref<8320x128xf32, #tpu.memory_space<vmem_shared>>)
      tpu.yield
    }) : () -> ()
    %dma_start3A_74 = arith.constant 4 : i32
    %dma_start3A_75 = arith.constant 0 : i32
    %dma_start3A_76 = tpu.memref_slice %arg6[%dma_start3A_74, %dma_start3A_75] : memref<32x128xi32, #tpu.memory_space<vmem>> -> memref<1x128xi32, #tpu.memory_space<vmem>>
    %dma_start3A_77 = tpu.memref_squeeze %dma_start3A_76 : memref<1x128xi32, #tpu.memory_space<vmem>> -> memref<128xi32, #tpu.memory_space<vmem>>
    %dma_start3A_78 = arith.constant 0 : i32
    %dma_start3A_79 = arith.constant 0 : i32
    %dma_start3A_80 = tpu.memref_slice %arg2[%dma_start3A_78, %dma_start3A_79] : memref<16384x128xf32, #tpu.memory_space<hbm>> -> memref<16384x128xf32, #tpu.memory_space<hbm>>
    tpu.enqueue_indirect_dma source(%dma_start3A_80 : memref<16384x128xf32, #tpu.memory_space<hbm>>) target(%arg9 : memref<128x128xf32, #tpu.memory_space<vmem>>) offsets(%dma_start3A_77 : memref<128xi32, #tpu.memory_space<vmem>>) semaphore(%arg13 : memref<!tpu.dma_semaphore, #tpu.memory_space<semaphore_mem>>)
    %dma_wait3A_81 = arith.constant 2 : i32
    %dma_wait3A_82 = arith.constant 0 : i32
    %dma_wait3A_83 = tpu.memref_slice %arg6[%dma_wait3A_81, %dma_wait3A_82] : memref<32x128xi32, #tpu.memory_space<vmem>> -> memref<1x128xi32, #tpu.memory_space<vmem>>
    %dma_wait3A_84 = tpu.memref_squeeze %dma_wait3A_83 : memref<1x128xi32, #tpu.memory_space<vmem>> -> memref<128xi32, #tpu.memory_space<vmem>>
    %dma_wait3A_85 = arith.constant 0 : i32
    %dma_wait3A_86 = arith.constant 0 : i32
    %dma_wait3A_87 = tpu.memref_slice %arg2[%dma_wait3A_85, %dma_wait3A_86] : memref<16384x128xf32, #tpu.memory_space<hbm>> -> memref<16384x128xf32, #tpu.memory_space<hbm>>
    tpu.wait_indirect_dma semaphore(%arg14 : memref<!tpu.dma_semaphore, #tpu.memory_space<semaphore_mem>>) src(%dma_wait3A_87 : memref<16384x128xf32, #tpu.memory_space<hbm>>) dst(%arg10 : memref<128x128xf32, #tpu.memory_space<vmem>>)
    %run_scoped3A_88 = arith.constant 2 : i32
    "tpu.region"() ({
      %run_scoped3A_516 = tpu.sem_alloc : memref<!tpu.dma_semaphore, #tpu.memory_space<semaphore_mem>>
      %dma_start3A_517 = arith.constant 0 : i32
      %dma_start3A_518 = tpu.memref_slice %arg7[%run_scoped3A_88, %dma_start3A_517] : memref<32x128xi32, #tpu.memory_space<vmem>> -> memref<1x128xi32, #tpu.memory_space<vmem>>
      %dma_start3A_519 = tpu.memref_squeeze %dma_start3A_518 : memref<1x128xi32, #tpu.memory_space<vmem>> -> memref<128xi32, #tpu.memory_space<vmem>>
      %dma_start3A_520 = arith.constant 0 : i32
      %dma_start3A_521 = arith.constant 0 : i32
      %dma_start3A_522 = tpu.memref_slice %arg11[%dma_start3A_520, %dma_start3A_521] : memref<8320x128xf32, #tpu.memory_space<vmem_shared>> -> memref<8320x128xf32, #tpu.memory_space<vmem_shared>>
      tpu.enqueue_indirect_dma source(%arg10 : memref<128x128xf32, #tpu.memory_space<vmem>>) target(%dma_start3A_522 : memref<8320x128xf32, #tpu.memory_space<vmem_shared>>) offsets(%dma_start3A_519 : memref<128xi32, #tpu.memory_space<vmem>>) semaphore(%run_scoped3A_516 : memref<!tpu.dma_semaphore, #tpu.memory_space<semaphore_mem>>) {add = true}
      %dma_wait3A_523 = arith.constant 0 : i32
      %dma_wait3A_524 = tpu.memref_slice %arg7[%run_scoped3A_88, %dma_wait3A_523] : memref<32x128xi32, #tpu.memory_space<vmem>> -> memref<1x128xi32, #tpu.memory_space<vmem>>
      %dma_wait3A_525 = tpu.memref_squeeze %dma_wait3A_524 : memref<1x128xi32, #tpu.memory_space<vmem>> -> memref<128xi32, #tpu.memory_space<vmem>>
      %dma_wait3A_526 = arith.constant 0 : i32
      %dma_wait3A_527 = arith.constant 0 : i32
      %dma_wait3A_528 = tpu.memref_slice %arg11[%dma_wait3A_526, %dma_wait3A_527] : memref<8320x128xf32, #tpu.memory_space<vmem_shared>> -> memref<8320x128xf32, #tpu.memory_space<vmem_shared>>
      tpu.wait_indirect_dma semaphore(%run_scoped3A_516 : memref<!tpu.dma_semaphore, #tpu.memory_space<semaphore_mem>>) src(%arg10 : memref<128x128xf32, #tpu.memory_space<vmem>>) dst(%dma_wait3A_528 : memref<8320x128xf32, #tpu.memory_space<vmem_shared>>)
      tpu.yield
    }) : () -> ()
    %dma_start3A_89 = arith.constant 5 : i32
    %dma_start3A_90 = arith.constant 0 : i32
    %dma_start3A_91 = tpu.memref_slice %arg6[%dma_start3A_89, %dma_start3A_90] : memref<32x128xi32, #tpu.memory_space<vmem>> -> memref<1x128xi32, #tpu.memory_space<vmem>>
    %dma_start3A_92 = tpu.memref_squeeze %dma_start3A_91 : memref<1x128xi32, #tpu.memory_space<vmem>> -> memref<128xi32, #tpu.memory_space<vmem>>
    %dma_start3A_93 = arith.constant 0 : i32
    %dma_start3A_94 = arith.constant 0 : i32
    %dma_start3A_95 = tpu.memref_slice %arg2[%dma_start3A_93, %dma_start3A_94] : memref<16384x128xf32, #tpu.memory_space<hbm>> -> memref<16384x128xf32, #tpu.memory_space<hbm>>
    tpu.enqueue_indirect_dma source(%dma_start3A_95 : memref<16384x128xf32, #tpu.memory_space<hbm>>) target(%arg10 : memref<128x128xf32, #tpu.memory_space<vmem>>) offsets(%dma_start3A_92 : memref<128xi32, #tpu.memory_space<vmem>>) semaphore(%arg14 : memref<!tpu.dma_semaphore, #tpu.memory_space<semaphore_mem>>)
    %dma_wait3A_96 = arith.constant 3 : i32
    %dma_wait3A_97 = arith.constant 0 : i32
    %dma_wait3A_98 = tpu.memref_slice %arg6[%dma_wait3A_96, %dma_wait3A_97] : memref<32x128xi32, #tpu.memory_space<vmem>> -> memref<1x128xi32, #tpu.memory_space<vmem>>
    %dma_wait3A_99 = tpu.memref_squeeze %dma_wait3A_98 : memref<1x128xi32, #tpu.memory_space<vmem>> -> memref<128xi32, #tpu.memory_space<vmem>>
    %dma_wait3A_100 = arith.constant 0 : i32
    %dma_wait3A_101 = arith.constant 0 : i32
    %dma_wait3A_102 = tpu.memref_slice %arg2[%dma_wait3A_100, %dma_wait3A_101] : memref<16384x128xf32, #tpu.memory_space<hbm>> -> memref<16384x128xf32, #tpu.memory_space<hbm>>
    tpu.wait_indirect_dma semaphore(%arg12 : memref<!tpu.dma_semaphore, #tpu.memory_space<semaphore_mem>>) src(%dma_wait3A_102 : memref<16384x128xf32, #tpu.memory_space<hbm>>) dst(%arg8 : memref<128x128xf32, #tpu.memory_space<vmem>>)
    %run_scoped3A_103 = arith.constant 3 : i32
    "tpu.region"() ({
      %run_scoped3A_516 = tpu.sem_alloc : memref<!tpu.dma_semaphore, #tpu.memory_space<semaphore_mem>>
      %dma_start3A_517 = arith.constant 0 : i32
      %dma_start3A_518 = tpu.memref_slice %arg7[%run_scoped3A_103, %dma_start3A_517] : memref<32x128xi32, #tpu.memory_space<vmem>> -> memref<1x128xi32, #tpu.memory_space<vmem>>
      %dma_start3A_519 = tpu.memref_squeeze %dma_start3A_518 : memref<1x128xi32, #tpu.memory_space<vmem>> -> memref<128xi32, #tpu.memory_space<vmem>>
      %dma_start3A_520 = arith.constant 0 : i32
      %dma_start3A_521 = arith.constant 0 : i32
      %dma_start3A_522 = tpu.memref_slice %arg11[%dma_start3A_520, %dma_start3A_521] : memref<8320x128xf32, #tpu.memory_space<vmem_shared>> -> memref<8320x128xf32, #tpu.memory_space<vmem_shared>>
      tpu.enqueue_indirect_dma source(%arg8 : memref<128x128xf32, #tpu.memory_space<vmem>>) target(%dma_start3A_522 : memref<8320x128xf32, #tpu.memory_space<vmem_shared>>) offsets(%dma_start3A_519 : memref<128xi32, #tpu.memory_space<vmem>>) semaphore(%run_scoped3A_516 : memref<!tpu.dma_semaphore, #tpu.memory_space<semaphore_mem>>) {add = true}
      %dma_wait3A_523 = arith.constant 0 : i32
      %dma_wait3A_524 = tpu.memref_slice %arg7[%run_scoped3A_103, %dma_wait3A_523] : memref<32x128xi32, #tpu.memory_space<vmem>> -> memref<1x128xi32, #tpu.memory_space<vmem>>
      %dma_wait3A_525 = tpu.memref_squeeze %dma_wait3A_524 : memref<1x128xi32, #tpu.memory_space<vmem>> -> memref<128xi32, #tpu.memory_space<vmem>>
      %dma_wait3A_526 = arith.constant 0 : i32
      %dma_wait3A_527 = arith.constant 0 : i32
      %dma_wait3A_528 = tpu.memref_slice %arg11[%dma_wait3A_526, %dma_wait3A_527] : memref<8320x128xf32, #tpu.memory_space<vmem_shared>> -> memref<8320x128xf32, #tpu.memory_space<vmem_shared>>
      tpu.wait_indirect_dma semaphore(%run_scoped3A_516 : memref<!tpu.dma_semaphore, #tpu.memory_space<semaphore_mem>>) src(%arg8 : memref<128x128xf32, #tpu.memory_space<vmem>>) dst(%dma_wait3A_528 : memref<8320x128xf32, #tpu.memory_space<vmem_shared>>)
      tpu.yield
    }) : () -> ()
    %dma_start3A_104 = arith.constant 6 : i32
    %dma_start3A_105 = arith.constant 0 : i32
    %dma_start3A_106 = tpu.memref_slice %arg6[%dma_start3A_104, %dma_start3A_105] : memref<32x128xi32, #tpu.memory_space<vmem>> -> memref<1x128xi32, #tpu.memory_space<vmem>>
    %dma_start3A_107 = tpu.memref_squeeze %dma_start3A_106 : memref<1x128xi32, #tpu.memory_space<vmem>> -> memref<128xi32, #tpu.memory_space<vmem>>
    %dma_start3A_108 = arith.constant 0 : i32
    %dma_start3A_109 = arith.constant 0 : i32
    %dma_start3A_110 = tpu.memref_slice %arg2[%dma_start3A_108, %dma_start3A_109] : memref<16384x128xf32, #tpu.memory_space<hbm>> -> memref<16384x128xf32, #tpu.memory_space<hbm>>
    tpu.enqueue_indirect_dma source(%dma_start3A_110 : memref<16384x128xf32, #tpu.memory_space<hbm>>) target(%arg8 : memref<128x128xf32, #tpu.memory_space<vmem>>) offsets(%dma_start3A_107 : memref<128xi32, #tpu.memory_space<vmem>>) semaphore(%arg12 : memref<!tpu.dma_semaphore, #tpu.memory_space<semaphore_mem>>)
    %dma_wait3A_111 = arith.constant 4 : i32
    %dma_wait3A_112 = arith.constant 0 : i32
    %dma_wait3A_113 = tpu.memref_slice %arg6[%dma_wait3A_111, %dma_wait3A_112] : memref<32x128xi32, #tpu.memory_space<vmem>> -> memref<1x128xi32, #tpu.memory_space<vmem>>
    %dma_wait3A_114 = tpu.memref_squeeze %dma_wait3A_113 : memref<1x128xi32, #tpu.memory_space<vmem>> -> memref<128xi32, #tpu.memory_space<vmem>>
    %dma_wait3A_115 = arith.constant 0 : i32
    %dma_wait3A_116 = arith.constant 0 : i32
    %dma_wait3A_117 = tpu.memref_slice %arg2[%dma_wait3A_115, %dma_wait3A_116] : memref<16384x128xf32, #tpu.memory_space<hbm>> -> memref<16384x128xf32, #tpu.memory_space<hbm>>
    tpu.wait_indirect_dma semaphore(%arg13 : memref<!tpu.dma_semaphore, #tpu.memory_space<semaphore_mem>>) src(%dma_wait3A_117 : memref<16384x128xf32, #tpu.memory_space<hbm>>) dst(%arg9 : memref<128x128xf32, #tpu.memory_space<vmem>>)
    %run_scoped3A_118 = arith.constant 4 : i32
    "tpu.region"() ({
      %run_scoped3A_516 = tpu.sem_alloc : memref<!tpu.dma_semaphore, #tpu.memory_space<semaphore_mem>>
      %dma_start3A_517 = arith.constant 0 : i32
      %dma_start3A_518 = tpu.memref_slice %arg7[%run_scoped3A_118, %dma_start3A_517] : memref<32x128xi32, #tpu.memory_space<vmem>> -> memref<1x128xi32, #tpu.memory_space<vmem>>
      %dma_start3A_519 = tpu.memref_squeeze %dma_start3A_518 : memref<1x128xi32, #tpu.memory_space<vmem>> -> memref<128xi32, #tpu.memory_space<vmem>>
      %dma_start3A_520 = arith.constant 0 : i32
      %dma_start3A_521 = arith.constant 0 : i32
      %dma_start3A_522 = tpu.memref_slice %arg11[%dma_start3A_520, %dma_start3A_521] : memref<8320x128xf32, #tpu.memory_space<vmem_shared>> -> memref<8320x128xf32, #tpu.memory_space<vmem_shared>>
      tpu.enqueue_indirect_dma source(%arg9 : memref<128x128xf32, #tpu.memory_space<vmem>>) target(%dma_start3A_522 : memref<8320x128xf32, #tpu.memory_space<vmem_shared>>) offsets(%dma_start3A_519 : memref<128xi32, #tpu.memory_space<vmem>>) semaphore(%run_scoped3A_516 : memref<!tpu.dma_semaphore, #tpu.memory_space<semaphore_mem>>) {add = true}
      %dma_wait3A_523 = arith.constant 0 : i32
      %dma_wait3A_524 = tpu.memref_slice %arg7[%run_scoped3A_118, %dma_wait3A_523] : memref<32x128xi32, #tpu.memory_space<vmem>> -> memref<1x128xi32, #tpu.memory_space<vmem>>
      %dma_wait3A_525 = tpu.memref_squeeze %dma_wait3A_524 : memref<1x128xi32, #tpu.memory_space<vmem>> -> memref<128xi32, #tpu.memory_space<vmem>>
      %dma_wait3A_526 = arith.constant 0 : i32
      %dma_wait3A_527 = arith.constant 0 : i32
      %dma_wait3A_528 = tpu.memref_slice %arg11[%dma_wait3A_526, %dma_wait3A_527] : memref<8320x128xf32, #tpu.memory_space<vmem_shared>> -> memref<8320x128xf32, #tpu.memory_space<vmem_shared>>
      tpu.wait_indirect_dma semaphore(%run_scoped3A_516 : memref<!tpu.dma_semaphore, #tpu.memory_space<semaphore_mem>>) src(%arg9 : memref<128x128xf32, #tpu.memory_space<vmem>>) dst(%dma_wait3A_528 : memref<8320x128xf32, #tpu.memory_space<vmem_shared>>)
      tpu.yield
    }) : () -> ()
    %dma_start3A_119 = arith.constant 7 : i32
    %dma_start3A_120 = arith.constant 0 : i32
    %dma_start3A_121 = tpu.memref_slice %arg6[%dma_start3A_119, %dma_start3A_120] : memref<32x128xi32, #tpu.memory_space<vmem>> -> memref<1x128xi32, #tpu.memory_space<vmem>>
    %dma_start3A_122 = tpu.memref_squeeze %dma_start3A_121 : memref<1x128xi32, #tpu.memory_space<vmem>> -> memref<128xi32, #tpu.memory_space<vmem>>
    %dma_start3A_123 = arith.constant 0 : i32
    %dma_start3A_124 = arith.constant 0 : i32
    %dma_start3A_125 = tpu.memref_slice %arg2[%dma_start3A_123, %dma_start3A_124] : memref<16384x128xf32, #tpu.memory_space<hbm>> -> memref<16384x128xf32, #tpu.memory_space<hbm>>
    tpu.enqueue_indirect_dma source(%dma_start3A_125 : memref<16384x128xf32, #tpu.memory_space<hbm>>) target(%arg9 : memref<128x128xf32, #tpu.memory_space<vmem>>) offsets(%dma_start3A_122 : memref<128xi32, #tpu.memory_space<vmem>>) semaphore(%arg13 : memref<!tpu.dma_semaphore, #tpu.memory_space<semaphore_mem>>)
    %dma_wait3A_126 = arith.constant 5 : i32
    %dma_wait3A_127 = arith.constant 0 : i32
    %dma_wait3A_128 = tpu.memref_slice %arg6[%dma_wait3A_126, %dma_wait3A_127] : memref<32x128xi32, #tpu.memory_space<vmem>> -> memref<1x128xi32, #tpu.memory_space<vmem>>
    %dma_wait3A_129 = tpu.memref_squeeze %dma_wait3A_128 : memref<1x128xi32, #tpu.memory_space<vmem>> -> memref<128xi32, #tpu.memory_space<vmem>>
    %dma_wait3A_130 = arith.constant 0 : i32
    %dma_wait3A_131 = arith.constant 0 : i32
    %dma_wait3A_132 = tpu.memref_slice %arg2[%dma_wait3A_130, %dma_wait3A_131] : memref<16384x128xf32, #tpu.memory_space<hbm>> -> memref<16384x128xf32, #tpu.memory_space<hbm>>
    tpu.wait_indirect_dma semaphore(%arg14 : memref<!tpu.dma_semaphore, #tpu.memory_space<semaphore_mem>>) src(%dma_wait3A_132 : memref<16384x128xf32, #tpu.memory_space<hbm>>) dst(%arg10 : memref<128x128xf32, #tpu.memory_space<vmem>>)
    %run_scoped3A_133 = arith.constant 5 : i32
    "tpu.region"() ({
      %run_scoped3A_516 = tpu.sem_alloc : memref<!tpu.dma_semaphore, #tpu.memory_space<semaphore_mem>>
      %dma_start3A_517 = arith.constant 0 : i32
      %dma_start3A_518 = tpu.memref_slice %arg7[%run_scoped3A_133, %dma_start3A_517] : memref<32x128xi32, #tpu.memory_space<vmem>> -> memref<1x128xi32, #tpu.memory_space<vmem>>
      %dma_start3A_519 = tpu.memref_squeeze %dma_start3A_518 : memref<1x128xi32, #tpu.memory_space<vmem>> -> memref<128xi32, #tpu.memory_space<vmem>>
      %dma_start3A_520 = arith.constant 0 : i32
      %dma_start3A_521 = arith.constant 0 : i32
      %dma_start3A_522 = tpu.memref_slice %arg11[%dma_start3A_520, %dma_start3A_521] : memref<8320x128xf32, #tpu.memory_space<vmem_shared>> -> memref<8320x128xf32, #tpu.memory_space<vmem_shared>>
      tpu.enqueue_indirect_dma source(%arg10 : memref<128x128xf32, #tpu.memory_space<vmem>>) target(%dma_start3A_522 : memref<8320x128xf32, #tpu.memory_space<vmem_shared>>) offsets(%dma_start3A_519 : memref<128xi32, #tpu.memory_space<vmem>>) semaphore(%run_scoped3A_516 : memref<!tpu.dma_semaphore, #tpu.memory_space<semaphore_mem>>) {add = true}
      %dma_wait3A_523 = arith.constant 0 : i32
      %dma_wait3A_524 = tpu.memref_slice %arg7[%run_scoped3A_133, %dma_wait3A_523] : memref<32x128xi32, #tpu.memory_space<vmem>> -> memref<1x128xi32, #tpu.memory_space<vmem>>
      %dma_wait3A_525 = tpu.memref_squeeze %dma_wait3A_524 : memref<1x128xi32, #tpu.memory_space<vmem>> -> memref<128xi32, #tpu.memory_space<vmem>>
      %dma_wait3A_526 = arith.constant 0 : i32
      %dma_wait3A_527 = arith.constant 0 : i32
      %dma_wait3A_528 = tpu.memref_slice %arg11[%dma_wait3A_526, %dma_wait3A_527] : memref<8320x128xf32, #tpu.memory_space<vmem_shared>> -> memref<8320x128xf32, #tpu.memory_space<vmem_shared>>
      tpu.wait_indirect_dma semaphore(%run_scoped3A_516 : memref<!tpu.dma_semaphore, #tpu.memory_space<semaphore_mem>>) src(%arg10 : memref<128x128xf32, #tpu.memory_space<vmem>>) dst(%dma_wait3A_528 : memref<8320x128xf32, #tpu.memory_space<vmem_shared>>)
      tpu.yield
    }) : () -> ()
    %dma_start3A_134 = arith.constant 8 : i32
    %dma_start3A_135 = arith.constant 0 : i32
    %dma_start3A_136 = tpu.memref_slice %arg6[%dma_start3A_134, %dma_start3A_135] : memref<32x128xi32, #tpu.memory_space<vmem>> -> memref<1x128xi32, #tpu.memory_space<vmem>>
    %dma_start3A_137 = tpu.memref_squeeze %dma_start3A_136 : memref<1x128xi32, #tpu.memory_space<vmem>> -> memref<128xi32, #tpu.memory_space<vmem>>
    %dma_start3A_138 = arith.constant 0 : i32
    %dma_start3A_139 = arith.constant 0 : i32
    %dma_start3A_140 = tpu.memref_slice %arg2[%dma_start3A_138, %dma_start3A_139] : memref<16384x128xf32, #tpu.memory_space<hbm>> -> memref<16384x128xf32, #tpu.memory_space<hbm>>
    tpu.enqueue_indirect_dma source(%dma_start3A_140 : memref<16384x128xf32, #tpu.memory_space<hbm>>) target(%arg10 : memref<128x128xf32, #tpu.memory_space<vmem>>) offsets(%dma_start3A_137 : memref<128xi32, #tpu.memory_space<vmem>>) semaphore(%arg14 : memref<!tpu.dma_semaphore, #tpu.memory_space<semaphore_mem>>)
    %dma_wait3A_141 = arith.constant 6 : i32
    %dma_wait3A_142 = arith.constant 0 : i32
    %dma_wait3A_143 = tpu.memref_slice %arg6[%dma_wait3A_141, %dma_wait3A_142] : memref<32x128xi32, #tpu.memory_space<vmem>> -> memref<1x128xi32, #tpu.memory_space<vmem>>
    %dma_wait3A_144 = tpu.memref_squeeze %dma_wait3A_143 : memref<1x128xi32, #tpu.memory_space<vmem>> -> memref<128xi32, #tpu.memory_space<vmem>>
    %dma_wait3A_145 = arith.constant 0 : i32
    %dma_wait3A_146 = arith.constant 0 : i32
    %dma_wait3A_147 = tpu.memref_slice %arg2[%dma_wait3A_145, %dma_wait3A_146] : memref<16384x128xf32, #tpu.memory_space<hbm>> -> memref<16384x128xf32, #tpu.memory_space<hbm>>
    tpu.wait_indirect_dma semaphore(%arg12 : memref<!tpu.dma_semaphore, #tpu.memory_space<semaphore_mem>>) src(%dma_wait3A_147 : memref<16384x128xf32, #tpu.memory_space<hbm>>) dst(%arg8 : memref<128x128xf32, #tpu.memory_space<vmem>>)
    %run_scoped3A_148 = arith.constant 6 : i32
    "tpu.region"() ({
      %run_scoped3A_516 = tpu.sem_alloc : memref<!tpu.dma_semaphore, #tpu.memory_space<semaphore_mem>>
      %dma_start3A_517 = arith.constant 0 : i32
      %dma_start3A_518 = tpu.memref_slice %arg7[%run_scoped3A_148, %dma_start3A_517] : memref<32x128xi32, #tpu.memory_space<vmem>> -> memref<1x128xi32, #tpu.memory_space<vmem>>
      %dma_start3A_519 = tpu.memref_squeeze %dma_start3A_518 : memref<1x128xi32, #tpu.memory_space<vmem>> -> memref<128xi32, #tpu.memory_space<vmem>>
      %dma_start3A_520 = arith.constant 0 : i32
      %dma_start3A_521 = arith.constant 0 : i32
      %dma_start3A_522 = tpu.memref_slice %arg11[%dma_start3A_520, %dma_start3A_521] : memref<8320x128xf32, #tpu.memory_space<vmem_shared>> -> memref<8320x128xf32, #tpu.memory_space<vmem_shared>>
      tpu.enqueue_indirect_dma source(%arg8 : memref<128x128xf32, #tpu.memory_space<vmem>>) target(%dma_start3A_522 : memref<8320x128xf32, #tpu.memory_space<vmem_shared>>) offsets(%dma_start3A_519 : memref<128xi32, #tpu.memory_space<vmem>>) semaphore(%run_scoped3A_516 : memref<!tpu.dma_semaphore, #tpu.memory_space<semaphore_mem>>) {add = true}
      %dma_wait3A_523 = arith.constant 0 : i32
      %dma_wait3A_524 = tpu.memref_slice %arg7[%run_scoped3A_148, %dma_wait3A_523] : memref<32x128xi32, #tpu.memory_space<vmem>> -> memref<1x128xi32, #tpu.memory_space<vmem>>
      %dma_wait3A_525 = tpu.memref_squeeze %dma_wait3A_524 : memref<1x128xi32, #tpu.memory_space<vmem>> -> memref<128xi32, #tpu.memory_space<vmem>>
      %dma_wait3A_526 = arith.constant 0 : i32
      %dma_wait3A_527 = arith.constant 0 : i32
      %dma_wait3A_528 = tpu.memref_slice %arg11[%dma_wait3A_526, %dma_wait3A_527] : memref<8320x128xf32, #tpu.memory_space<vmem_shared>> -> memref<8320x128xf32, #tpu.memory_space<vmem_shared>>
      tpu.wait_indirect_dma semaphore(%run_scoped3A_516 : memref<!tpu.dma_semaphore, #tpu.memory_space<semaphore_mem>>) src(%arg8 : memref<128x128xf32, #tpu.memory_space<vmem>>) dst(%dma_wait3A_528 : memref<8320x128xf32, #tpu.memory_space<vmem_shared>>)
      tpu.yield
    }) : () -> ()
    %dma_start3A_149 = arith.constant 9 : i32
    %dma_start3A_150 = arith.constant 0 : i32
    %dma_start3A_151 = tpu.memref_slice %arg6[%dma_start3A_149, %dma_start3A_150] : memref<32x128xi32, #tpu.memory_space<vmem>> -> memref<1x128xi32, #tpu.memory_space<vmem>>
    %dma_start3A_152 = tpu.memref_squeeze %dma_start3A_151 : memref<1x128xi32, #tpu.memory_space<vmem>> -> memref<128xi32, #tpu.memory_space<vmem>>
    %dma_start3A_153 = arith.constant 0 : i32
    %dma_start3A_154 = arith.constant 0 : i32
    %dma_start3A_155 = tpu.memref_slice %arg2[%dma_start3A_153, %dma_start3A_154] : memref<16384x128xf32, #tpu.memory_space<hbm>> -> memref<16384x128xf32, #tpu.memory_space<hbm>>
    tpu.enqueue_indirect_dma source(%dma_start3A_155 : memref<16384x128xf32, #tpu.memory_space<hbm>>) target(%arg8 : memref<128x128xf32, #tpu.memory_space<vmem>>) offsets(%dma_start3A_152 : memref<128xi32, #tpu.memory_space<vmem>>) semaphore(%arg12 : memref<!tpu.dma_semaphore, #tpu.memory_space<semaphore_mem>>)
    %dma_wait3A_156 = arith.constant 7 : i32
    %dma_wait3A_157 = arith.constant 0 : i32
    %dma_wait3A_158 = tpu.memref_slice %arg6[%dma_wait3A_156, %dma_wait3A_157] : memref<32x128xi32, #tpu.memory_space<vmem>> -> memref<1x128xi32, #tpu.memory_space<vmem>>
    %dma_wait3A_159 = tpu.memref_squeeze %dma_wait3A_158 : memref<1x128xi32, #tpu.memory_space<vmem>> -> memref<128xi32, #tpu.memory_space<vmem>>
    %dma_wait3A_160 = arith.constant 0 : i32
    %dma_wait3A_161 = arith.constant 0 : i32
    %dma_wait3A_162 = tpu.memref_slice %arg2[%dma_wait3A_160, %dma_wait3A_161] : memref<16384x128xf32, #tpu.memory_space<hbm>> -> memref<16384x128xf32, #tpu.memory_space<hbm>>
    tpu.wait_indirect_dma semaphore(%arg13 : memref<!tpu.dma_semaphore, #tpu.memory_space<semaphore_mem>>) src(%dma_wait3A_162 : memref<16384x128xf32, #tpu.memory_space<hbm>>) dst(%arg9 : memref<128x128xf32, #tpu.memory_space<vmem>>)
    %run_scoped3A_163 = arith.constant 7 : i32
    "tpu.region"() ({
      %run_scoped3A_516 = tpu.sem_alloc : memref<!tpu.dma_semaphore, #tpu.memory_space<semaphore_mem>>
      %dma_start3A_517 = arith.constant 0 : i32
      %dma_start3A_518 = tpu.memref_slice %arg7[%run_scoped3A_163, %dma_start3A_517] : memref<32x128xi32, #tpu.memory_space<vmem>> -> memref<1x128xi32, #tpu.memory_space<vmem>>
      %dma_start3A_519 = tpu.memref_squeeze %dma_start3A_518 : memref<1x128xi32, #tpu.memory_space<vmem>> -> memref<128xi32, #tpu.memory_space<vmem>>
      %dma_start3A_520 = arith.constant 0 : i32
      %dma_start3A_521 = arith.constant 0 : i32
      %dma_start3A_522 = tpu.memref_slice %arg11[%dma_start3A_520, %dma_start3A_521] : memref<8320x128xf32, #tpu.memory_space<vmem_shared>> -> memref<8320x128xf32, #tpu.memory_space<vmem_shared>>
      tpu.enqueue_indirect_dma source(%arg9 : memref<128x128xf32, #tpu.memory_space<vmem>>) target(%dma_start3A_522 : memref<8320x128xf32, #tpu.memory_space<vmem_shared>>) offsets(%dma_start3A_519 : memref<128xi32, #tpu.memory_space<vmem>>) semaphore(%run_scoped3A_516 : memref<!tpu.dma_semaphore, #tpu.memory_space<semaphore_mem>>) {add = true}
      %dma_wait3A_523 = arith.constant 0 : i32
      %dma_wait3A_524 = tpu.memref_slice %arg7[%run_scoped3A_163, %dma_wait3A_523] : memref<32x128xi32, #tpu.memory_space<vmem>> -> memref<1x128xi32, #tpu.memory_space<vmem>>
      %dma_wait3A_525 = tpu.memref_squeeze %dma_wait3A_524 : memref<1x128xi32, #tpu.memory_space<vmem>> -> memref<128xi32, #tpu.memory_space<vmem>>
      %dma_wait3A_526 = arith.constant 0 : i32
      %dma_wait3A_527 = arith.constant 0 : i32
      %dma_wait3A_528 = tpu.memref_slice %arg11[%dma_wait3A_526, %dma_wait3A_527] : memref<8320x128xf32, #tpu.memory_space<vmem_shared>> -> memref<8320x128xf32, #tpu.memory_space<vmem_shared>>
      tpu.wait_indirect_dma semaphore(%run_scoped3A_516 : memref<!tpu.dma_semaphore, #tpu.memory_space<semaphore_mem>>) src(%arg9 : memref<128x128xf32, #tpu.memory_space<vmem>>) dst(%dma_wait3A_528 : memref<8320x128xf32, #tpu.memory_space<vmem_shared>>)
      tpu.yield
    }) : () -> ()
    %dma_start3A_164 = arith.constant 10 : i32
    %dma_start3A_165 = arith.constant 0 : i32
    %dma_start3A_166 = tpu.memref_slice %arg6[%dma_start3A_164, %dma_start3A_165] : memref<32x128xi32, #tpu.memory_space<vmem>> -> memref<1x128xi32, #tpu.memory_space<vmem>>
    %dma_start3A_167 = tpu.memref_squeeze %dma_start3A_166 : memref<1x128xi32, #tpu.memory_space<vmem>> -> memref<128xi32, #tpu.memory_space<vmem>>
    %dma_start3A_168 = arith.constant 0 : i32
    %dma_start3A_169 = arith.constant 0 : i32
    %dma_start3A_170 = tpu.memref_slice %arg2[%dma_start3A_168, %dma_start3A_169] : memref<16384x128xf32, #tpu.memory_space<hbm>> -> memref<16384x128xf32, #tpu.memory_space<hbm>>
    tpu.enqueue_indirect_dma source(%dma_start3A_170 : memref<16384x128xf32, #tpu.memory_space<hbm>>) target(%arg9 : memref<128x128xf32, #tpu.memory_space<vmem>>) offsets(%dma_start3A_167 : memref<128xi32, #tpu.memory_space<vmem>>) semaphore(%arg13 : memref<!tpu.dma_semaphore, #tpu.memory_space<semaphore_mem>>)
    %dma_wait3A_171 = arith.constant 8 : i32
    %dma_wait3A_172 = arith.constant 0 : i32
    %dma_wait3A_173 = tpu.memref_slice %arg6[%dma_wait3A_171, %dma_wait3A_172] : memref<32x128xi32, #tpu.memory_space<vmem>> -> memref<1x128xi32, #tpu.memory_space<vmem>>
    %dma_wait3A_174 = tpu.memref_squeeze %dma_wait3A_173 : memref<1x128xi32, #tpu.memory_space<vmem>> -> memref<128xi32, #tpu.memory_space<vmem>>
    %dma_wait3A_175 = arith.constant 0 : i32
    %dma_wait3A_176 = arith.constant 0 : i32
    %dma_wait3A_177 = tpu.memref_slice %arg2[%dma_wait3A_175, %dma_wait3A_176] : memref<16384x128xf32, #tpu.memory_space<hbm>> -> memref<16384x128xf32, #tpu.memory_space<hbm>>
    tpu.wait_indirect_dma semaphore(%arg14 : memref<!tpu.dma_semaphore, #tpu.memory_space<semaphore_mem>>) src(%dma_wait3A_177 : memref<16384x128xf32, #tpu.memory_space<hbm>>) dst(%arg10 : memref<128x128xf32, #tpu.memory_space<vmem>>)
    %run_scoped3A_178 = arith.constant 8 : i32
    "tpu.region"() ({
      %run_scoped3A_516 = tpu.sem_alloc : memref<!tpu.dma_semaphore, #tpu.memory_space<semaphore_mem>>
      %dma_start3A_517 = arith.constant 0 : i32
      %dma_start3A_518 = tpu.memref_slice %arg7[%run_scoped3A_178, %dma_start3A_517] : memref<32x128xi32, #tpu.memory_space<vmem>> -> memref<1x128xi32, #tpu.memory_space<vmem>>
      %dma_start3A_519 = tpu.memref_squeeze %dma_start3A_518 : memref<1x128xi32, #tpu.memory_space<vmem>> -> memref<128xi32, #tpu.memory_space<vmem>>
      %dma_start3A_520 = arith.constant 0 : i32
      %dma_start3A_521 = arith.constant 0 : i32
      %dma_start3A_522 = tpu.memref_slice %arg11[%dma_start3A_520, %dma_start3A_521] : memref<8320x128xf32, #tpu.memory_space<vmem_shared>> -> memref<8320x128xf32, #tpu.memory_space<vmem_shared>>
      tpu.enqueue_indirect_dma source(%arg10 : memref<128x128xf32, #tpu.memory_space<vmem>>) target(%dma_start3A_522 : memref<8320x128xf32, #tpu.memory_space<vmem_shared>>) offsets(%dma_start3A_519 : memref<128xi32, #tpu.memory_space<vmem>>) semaphore(%run_scoped3A_516 : memref<!tpu.dma_semaphore, #tpu.memory_space<semaphore_mem>>) {add = true}
      %dma_wait3A_523 = arith.constant 0 : i32
      %dma_wait3A_524 = tpu.memref_slice %arg7[%run_scoped3A_178, %dma_wait3A_523] : memref<32x128xi32, #tpu.memory_space<vmem>> -> memref<1x128xi32, #tpu.memory_space<vmem>>
      %dma_wait3A_525 = tpu.memref_squeeze %dma_wait3A_524 : memref<1x128xi32, #tpu.memory_space<vmem>> -> memref<128xi32, #tpu.memory_space<vmem>>
      %dma_wait3A_526 = arith.constant 0 : i32
      %dma_wait3A_527 = arith.constant 0 : i32
      %dma_wait3A_528 = tpu.memref_slice %arg11[%dma_wait3A_526, %dma_wait3A_527] : memref<8320x128xf32, #tpu.memory_space<vmem_shared>> -> memref<8320x128xf32, #tpu.memory_space<vmem_shared>>
      tpu.wait_indirect_dma semaphore(%run_scoped3A_516 : memref<!tpu.dma_semaphore, #tpu.memory_space<semaphore_mem>>) src(%arg10 : memref<128x128xf32, #tpu.memory_space<vmem>>) dst(%dma_wait3A_528 : memref<8320x128xf32, #tpu.memory_space<vmem_shared>>)
      tpu.yield
    }) : () -> ()
    %dma_start3A_179 = arith.constant 11 : i32
    %dma_start3A_180 = arith.constant 0 : i32
    %dma_start3A_181 = tpu.memref_slice %arg6[%dma_start3A_179, %dma_start3A_180] : memref<32x128xi32, #tpu.memory_space<vmem>> -> memref<1x128xi32, #tpu.memory_space<vmem>>
    %dma_start3A_182 = tpu.memref_squeeze %dma_start3A_181 : memref<1x128xi32, #tpu.memory_space<vmem>> -> memref<128xi32, #tpu.memory_space<vmem>>
    %dma_start3A_183 = arith.constant 0 : i32
    %dma_start3A_184 = arith.constant 0 : i32
    %dma_start3A_185 = tpu.memref_slice %arg2[%dma_start3A_183, %dma_start3A_184] : memref<16384x128xf32, #tpu.memory_space<hbm>> -> memref<16384x128xf32, #tpu.memory_space<hbm>>
    tpu.enqueue_indirect_dma source(%dma_start3A_185 : memref<16384x128xf32, #tpu.memory_space<hbm>>) target(%arg10 : memref<128x128xf32, #tpu.memory_space<vmem>>) offsets(%dma_start3A_182 : memref<128xi32, #tpu.memory_space<vmem>>) semaphore(%arg14 : memref<!tpu.dma_semaphore, #tpu.memory_space<semaphore_mem>>)
    %dma_wait3A_186 = arith.constant 9 : i32
    %dma_wait3A_187 = arith.constant 0 : i32
    %dma_wait3A_188 = tpu.memref_slice %arg6[%dma_wait3A_186, %dma_wait3A_187] : memref<32x128xi32, #tpu.memory_space<vmem>> -> memref<1x128xi32, #tpu.memory_space<vmem>>
    %dma_wait3A_189 = tpu.memref_squeeze %dma_wait3A_188 : memref<1x128xi32, #tpu.memory_space<vmem>> -> memref<128xi32, #tpu.memory_space<vmem>>
    %dma_wait3A_190 = arith.constant 0 : i32
    %dma_wait3A_191 = arith.constant 0 : i32
    %dma_wait3A_192 = tpu.memref_slice %arg2[%dma_wait3A_190, %dma_wait3A_191] : memref<16384x128xf32, #tpu.memory_space<hbm>> -> memref<16384x128xf32, #tpu.memory_space<hbm>>
    tpu.wait_indirect_dma semaphore(%arg12 : memref<!tpu.dma_semaphore, #tpu.memory_space<semaphore_mem>>) src(%dma_wait3A_192 : memref<16384x128xf32, #tpu.memory_space<hbm>>) dst(%arg8 : memref<128x128xf32, #tpu.memory_space<vmem>>)
    %run_scoped3A_193 = arith.constant 9 : i32
    "tpu.region"() ({
      %run_scoped3A_516 = tpu.sem_alloc : memref<!tpu.dma_semaphore, #tpu.memory_space<semaphore_mem>>
      %dma_start3A_517 = arith.constant 0 : i32
      %dma_start3A_518 = tpu.memref_slice %arg7[%run_scoped3A_193, %dma_start3A_517] : memref<32x128xi32, #tpu.memory_space<vmem>> -> memref<1x128xi32, #tpu.memory_space<vmem>>
      %dma_start3A_519 = tpu.memref_squeeze %dma_start3A_518 : memref<1x128xi32, #tpu.memory_space<vmem>> -> memref<128xi32, #tpu.memory_space<vmem>>
      %dma_start3A_520 = arith.constant 0 : i32
      %dma_start3A_521 = arith.constant 0 : i32
      %dma_start3A_522 = tpu.memref_slice %arg11[%dma_start3A_520, %dma_start3A_521] : memref<8320x128xf32, #tpu.memory_space<vmem_shared>> -> memref<8320x128xf32, #tpu.memory_space<vmem_shared>>
      tpu.enqueue_indirect_dma source(%arg8 : memref<128x128xf32, #tpu.memory_space<vmem>>) target(%dma_start3A_522 : memref<8320x128xf32, #tpu.memory_space<vmem_shared>>) offsets(%dma_start3A_519 : memref<128xi32, #tpu.memory_space<vmem>>) semaphore(%run_scoped3A_516 : memref<!tpu.dma_semaphore, #tpu.memory_space<semaphore_mem>>) {add = true}
      %dma_wait3A_523 = arith.constant 0 : i32
      %dma_wait3A_524 = tpu.memref_slice %arg7[%run_scoped3A_193, %dma_wait3A_523] : memref<32x128xi32, #tpu.memory_space<vmem>> -> memref<1x128xi32, #tpu.memory_space<vmem>>
      %dma_wait3A_525 = tpu.memref_squeeze %dma_wait3A_524 : memref<1x128xi32, #tpu.memory_space<vmem>> -> memref<128xi32, #tpu.memory_space<vmem>>
      %dma_wait3A_526 = arith.constant 0 : i32
      %dma_wait3A_527 = arith.constant 0 : i32
      %dma_wait3A_528 = tpu.memref_slice %arg11[%dma_wait3A_526, %dma_wait3A_527] : memref<8320x128xf32, #tpu.memory_space<vmem_shared>> -> memref<8320x128xf32, #tpu.memory_space<vmem_shared>>
      tpu.wait_indirect_dma semaphore(%run_scoped3A_516 : memref<!tpu.dma_semaphore, #tpu.memory_space<semaphore_mem>>) src(%arg8 : memref<128x128xf32, #tpu.memory_space<vmem>>) dst(%dma_wait3A_528 : memref<8320x128xf32, #tpu.memory_space<vmem_shared>>)
      tpu.yield
    }) : () -> ()
    %dma_start3A_194 = arith.constant 12 : i32
    %dma_start3A_195 = arith.constant 0 : i32
    %dma_start3A_196 = tpu.memref_slice %arg6[%dma_start3A_194, %dma_start3A_195] : memref<32x128xi32, #tpu.memory_space<vmem>> -> memref<1x128xi32, #tpu.memory_space<vmem>>
    %dma_start3A_197 = tpu.memref_squeeze %dma_start3A_196 : memref<1x128xi32, #tpu.memory_space<vmem>> -> memref<128xi32, #tpu.memory_space<vmem>>
    %dma_start3A_198 = arith.constant 0 : i32
    %dma_start3A_199 = arith.constant 0 : i32
    %dma_start3A_200 = tpu.memref_slice %arg2[%dma_start3A_198, %dma_start3A_199] : memref<16384x128xf32, #tpu.memory_space<hbm>> -> memref<16384x128xf32, #tpu.memory_space<hbm>>
    tpu.enqueue_indirect_dma source(%dma_start3A_200 : memref<16384x128xf32, #tpu.memory_space<hbm>>) target(%arg8 : memref<128x128xf32, #tpu.memory_space<vmem>>) offsets(%dma_start3A_197 : memref<128xi32, #tpu.memory_space<vmem>>) semaphore(%arg12 : memref<!tpu.dma_semaphore, #tpu.memory_space<semaphore_mem>>)
    %dma_wait3A_201 = arith.constant 10 : i32
    %dma_wait3A_202 = arith.constant 0 : i32
    %dma_wait3A_203 = tpu.memref_slice %arg6[%dma_wait3A_201, %dma_wait3A_202] : memref<32x128xi32, #tpu.memory_space<vmem>> -> memref<1x128xi32, #tpu.memory_space<vmem>>
    %dma_wait3A_204 = tpu.memref_squeeze %dma_wait3A_203 : memref<1x128xi32, #tpu.memory_space<vmem>> -> memref<128xi32, #tpu.memory_space<vmem>>
    %dma_wait3A_205 = arith.constant 0 : i32
    %dma_wait3A_206 = arith.constant 0 : i32
    %dma_wait3A_207 = tpu.memref_slice %arg2[%dma_wait3A_205, %dma_wait3A_206] : memref<16384x128xf32, #tpu.memory_space<hbm>> -> memref<16384x128xf32, #tpu.memory_space<hbm>>
    tpu.wait_indirect_dma semaphore(%arg13 : memref<!tpu.dma_semaphore, #tpu.memory_space<semaphore_mem>>) src(%dma_wait3A_207 : memref<16384x128xf32, #tpu.memory_space<hbm>>) dst(%arg9 : memref<128x128xf32, #tpu.memory_space<vmem>>)
    %run_scoped3A_208 = arith.constant 10 : i32
    "tpu.region"() ({
      %run_scoped3A_516 = tpu.sem_alloc : memref<!tpu.dma_semaphore, #tpu.memory_space<semaphore_mem>>
      %dma_start3A_517 = arith.constant 0 : i32
      %dma_start3A_518 = tpu.memref_slice %arg7[%run_scoped3A_208, %dma_start3A_517] : memref<32x128xi32, #tpu.memory_space<vmem>> -> memref<1x128xi32, #tpu.memory_space<vmem>>
      %dma_start3A_519 = tpu.memref_squeeze %dma_start3A_518 : memref<1x128xi32, #tpu.memory_space<vmem>> -> memref<128xi32, #tpu.memory_space<vmem>>
      %dma_start3A_520 = arith.constant 0 : i32
      %dma_start3A_521 = arith.constant 0 : i32
      %dma_start3A_522 = tpu.memref_slice %arg11[%dma_start3A_520, %dma_start3A_521] : memref<8320x128xf32, #tpu.memory_space<vmem_shared>> -> memref<8320x128xf32, #tpu.memory_space<vmem_shared>>
      tpu.enqueue_indirect_dma source(%arg9 : memref<128x128xf32, #tpu.memory_space<vmem>>) target(%dma_start3A_522 : memref<8320x128xf32, #tpu.memory_space<vmem_shared>>) offsets(%dma_start3A_519 : memref<128xi32, #tpu.memory_space<vmem>>) semaphore(%run_scoped3A_516 : memref<!tpu.dma_semaphore, #tpu.memory_space<semaphore_mem>>) {add = true}
      %dma_wait3A_523 = arith.constant 0 : i32
      %dma_wait3A_524 = tpu.memref_slice %arg7[%run_scoped3A_208, %dma_wait3A_523] : memref<32x128xi32, #tpu.memory_space<vmem>> -> memref<1x128xi32, #tpu.memory_space<vmem>>
      %dma_wait3A_525 = tpu.memref_squeeze %dma_wait3A_524 : memref<1x128xi32, #tpu.memory_space<vmem>> -> memref<128xi32, #tpu.memory_space<vmem>>
      %dma_wait3A_526 = arith.constant 0 : i32
      %dma_wait3A_527 = arith.constant 0 : i32
      %dma_wait3A_528 = tpu.memref_slice %arg11[%dma_wait3A_526, %dma_wait3A_527] : memref<8320x128xf32, #tpu.memory_space<vmem_shared>> -> memref<8320x128xf32, #tpu.memory_space<vmem_shared>>
      tpu.wait_indirect_dma semaphore(%run_scoped3A_516 : memref<!tpu.dma_semaphore, #tpu.memory_space<semaphore_mem>>) src(%arg9 : memref<128x128xf32, #tpu.memory_space<vmem>>) dst(%dma_wait3A_528 : memref<8320x128xf32, #tpu.memory_space<vmem_shared>>)
      tpu.yield
    }) : () -> ()
    %dma_start3A_209 = arith.constant 13 : i32
    %dma_start3A_210 = arith.constant 0 : i32
    %dma_start3A_211 = tpu.memref_slice %arg6[%dma_start3A_209, %dma_start3A_210] : memref<32x128xi32, #tpu.memory_space<vmem>> -> memref<1x128xi32, #tpu.memory_space<vmem>>
    %dma_start3A_212 = tpu.memref_squeeze %dma_start3A_211 : memref<1x128xi32, #tpu.memory_space<vmem>> -> memref<128xi32, #tpu.memory_space<vmem>>
    %dma_start3A_213 = arith.constant 0 : i32
    %dma_start3A_214 = arith.constant 0 : i32
    %dma_start3A_215 = tpu.memref_slice %arg2[%dma_start3A_213, %dma_start3A_214] : memref<16384x128xf32, #tpu.memory_space<hbm>> -> memref<16384x128xf32, #tpu.memory_space<hbm>>
    tpu.enqueue_indirect_dma source(%dma_start3A_215 : memref<16384x128xf32, #tpu.memory_space<hbm>>) target(%arg9 : memref<128x128xf32, #tpu.memory_space<vmem>>) offsets(%dma_start3A_212 : memref<128xi32, #tpu.memory_space<vmem>>) semaphore(%arg13 : memref<!tpu.dma_semaphore, #tpu.memory_space<semaphore_mem>>)
    %dma_wait3A_216 = arith.constant 11 : i32
    %dma_wait3A_217 = arith.constant 0 : i32
    %dma_wait3A_218 = tpu.memref_slice %arg6[%dma_wait3A_216, %dma_wait3A_217] : memref<32x128xi32, #tpu.memory_space<vmem>> -> memref<1x128xi32, #tpu.memory_space<vmem>>
    %dma_wait3A_219 = tpu.memref_squeeze %dma_wait3A_218 : memref<1x128xi32, #tpu.memory_space<vmem>> -> memref<128xi32, #tpu.memory_space<vmem>>
    %dma_wait3A_220 = arith.constant 0 : i32
    %dma_wait3A_221 = arith.constant 0 : i32
    %dma_wait3A_222 = tpu.memref_slice %arg2[%dma_wait3A_220, %dma_wait3A_221] : memref<16384x128xf32, #tpu.memory_space<hbm>> -> memref<16384x128xf32, #tpu.memory_space<hbm>>
    tpu.wait_indirect_dma semaphore(%arg14 : memref<!tpu.dma_semaphore, #tpu.memory_space<semaphore_mem>>) src(%dma_wait3A_222 : memref<16384x128xf32, #tpu.memory_space<hbm>>) dst(%arg10 : memref<128x128xf32, #tpu.memory_space<vmem>>)
    %run_scoped3A_223 = arith.constant 11 : i32
    "tpu.region"() ({
      %run_scoped3A_516 = tpu.sem_alloc : memref<!tpu.dma_semaphore, #tpu.memory_space<semaphore_mem>>
      %dma_start3A_517 = arith.constant 0 : i32
      %dma_start3A_518 = tpu.memref_slice %arg7[%run_scoped3A_223, %dma_start3A_517] : memref<32x128xi32, #tpu.memory_space<vmem>> -> memref<1x128xi32, #tpu.memory_space<vmem>>
      %dma_start3A_519 = tpu.memref_squeeze %dma_start3A_518 : memref<1x128xi32, #tpu.memory_space<vmem>> -> memref<128xi32, #tpu.memory_space<vmem>>
      %dma_start3A_520 = arith.constant 0 : i32
      %dma_start3A_521 = arith.constant 0 : i32
      %dma_start3A_522 = tpu.memref_slice %arg11[%dma_start3A_520, %dma_start3A_521] : memref<8320x128xf32, #tpu.memory_space<vmem_shared>> -> memref<8320x128xf32, #tpu.memory_space<vmem_shared>>
      tpu.enqueue_indirect_dma source(%arg10 : memref<128x128xf32, #tpu.memory_space<vmem>>) target(%dma_start3A_522 : memref<8320x128xf32, #tpu.memory_space<vmem_shared>>) offsets(%dma_start3A_519 : memref<128xi32, #tpu.memory_space<vmem>>) semaphore(%run_scoped3A_516 : memref<!tpu.dma_semaphore, #tpu.memory_space<semaphore_mem>>) {add = true}
      %dma_wait3A_523 = arith.constant 0 : i32
      %dma_wait3A_524 = tpu.memref_slice %arg7[%run_scoped3A_223, %dma_wait3A_523] : memref<32x128xi32, #tpu.memory_space<vmem>> -> memref<1x128xi32, #tpu.memory_space<vmem>>
      %dma_wait3A_525 = tpu.memref_squeeze %dma_wait3A_524 : memref<1x128xi32, #tpu.memory_space<vmem>> -> memref<128xi32, #tpu.memory_space<vmem>>
      %dma_wait3A_526 = arith.constant 0 : i32
      %dma_wait3A_527 = arith.constant 0 : i32
      %dma_wait3A_528 = tpu.memref_slice %arg11[%dma_wait3A_526, %dma_wait3A_527] : memref<8320x128xf32, #tpu.memory_space<vmem_shared>> -> memref<8320x128xf32, #tpu.memory_space<vmem_shared>>
      tpu.wait_indirect_dma semaphore(%run_scoped3A_516 : memref<!tpu.dma_semaphore, #tpu.memory_space<semaphore_mem>>) src(%arg10 : memref<128x128xf32, #tpu.memory_space<vmem>>) dst(%dma_wait3A_528 : memref<8320x128xf32, #tpu.memory_space<vmem_shared>>)
      tpu.yield
    }) : () -> ()
    %dma_start3A_224 = arith.constant 14 : i32
    %dma_start3A_225 = arith.constant 0 : i32
    %dma_start3A_226 = tpu.memref_slice %arg6[%dma_start3A_224, %dma_start3A_225] : memref<32x128xi32, #tpu.memory_space<vmem>> -> memref<1x128xi32, #tpu.memory_space<vmem>>
    %dma_start3A_227 = tpu.memref_squeeze %dma_start3A_226 : memref<1x128xi32, #tpu.memory_space<vmem>> -> memref<128xi32, #tpu.memory_space<vmem>>
    %dma_start3A_228 = arith.constant 0 : i32
    %dma_start3A_229 = arith.constant 0 : i32
    %dma_start3A_230 = tpu.memref_slice %arg2[%dma_start3A_228, %dma_start3A_229] : memref<16384x128xf32, #tpu.memory_space<hbm>> -> memref<16384x128xf32, #tpu.memory_space<hbm>>
    tpu.enqueue_indirect_dma source(%dma_start3A_230 : memref<16384x128xf32, #tpu.memory_space<hbm>>) target(%arg10 : memref<128x128xf32, #tpu.memory_space<vmem>>) offsets(%dma_start3A_227 : memref<128xi32, #tpu.memory_space<vmem>>) semaphore(%arg14 : memref<!tpu.dma_semaphore, #tpu.memory_space<semaphore_mem>>)
    %dma_wait3A_231 = arith.constant 12 : i32
    %dma_wait3A_232 = arith.constant 0 : i32
    %dma_wait3A_233 = tpu.memref_slice %arg6[%dma_wait3A_231, %dma_wait3A_232] : memref<32x128xi32, #tpu.memory_space<vmem>> -> memref<1x128xi32, #tpu.memory_space<vmem>>
    %dma_wait3A_234 = tpu.memref_squeeze %dma_wait3A_233 : memref<1x128xi32, #tpu.memory_space<vmem>> -> memref<128xi32, #tpu.memory_space<vmem>>
    %dma_wait3A_235 = arith.constant 0 : i32
    %dma_wait3A_236 = arith.constant 0 : i32
    %dma_wait3A_237 = tpu.memref_slice %arg2[%dma_wait3A_235, %dma_wait3A_236] : memref<16384x128xf32, #tpu.memory_space<hbm>> -> memref<16384x128xf32, #tpu.memory_space<hbm>>
    tpu.wait_indirect_dma semaphore(%arg12 : memref<!tpu.dma_semaphore, #tpu.memory_space<semaphore_mem>>) src(%dma_wait3A_237 : memref<16384x128xf32, #tpu.memory_space<hbm>>) dst(%arg8 : memref<128x128xf32, #tpu.memory_space<vmem>>)
    %run_scoped3A_238 = arith.constant 12 : i32
    "tpu.region"() ({
      %run_scoped3A_516 = tpu.sem_alloc : memref<!tpu.dma_semaphore, #tpu.memory_space<semaphore_mem>>
      %dma_start3A_517 = arith.constant 0 : i32
      %dma_start3A_518 = tpu.memref_slice %arg7[%run_scoped3A_238, %dma_start3A_517] : memref<32x128xi32, #tpu.memory_space<vmem>> -> memref<1x128xi32, #tpu.memory_space<vmem>>
      %dma_start3A_519 = tpu.memref_squeeze %dma_start3A_518 : memref<1x128xi32, #tpu.memory_space<vmem>> -> memref<128xi32, #tpu.memory_space<vmem>>
      %dma_start3A_520 = arith.constant 0 : i32
      %dma_start3A_521 = arith.constant 0 : i32
      %dma_start3A_522 = tpu.memref_slice %arg11[%dma_start3A_520, %dma_start3A_521] : memref<8320x128xf32, #tpu.memory_space<vmem_shared>> -> memref<8320x128xf32, #tpu.memory_space<vmem_shared>>
      tpu.enqueue_indirect_dma source(%arg8 : memref<128x128xf32, #tpu.memory_space<vmem>>) target(%dma_start3A_522 : memref<8320x128xf32, #tpu.memory_space<vmem_shared>>) offsets(%dma_start3A_519 : memref<128xi32, #tpu.memory_space<vmem>>) semaphore(%run_scoped3A_516 : memref<!tpu.dma_semaphore, #tpu.memory_space<semaphore_mem>>) {add = true}
      %dma_wait3A_523 = arith.constant 0 : i32
      %dma_wait3A_524 = tpu.memref_slice %arg7[%run_scoped3A_238, %dma_wait3A_523] : memref<32x128xi32, #tpu.memory_space<vmem>> -> memref<1x128xi32, #tpu.memory_space<vmem>>
      %dma_wait3A_525 = tpu.memref_squeeze %dma_wait3A_524 : memref<1x128xi32, #tpu.memory_space<vmem>> -> memref<128xi32, #tpu.memory_space<vmem>>
      %dma_wait3A_526 = arith.constant 0 : i32
      %dma_wait3A_527 = arith.constant 0 : i32
      %dma_wait3A_528 = tpu.memref_slice %arg11[%dma_wait3A_526, %dma_wait3A_527] : memref<8320x128xf32, #tpu.memory_space<vmem_shared>> -> memref<8320x128xf32, #tpu.memory_space<vmem_shared>>
      tpu.wait_indirect_dma semaphore(%run_scoped3A_516 : memref<!tpu.dma_semaphore, #tpu.memory_space<semaphore_mem>>) src(%arg8 : memref<128x128xf32, #tpu.memory_space<vmem>>) dst(%dma_wait3A_528 : memref<8320x128xf32, #tpu.memory_space<vmem_shared>>)
      tpu.yield
    }) : () -> ()
    %dma_start3A_239 = arith.constant 15 : i32
    %dma_start3A_240 = arith.constant 0 : i32
    %dma_start3A_241 = tpu.memref_slice %arg6[%dma_start3A_239, %dma_start3A_240] : memref<32x128xi32, #tpu.memory_space<vmem>> -> memref<1x128xi32, #tpu.memory_space<vmem>>
    %dma_start3A_242 = tpu.memref_squeeze %dma_start3A_241 : memref<1x128xi32, #tpu.memory_space<vmem>> -> memref<128xi32, #tpu.memory_space<vmem>>
    %dma_start3A_243 = arith.constant 0 : i32
    %dma_start3A_244 = arith.constant 0 : i32
    %dma_start3A_245 = tpu.memref_slice %arg2[%dma_start3A_243, %dma_start3A_244] : memref<16384x128xf32, #tpu.memory_space<hbm>> -> memref<16384x128xf32, #tpu.memory_space<hbm>>
    tpu.enqueue_indirect_dma source(%dma_start3A_245 : memref<16384x128xf32, #tpu.memory_space<hbm>>) target(%arg8 : memref<128x128xf32, #tpu.memory_space<vmem>>) offsets(%dma_start3A_242 : memref<128xi32, #tpu.memory_space<vmem>>) semaphore(%arg12 : memref<!tpu.dma_semaphore, #tpu.memory_space<semaphore_mem>>)
    %dma_wait3A_246 = arith.constant 13 : i32
    %dma_wait3A_247 = arith.constant 0 : i32
    %dma_wait3A_248 = tpu.memref_slice %arg6[%dma_wait3A_246, %dma_wait3A_247] : memref<32x128xi32, #tpu.memory_space<vmem>> -> memref<1x128xi32, #tpu.memory_space<vmem>>
    %dma_wait3A_249 = tpu.memref_squeeze %dma_wait3A_248 : memref<1x128xi32, #tpu.memory_space<vmem>> -> memref<128xi32, #tpu.memory_space<vmem>>
    %dma_wait3A_250 = arith.constant 0 : i32
    %dma_wait3A_251 = arith.constant 0 : i32
    %dma_wait3A_252 = tpu.memref_slice %arg2[%dma_wait3A_250, %dma_wait3A_251] : memref<16384x128xf32, #tpu.memory_space<hbm>> -> memref<16384x128xf32, #tpu.memory_space<hbm>>
    tpu.wait_indirect_dma semaphore(%arg13 : memref<!tpu.dma_semaphore, #tpu.memory_space<semaphore_mem>>) src(%dma_wait3A_252 : memref<16384x128xf32, #tpu.memory_space<hbm>>) dst(%arg9 : memref<128x128xf32, #tpu.memory_space<vmem>>)
    %run_scoped3A_253 = arith.constant 13 : i32
    "tpu.region"() ({
      %run_scoped3A_516 = tpu.sem_alloc : memref<!tpu.dma_semaphore, #tpu.memory_space<semaphore_mem>>
      %dma_start3A_517 = arith.constant 0 : i32
      %dma_start3A_518 = tpu.memref_slice %arg7[%run_scoped3A_253, %dma_start3A_517] : memref<32x128xi32, #tpu.memory_space<vmem>> -> memref<1x128xi32, #tpu.memory_space<vmem>>
      %dma_start3A_519 = tpu.memref_squeeze %dma_start3A_518 : memref<1x128xi32, #tpu.memory_space<vmem>> -> memref<128xi32, #tpu.memory_space<vmem>>
      %dma_start3A_520 = arith.constant 0 : i32
      %dma_start3A_521 = arith.constant 0 : i32
      %dma_start3A_522 = tpu.memref_slice %arg11[%dma_start3A_520, %dma_start3A_521] : memref<8320x128xf32, #tpu.memory_space<vmem_shared>> -> memref<8320x128xf32, #tpu.memory_space<vmem_shared>>
      tpu.enqueue_indirect_dma source(%arg9 : memref<128x128xf32, #tpu.memory_space<vmem>>) target(%dma_start3A_522 : memref<8320x128xf32, #tpu.memory_space<vmem_shared>>) offsets(%dma_start3A_519 : memref<128xi32, #tpu.memory_space<vmem>>) semaphore(%run_scoped3A_516 : memref<!tpu.dma_semaphore, #tpu.memory_space<semaphore_mem>>) {add = true}
      %dma_wait3A_523 = arith.constant 0 : i32
      %dma_wait3A_524 = tpu.memref_slice %arg7[%run_scoped3A_253, %dma_wait3A_523] : memref<32x128xi32, #tpu.memory_space<vmem>> -> memref<1x128xi32, #tpu.memory_space<vmem>>
      %dma_wait3A_525 = tpu.memref_squeeze %dma_wait3A_524 : memref<1x128xi32, #tpu.memory_space<vmem>> -> memref<128xi32, #tpu.memory_space<vmem>>
      %dma_wait3A_526 = arith.constant 0 : i32
      %dma_wait3A_527 = arith.constant 0 : i32
      %dma_wait3A_528 = tpu.memref_slice %arg11[%dma_wait3A_526, %dma_wait3A_527] : memref<8320x128xf32, #tpu.memory_space<vmem_shared>> -> memref<8320x128xf32, #tpu.memory_space<vmem_shared>>
      tpu.wait_indirect_dma semaphore(%run_scoped3A_516 : memref<!tpu.dma_semaphore, #tpu.memory_space<semaphore_mem>>) src(%arg9 : memref<128x128xf32, #tpu.memory_space<vmem>>) dst(%dma_wait3A_528 : memref<8320x128xf32, #tpu.memory_space<vmem_shared>>)
      tpu.yield
    }) : () -> ()
    %dma_start3A_254 = arith.constant 16 : i32
    %dma_start3A_255 = arith.constant 0 : i32
    %dma_start3A_256 = tpu.memref_slice %arg6[%dma_start3A_254, %dma_start3A_255] : memref<32x128xi32, #tpu.memory_space<vmem>> -> memref<1x128xi32, #tpu.memory_space<vmem>>
    %dma_start3A_257 = tpu.memref_squeeze %dma_start3A_256 : memref<1x128xi32, #tpu.memory_space<vmem>> -> memref<128xi32, #tpu.memory_space<vmem>>
    %dma_start3A_258 = arith.constant 0 : i32
    %dma_start3A_259 = arith.constant 0 : i32
    %dma_start3A_260 = tpu.memref_slice %arg2[%dma_start3A_258, %dma_start3A_259] : memref<16384x128xf32, #tpu.memory_space<hbm>> -> memref<16384x128xf32, #tpu.memory_space<hbm>>
    tpu.enqueue_indirect_dma source(%dma_start3A_260 : memref<16384x128xf32, #tpu.memory_space<hbm>>) target(%arg9 : memref<128x128xf32, #tpu.memory_space<vmem>>) offsets(%dma_start3A_257 : memref<128xi32, #tpu.memory_space<vmem>>) semaphore(%arg13 : memref<!tpu.dma_semaphore, #tpu.memory_space<semaphore_mem>>)
    %dma_wait3A_261 = arith.constant 14 : i32
    %dma_wait3A_262 = arith.constant 0 : i32
    %dma_wait3A_263 = tpu.memref_slice %arg6[%dma_wait3A_261, %dma_wait3A_262] : memref<32x128xi32, #tpu.memory_space<vmem>> -> memref<1x128xi32, #tpu.memory_space<vmem>>
    %dma_wait3A_264 = tpu.memref_squeeze %dma_wait3A_263 : memref<1x128xi32, #tpu.memory_space<vmem>> -> memref<128xi32, #tpu.memory_space<vmem>>
    %dma_wait3A_265 = arith.constant 0 : i32
    %dma_wait3A_266 = arith.constant 0 : i32
    %dma_wait3A_267 = tpu.memref_slice %arg2[%dma_wait3A_265, %dma_wait3A_266] : memref<16384x128xf32, #tpu.memory_space<hbm>> -> memref<16384x128xf32, #tpu.memory_space<hbm>>
    tpu.wait_indirect_dma semaphore(%arg14 : memref<!tpu.dma_semaphore, #tpu.memory_space<semaphore_mem>>) src(%dma_wait3A_267 : memref<16384x128xf32, #tpu.memory_space<hbm>>) dst(%arg10 : memref<128x128xf32, #tpu.memory_space<vmem>>)
    %run_scoped3A_268 = arith.constant 14 : i32
    "tpu.region"() ({
      %run_scoped3A_516 = tpu.sem_alloc : memref<!tpu.dma_semaphore, #tpu.memory_space<semaphore_mem>>
      %dma_start3A_517 = arith.constant 0 : i32
      %dma_start3A_518 = tpu.memref_slice %arg7[%run_scoped3A_268, %dma_start3A_517] : memref<32x128xi32, #tpu.memory_space<vmem>> -> memref<1x128xi32, #tpu.memory_space<vmem>>
      %dma_start3A_519 = tpu.memref_squeeze %dma_start3A_518 : memref<1x128xi32, #tpu.memory_space<vmem>> -> memref<128xi32, #tpu.memory_space<vmem>>
      %dma_start3A_520 = arith.constant 0 : i32
      %dma_start3A_521 = arith.constant 0 : i32
      %dma_start3A_522 = tpu.memref_slice %arg11[%dma_start3A_520, %dma_start3A_521] : memref<8320x128xf32, #tpu.memory_space<vmem_shared>> -> memref<8320x128xf32, #tpu.memory_space<vmem_shared>>
      tpu.enqueue_indirect_dma source(%arg10 : memref<128x128xf32, #tpu.memory_space<vmem>>) target(%dma_start3A_522 : memref<8320x128xf32, #tpu.memory_space<vmem_shared>>) offsets(%dma_start3A_519 : memref<128xi32, #tpu.memory_space<vmem>>) semaphore(%run_scoped3A_516 : memref<!tpu.dma_semaphore, #tpu.memory_space<semaphore_mem>>) {add = true}
      %dma_wait3A_523 = arith.constant 0 : i32
      %dma_wait3A_524 = tpu.memref_slice %arg7[%run_scoped3A_268, %dma_wait3A_523] : memref<32x128xi32, #tpu.memory_space<vmem>> -> memref<1x128xi32, #tpu.memory_space<vmem>>
      %dma_wait3A_525 = tpu.memref_squeeze %dma_wait3A_524 : memref<1x128xi32, #tpu.memory_space<vmem>> -> memref<128xi32, #tpu.memory_space<vmem>>
      %dma_wait3A_526 = arith.constant 0 : i32
      %dma_wait3A_527 = arith.constant 0 : i32
      %dma_wait3A_528 = tpu.memref_slice %arg11[%dma_wait3A_526, %dma_wait3A_527] : memref<8320x128xf32, #tpu.memory_space<vmem_shared>> -> memref<8320x128xf32, #tpu.memory_space<vmem_shared>>
      tpu.wait_indirect_dma semaphore(%run_scoped3A_516 : memref<!tpu.dma_semaphore, #tpu.memory_space<semaphore_mem>>) src(%arg10 : memref<128x128xf32, #tpu.memory_space<vmem>>) dst(%dma_wait3A_528 : memref<8320x128xf32, #tpu.memory_space<vmem_shared>>)
      tpu.yield
    }) : () -> ()
    %dma_start3A_269 = arith.constant 17 : i32
    %dma_start3A_270 = arith.constant 0 : i32
    %dma_start3A_271 = tpu.memref_slice %arg6[%dma_start3A_269, %dma_start3A_270] : memref<32x128xi32, #tpu.memory_space<vmem>> -> memref<1x128xi32, #tpu.memory_space<vmem>>
    %dma_start3A_272 = tpu.memref_squeeze %dma_start3A_271 : memref<1x128xi32, #tpu.memory_space<vmem>> -> memref<128xi32, #tpu.memory_space<vmem>>
    %dma_start3A_273 = arith.constant 0 : i32
    %dma_start3A_274 = arith.constant 0 : i32
    %dma_start3A_275 = tpu.memref_slice %arg2[%dma_start3A_273, %dma_start3A_274] : memref<16384x128xf32, #tpu.memory_space<hbm>> -> memref<16384x128xf32, #tpu.memory_space<hbm>>
    tpu.enqueue_indirect_dma source(%dma_start3A_275 : memref<16384x128xf32, #tpu.memory_space<hbm>>) target(%arg10 : memref<128x128xf32, #tpu.memory_space<vmem>>) offsets(%dma_start3A_272 : memref<128xi32, #tpu.memory_space<vmem>>) semaphore(%arg14 : memref<!tpu.dma_semaphore, #tpu.memory_space<semaphore_mem>>)
    %dma_wait3A_276 = arith.constant 15 : i32
    %dma_wait3A_277 = arith.constant 0 : i32
    %dma_wait3A_278 = tpu.memref_slice %arg6[%dma_wait3A_276, %dma_wait3A_277] : memref<32x128xi32, #tpu.memory_space<vmem>> -> memref<1x128xi32, #tpu.memory_space<vmem>>
    %dma_wait3A_279 = tpu.memref_squeeze %dma_wait3A_278 : memref<1x128xi32, #tpu.memory_space<vmem>> -> memref<128xi32, #tpu.memory_space<vmem>>
    %dma_wait3A_280 = arith.constant 0 : i32
    %dma_wait3A_281 = arith.constant 0 : i32
    %dma_wait3A_282 = tpu.memref_slice %arg2[%dma_wait3A_280, %dma_wait3A_281] : memref<16384x128xf32, #tpu.memory_space<hbm>> -> memref<16384x128xf32, #tpu.memory_space<hbm>>
    tpu.wait_indirect_dma semaphore(%arg12 : memref<!tpu.dma_semaphore, #tpu.memory_space<semaphore_mem>>) src(%dma_wait3A_282 : memref<16384x128xf32, #tpu.memory_space<hbm>>) dst(%arg8 : memref<128x128xf32, #tpu.memory_space<vmem>>)
    %run_scoped3A_283 = arith.constant 15 : i32
    "tpu.region"() ({
      %run_scoped3A_516 = tpu.sem_alloc : memref<!tpu.dma_semaphore, #tpu.memory_space<semaphore_mem>>
      %dma_start3A_517 = arith.constant 0 : i32
      %dma_start3A_518 = tpu.memref_slice %arg7[%run_scoped3A_283, %dma_start3A_517] : memref<32x128xi32, #tpu.memory_space<vmem>> -> memref<1x128xi32, #tpu.memory_space<vmem>>
      %dma_start3A_519 = tpu.memref_squeeze %dma_start3A_518 : memref<1x128xi32, #tpu.memory_space<vmem>> -> memref<128xi32, #tpu.memory_space<vmem>>
      %dma_start3A_520 = arith.constant 0 : i32
      %dma_start3A_521 = arith.constant 0 : i32
      %dma_start3A_522 = tpu.memref_slice %arg11[%dma_start3A_520, %dma_start3A_521] : memref<8320x128xf32, #tpu.memory_space<vmem_shared>> -> memref<8320x128xf32, #tpu.memory_space<vmem_shared>>
      tpu.enqueue_indirect_dma source(%arg8 : memref<128x128xf32, #tpu.memory_space<vmem>>) target(%dma_start3A_522 : memref<8320x128xf32, #tpu.memory_space<vmem_shared>>) offsets(%dma_start3A_519 : memref<128xi32, #tpu.memory_space<vmem>>) semaphore(%run_scoped3A_516 : memref<!tpu.dma_semaphore, #tpu.memory_space<semaphore_mem>>) {add = true}
      %dma_wait3A_523 = arith.constant 0 : i32
      %dma_wait3A_524 = tpu.memref_slice %arg7[%run_scoped3A_283, %dma_wait3A_523] : memref<32x128xi32, #tpu.memory_space<vmem>> -> memref<1x128xi32, #tpu.memory_space<vmem>>
      %dma_wait3A_525 = tpu.memref_squeeze %dma_wait3A_524 : memref<1x128xi32, #tpu.memory_space<vmem>> -> memref<128xi32, #tpu.memory_space<vmem>>
      %dma_wait3A_526 = arith.constant 0 : i32
      %dma_wait3A_527 = arith.constant 0 : i32
      %dma_wait3A_528 = tpu.memref_slice %arg11[%dma_wait3A_526, %dma_wait3A_527] : memref<8320x128xf32, #tpu.memory_space<vmem_shared>> -> memref<8320x128xf32, #tpu.memory_space<vmem_shared>>
      tpu.wait_indirect_dma semaphore(%run_scoped3A_516 : memref<!tpu.dma_semaphore, #tpu.memory_space<semaphore_mem>>) src(%arg8 : memref<128x128xf32, #tpu.memory_space<vmem>>) dst(%dma_wait3A_528 : memref<8320x128xf32, #tpu.memory_space<vmem_shared>>)
      tpu.yield
    }) : () -> ()
    %dma_start3A_284 = arith.constant 18 : i32
    %dma_start3A_285 = arith.constant 0 : i32
    %dma_start3A_286 = tpu.memref_slice %arg6[%dma_start3A_284, %dma_start3A_285] : memref<32x128xi32, #tpu.memory_space<vmem>> -> memref<1x128xi32, #tpu.memory_space<vmem>>
    %dma_start3A_287 = tpu.memref_squeeze %dma_start3A_286 : memref<1x128xi32, #tpu.memory_space<vmem>> -> memref<128xi32, #tpu.memory_space<vmem>>
    %dma_start3A_288 = arith.constant 0 : i32
    %dma_start3A_289 = arith.constant 0 : i32
    %dma_start3A_290 = tpu.memref_slice %arg2[%dma_start3A_288, %dma_start3A_289] : memref<16384x128xf32, #tpu.memory_space<hbm>> -> memref<16384x128xf32, #tpu.memory_space<hbm>>
    tpu.enqueue_indirect_dma source(%dma_start3A_290 : memref<16384x128xf32, #tpu.memory_space<hbm>>) target(%arg8 : memref<128x128xf32, #tpu.memory_space<vmem>>) offsets(%dma_start3A_287 : memref<128xi32, #tpu.memory_space<vmem>>) semaphore(%arg12 : memref<!tpu.dma_semaphore, #tpu.memory_space<semaphore_mem>>)
    %dma_wait3A_291 = arith.constant 16 : i32
    %dma_wait3A_292 = arith.constant 0 : i32
    %dma_wait3A_293 = tpu.memref_slice %arg6[%dma_wait3A_291, %dma_wait3A_292] : memref<32x128xi32, #tpu.memory_space<vmem>> -> memref<1x128xi32, #tpu.memory_space<vmem>>
    %dma_wait3A_294 = tpu.memref_squeeze %dma_wait3A_293 : memref<1x128xi32, #tpu.memory_space<vmem>> -> memref<128xi32, #tpu.memory_space<vmem>>
    %dma_wait3A_295 = arith.constant 0 : i32
    %dma_wait3A_296 = arith.constant 0 : i32
    %dma_wait3A_297 = tpu.memref_slice %arg2[%dma_wait3A_295, %dma_wait3A_296] : memref<16384x128xf32, #tpu.memory_space<hbm>> -> memref<16384x128xf32, #tpu.memory_space<hbm>>
    tpu.wait_indirect_dma semaphore(%arg13 : memref<!tpu.dma_semaphore, #tpu.memory_space<semaphore_mem>>) src(%dma_wait3A_297 : memref<16384x128xf32, #tpu.memory_space<hbm>>) dst(%arg9 : memref<128x128xf32, #tpu.memory_space<vmem>>)
    %run_scoped3A_298 = arith.constant 16 : i32
    "tpu.region"() ({
      %run_scoped3A_516 = tpu.sem_alloc : memref<!tpu.dma_semaphore, #tpu.memory_space<semaphore_mem>>
      %dma_start3A_517 = arith.constant 0 : i32
      %dma_start3A_518 = tpu.memref_slice %arg7[%run_scoped3A_298, %dma_start3A_517] : memref<32x128xi32, #tpu.memory_space<vmem>> -> memref<1x128xi32, #tpu.memory_space<vmem>>
      %dma_start3A_519 = tpu.memref_squeeze %dma_start3A_518 : memref<1x128xi32, #tpu.memory_space<vmem>> -> memref<128xi32, #tpu.memory_space<vmem>>
      %dma_start3A_520 = arith.constant 0 : i32
      %dma_start3A_521 = arith.constant 0 : i32
      %dma_start3A_522 = tpu.memref_slice %arg11[%dma_start3A_520, %dma_start3A_521] : memref<8320x128xf32, #tpu.memory_space<vmem_shared>> -> memref<8320x128xf32, #tpu.memory_space<vmem_shared>>
      tpu.enqueue_indirect_dma source(%arg9 : memref<128x128xf32, #tpu.memory_space<vmem>>) target(%dma_start3A_522 : memref<8320x128xf32, #tpu.memory_space<vmem_shared>>) offsets(%dma_start3A_519 : memref<128xi32, #tpu.memory_space<vmem>>) semaphore(%run_scoped3A_516 : memref<!tpu.dma_semaphore, #tpu.memory_space<semaphore_mem>>) {add = true}
      %dma_wait3A_523 = arith.constant 0 : i32
      %dma_wait3A_524 = tpu.memref_slice %arg7[%run_scoped3A_298, %dma_wait3A_523] : memref<32x128xi32, #tpu.memory_space<vmem>> -> memref<1x128xi32, #tpu.memory_space<vmem>>
      %dma_wait3A_525 = tpu.memref_squeeze %dma_wait3A_524 : memref<1x128xi32, #tpu.memory_space<vmem>> -> memref<128xi32, #tpu.memory_space<vmem>>
      %dma_wait3A_526 = arith.constant 0 : i32
      %dma_wait3A_527 = arith.constant 0 : i32
      %dma_wait3A_528 = tpu.memref_slice %arg11[%dma_wait3A_526, %dma_wait3A_527] : memref<8320x128xf32, #tpu.memory_space<vmem_shared>> -> memref<8320x128xf32, #tpu.memory_space<vmem_shared>>
      tpu.wait_indirect_dma semaphore(%run_scoped3A_516 : memref<!tpu.dma_semaphore, #tpu.memory_space<semaphore_mem>>) src(%arg9 : memref<128x128xf32, #tpu.memory_space<vmem>>) dst(%dma_wait3A_528 : memref<8320x128xf32, #tpu.memory_space<vmem_shared>>)
      tpu.yield
    }) : () -> ()
    %dma_start3A_299 = arith.constant 19 : i32
    %dma_start3A_300 = arith.constant 0 : i32
    %dma_start3A_301 = tpu.memref_slice %arg6[%dma_start3A_299, %dma_start3A_300] : memref<32x128xi32, #tpu.memory_space<vmem>> -> memref<1x128xi32, #tpu.memory_space<vmem>>
    %dma_start3A_302 = tpu.memref_squeeze %dma_start3A_301 : memref<1x128xi32, #tpu.memory_space<vmem>> -> memref<128xi32, #tpu.memory_space<vmem>>
    %dma_start3A_303 = arith.constant 0 : i32
    %dma_start3A_304 = arith.constant 0 : i32
    %dma_start3A_305 = tpu.memref_slice %arg2[%dma_start3A_303, %dma_start3A_304] : memref<16384x128xf32, #tpu.memory_space<hbm>> -> memref<16384x128xf32, #tpu.memory_space<hbm>>
    tpu.enqueue_indirect_dma source(%dma_start3A_305 : memref<16384x128xf32, #tpu.memory_space<hbm>>) target(%arg9 : memref<128x128xf32, #tpu.memory_space<vmem>>) offsets(%dma_start3A_302 : memref<128xi32, #tpu.memory_space<vmem>>) semaphore(%arg13 : memref<!tpu.dma_semaphore, #tpu.memory_space<semaphore_mem>>)
    %dma_wait3A_306 = arith.constant 17 : i32
    %dma_wait3A_307 = arith.constant 0 : i32
    %dma_wait3A_308 = tpu.memref_slice %arg6[%dma_wait3A_306, %dma_wait3A_307] : memref<32x128xi32, #tpu.memory_space<vmem>> -> memref<1x128xi32, #tpu.memory_space<vmem>>
    %dma_wait3A_309 = tpu.memref_squeeze %dma_wait3A_308 : memref<1x128xi32, #tpu.memory_space<vmem>> -> memref<128xi32, #tpu.memory_space<vmem>>
    %dma_wait3A_310 = arith.constant 0 : i32
    %dma_wait3A_311 = arith.constant 0 : i32
    %dma_wait3A_312 = tpu.memref_slice %arg2[%dma_wait3A_310, %dma_wait3A_311] : memref<16384x128xf32, #tpu.memory_space<hbm>> -> memref<16384x128xf32, #tpu.memory_space<hbm>>
    tpu.wait_indirect_dma semaphore(%arg14 : memref<!tpu.dma_semaphore, #tpu.memory_space<semaphore_mem>>) src(%dma_wait3A_312 : memref<16384x128xf32, #tpu.memory_space<hbm>>) dst(%arg10 : memref<128x128xf32, #tpu.memory_space<vmem>>)
    %run_scoped3A_313 = arith.constant 17 : i32
    "tpu.region"() ({
      %run_scoped3A_516 = tpu.sem_alloc : memref<!tpu.dma_semaphore, #tpu.memory_space<semaphore_mem>>
      %dma_start3A_517 = arith.constant 0 : i32
      %dma_start3A_518 = tpu.memref_slice %arg7[%run_scoped3A_313, %dma_start3A_517] : memref<32x128xi32, #tpu.memory_space<vmem>> -> memref<1x128xi32, #tpu.memory_space<vmem>>
      %dma_start3A_519 = tpu.memref_squeeze %dma_start3A_518 : memref<1x128xi32, #tpu.memory_space<vmem>> -> memref<128xi32, #tpu.memory_space<vmem>>
      %dma_start3A_520 = arith.constant 0 : i32
      %dma_start3A_521 = arith.constant 0 : i32
      %dma_start3A_522 = tpu.memref_slice %arg11[%dma_start3A_520, %dma_start3A_521] : memref<8320x128xf32, #tpu.memory_space<vmem_shared>> -> memref<8320x128xf32, #tpu.memory_space<vmem_shared>>
      tpu.enqueue_indirect_dma source(%arg10 : memref<128x128xf32, #tpu.memory_space<vmem>>) target(%dma_start3A_522 : memref<8320x128xf32, #tpu.memory_space<vmem_shared>>) offsets(%dma_start3A_519 : memref<128xi32, #tpu.memory_space<vmem>>) semaphore(%run_scoped3A_516 : memref<!tpu.dma_semaphore, #tpu.memory_space<semaphore_mem>>) {add = true}
      %dma_wait3A_523 = arith.constant 0 : i32
      %dma_wait3A_524 = tpu.memref_slice %arg7[%run_scoped3A_313, %dma_wait3A_523] : memref<32x128xi32, #tpu.memory_space<vmem>> -> memref<1x128xi32, #tpu.memory_space<vmem>>
      %dma_wait3A_525 = tpu.memref_squeeze %dma_wait3A_524 : memref<1x128xi32, #tpu.memory_space<vmem>> -> memref<128xi32, #tpu.memory_space<vmem>>
      %dma_wait3A_526 = arith.constant 0 : i32
      %dma_wait3A_527 = arith.constant 0 : i32
      %dma_wait3A_528 = tpu.memref_slice %arg11[%dma_wait3A_526, %dma_wait3A_527] : memref<8320x128xf32, #tpu.memory_space<vmem_shared>> -> memref<8320x128xf32, #tpu.memory_space<vmem_shared>>
      tpu.wait_indirect_dma semaphore(%run_scoped3A_516 : memref<!tpu.dma_semaphore, #tpu.memory_space<semaphore_mem>>) src(%arg10 : memref<128x128xf32, #tpu.memory_space<vmem>>) dst(%dma_wait3A_528 : memref<8320x128xf32, #tpu.memory_space<vmem_shared>>)
      tpu.yield
    }) : () -> ()
    %dma_start3A_314 = arith.constant 20 : i32
    %dma_start3A_315 = arith.constant 0 : i32
    %dma_start3A_316 = tpu.memref_slice %arg6[%dma_start3A_314, %dma_start3A_315] : memref<32x128xi32, #tpu.memory_space<vmem>> -> memref<1x128xi32, #tpu.memory_space<vmem>>
    %dma_start3A_317 = tpu.memref_squeeze %dma_start3A_316 : memref<1x128xi32, #tpu.memory_space<vmem>> -> memref<128xi32, #tpu.memory_space<vmem>>
    %dma_start3A_318 = arith.constant 0 : i32
    %dma_start3A_319 = arith.constant 0 : i32
    %dma_start3A_320 = tpu.memref_slice %arg2[%dma_start3A_318, %dma_start3A_319] : memref<16384x128xf32, #tpu.memory_space<hbm>> -> memref<16384x128xf32, #tpu.memory_space<hbm>>
    tpu.enqueue_indirect_dma source(%dma_start3A_320 : memref<16384x128xf32, #tpu.memory_space<hbm>>) target(%arg10 : memref<128x128xf32, #tpu.memory_space<vmem>>) offsets(%dma_start3A_317 : memref<128xi32, #tpu.memory_space<vmem>>) semaphore(%arg14 : memref<!tpu.dma_semaphore, #tpu.memory_space<semaphore_mem>>)
    %dma_wait3A_321 = arith.constant 18 : i32
    %dma_wait3A_322 = arith.constant 0 : i32
    %dma_wait3A_323 = tpu.memref_slice %arg6[%dma_wait3A_321, %dma_wait3A_322] : memref<32x128xi32, #tpu.memory_space<vmem>> -> memref<1x128xi32, #tpu.memory_space<vmem>>
    %dma_wait3A_324 = tpu.memref_squeeze %dma_wait3A_323 : memref<1x128xi32, #tpu.memory_space<vmem>> -> memref<128xi32, #tpu.memory_space<vmem>>
    %dma_wait3A_325 = arith.constant 0 : i32
    %dma_wait3A_326 = arith.constant 0 : i32
    %dma_wait3A_327 = tpu.memref_slice %arg2[%dma_wait3A_325, %dma_wait3A_326] : memref<16384x128xf32, #tpu.memory_space<hbm>> -> memref<16384x128xf32, #tpu.memory_space<hbm>>
    tpu.wait_indirect_dma semaphore(%arg12 : memref<!tpu.dma_semaphore, #tpu.memory_space<semaphore_mem>>) src(%dma_wait3A_327 : memref<16384x128xf32, #tpu.memory_space<hbm>>) dst(%arg8 : memref<128x128xf32, #tpu.memory_space<vmem>>)
    %run_scoped3A_328 = arith.constant 18 : i32
    "tpu.region"() ({
      %run_scoped3A_516 = tpu.sem_alloc : memref<!tpu.dma_semaphore, #tpu.memory_space<semaphore_mem>>
      %dma_start3A_517 = arith.constant 0 : i32
      %dma_start3A_518 = tpu.memref_slice %arg7[%run_scoped3A_328, %dma_start3A_517] : memref<32x128xi32, #tpu.memory_space<vmem>> -> memref<1x128xi32, #tpu.memory_space<vmem>>
      %dma_start3A_519 = tpu.memref_squeeze %dma_start3A_518 : memref<1x128xi32, #tpu.memory_space<vmem>> -> memref<128xi32, #tpu.memory_space<vmem>>
      %dma_start3A_520 = arith.constant 0 : i32
      %dma_start3A_521 = arith.constant 0 : i32
      %dma_start3A_522 = tpu.memref_slice %arg11[%dma_start3A_520, %dma_start3A_521] : memref<8320x128xf32, #tpu.memory_space<vmem_shared>> -> memref<8320x128xf32, #tpu.memory_space<vmem_shared>>
      tpu.enqueue_indirect_dma source(%arg8 : memref<128x128xf32, #tpu.memory_space<vmem>>) target(%dma_start3A_522 : memref<8320x128xf32, #tpu.memory_space<vmem_shared>>) offsets(%dma_start3A_519 : memref<128xi32, #tpu.memory_space<vmem>>) semaphore(%run_scoped3A_516 : memref<!tpu.dma_semaphore, #tpu.memory_space<semaphore_mem>>) {add = true}
      %dma_wait3A_523 = arith.constant 0 : i32
      %dma_wait3A_524 = tpu.memref_slice %arg7[%run_scoped3A_328, %dma_wait3A_523] : memref<32x128xi32, #tpu.memory_space<vmem>> -> memref<1x128xi32, #tpu.memory_space<vmem>>
      %dma_wait3A_525 = tpu.memref_squeeze %dma_wait3A_524 : memref<1x128xi32, #tpu.memory_space<vmem>> -> memref<128xi32, #tpu.memory_space<vmem>>
      %dma_wait3A_526 = arith.constant 0 : i32
      %dma_wait3A_527 = arith.constant 0 : i32
      %dma_wait3A_528 = tpu.memref_slice %arg11[%dma_wait3A_526, %dma_wait3A_527] : memref<8320x128xf32, #tpu.memory_space<vmem_shared>> -> memref<8320x128xf32, #tpu.memory_space<vmem_shared>>
      tpu.wait_indirect_dma semaphore(%run_scoped3A_516 : memref<!tpu.dma_semaphore, #tpu.memory_space<semaphore_mem>>) src(%arg8 : memref<128x128xf32, #tpu.memory_space<vmem>>) dst(%dma_wait3A_528 : memref<8320x128xf32, #tpu.memory_space<vmem_shared>>)
      tpu.yield
    }) : () -> ()
    %dma_start3A_329 = arith.constant 21 : i32
    %dma_start3A_330 = arith.constant 0 : i32
    %dma_start3A_331 = tpu.memref_slice %arg6[%dma_start3A_329, %dma_start3A_330] : memref<32x128xi32, #tpu.memory_space<vmem>> -> memref<1x128xi32, #tpu.memory_space<vmem>>
    %dma_start3A_332 = tpu.memref_squeeze %dma_start3A_331 : memref<1x128xi32, #tpu.memory_space<vmem>> -> memref<128xi32, #tpu.memory_space<vmem>>
    %dma_start3A_333 = arith.constant 0 : i32
    %dma_start3A_334 = arith.constant 0 : i32
    %dma_start3A_335 = tpu.memref_slice %arg2[%dma_start3A_333, %dma_start3A_334] : memref<16384x128xf32, #tpu.memory_space<hbm>> -> memref<16384x128xf32, #tpu.memory_space<hbm>>
    tpu.enqueue_indirect_dma source(%dma_start3A_335 : memref<16384x128xf32, #tpu.memory_space<hbm>>) target(%arg8 : memref<128x128xf32, #tpu.memory_space<vmem>>) offsets(%dma_start3A_332 : memref<128xi32, #tpu.memory_space<vmem>>) semaphore(%arg12 : memref<!tpu.dma_semaphore, #tpu.memory_space<semaphore_mem>>)
    %dma_wait3A_336 = arith.constant 19 : i32
    %dma_wait3A_337 = arith.constant 0 : i32
    %dma_wait3A_338 = tpu.memref_slice %arg6[%dma_wait3A_336, %dma_wait3A_337] : memref<32x128xi32, #tpu.memory_space<vmem>> -> memref<1x128xi32, #tpu.memory_space<vmem>>
    %dma_wait3A_339 = tpu.memref_squeeze %dma_wait3A_338 : memref<1x128xi32, #tpu.memory_space<vmem>> -> memref<128xi32, #tpu.memory_space<vmem>>
    %dma_wait3A_340 = arith.constant 0 : i32
    %dma_wait3A_341 = arith.constant 0 : i32
    %dma_wait3A_342 = tpu.memref_slice %arg2[%dma_wait3A_340, %dma_wait3A_341] : memref<16384x128xf32, #tpu.memory_space<hbm>> -> memref<16384x128xf32, #tpu.memory_space<hbm>>
    tpu.wait_indirect_dma semaphore(%arg13 : memref<!tpu.dma_semaphore, #tpu.memory_space<semaphore_mem>>) src(%dma_wait3A_342 : memref<16384x128xf32, #tpu.memory_space<hbm>>) dst(%arg9 : memref<128x128xf32, #tpu.memory_space<vmem>>)
    %run_scoped3A_343 = arith.constant 19 : i32
    "tpu.region"() ({
      %run_scoped3A_516 = tpu.sem_alloc : memref<!tpu.dma_semaphore, #tpu.memory_space<semaphore_mem>>
      %dma_start3A_517 = arith.constant 0 : i32
      %dma_start3A_518 = tpu.memref_slice %arg7[%run_scoped3A_343, %dma_start3A_517] : memref<32x128xi32, #tpu.memory_space<vmem>> -> memref<1x128xi32, #tpu.memory_space<vmem>>
      %dma_start3A_519 = tpu.memref_squeeze %dma_start3A_518 : memref<1x128xi32, #tpu.memory_space<vmem>> -> memref<128xi32, #tpu.memory_space<vmem>>
      %dma_start3A_520 = arith.constant 0 : i32
      %dma_start3A_521 = arith.constant 0 : i32
      %dma_start3A_522 = tpu.memref_slice %arg11[%dma_start3A_520, %dma_start3A_521] : memref<8320x128xf32, #tpu.memory_space<vmem_shared>> -> memref<8320x128xf32, #tpu.memory_space<vmem_shared>>
      tpu.enqueue_indirect_dma source(%arg9 : memref<128x128xf32, #tpu.memory_space<vmem>>) target(%dma_start3A_522 : memref<8320x128xf32, #tpu.memory_space<vmem_shared>>) offsets(%dma_start3A_519 : memref<128xi32, #tpu.memory_space<vmem>>) semaphore(%run_scoped3A_516 : memref<!tpu.dma_semaphore, #tpu.memory_space<semaphore_mem>>) {add = true}
      %dma_wait3A_523 = arith.constant 0 : i32
      %dma_wait3A_524 = tpu.memref_slice %arg7[%run_scoped3A_343, %dma_wait3A_523] : memref<32x128xi32, #tpu.memory_space<vmem>> -> memref<1x128xi32, #tpu.memory_space<vmem>>
      %dma_wait3A_525 = tpu.memref_squeeze %dma_wait3A_524 : memref<1x128xi32, #tpu.memory_space<vmem>> -> memref<128xi32, #tpu.memory_space<vmem>>
      %dma_wait3A_526 = arith.constant 0 : i32
      %dma_wait3A_527 = arith.constant 0 : i32
      %dma_wait3A_528 = tpu.memref_slice %arg11[%dma_wait3A_526, %dma_wait3A_527] : memref<8320x128xf32, #tpu.memory_space<vmem_shared>> -> memref<8320x128xf32, #tpu.memory_space<vmem_shared>>
      tpu.wait_indirect_dma semaphore(%run_scoped3A_516 : memref<!tpu.dma_semaphore, #tpu.memory_space<semaphore_mem>>) src(%arg9 : memref<128x128xf32, #tpu.memory_space<vmem>>) dst(%dma_wait3A_528 : memref<8320x128xf32, #tpu.memory_space<vmem_shared>>)
      tpu.yield
    }) : () -> ()
    %dma_start3A_344 = arith.constant 22 : i32
    %dma_start3A_345 = arith.constant 0 : i32
    %dma_start3A_346 = tpu.memref_slice %arg6[%dma_start3A_344, %dma_start3A_345] : memref<32x128xi32, #tpu.memory_space<vmem>> -> memref<1x128xi32, #tpu.memory_space<vmem>>
    %dma_start3A_347 = tpu.memref_squeeze %dma_start3A_346 : memref<1x128xi32, #tpu.memory_space<vmem>> -> memref<128xi32, #tpu.memory_space<vmem>>
    %dma_start3A_348 = arith.constant 0 : i32
    %dma_start3A_349 = arith.constant 0 : i32
    %dma_start3A_350 = tpu.memref_slice %arg2[%dma_start3A_348, %dma_start3A_349] : memref<16384x128xf32, #tpu.memory_space<hbm>> -> memref<16384x128xf32, #tpu.memory_space<hbm>>
    tpu.enqueue_indirect_dma source(%dma_start3A_350 : memref<16384x128xf32, #tpu.memory_space<hbm>>) target(%arg9 : memref<128x128xf32, #tpu.memory_space<vmem>>) offsets(%dma_start3A_347 : memref<128xi32, #tpu.memory_space<vmem>>) semaphore(%arg13 : memref<!tpu.dma_semaphore, #tpu.memory_space<semaphore_mem>>)
    %dma_wait3A_351 = arith.constant 20 : i32
    %dma_wait3A_352 = arith.constant 0 : i32
    %dma_wait3A_353 = tpu.memref_slice %arg6[%dma_wait3A_351, %dma_wait3A_352] : memref<32x128xi32, #tpu.memory_space<vmem>> -> memref<1x128xi32, #tpu.memory_space<vmem>>
    %dma_wait3A_354 = tpu.memref_squeeze %dma_wait3A_353 : memref<1x128xi32, #tpu.memory_space<vmem>> -> memref<128xi32, #tpu.memory_space<vmem>>
    %dma_wait3A_355 = arith.constant 0 : i32
    %dma_wait3A_356 = arith.constant 0 : i32
    %dma_wait3A_357 = tpu.memref_slice %arg2[%dma_wait3A_355, %dma_wait3A_356] : memref<16384x128xf32, #tpu.memory_space<hbm>> -> memref<16384x128xf32, #tpu.memory_space<hbm>>
    tpu.wait_indirect_dma semaphore(%arg14 : memref<!tpu.dma_semaphore, #tpu.memory_space<semaphore_mem>>) src(%dma_wait3A_357 : memref<16384x128xf32, #tpu.memory_space<hbm>>) dst(%arg10 : memref<128x128xf32, #tpu.memory_space<vmem>>)
    %run_scoped3A_358 = arith.constant 20 : i32
    "tpu.region"() ({
      %run_scoped3A_516 = tpu.sem_alloc : memref<!tpu.dma_semaphore, #tpu.memory_space<semaphore_mem>>
      %dma_start3A_517 = arith.constant 0 : i32
      %dma_start3A_518 = tpu.memref_slice %arg7[%run_scoped3A_358, %dma_start3A_517] : memref<32x128xi32, #tpu.memory_space<vmem>> -> memref<1x128xi32, #tpu.memory_space<vmem>>
      %dma_start3A_519 = tpu.memref_squeeze %dma_start3A_518 : memref<1x128xi32, #tpu.memory_space<vmem>> -> memref<128xi32, #tpu.memory_space<vmem>>
      %dma_start3A_520 = arith.constant 0 : i32
      %dma_start3A_521 = arith.constant 0 : i32
      %dma_start3A_522 = tpu.memref_slice %arg11[%dma_start3A_520, %dma_start3A_521] : memref<8320x128xf32, #tpu.memory_space<vmem_shared>> -> memref<8320x128xf32, #tpu.memory_space<vmem_shared>>
      tpu.enqueue_indirect_dma source(%arg10 : memref<128x128xf32, #tpu.memory_space<vmem>>) target(%dma_start3A_522 : memref<8320x128xf32, #tpu.memory_space<vmem_shared>>) offsets(%dma_start3A_519 : memref<128xi32, #tpu.memory_space<vmem>>) semaphore(%run_scoped3A_516 : memref<!tpu.dma_semaphore, #tpu.memory_space<semaphore_mem>>) {add = true}
      %dma_wait3A_523 = arith.constant 0 : i32
      %dma_wait3A_524 = tpu.memref_slice %arg7[%run_scoped3A_358, %dma_wait3A_523] : memref<32x128xi32, #tpu.memory_space<vmem>> -> memref<1x128xi32, #tpu.memory_space<vmem>>
      %dma_wait3A_525 = tpu.memref_squeeze %dma_wait3A_524 : memref<1x128xi32, #tpu.memory_space<vmem>> -> memref<128xi32, #tpu.memory_space<vmem>>
      %dma_wait3A_526 = arith.constant 0 : i32
      %dma_wait3A_527 = arith.constant 0 : i32
      %dma_wait3A_528 = tpu.memref_slice %arg11[%dma_wait3A_526, %dma_wait3A_527] : memref<8320x128xf32, #tpu.memory_space<vmem_shared>> -> memref<8320x128xf32, #tpu.memory_space<vmem_shared>>
      tpu.wait_indirect_dma semaphore(%run_scoped3A_516 : memref<!tpu.dma_semaphore, #tpu.memory_space<semaphore_mem>>) src(%arg10 : memref<128x128xf32, #tpu.memory_space<vmem>>) dst(%dma_wait3A_528 : memref<8320x128xf32, #tpu.memory_space<vmem_shared>>)
      tpu.yield
    }) : () -> ()
    %dma_start3A_359 = arith.constant 23 : i32
    %dma_start3A_360 = arith.constant 0 : i32
    %dma_start3A_361 = tpu.memref_slice %arg6[%dma_start3A_359, %dma_start3A_360] : memref<32x128xi32, #tpu.memory_space<vmem>> -> memref<1x128xi32, #tpu.memory_space<vmem>>
    %dma_start3A_362 = tpu.memref_squeeze %dma_start3A_361 : memref<1x128xi32, #tpu.memory_space<vmem>> -> memref<128xi32, #tpu.memory_space<vmem>>
    %dma_start3A_363 = arith.constant 0 : i32
    %dma_start3A_364 = arith.constant 0 : i32
    %dma_start3A_365 = tpu.memref_slice %arg2[%dma_start3A_363, %dma_start3A_364] : memref<16384x128xf32, #tpu.memory_space<hbm>> -> memref<16384x128xf32, #tpu.memory_space<hbm>>
    tpu.enqueue_indirect_dma source(%dma_start3A_365 : memref<16384x128xf32, #tpu.memory_space<hbm>>) target(%arg10 : memref<128x128xf32, #tpu.memory_space<vmem>>) offsets(%dma_start3A_362 : memref<128xi32, #tpu.memory_space<vmem>>) semaphore(%arg14 : memref<!tpu.dma_semaphore, #tpu.memory_space<semaphore_mem>>)
    %dma_wait3A_366 = arith.constant 21 : i32
    %dma_wait3A_367 = arith.constant 0 : i32
    %dma_wait3A_368 = tpu.memref_slice %arg6[%dma_wait3A_366, %dma_wait3A_367] : memref<32x128xi32, #tpu.memory_space<vmem>> -> memref<1x128xi32, #tpu.memory_space<vmem>>
    %dma_wait3A_369 = tpu.memref_squeeze %dma_wait3A_368 : memref<1x128xi32, #tpu.memory_space<vmem>> -> memref<128xi32, #tpu.memory_space<vmem>>
    %dma_wait3A_370 = arith.constant 0 : i32
    %dma_wait3A_371 = arith.constant 0 : i32
    %dma_wait3A_372 = tpu.memref_slice %arg2[%dma_wait3A_370, %dma_wait3A_371] : memref<16384x128xf32, #tpu.memory_space<hbm>> -> memref<16384x128xf32, #tpu.memory_space<hbm>>
    tpu.wait_indirect_dma semaphore(%arg12 : memref<!tpu.dma_semaphore, #tpu.memory_space<semaphore_mem>>) src(%dma_wait3A_372 : memref<16384x128xf32, #tpu.memory_space<hbm>>) dst(%arg8 : memref<128x128xf32, #tpu.memory_space<vmem>>)
    %run_scoped3A_373 = arith.constant 21 : i32
    "tpu.region"() ({
      %run_scoped3A_516 = tpu.sem_alloc : memref<!tpu.dma_semaphore, #tpu.memory_space<semaphore_mem>>
      %dma_start3A_517 = arith.constant 0 : i32
      %dma_start3A_518 = tpu.memref_slice %arg7[%run_scoped3A_373, %dma_start3A_517] : memref<32x128xi32, #tpu.memory_space<vmem>> -> memref<1x128xi32, #tpu.memory_space<vmem>>
      %dma_start3A_519 = tpu.memref_squeeze %dma_start3A_518 : memref<1x128xi32, #tpu.memory_space<vmem>> -> memref<128xi32, #tpu.memory_space<vmem>>
      %dma_start3A_520 = arith.constant 0 : i32
      %dma_start3A_521 = arith.constant 0 : i32
      %dma_start3A_522 = tpu.memref_slice %arg11[%dma_start3A_520, %dma_start3A_521] : memref<8320x128xf32, #tpu.memory_space<vmem_shared>> -> memref<8320x128xf32, #tpu.memory_space<vmem_shared>>
      tpu.enqueue_indirect_dma source(%arg8 : memref<128x128xf32, #tpu.memory_space<vmem>>) target(%dma_start3A_522 : memref<8320x128xf32, #tpu.memory_space<vmem_shared>>) offsets(%dma_start3A_519 : memref<128xi32, #tpu.memory_space<vmem>>) semaphore(%run_scoped3A_516 : memref<!tpu.dma_semaphore, #tpu.memory_space<semaphore_mem>>) {add = true}
      %dma_wait3A_523 = arith.constant 0 : i32
      %dma_wait3A_524 = tpu.memref_slice %arg7[%run_scoped3A_373, %dma_wait3A_523] : memref<32x128xi32, #tpu.memory_space<vmem>> -> memref<1x128xi32, #tpu.memory_space<vmem>>
      %dma_wait3A_525 = tpu.memref_squeeze %dma_wait3A_524 : memref<1x128xi32, #tpu.memory_space<vmem>> -> memref<128xi32, #tpu.memory_space<vmem>>
      %dma_wait3A_526 = arith.constant 0 : i32
      %dma_wait3A_527 = arith.constant 0 : i32
      %dma_wait3A_528 = tpu.memref_slice %arg11[%dma_wait3A_526, %dma_wait3A_527] : memref<8320x128xf32, #tpu.memory_space<vmem_shared>> -> memref<8320x128xf32, #tpu.memory_space<vmem_shared>>
      tpu.wait_indirect_dma semaphore(%run_scoped3A_516 : memref<!tpu.dma_semaphore, #tpu.memory_space<semaphore_mem>>) src(%arg8 : memref<128x128xf32, #tpu.memory_space<vmem>>) dst(%dma_wait3A_528 : memref<8320x128xf32, #tpu.memory_space<vmem_shared>>)
      tpu.yield
    }) : () -> ()
    %dma_start3A_374 = arith.constant 24 : i32
    %dma_start3A_375 = arith.constant 0 : i32
    %dma_start3A_376 = tpu.memref_slice %arg6[%dma_start3A_374, %dma_start3A_375] : memref<32x128xi32, #tpu.memory_space<vmem>> -> memref<1x128xi32, #tpu.memory_space<vmem>>
    %dma_start3A_377 = tpu.memref_squeeze %dma_start3A_376 : memref<1x128xi32, #tpu.memory_space<vmem>> -> memref<128xi32, #tpu.memory_space<vmem>>
    %dma_start3A_378 = arith.constant 0 : i32
    %dma_start3A_379 = arith.constant 0 : i32
    %dma_start3A_380 = tpu.memref_slice %arg2[%dma_start3A_378, %dma_start3A_379] : memref<16384x128xf32, #tpu.memory_space<hbm>> -> memref<16384x128xf32, #tpu.memory_space<hbm>>
    tpu.enqueue_indirect_dma source(%dma_start3A_380 : memref<16384x128xf32, #tpu.memory_space<hbm>>) target(%arg8 : memref<128x128xf32, #tpu.memory_space<vmem>>) offsets(%dma_start3A_377 : memref<128xi32, #tpu.memory_space<vmem>>) semaphore(%arg12 : memref<!tpu.dma_semaphore, #tpu.memory_space<semaphore_mem>>)
    %dma_wait3A_381 = arith.constant 22 : i32
    %dma_wait3A_382 = arith.constant 0 : i32
    %dma_wait3A_383 = tpu.memref_slice %arg6[%dma_wait3A_381, %dma_wait3A_382] : memref<32x128xi32, #tpu.memory_space<vmem>> -> memref<1x128xi32, #tpu.memory_space<vmem>>
    %dma_wait3A_384 = tpu.memref_squeeze %dma_wait3A_383 : memref<1x128xi32, #tpu.memory_space<vmem>> -> memref<128xi32, #tpu.memory_space<vmem>>
    %dma_wait3A_385 = arith.constant 0 : i32
    %dma_wait3A_386 = arith.constant 0 : i32
    %dma_wait3A_387 = tpu.memref_slice %arg2[%dma_wait3A_385, %dma_wait3A_386] : memref<16384x128xf32, #tpu.memory_space<hbm>> -> memref<16384x128xf32, #tpu.memory_space<hbm>>
    tpu.wait_indirect_dma semaphore(%arg13 : memref<!tpu.dma_semaphore, #tpu.memory_space<semaphore_mem>>) src(%dma_wait3A_387 : memref<16384x128xf32, #tpu.memory_space<hbm>>) dst(%arg9 : memref<128x128xf32, #tpu.memory_space<vmem>>)
    %run_scoped3A_388 = arith.constant 22 : i32
    "tpu.region"() ({
      %run_scoped3A_516 = tpu.sem_alloc : memref<!tpu.dma_semaphore, #tpu.memory_space<semaphore_mem>>
      %dma_start3A_517 = arith.constant 0 : i32
      %dma_start3A_518 = tpu.memref_slice %arg7[%run_scoped3A_388, %dma_start3A_517] : memref<32x128xi32, #tpu.memory_space<vmem>> -> memref<1x128xi32, #tpu.memory_space<vmem>>
      %dma_start3A_519 = tpu.memref_squeeze %dma_start3A_518 : memref<1x128xi32, #tpu.memory_space<vmem>> -> memref<128xi32, #tpu.memory_space<vmem>>
      %dma_start3A_520 = arith.constant 0 : i32
      %dma_start3A_521 = arith.constant 0 : i32
      %dma_start3A_522 = tpu.memref_slice %arg11[%dma_start3A_520, %dma_start3A_521] : memref<8320x128xf32, #tpu.memory_space<vmem_shared>> -> memref<8320x128xf32, #tpu.memory_space<vmem_shared>>
      tpu.enqueue_indirect_dma source(%arg9 : memref<128x128xf32, #tpu.memory_space<vmem>>) target(%dma_start3A_522 : memref<8320x128xf32, #tpu.memory_space<vmem_shared>>) offsets(%dma_start3A_519 : memref<128xi32, #tpu.memory_space<vmem>>) semaphore(%run_scoped3A_516 : memref<!tpu.dma_semaphore, #tpu.memory_space<semaphore_mem>>) {add = true}
      %dma_wait3A_523 = arith.constant 0 : i32
      %dma_wait3A_524 = tpu.memref_slice %arg7[%run_scoped3A_388, %dma_wait3A_523] : memref<32x128xi32, #tpu.memory_space<vmem>> -> memref<1x128xi32, #tpu.memory_space<vmem>>
      %dma_wait3A_525 = tpu.memref_squeeze %dma_wait3A_524 : memref<1x128xi32, #tpu.memory_space<vmem>> -> memref<128xi32, #tpu.memory_space<vmem>>
      %dma_wait3A_526 = arith.constant 0 : i32
      %dma_wait3A_527 = arith.constant 0 : i32
      %dma_wait3A_528 = tpu.memref_slice %arg11[%dma_wait3A_526, %dma_wait3A_527] : memref<8320x128xf32, #tpu.memory_space<vmem_shared>> -> memref<8320x128xf32, #tpu.memory_space<vmem_shared>>
      tpu.wait_indirect_dma semaphore(%run_scoped3A_516 : memref<!tpu.dma_semaphore, #tpu.memory_space<semaphore_mem>>) src(%arg9 : memref<128x128xf32, #tpu.memory_space<vmem>>) dst(%dma_wait3A_528 : memref<8320x128xf32, #tpu.memory_space<vmem_shared>>)
      tpu.yield
    }) : () -> ()
    %dma_start3A_389 = arith.constant 25 : i32
    %dma_start3A_390 = arith.constant 0 : i32
    %dma_start3A_391 = tpu.memref_slice %arg6[%dma_start3A_389, %dma_start3A_390] : memref<32x128xi32, #tpu.memory_space<vmem>> -> memref<1x128xi32, #tpu.memory_space<vmem>>
    %dma_start3A_392 = tpu.memref_squeeze %dma_start3A_391 : memref<1x128xi32, #tpu.memory_space<vmem>> -> memref<128xi32, #tpu.memory_space<vmem>>
    %dma_start3A_393 = arith.constant 0 : i32
    %dma_start3A_394 = arith.constant 0 : i32
    %dma_start3A_395 = tpu.memref_slice %arg2[%dma_start3A_393, %dma_start3A_394] : memref<16384x128xf32, #tpu.memory_space<hbm>> -> memref<16384x128xf32, #tpu.memory_space<hbm>>
    tpu.enqueue_indirect_dma source(%dma_start3A_395 : memref<16384x128xf32, #tpu.memory_space<hbm>>) target(%arg9 : memref<128x128xf32, #tpu.memory_space<vmem>>) offsets(%dma_start3A_392 : memref<128xi32, #tpu.memory_space<vmem>>) semaphore(%arg13 : memref<!tpu.dma_semaphore, #tpu.memory_space<semaphore_mem>>)
    %dma_wait3A_396 = arith.constant 23 : i32
    %dma_wait3A_397 = arith.constant 0 : i32
    %dma_wait3A_398 = tpu.memref_slice %arg6[%dma_wait3A_396, %dma_wait3A_397] : memref<32x128xi32, #tpu.memory_space<vmem>> -> memref<1x128xi32, #tpu.memory_space<vmem>>
    %dma_wait3A_399 = tpu.memref_squeeze %dma_wait3A_398 : memref<1x128xi32, #tpu.memory_space<vmem>> -> memref<128xi32, #tpu.memory_space<vmem>>
    %dma_wait3A_400 = arith.constant 0 : i32
    %dma_wait3A_401 = arith.constant 0 : i32
    %dma_wait3A_402 = tpu.memref_slice %arg2[%dma_wait3A_400, %dma_wait3A_401] : memref<16384x128xf32, #tpu.memory_space<hbm>> -> memref<16384x128xf32, #tpu.memory_space<hbm>>
    tpu.wait_indirect_dma semaphore(%arg14 : memref<!tpu.dma_semaphore, #tpu.memory_space<semaphore_mem>>) src(%dma_wait3A_402 : memref<16384x128xf32, #tpu.memory_space<hbm>>) dst(%arg10 : memref<128x128xf32, #tpu.memory_space<vmem>>)
    %run_scoped3A_403 = arith.constant 23 : i32
    "tpu.region"() ({
      %run_scoped3A_516 = tpu.sem_alloc : memref<!tpu.dma_semaphore, #tpu.memory_space<semaphore_mem>>
      %dma_start3A_517 = arith.constant 0 : i32
      %dma_start3A_518 = tpu.memref_slice %arg7[%run_scoped3A_403, %dma_start3A_517] : memref<32x128xi32, #tpu.memory_space<vmem>> -> memref<1x128xi32, #tpu.memory_space<vmem>>
      %dma_start3A_519 = tpu.memref_squeeze %dma_start3A_518 : memref<1x128xi32, #tpu.memory_space<vmem>> -> memref<128xi32, #tpu.memory_space<vmem>>
      %dma_start3A_520 = arith.constant 0 : i32
      %dma_start3A_521 = arith.constant 0 : i32
      %dma_start3A_522 = tpu.memref_slice %arg11[%dma_start3A_520, %dma_start3A_521] : memref<8320x128xf32, #tpu.memory_space<vmem_shared>> -> memref<8320x128xf32, #tpu.memory_space<vmem_shared>>
      tpu.enqueue_indirect_dma source(%arg10 : memref<128x128xf32, #tpu.memory_space<vmem>>) target(%dma_start3A_522 : memref<8320x128xf32, #tpu.memory_space<vmem_shared>>) offsets(%dma_start3A_519 : memref<128xi32, #tpu.memory_space<vmem>>) semaphore(%run_scoped3A_516 : memref<!tpu.dma_semaphore, #tpu.memory_space<semaphore_mem>>) {add = true}
      %dma_wait3A_523 = arith.constant 0 : i32
      %dma_wait3A_524 = tpu.memref_slice %arg7[%run_scoped3A_403, %dma_wait3A_523] : memref<32x128xi32, #tpu.memory_space<vmem>> -> memref<1x128xi32, #tpu.memory_space<vmem>>
      %dma_wait3A_525 = tpu.memref_squeeze %dma_wait3A_524 : memref<1x128xi32, #tpu.memory_space<vmem>> -> memref<128xi32, #tpu.memory_space<vmem>>
      %dma_wait3A_526 = arith.constant 0 : i32
      %dma_wait3A_527 = arith.constant 0 : i32
      %dma_wait3A_528 = tpu.memref_slice %arg11[%dma_wait3A_526, %dma_wait3A_527] : memref<8320x128xf32, #tpu.memory_space<vmem_shared>> -> memref<8320x128xf32, #tpu.memory_space<vmem_shared>>
      tpu.wait_indirect_dma semaphore(%run_scoped3A_516 : memref<!tpu.dma_semaphore, #tpu.memory_space<semaphore_mem>>) src(%arg10 : memref<128x128xf32, #tpu.memory_space<vmem>>) dst(%dma_wait3A_528 : memref<8320x128xf32, #tpu.memory_space<vmem_shared>>)
      tpu.yield
    }) : () -> ()
    %dma_start3A_404 = arith.constant 26 : i32
    %dma_start3A_405 = arith.constant 0 : i32
    %dma_start3A_406 = tpu.memref_slice %arg6[%dma_start3A_404, %dma_start3A_405] : memref<32x128xi32, #tpu.memory_space<vmem>> -> memref<1x128xi32, #tpu.memory_space<vmem>>
    %dma_start3A_407 = tpu.memref_squeeze %dma_start3A_406 : memref<1x128xi32, #tpu.memory_space<vmem>> -> memref<128xi32, #tpu.memory_space<vmem>>
    %dma_start3A_408 = arith.constant 0 : i32
    %dma_start3A_409 = arith.constant 0 : i32
    %dma_start3A_410 = tpu.memref_slice %arg2[%dma_start3A_408, %dma_start3A_409] : memref<16384x128xf32, #tpu.memory_space<hbm>> -> memref<16384x128xf32, #tpu.memory_space<hbm>>
    tpu.enqueue_indirect_dma source(%dma_start3A_410 : memref<16384x128xf32, #tpu.memory_space<hbm>>) target(%arg10 : memref<128x128xf32, #tpu.memory_space<vmem>>) offsets(%dma_start3A_407 : memref<128xi32, #tpu.memory_space<vmem>>) semaphore(%arg14 : memref<!tpu.dma_semaphore, #tpu.memory_space<semaphore_mem>>)
    %dma_wait3A_411 = arith.constant 24 : i32
    %dma_wait3A_412 = arith.constant 0 : i32
    %dma_wait3A_413 = tpu.memref_slice %arg6[%dma_wait3A_411, %dma_wait3A_412] : memref<32x128xi32, #tpu.memory_space<vmem>> -> memref<1x128xi32, #tpu.memory_space<vmem>>
    %dma_wait3A_414 = tpu.memref_squeeze %dma_wait3A_413 : memref<1x128xi32, #tpu.memory_space<vmem>> -> memref<128xi32, #tpu.memory_space<vmem>>
    %dma_wait3A_415 = arith.constant 0 : i32
    %dma_wait3A_416 = arith.constant 0 : i32
    %dma_wait3A_417 = tpu.memref_slice %arg2[%dma_wait3A_415, %dma_wait3A_416] : memref<16384x128xf32, #tpu.memory_space<hbm>> -> memref<16384x128xf32, #tpu.memory_space<hbm>>
    tpu.wait_indirect_dma semaphore(%arg12 : memref<!tpu.dma_semaphore, #tpu.memory_space<semaphore_mem>>) src(%dma_wait3A_417 : memref<16384x128xf32, #tpu.memory_space<hbm>>) dst(%arg8 : memref<128x128xf32, #tpu.memory_space<vmem>>)
    %run_scoped3A_418 = arith.constant 24 : i32
    "tpu.region"() ({
      %run_scoped3A_516 = tpu.sem_alloc : memref<!tpu.dma_semaphore, #tpu.memory_space<semaphore_mem>>
      %dma_start3A_517 = arith.constant 0 : i32
      %dma_start3A_518 = tpu.memref_slice %arg7[%run_scoped3A_418, %dma_start3A_517] : memref<32x128xi32, #tpu.memory_space<vmem>> -> memref<1x128xi32, #tpu.memory_space<vmem>>
      %dma_start3A_519 = tpu.memref_squeeze %dma_start3A_518 : memref<1x128xi32, #tpu.memory_space<vmem>> -> memref<128xi32, #tpu.memory_space<vmem>>
      %dma_start3A_520 = arith.constant 0 : i32
      %dma_start3A_521 = arith.constant 0 : i32
      %dma_start3A_522 = tpu.memref_slice %arg11[%dma_start3A_520, %dma_start3A_521] : memref<8320x128xf32, #tpu.memory_space<vmem_shared>> -> memref<8320x128xf32, #tpu.memory_space<vmem_shared>>
      tpu.enqueue_indirect_dma source(%arg8 : memref<128x128xf32, #tpu.memory_space<vmem>>) target(%dma_start3A_522 : memref<8320x128xf32, #tpu.memory_space<vmem_shared>>) offsets(%dma_start3A_519 : memref<128xi32, #tpu.memory_space<vmem>>) semaphore(%run_scoped3A_516 : memref<!tpu.dma_semaphore, #tpu.memory_space<semaphore_mem>>) {add = true}
      %dma_wait3A_523 = arith.constant 0 : i32
      %dma_wait3A_524 = tpu.memref_slice %arg7[%run_scoped3A_418, %dma_wait3A_523] : memref<32x128xi32, #tpu.memory_space<vmem>> -> memref<1x128xi32, #tpu.memory_space<vmem>>
      %dma_wait3A_525 = tpu.memref_squeeze %dma_wait3A_524 : memref<1x128xi32, #tpu.memory_space<vmem>> -> memref<128xi32, #tpu.memory_space<vmem>>
      %dma_wait3A_526 = arith.constant 0 : i32
      %dma_wait3A_527 = arith.constant 0 : i32
      %dma_wait3A_528 = tpu.memref_slice %arg11[%dma_wait3A_526, %dma_wait3A_527] : memref<8320x128xf32, #tpu.memory_space<vmem_shared>> -> memref<8320x128xf32, #tpu.memory_space<vmem_shared>>
      tpu.wait_indirect_dma semaphore(%run_scoped3A_516 : memref<!tpu.dma_semaphore, #tpu.memory_space<semaphore_mem>>) src(%arg8 : memref<128x128xf32, #tpu.memory_space<vmem>>) dst(%dma_wait3A_528 : memref<8320x128xf32, #tpu.memory_space<vmem_shared>>)
      tpu.yield
    }) : () -> ()
    %dma_start3A_419 = arith.constant 27 : i32
    %dma_start3A_420 = arith.constant 0 : i32
    %dma_start3A_421 = tpu.memref_slice %arg6[%dma_start3A_419, %dma_start3A_420] : memref<32x128xi32, #tpu.memory_space<vmem>> -> memref<1x128xi32, #tpu.memory_space<vmem>>
    %dma_start3A_422 = tpu.memref_squeeze %dma_start3A_421 : memref<1x128xi32, #tpu.memory_space<vmem>> -> memref<128xi32, #tpu.memory_space<vmem>>
    %dma_start3A_423 = arith.constant 0 : i32
    %dma_start3A_424 = arith.constant 0 : i32
    %dma_start3A_425 = tpu.memref_slice %arg2[%dma_start3A_423, %dma_start3A_424] : memref<16384x128xf32, #tpu.memory_space<hbm>> -> memref<16384x128xf32, #tpu.memory_space<hbm>>
    tpu.enqueue_indirect_dma source(%dma_start3A_425 : memref<16384x128xf32, #tpu.memory_space<hbm>>) target(%arg8 : memref<128x128xf32, #tpu.memory_space<vmem>>) offsets(%dma_start3A_422 : memref<128xi32, #tpu.memory_space<vmem>>) semaphore(%arg12 : memref<!tpu.dma_semaphore, #tpu.memory_space<semaphore_mem>>)
    %dma_wait3A_426 = arith.constant 25 : i32
    %dma_wait3A_427 = arith.constant 0 : i32
    %dma_wait3A_428 = tpu.memref_slice %arg6[%dma_wait3A_426, %dma_wait3A_427] : memref<32x128xi32, #tpu.memory_space<vmem>> -> memref<1x128xi32, #tpu.memory_space<vmem>>
    %dma_wait3A_429 = tpu.memref_squeeze %dma_wait3A_428 : memref<1x128xi32, #tpu.memory_space<vmem>> -> memref<128xi32, #tpu.memory_space<vmem>>
    %dma_wait3A_430 = arith.constant 0 : i32
    %dma_wait3A_431 = arith.constant 0 : i32
    %dma_wait3A_432 = tpu.memref_slice %arg2[%dma_wait3A_430, %dma_wait3A_431] : memref<16384x128xf32, #tpu.memory_space<hbm>> -> memref<16384x128xf32, #tpu.memory_space<hbm>>
    tpu.wait_indirect_dma semaphore(%arg13 : memref<!tpu.dma_semaphore, #tpu.memory_space<semaphore_mem>>) src(%dma_wait3A_432 : memref<16384x128xf32, #tpu.memory_space<hbm>>) dst(%arg9 : memref<128x128xf32, #tpu.memory_space<vmem>>)
    %run_scoped3A_433 = arith.constant 25 : i32
    "tpu.region"() ({
      %run_scoped3A_516 = tpu.sem_alloc : memref<!tpu.dma_semaphore, #tpu.memory_space<semaphore_mem>>
      %dma_start3A_517 = arith.constant 0 : i32
      %dma_start3A_518 = tpu.memref_slice %arg7[%run_scoped3A_433, %dma_start3A_517] : memref<32x128xi32, #tpu.memory_space<vmem>> -> memref<1x128xi32, #tpu.memory_space<vmem>>
      %dma_start3A_519 = tpu.memref_squeeze %dma_start3A_518 : memref<1x128xi32, #tpu.memory_space<vmem>> -> memref<128xi32, #tpu.memory_space<vmem>>
      %dma_start3A_520 = arith.constant 0 : i32
      %dma_start3A_521 = arith.constant 0 : i32
      %dma_start3A_522 = tpu.memref_slice %arg11[%dma_start3A_520, %dma_start3A_521] : memref<8320x128xf32, #tpu.memory_space<vmem_shared>> -> memref<8320x128xf32, #tpu.memory_space<vmem_shared>>
      tpu.enqueue_indirect_dma source(%arg9 : memref<128x128xf32, #tpu.memory_space<vmem>>) target(%dma_start3A_522 : memref<8320x128xf32, #tpu.memory_space<vmem_shared>>) offsets(%dma_start3A_519 : memref<128xi32, #tpu.memory_space<vmem>>) semaphore(%run_scoped3A_516 : memref<!tpu.dma_semaphore, #tpu.memory_space<semaphore_mem>>) {add = true}
      %dma_wait3A_523 = arith.constant 0 : i32
      %dma_wait3A_524 = tpu.memref_slice %arg7[%run_scoped3A_433, %dma_wait3A_523] : memref<32x128xi32, #tpu.memory_space<vmem>> -> memref<1x128xi32, #tpu.memory_space<vmem>>
      %dma_wait3A_525 = tpu.memref_squeeze %dma_wait3A_524 : memref<1x128xi32, #tpu.memory_space<vmem>> -> memref<128xi32, #tpu.memory_space<vmem>>
      %dma_wait3A_526 = arith.constant 0 : i32
      %dma_wait3A_527 = arith.constant 0 : i32
      %dma_wait3A_528 = tpu.memref_slice %arg11[%dma_wait3A_526, %dma_wait3A_527] : memref<8320x128xf32, #tpu.memory_space<vmem_shared>> -> memref<8320x128xf32, #tpu.memory_space<vmem_shared>>
      tpu.wait_indirect_dma semaphore(%run_scoped3A_516 : memref<!tpu.dma_semaphore, #tpu.memory_space<semaphore_mem>>) src(%arg9 : memref<128x128xf32, #tpu.memory_space<vmem>>) dst(%dma_wait3A_528 : memref<8320x128xf32, #tpu.memory_space<vmem_shared>>)
      tpu.yield
    }) : () -> ()
    %dma_start3A_434 = arith.constant 28 : i32
    %dma_start3A_435 = arith.constant 0 : i32
    %dma_start3A_436 = tpu.memref_slice %arg6[%dma_start3A_434, %dma_start3A_435] : memref<32x128xi32, #tpu.memory_space<vmem>> -> memref<1x128xi32, #tpu.memory_space<vmem>>
    %dma_start3A_437 = tpu.memref_squeeze %dma_start3A_436 : memref<1x128xi32, #tpu.memory_space<vmem>> -> memref<128xi32, #tpu.memory_space<vmem>>
    %dma_start3A_438 = arith.constant 0 : i32
    %dma_start3A_439 = arith.constant 0 : i32
    %dma_start3A_440 = tpu.memref_slice %arg2[%dma_start3A_438, %dma_start3A_439] : memref<16384x128xf32, #tpu.memory_space<hbm>> -> memref<16384x128xf32, #tpu.memory_space<hbm>>
    tpu.enqueue_indirect_dma source(%dma_start3A_440 : memref<16384x128xf32, #tpu.memory_space<hbm>>) target(%arg9 : memref<128x128xf32, #tpu.memory_space<vmem>>) offsets(%dma_start3A_437 : memref<128xi32, #tpu.memory_space<vmem>>) semaphore(%arg13 : memref<!tpu.dma_semaphore, #tpu.memory_space<semaphore_mem>>)
    %dma_wait3A_441 = arith.constant 26 : i32
    %dma_wait3A_442 = arith.constant 0 : i32
    %dma_wait3A_443 = tpu.memref_slice %arg6[%dma_wait3A_441, %dma_wait3A_442] : memref<32x128xi32, #tpu.memory_space<vmem>> -> memref<1x128xi32, #tpu.memory_space<vmem>>
    %dma_wait3A_444 = tpu.memref_squeeze %dma_wait3A_443 : memref<1x128xi32, #tpu.memory_space<vmem>> -> memref<128xi32, #tpu.memory_space<vmem>>
    %dma_wait3A_445 = arith.constant 0 : i32
    %dma_wait3A_446 = arith.constant 0 : i32
    %dma_wait3A_447 = tpu.memref_slice %arg2[%dma_wait3A_445, %dma_wait3A_446] : memref<16384x128xf32, #tpu.memory_space<hbm>> -> memref<16384x128xf32, #tpu.memory_space<hbm>>
    tpu.wait_indirect_dma semaphore(%arg14 : memref<!tpu.dma_semaphore, #tpu.memory_space<semaphore_mem>>) src(%dma_wait3A_447 : memref<16384x128xf32, #tpu.memory_space<hbm>>) dst(%arg10 : memref<128x128xf32, #tpu.memory_space<vmem>>)
    %run_scoped3A_448 = arith.constant 26 : i32
    "tpu.region"() ({
      %run_scoped3A_516 = tpu.sem_alloc : memref<!tpu.dma_semaphore, #tpu.memory_space<semaphore_mem>>
      %dma_start3A_517 = arith.constant 0 : i32
      %dma_start3A_518 = tpu.memref_slice %arg7[%run_scoped3A_448, %dma_start3A_517] : memref<32x128xi32, #tpu.memory_space<vmem>> -> memref<1x128xi32, #tpu.memory_space<vmem>>
      %dma_start3A_519 = tpu.memref_squeeze %dma_start3A_518 : memref<1x128xi32, #tpu.memory_space<vmem>> -> memref<128xi32, #tpu.memory_space<vmem>>
      %dma_start3A_520 = arith.constant 0 : i32
      %dma_start3A_521 = arith.constant 0 : i32
      %dma_start3A_522 = tpu.memref_slice %arg11[%dma_start3A_520, %dma_start3A_521] : memref<8320x128xf32, #tpu.memory_space<vmem_shared>> -> memref<8320x128xf32, #tpu.memory_space<vmem_shared>>
      tpu.enqueue_indirect_dma source(%arg10 : memref<128x128xf32, #tpu.memory_space<vmem>>) target(%dma_start3A_522 : memref<8320x128xf32, #tpu.memory_space<vmem_shared>>) offsets(%dma_start3A_519 : memref<128xi32, #tpu.memory_space<vmem>>) semaphore(%run_scoped3A_516 : memref<!tpu.dma_semaphore, #tpu.memory_space<semaphore_mem>>) {add = true}
      %dma_wait3A_523 = arith.constant 0 : i32
      %dma_wait3A_524 = tpu.memref_slice %arg7[%run_scoped3A_448, %dma_wait3A_523] : memref<32x128xi32, #tpu.memory_space<vmem>> -> memref<1x128xi32, #tpu.memory_space<vmem>>
      %dma_wait3A_525 = tpu.memref_squeeze %dma_wait3A_524 : memref<1x128xi32, #tpu.memory_space<vmem>> -> memref<128xi32, #tpu.memory_space<vmem>>
      %dma_wait3A_526 = arith.constant 0 : i32
      %dma_wait3A_527 = arith.constant 0 : i32
      %dma_wait3A_528 = tpu.memref_slice %arg11[%dma_wait3A_526, %dma_wait3A_527] : memref<8320x128xf32, #tpu.memory_space<vmem_shared>> -> memref<8320x128xf32, #tpu.memory_space<vmem_shared>>
      tpu.wait_indirect_dma semaphore(%run_scoped3A_516 : memref<!tpu.dma_semaphore, #tpu.memory_space<semaphore_mem>>) src(%arg10 : memref<128x128xf32, #tpu.memory_space<vmem>>) dst(%dma_wait3A_528 : memref<8320x128xf32, #tpu.memory_space<vmem_shared>>)
      tpu.yield
    }) : () -> ()
    %dma_start3A_449 = arith.constant 29 : i32
    %dma_start3A_450 = arith.constant 0 : i32
    %dma_start3A_451 = tpu.memref_slice %arg6[%dma_start3A_449, %dma_start3A_450] : memref<32x128xi32, #tpu.memory_space<vmem>> -> memref<1x128xi32, #tpu.memory_space<vmem>>
    %dma_start3A_452 = tpu.memref_squeeze %dma_start3A_451 : memref<1x128xi32, #tpu.memory_space<vmem>> -> memref<128xi32, #tpu.memory_space<vmem>>
    %dma_start3A_453 = arith.constant 0 : i32
    %dma_start3A_454 = arith.constant 0 : i32
    %dma_start3A_455 = tpu.memref_slice %arg2[%dma_start3A_453, %dma_start3A_454] : memref<16384x128xf32, #tpu.memory_space<hbm>> -> memref<16384x128xf32, #tpu.memory_space<hbm>>
    tpu.enqueue_indirect_dma source(%dma_start3A_455 : memref<16384x128xf32, #tpu.memory_space<hbm>>) target(%arg10 : memref<128x128xf32, #tpu.memory_space<vmem>>) offsets(%dma_start3A_452 : memref<128xi32, #tpu.memory_space<vmem>>) semaphore(%arg14 : memref<!tpu.dma_semaphore, #tpu.memory_space<semaphore_mem>>)
    %dma_wait3A_456 = arith.constant 27 : i32
    %dma_wait3A_457 = arith.constant 0 : i32
    %dma_wait3A_458 = tpu.memref_slice %arg6[%dma_wait3A_456, %dma_wait3A_457] : memref<32x128xi32, #tpu.memory_space<vmem>> -> memref<1x128xi32, #tpu.memory_space<vmem>>
    %dma_wait3A_459 = tpu.memref_squeeze %dma_wait3A_458 : memref<1x128xi32, #tpu.memory_space<vmem>> -> memref<128xi32, #tpu.memory_space<vmem>>
    %dma_wait3A_460 = arith.constant 0 : i32
    %dma_wait3A_461 = arith.constant 0 : i32
    %dma_wait3A_462 = tpu.memref_slice %arg2[%dma_wait3A_460, %dma_wait3A_461] : memref<16384x128xf32, #tpu.memory_space<hbm>> -> memref<16384x128xf32, #tpu.memory_space<hbm>>
    tpu.wait_indirect_dma semaphore(%arg12 : memref<!tpu.dma_semaphore, #tpu.memory_space<semaphore_mem>>) src(%dma_wait3A_462 : memref<16384x128xf32, #tpu.memory_space<hbm>>) dst(%arg8 : memref<128x128xf32, #tpu.memory_space<vmem>>)
    %run_scoped3A_463 = arith.constant 27 : i32
    "tpu.region"() ({
      %run_scoped3A_516 = tpu.sem_alloc : memref<!tpu.dma_semaphore, #tpu.memory_space<semaphore_mem>>
      %dma_start3A_517 = arith.constant 0 : i32
      %dma_start3A_518 = tpu.memref_slice %arg7[%run_scoped3A_463, %dma_start3A_517] : memref<32x128xi32, #tpu.memory_space<vmem>> -> memref<1x128xi32, #tpu.memory_space<vmem>>
      %dma_start3A_519 = tpu.memref_squeeze %dma_start3A_518 : memref<1x128xi32, #tpu.memory_space<vmem>> -> memref<128xi32, #tpu.memory_space<vmem>>
      %dma_start3A_520 = arith.constant 0 : i32
      %dma_start3A_521 = arith.constant 0 : i32
      %dma_start3A_522 = tpu.memref_slice %arg11[%dma_start3A_520, %dma_start3A_521] : memref<8320x128xf32, #tpu.memory_space<vmem_shared>> -> memref<8320x128xf32, #tpu.memory_space<vmem_shared>>
      tpu.enqueue_indirect_dma source(%arg8 : memref<128x128xf32, #tpu.memory_space<vmem>>) target(%dma_start3A_522 : memref<8320x128xf32, #tpu.memory_space<vmem_shared>>) offsets(%dma_start3A_519 : memref<128xi32, #tpu.memory_space<vmem>>) semaphore(%run_scoped3A_516 : memref<!tpu.dma_semaphore, #tpu.memory_space<semaphore_mem>>) {add = true}
      %dma_wait3A_523 = arith.constant 0 : i32
      %dma_wait3A_524 = tpu.memref_slice %arg7[%run_scoped3A_463, %dma_wait3A_523] : memref<32x128xi32, #tpu.memory_space<vmem>> -> memref<1x128xi32, #tpu.memory_space<vmem>>
      %dma_wait3A_525 = tpu.memref_squeeze %dma_wait3A_524 : memref<1x128xi32, #tpu.memory_space<vmem>> -> memref<128xi32, #tpu.memory_space<vmem>>
      %dma_wait3A_526 = arith.constant 0 : i32
      %dma_wait3A_527 = arith.constant 0 : i32
      %dma_wait3A_528 = tpu.memref_slice %arg11[%dma_wait3A_526, %dma_wait3A_527] : memref<8320x128xf32, #tpu.memory_space<vmem_shared>> -> memref<8320x128xf32, #tpu.memory_space<vmem_shared>>
      tpu.wait_indirect_dma semaphore(%run_scoped3A_516 : memref<!tpu.dma_semaphore, #tpu.memory_space<semaphore_mem>>) src(%arg8 : memref<128x128xf32, #tpu.memory_space<vmem>>) dst(%dma_wait3A_528 : memref<8320x128xf32, #tpu.memory_space<vmem_shared>>)
      tpu.yield
    }) : () -> ()
    %dma_start3A_464 = arith.constant 30 : i32
    %dma_start3A_465 = arith.constant 0 : i32
    %dma_start3A_466 = tpu.memref_slice %arg6[%dma_start3A_464, %dma_start3A_465] : memref<32x128xi32, #tpu.memory_space<vmem>> -> memref<1x128xi32, #tpu.memory_space<vmem>>
    %dma_start3A_467 = tpu.memref_squeeze %dma_start3A_466 : memref<1x128xi32, #tpu.memory_space<vmem>> -> memref<128xi32, #tpu.memory_space<vmem>>
    %dma_start3A_468 = arith.constant 0 : i32
    %dma_start3A_469 = arith.constant 0 : i32
    %dma_start3A_470 = tpu.memref_slice %arg2[%dma_start3A_468, %dma_start3A_469] : memref<16384x128xf32, #tpu.memory_space<hbm>> -> memref<16384x128xf32, #tpu.memory_space<hbm>>
    tpu.enqueue_indirect_dma source(%dma_start3A_470 : memref<16384x128xf32, #tpu.memory_space<hbm>>) target(%arg8 : memref<128x128xf32, #tpu.memory_space<vmem>>) offsets(%dma_start3A_467 : memref<128xi32, #tpu.memory_space<vmem>>) semaphore(%arg12 : memref<!tpu.dma_semaphore, #tpu.memory_space<semaphore_mem>>)
    %dma_wait3A_471 = arith.constant 28 : i32
    %dma_wait3A_472 = arith.constant 0 : i32
    %dma_wait3A_473 = tpu.memref_slice %arg6[%dma_wait3A_471, %dma_wait3A_472] : memref<32x128xi32, #tpu.memory_space<vmem>> -> memref<1x128xi32, #tpu.memory_space<vmem>>
    %dma_wait3A_474 = tpu.memref_squeeze %dma_wait3A_473 : memref<1x128xi32, #tpu.memory_space<vmem>> -> memref<128xi32, #tpu.memory_space<vmem>>
    %dma_wait3A_475 = arith.constant 0 : i32
    %dma_wait3A_476 = arith.constant 0 : i32
    %dma_wait3A_477 = tpu.memref_slice %arg2[%dma_wait3A_475, %dma_wait3A_476] : memref<16384x128xf32, #tpu.memory_space<hbm>> -> memref<16384x128xf32, #tpu.memory_space<hbm>>
    tpu.wait_indirect_dma semaphore(%arg13 : memref<!tpu.dma_semaphore, #tpu.memory_space<semaphore_mem>>) src(%dma_wait3A_477 : memref<16384x128xf32, #tpu.memory_space<hbm>>) dst(%arg9 : memref<128x128xf32, #tpu.memory_space<vmem>>)
    %run_scoped3A_478 = arith.constant 28 : i32
    "tpu.region"() ({
      %run_scoped3A_516 = tpu.sem_alloc : memref<!tpu.dma_semaphore, #tpu.memory_space<semaphore_mem>>
      %dma_start3A_517 = arith.constant 0 : i32
      %dma_start3A_518 = tpu.memref_slice %arg7[%run_scoped3A_478, %dma_start3A_517] : memref<32x128xi32, #tpu.memory_space<vmem>> -> memref<1x128xi32, #tpu.memory_space<vmem>>
      %dma_start3A_519 = tpu.memref_squeeze %dma_start3A_518 : memref<1x128xi32, #tpu.memory_space<vmem>> -> memref<128xi32, #tpu.memory_space<vmem>>
      %dma_start3A_520 = arith.constant 0 : i32
      %dma_start3A_521 = arith.constant 0 : i32
      %dma_start3A_522 = tpu.memref_slice %arg11[%dma_start3A_520, %dma_start3A_521] : memref<8320x128xf32, #tpu.memory_space<vmem_shared>> -> memref<8320x128xf32, #tpu.memory_space<vmem_shared>>
      tpu.enqueue_indirect_dma source(%arg9 : memref<128x128xf32, #tpu.memory_space<vmem>>) target(%dma_start3A_522 : memref<8320x128xf32, #tpu.memory_space<vmem_shared>>) offsets(%dma_start3A_519 : memref<128xi32, #tpu.memory_space<vmem>>) semaphore(%run_scoped3A_516 : memref<!tpu.dma_semaphore, #tpu.memory_space<semaphore_mem>>) {add = true}
      %dma_wait3A_523 = arith.constant 0 : i32
      %dma_wait3A_524 = tpu.memref_slice %arg7[%run_scoped3A_478, %dma_wait3A_523] : memref<32x128xi32, #tpu.memory_space<vmem>> -> memref<1x128xi32, #tpu.memory_space<vmem>>
      %dma_wait3A_525 = tpu.memref_squeeze %dma_wait3A_524 : memref<1x128xi32, #tpu.memory_space<vmem>> -> memref<128xi32, #tpu.memory_space<vmem>>
      %dma_wait3A_526 = arith.constant 0 : i32
      %dma_wait3A_527 = arith.constant 0 : i32
      %dma_wait3A_528 = tpu.memref_slice %arg11[%dma_wait3A_526, %dma_wait3A_527] : memref<8320x128xf32, #tpu.memory_space<vmem_shared>> -> memref<8320x128xf32, #tpu.memory_space<vmem_shared>>
      tpu.wait_indirect_dma semaphore(%run_scoped3A_516 : memref<!tpu.dma_semaphore, #tpu.memory_space<semaphore_mem>>) src(%arg9 : memref<128x128xf32, #tpu.memory_space<vmem>>) dst(%dma_wait3A_528 : memref<8320x128xf32, #tpu.memory_space<vmem_shared>>)
      tpu.yield
    }) : () -> ()
    %dma_start3A_479 = arith.constant 31 : i32
    %dma_start3A_480 = arith.constant 0 : i32
    %dma_start3A_481 = tpu.memref_slice %arg6[%dma_start3A_479, %dma_start3A_480] : memref<32x128xi32, #tpu.memory_space<vmem>> -> memref<1x128xi32, #tpu.memory_space<vmem>>
    %dma_start3A_482 = tpu.memref_squeeze %dma_start3A_481 : memref<1x128xi32, #tpu.memory_space<vmem>> -> memref<128xi32, #tpu.memory_space<vmem>>
    %dma_start3A_483 = arith.constant 0 : i32
    %dma_start3A_484 = arith.constant 0 : i32
    %dma_start3A_485 = tpu.memref_slice %arg2[%dma_start3A_483, %dma_start3A_484] : memref<16384x128xf32, #tpu.memory_space<hbm>> -> memref<16384x128xf32, #tpu.memory_space<hbm>>
    tpu.enqueue_indirect_dma source(%dma_start3A_485 : memref<16384x128xf32, #tpu.memory_space<hbm>>) target(%arg9 : memref<128x128xf32, #tpu.memory_space<vmem>>) offsets(%dma_start3A_482 : memref<128xi32, #tpu.memory_space<vmem>>) semaphore(%arg13 : memref<!tpu.dma_semaphore, #tpu.memory_space<semaphore_mem>>)
    %dma_wait3A_486 = arith.constant 29 : i32
    %dma_wait3A_487 = arith.constant 0 : i32
    %dma_wait3A_488 = tpu.memref_slice %arg6[%dma_wait3A_486, %dma_wait3A_487] : memref<32x128xi32, #tpu.memory_space<vmem>> -> memref<1x128xi32, #tpu.memory_space<vmem>>
    %dma_wait3A_489 = tpu.memref_squeeze %dma_wait3A_488 : memref<1x128xi32, #tpu.memory_space<vmem>> -> memref<128xi32, #tpu.memory_space<vmem>>
    %dma_wait3A_490 = arith.constant 0 : i32
    %dma_wait3A_491 = arith.constant 0 : i32
    %dma_wait3A_492 = tpu.memref_slice %arg2[%dma_wait3A_490, %dma_wait3A_491] : memref<16384x128xf32, #tpu.memory_space<hbm>> -> memref<16384x128xf32, #tpu.memory_space<hbm>>
    tpu.wait_indirect_dma semaphore(%arg14 : memref<!tpu.dma_semaphore, #tpu.memory_space<semaphore_mem>>) src(%dma_wait3A_492 : memref<16384x128xf32, #tpu.memory_space<hbm>>) dst(%arg10 : memref<128x128xf32, #tpu.memory_space<vmem>>)
    %run_scoped3A_493 = arith.constant 29 : i32
    "tpu.region"() ({
      %run_scoped3A_516 = tpu.sem_alloc : memref<!tpu.dma_semaphore, #tpu.memory_space<semaphore_mem>>
      %dma_start3A_517 = arith.constant 0 : i32
      %dma_start3A_518 = tpu.memref_slice %arg7[%run_scoped3A_493, %dma_start3A_517] : memref<32x128xi32, #tpu.memory_space<vmem>> -> memref<1x128xi32, #tpu.memory_space<vmem>>
      %dma_start3A_519 = tpu.memref_squeeze %dma_start3A_518 : memref<1x128xi32, #tpu.memory_space<vmem>> -> memref<128xi32, #tpu.memory_space<vmem>>
      %dma_start3A_520 = arith.constant 0 : i32
      %dma_start3A_521 = arith.constant 0 : i32
      %dma_start3A_522 = tpu.memref_slice %arg11[%dma_start3A_520, %dma_start3A_521] : memref<8320x128xf32, #tpu.memory_space<vmem_shared>> -> memref<8320x128xf32, #tpu.memory_space<vmem_shared>>
      tpu.enqueue_indirect_dma source(%arg10 : memref<128x128xf32, #tpu.memory_space<vmem>>) target(%dma_start3A_522 : memref<8320x128xf32, #tpu.memory_space<vmem_shared>>) offsets(%dma_start3A_519 : memref<128xi32, #tpu.memory_space<vmem>>) semaphore(%run_scoped3A_516 : memref<!tpu.dma_semaphore, #tpu.memory_space<semaphore_mem>>) {add = true}
      %dma_wait3A_523 = arith.constant 0 : i32
      %dma_wait3A_524 = tpu.memref_slice %arg7[%run_scoped3A_493, %dma_wait3A_523] : memref<32x128xi32, #tpu.memory_space<vmem>> -> memref<1x128xi32, #tpu.memory_space<vmem>>
      %dma_wait3A_525 = tpu.memref_squeeze %dma_wait3A_524 : memref<1x128xi32, #tpu.memory_space<vmem>> -> memref<128xi32, #tpu.memory_space<vmem>>
      %dma_wait3A_526 = arith.constant 0 : i32
      %dma_wait3A_527 = arith.constant 0 : i32
      %dma_wait3A_528 = tpu.memref_slice %arg11[%dma_wait3A_526, %dma_wait3A_527] : memref<8320x128xf32, #tpu.memory_space<vmem_shared>> -> memref<8320x128xf32, #tpu.memory_space<vmem_shared>>
      tpu.wait_indirect_dma semaphore(%run_scoped3A_516 : memref<!tpu.dma_semaphore, #tpu.memory_space<semaphore_mem>>) src(%arg10 : memref<128x128xf32, #tpu.memory_space<vmem>>) dst(%dma_wait3A_528 : memref<8320x128xf32, #tpu.memory_space<vmem_shared>>)
      tpu.yield
    }) : () -> ()
    %dma_wait3A_494 = arith.constant 30 : i32
    %dma_wait3A_495 = arith.constant 0 : i32
    %dma_wait3A_496 = tpu.memref_slice %arg6[%dma_wait3A_494, %dma_wait3A_495] : memref<32x128xi32, #tpu.memory_space<vmem>> -> memref<1x128xi32, #tpu.memory_space<vmem>>
    %dma_wait3A_497 = tpu.memref_squeeze %dma_wait3A_496 : memref<1x128xi32, #tpu.memory_space<vmem>> -> memref<128xi32, #tpu.memory_space<vmem>>
    %dma_wait3A_498 = arith.constant 0 : i32
    %dma_wait3A_499 = arith.constant 0 : i32
    %dma_wait3A_500 = tpu.memref_slice %arg2[%dma_wait3A_498, %dma_wait3A_499] : memref<16384x128xf32, #tpu.memory_space<hbm>> -> memref<16384x128xf32, #tpu.memory_space<hbm>>
    tpu.wait_indirect_dma semaphore(%arg12 : memref<!tpu.dma_semaphore, #tpu.memory_space<semaphore_mem>>) src(%dma_wait3A_500 : memref<16384x128xf32, #tpu.memory_space<hbm>>) dst(%arg8 : memref<128x128xf32, #tpu.memory_space<vmem>>)
    %run_scoped3A_501 = arith.constant 30 : i32
    "tpu.region"() ({
      %run_scoped3A_516 = tpu.sem_alloc : memref<!tpu.dma_semaphore, #tpu.memory_space<semaphore_mem>>
      %dma_start3A_517 = arith.constant 0 : i32
      %dma_start3A_518 = tpu.memref_slice %arg7[%run_scoped3A_501, %dma_start3A_517] : memref<32x128xi32, #tpu.memory_space<vmem>> -> memref<1x128xi32, #tpu.memory_space<vmem>>
      %dma_start3A_519 = tpu.memref_squeeze %dma_start3A_518 : memref<1x128xi32, #tpu.memory_space<vmem>> -> memref<128xi32, #tpu.memory_space<vmem>>
      %dma_start3A_520 = arith.constant 0 : i32
      %dma_start3A_521 = arith.constant 0 : i32
      %dma_start3A_522 = tpu.memref_slice %arg11[%dma_start3A_520, %dma_start3A_521] : memref<8320x128xf32, #tpu.memory_space<vmem_shared>> -> memref<8320x128xf32, #tpu.memory_space<vmem_shared>>
      tpu.enqueue_indirect_dma source(%arg8 : memref<128x128xf32, #tpu.memory_space<vmem>>) target(%dma_start3A_522 : memref<8320x128xf32, #tpu.memory_space<vmem_shared>>) offsets(%dma_start3A_519 : memref<128xi32, #tpu.memory_space<vmem>>) semaphore(%run_scoped3A_516 : memref<!tpu.dma_semaphore, #tpu.memory_space<semaphore_mem>>) {add = true}
      %dma_wait3A_523 = arith.constant 0 : i32
      %dma_wait3A_524 = tpu.memref_slice %arg7[%run_scoped3A_501, %dma_wait3A_523] : memref<32x128xi32, #tpu.memory_space<vmem>> -> memref<1x128xi32, #tpu.memory_space<vmem>>
      %dma_wait3A_525 = tpu.memref_squeeze %dma_wait3A_524 : memref<1x128xi32, #tpu.memory_space<vmem>> -> memref<128xi32, #tpu.memory_space<vmem>>
      %dma_wait3A_526 = arith.constant 0 : i32
      %dma_wait3A_527 = arith.constant 0 : i32
      %dma_wait3A_528 = tpu.memref_slice %arg11[%dma_wait3A_526, %dma_wait3A_527] : memref<8320x128xf32, #tpu.memory_space<vmem_shared>> -> memref<8320x128xf32, #tpu.memory_space<vmem_shared>>
      tpu.wait_indirect_dma semaphore(%run_scoped3A_516 : memref<!tpu.dma_semaphore, #tpu.memory_space<semaphore_mem>>) src(%arg8 : memref<128x128xf32, #tpu.memory_space<vmem>>) dst(%dma_wait3A_528 : memref<8320x128xf32, #tpu.memory_space<vmem_shared>>)
      tpu.yield
    }) : () -> ()
    %dma_wait3A_502 = arith.constant 31 : i32
    %dma_wait3A_503 = arith.constant 0 : i32
    %dma_wait3A_504 = tpu.memref_slice %arg6[%dma_wait3A_502, %dma_wait3A_503] : memref<32x128xi32, #tpu.memory_space<vmem>> -> memref<1x128xi32, #tpu.memory_space<vmem>>
    %dma_wait3A_505 = tpu.memref_squeeze %dma_wait3A_504 : memref<1x128xi32, #tpu.memory_space<vmem>> -> memref<128xi32, #tpu.memory_space<vmem>>
    %dma_wait3A_506 = arith.constant 0 : i32
    %dma_wait3A_507 = arith.constant 0 : i32
    %dma_wait3A_508 = tpu.memref_slice %arg2[%dma_wait3A_506, %dma_wait3A_507] : memref<16384x128xf32, #tpu.memory_space<hbm>> -> memref<16384x128xf32, #tpu.memory_space<hbm>>
    tpu.wait_indirect_dma semaphore(%arg13 : memref<!tpu.dma_semaphore, #tpu.memory_space<semaphore_mem>>) src(%dma_wait3A_508 : memref<16384x128xf32, #tpu.memory_space<hbm>>) dst(%arg9 : memref<128x128xf32, #tpu.memory_space<vmem>>)
    %run_scoped3A_509 = arith.constant 31 : i32
    "tpu.region"() ({
      %run_scoped3A_516 = tpu.sem_alloc : memref<!tpu.dma_semaphore, #tpu.memory_space<semaphore_mem>>
      %dma_start3A_517 = arith.constant 0 : i32
      %dma_start3A_518 = tpu.memref_slice %arg7[%run_scoped3A_509, %dma_start3A_517] : memref<32x128xi32, #tpu.memory_space<vmem>> -> memref<1x128xi32, #tpu.memory_space<vmem>>
      %dma_start3A_519 = tpu.memref_squeeze %dma_start3A_518 : memref<1x128xi32, #tpu.memory_space<vmem>> -> memref<128xi32, #tpu.memory_space<vmem>>
      %dma_start3A_520 = arith.constant 0 : i32
      %dma_start3A_521 = arith.constant 0 : i32
      %dma_start3A_522 = tpu.memref_slice %arg11[%dma_start3A_520, %dma_start3A_521] : memref<8320x128xf32, #tpu.memory_space<vmem_shared>> -> memref<8320x128xf32, #tpu.memory_space<vmem_shared>>
      tpu.enqueue_indirect_dma source(%arg9 : memref<128x128xf32, #tpu.memory_space<vmem>>) target(%dma_start3A_522 : memref<8320x128xf32, #tpu.memory_space<vmem_shared>>) offsets(%dma_start3A_519 : memref<128xi32, #tpu.memory_space<vmem>>) semaphore(%run_scoped3A_516 : memref<!tpu.dma_semaphore, #tpu.memory_space<semaphore_mem>>) {add = true}
      %dma_wait3A_523 = arith.constant 0 : i32
      %dma_wait3A_524 = tpu.memref_slice %arg7[%run_scoped3A_509, %dma_wait3A_523] : memref<32x128xi32, #tpu.memory_space<vmem>> -> memref<1x128xi32, #tpu.memory_space<vmem>>
      %dma_wait3A_525 = tpu.memref_squeeze %dma_wait3A_524 : memref<1x128xi32, #tpu.memory_space<vmem>> -> memref<128xi32, #tpu.memory_space<vmem>>
      %dma_wait3A_526 = arith.constant 0 : i32
      %dma_wait3A_527 = arith.constant 0 : i32
      %dma_wait3A_528 = tpu.memref_slice %arg11[%dma_wait3A_526, %dma_wait3A_527] : memref<8320x128xf32, #tpu.memory_space<vmem_shared>> -> memref<8320x128xf32, #tpu.memory_space<vmem_shared>>
      tpu.wait_indirect_dma semaphore(%run_scoped3A_516 : memref<!tpu.dma_semaphore, #tpu.memory_space<semaphore_mem>>) src(%arg9 : memref<128x128xf32, #tpu.memory_space<vmem>>) dst(%dma_wait3A_528 : memref<8320x128xf32, #tpu.memory_space<vmem_shared>>)
      tpu.yield
    }) : () -> ()
    %barrier3A_510 = arith.constant 0 : index
    tpu.barrier barrier_id(%barrier3A_510)
    %mul3A_511 = arith.constant 512 : i32
    %mul3A_512 = arith.muli %arg1, %mul3A_511 : i32
    %mul3A_513 = arith.constant 512 : i32
    %mul3A_514 = arith.muli %arg1, %mul3A_513 : i32
    %add3A_515 = arith.addi %mul3A_4, %mul3A_514 : i32
    "tpu.region"() ({
      %run_scoped3A_516 = tpu.sem_alloc : memref<!tpu.dma_semaphore, #tpu.memory_space<semaphore_mem>>
      %dma_start3A_517 = arith.constant 0 : i32
      %dma_start3A_518 = tpu.memref_slice %arg5[%add3A_515, %dma_start3A_517] : memref<16384x128xf32, #tpu.memory_space<hbm>> -> memref<512x128xf32, #tpu.memory_space<hbm>>
      %dma_start3A_519 = arith.constant 0 : i32
      %dma_start3A_520 = tpu.memref_slice %arg11[%mul3A_512, %dma_start3A_519] : memref<8320x128xf32, #tpu.memory_space<vmem_shared>> -> memref<512x128xf32, #tpu.memory_space<vmem_shared>>
      tpu.enqueue_dma source(%dma_start3A_520 : memref<512x128xf32, #tpu.memory_space<vmem_shared>>) target(%dma_start3A_518 : memref<512x128xf32, #tpu.memory_space<hbm>>) target_semaphore(%run_scoped3A_516 : memref<!tpu.dma_semaphore, #tpu.memory_space<semaphore_mem>>)
      %dma_wait3A_521 = arith.constant 0 : i32
      %dma_wait3A_522 = tpu.memref_slice %arg5[%add3A_515, %dma_wait3A_521] : memref<16384x128xf32, #tpu.memory_space<hbm>> -> memref<512x128xf32, #tpu.memory_space<hbm>>
      %dma_wait3A_523 = arith.constant 0 : i32
      %dma_wait3A_524 = tpu.memref_slice %arg11[%mul3A_512, %dma_wait3A_523] : memref<8320x128xf32, #tpu.memory_space<vmem_shared>> -> memref<512x128xf32, #tpu.memory_space<vmem_shared>>
      tpu.wait_dma2 semaphore(%run_scoped3A_516 : memref<!tpu.dma_semaphore, #tpu.memory_space<semaphore_mem>>) src(%dma_wait3A_524 : memref<512x128xf32, #tpu.memory_space<vmem_shared>>) dst(%dma_wait3A_522 : memref<512x128xf32, #tpu.memory_space<hbm>>)
      tpu.yield
    }) : () -> ()
    return
  }
}

#map = affine_map<(d0, d1) -> (0, 0)>
module attributes {stable_mosaic.version = 14 : i64} {
  func.func @_sc_gather(%arg0: i32, %arg1: i32, %arg2: memref<100000x128xf32, #tpu.memory_space<hbm>>, %arg3: memref<128x128xi32, #tpu.memory_space<hbm>>, %arg4: memref<16384x128xf32, #tpu.memory_space<hbm>>, %arg5: memref<4x128xi32, #tpu.memory_space<vmem>>, %arg6: memref<128x128xf32, #tpu.memory_space<vmem>>, %arg7: memref<128x128xf32, #tpu.memory_space<vmem>>, %arg8: memref<!tpu.dma_semaphore, #tpu.memory_space<semaphore_mem>>, %arg9: memref<!tpu.dma_semaphore, #tpu.memory_space<semaphore_mem>>) attributes {dimension_semantics = [#tpu.dimension_semantics<core_parallel>, #tpu.dimension_semantics<subcore_parallel>], iteration_bounds = array<i64: 2, 16>, scalar_prefetch = 0 : i64, scratch_operands = 5 : i64, tpu.core_type = #tpu.core_type<sc_vector_subcore>, window_params = [{transform_indices = #map}, {transform_indices = #map}, {transform_indices = #map}]} {
    %mul3A = arith.constant 2 : i32
    %mul3A_0 = arith.muli %arg1, %mul3A : i32
    %add3A = arith.addi %mul3A_0, %arg0 : i32
    %mul3A_1 = arith.constant 512 : i32
    %mul3A_2 = arith.muli %add3A, %mul3A_1 : i32
    %mul3A_3 = arith.constant 4 : i32
    %mul3A_4 = arith.muli %add3A, %mul3A_3 : i32
    "tpu.region"() ({
      %run_scoped3A = tpu.sem_alloc : memref<!tpu.dma_semaphore, #tpu.memory_space<semaphore_mem>>
      %dma_start3A_67 = arith.constant 0 : i32
      %dma_start3A_68 = tpu.memref_slice %arg3[%mul3A_4, %dma_start3A_67] : memref<128x128xi32, #tpu.memory_space<hbm>> -> memref<4x128xi32, #tpu.memory_space<hbm>>
      %dma_start3A_69 = arith.constant 0 : i32
      %dma_start3A_70 = tpu.memref_slice %arg3[%mul3A_4, %dma_start3A_69] : memref<128x128xi32, #tpu.memory_space<hbm>> -> memref<4x128xi32, #tpu.memory_space<hbm>>
      tpu.enqueue_dma source(%dma_start3A_70 : memref<4x128xi32, #tpu.memory_space<hbm>>) target(%arg5 : memref<4x128xi32, #tpu.memory_space<vmem>>) target_semaphore(%run_scoped3A : memref<!tpu.dma_semaphore, #tpu.memory_space<semaphore_mem>>)
      %dma_wait3A_71 = arith.constant 0 : i32
      %dma_wait3A_72 = tpu.memref_slice %arg3[%mul3A_4, %dma_wait3A_71] : memref<128x128xi32, #tpu.memory_space<hbm>> -> memref<4x128xi32, #tpu.memory_space<hbm>>
      %dma_wait3A_73 = arith.constant 0 : i32
      %dma_wait3A_74 = tpu.memref_slice %arg3[%mul3A_4, %dma_wait3A_73] : memref<128x128xi32, #tpu.memory_space<hbm>> -> memref<4x128xi32, #tpu.memory_space<hbm>>
      tpu.wait_dma2 semaphore(%run_scoped3A : memref<!tpu.dma_semaphore, #tpu.memory_space<semaphore_mem>>) src(%dma_wait3A_74 : memref<4x128xi32, #tpu.memory_space<hbm>>) dst(%arg5 : memref<4x128xi32, #tpu.memory_space<vmem>>)
      tpu.yield
    }) : () -> ()
    %dma_start3A = arith.constant 0 : i32
    %dma_start3A_5 = arith.constant 0 : i32
    %dma_start3A_6 = tpu.memref_slice %arg5[%dma_start3A, %dma_start3A_5] : memref<4x128xi32, #tpu.memory_space<vmem>> -> memref<1x128xi32, #tpu.memory_space<vmem>>
    %dma_start3A_7 = tpu.memref_squeeze %dma_start3A_6 : memref<1x128xi32, #tpu.memory_space<vmem>> -> memref<128xi32, #tpu.memory_space<vmem>>
    %dma_start3A_8 = arith.constant 0 : i32
    %dma_start3A_9 = arith.constant 0 : i32
    %dma_start3A_10 = tpu.memref_slice %arg2[%dma_start3A_8, %dma_start3A_9] : memref<100000x128xf32, #tpu.memory_space<hbm>> -> memref<100000x128xf32, #tpu.memory_space<hbm>>
    tpu.enqueue_indirect_dma source(%dma_start3A_10 : memref<100000x128xf32, #tpu.memory_space<hbm>>) target(%arg6 : memref<128x128xf32, #tpu.memory_space<vmem>>) offsets(%dma_start3A_7 : memref<128xi32, #tpu.memory_space<vmem>>) semaphore(%arg8 : memref<!tpu.dma_semaphore, #tpu.memory_space<semaphore_mem>>)
    %dma_start3A_11 = arith.constant 1 : i32
    %dma_start3A_12 = arith.constant 0 : i32
    %dma_start3A_13 = tpu.memref_slice %arg5[%dma_start3A_11, %dma_start3A_12] : memref<4x128xi32, #tpu.memory_space<vmem>> -> memref<1x128xi32, #tpu.memory_space<vmem>>
    %dma_start3A_14 = tpu.memref_squeeze %dma_start3A_13 : memref<1x128xi32, #tpu.memory_space<vmem>> -> memref<128xi32, #tpu.memory_space<vmem>>
    %dma_start3A_15 = arith.constant 0 : i32
    %dma_start3A_16 = arith.constant 0 : i32
    %dma_start3A_17 = tpu.memref_slice %arg2[%dma_start3A_15, %dma_start3A_16] : memref<100000x128xf32, #tpu.memory_space<hbm>> -> memref<100000x128xf32, #tpu.memory_space<hbm>>
    tpu.enqueue_indirect_dma source(%dma_start3A_17 : memref<100000x128xf32, #tpu.memory_space<hbm>>) target(%arg7 : memref<128x128xf32, #tpu.memory_space<vmem>>) offsets(%dma_start3A_14 : memref<128xi32, #tpu.memory_space<vmem>>) semaphore(%arg9 : memref<!tpu.dma_semaphore, #tpu.memory_space<semaphore_mem>>)
    %dma_wait3A = arith.constant 0 : i32
    %dma_wait3A_18 = arith.constant 0 : i32
    %dma_wait3A_19 = tpu.memref_slice %arg5[%dma_wait3A, %dma_wait3A_18] : memref<4x128xi32, #tpu.memory_space<vmem>> -> memref<1x128xi32, #tpu.memory_space<vmem>>
    %dma_wait3A_20 = tpu.memref_squeeze %dma_wait3A_19 : memref<1x128xi32, #tpu.memory_space<vmem>> -> memref<128xi32, #tpu.memory_space<vmem>>
    %dma_wait3A_21 = arith.constant 0 : i32
    %dma_wait3A_22 = arith.constant 0 : i32
    %dma_wait3A_23 = tpu.memref_slice %arg2[%dma_wait3A_21, %dma_wait3A_22] : memref<100000x128xf32, #tpu.memory_space<hbm>> -> memref<100000x128xf32, #tpu.memory_space<hbm>>
    tpu.wait_indirect_dma semaphore(%arg8 : memref<!tpu.dma_semaphore, #tpu.memory_space<semaphore_mem>>) src(%dma_wait3A_23 : memref<100000x128xf32, #tpu.memory_space<hbm>>) dst(%arg6 : memref<128x128xf32, #tpu.memory_space<vmem>>)
    %add3A_24 = arith.constant 0 : i32
    %add3A_25 = arith.addi %mul3A_2, %add3A_24 : i32
    "tpu.region"() ({
      %run_scoped3A = tpu.sem_alloc : memref<!tpu.dma_semaphore, #tpu.memory_space<semaphore_mem>>
      %dma_start3A_67 = arith.constant 0 : i32
      %dma_start3A_68 = tpu.memref_slice %arg4[%add3A_25, %dma_start3A_67] : memref<16384x128xf32, #tpu.memory_space<hbm>> -> memref<128x128xf32, #tpu.memory_space<hbm>>
      %dma_start3A_69 = arith.constant 0 : i32
      %dma_start3A_70 = tpu.memref_slice %arg4[%add3A_25, %dma_start3A_69] : memref<16384x128xf32, #tpu.memory_space<hbm>> -> memref<128x128xf32, #tpu.memory_space<hbm>>
      tpu.enqueue_dma source(%arg6 : memref<128x128xf32, #tpu.memory_space<vmem>>) target(%dma_start3A_70 : memref<128x128xf32, #tpu.memory_space<hbm>>) target_semaphore(%run_scoped3A : memref<!tpu.dma_semaphore, #tpu.memory_space<semaphore_mem>>)
      %dma_wait3A_71 = arith.constant 0 : i32
      %dma_wait3A_72 = tpu.memref_slice %arg4[%add3A_25, %dma_wait3A_71] : memref<16384x128xf32, #tpu.memory_space<hbm>> -> memref<128x128xf32, #tpu.memory_space<hbm>>
      %dma_wait3A_73 = arith.constant 0 : i32
      %dma_wait3A_74 = tpu.memref_slice %arg4[%add3A_25, %dma_wait3A_73] : memref<16384x128xf32, #tpu.memory_space<hbm>> -> memref<128x128xf32, #tpu.memory_space<hbm>>
      tpu.wait_dma2 semaphore(%run_scoped3A : memref<!tpu.dma_semaphore, #tpu.memory_space<semaphore_mem>>) src(%arg6 : memref<128x128xf32, #tpu.memory_space<vmem>>) dst(%dma_wait3A_74 : memref<128x128xf32, #tpu.memory_space<hbm>>)
      tpu.yield
    }) : () -> ()
    %dma_start3A_26 = arith.constant 2 : i32
    %dma_start3A_27 = arith.constant 0 : i32
    %dma_start3A_28 = tpu.memref_slice %arg5[%dma_start3A_26, %dma_start3A_27] : memref<4x128xi32, #tpu.memory_space<vmem>> -> memref<1x128xi32, #tpu.memory_space<vmem>>
    %dma_start3A_29 = tpu.memref_squeeze %dma_start3A_28 : memref<1x128xi32, #tpu.memory_space<vmem>> -> memref<128xi32, #tpu.memory_space<vmem>>
    %dma_start3A_30 = arith.constant 0 : i32
    %dma_start3A_31 = arith.constant 0 : i32
    %dma_start3A_32 = tpu.memref_slice %arg2[%dma_start3A_30, %dma_start3A_31] : memref<100000x128xf32, #tpu.memory_space<hbm>> -> memref<100000x128xf32, #tpu.memory_space<hbm>>
    tpu.enqueue_indirect_dma source(%dma_start3A_32 : memref<100000x128xf32, #tpu.memory_space<hbm>>) target(%arg6 : memref<128x128xf32, #tpu.memory_space<vmem>>) offsets(%dma_start3A_29 : memref<128xi32, #tpu.memory_space<vmem>>) semaphore(%arg8 : memref<!tpu.dma_semaphore, #tpu.memory_space<semaphore_mem>>)
    %dma_wait3A_33 = arith.constant 1 : i32
    %dma_wait3A_34 = arith.constant 0 : i32
    %dma_wait3A_35 = tpu.memref_slice %arg5[%dma_wait3A_33, %dma_wait3A_34] : memref<4x128xi32, #tpu.memory_space<vmem>> -> memref<1x128xi32, #tpu.memory_space<vmem>>
    %dma_wait3A_36 = tpu.memref_squeeze %dma_wait3A_35 : memref<1x128xi32, #tpu.memory_space<vmem>> -> memref<128xi32, #tpu.memory_space<vmem>>
    %dma_wait3A_37 = arith.constant 0 : i32
    %dma_wait3A_38 = arith.constant 0 : i32
    %dma_wait3A_39 = tpu.memref_slice %arg2[%dma_wait3A_37, %dma_wait3A_38] : memref<100000x128xf32, #tpu.memory_space<hbm>> -> memref<100000x128xf32, #tpu.memory_space<hbm>>
    tpu.wait_indirect_dma semaphore(%arg9 : memref<!tpu.dma_semaphore, #tpu.memory_space<semaphore_mem>>) src(%dma_wait3A_39 : memref<100000x128xf32, #tpu.memory_space<hbm>>) dst(%arg7 : memref<128x128xf32, #tpu.memory_space<vmem>>)
    %add3A_40 = arith.constant 128 : i32
    %add3A_41 = arith.addi %mul3A_2, %add3A_40 : i32
    "tpu.region"() ({
      %run_scoped3A = tpu.sem_alloc : memref<!tpu.dma_semaphore, #tpu.memory_space<semaphore_mem>>
      %dma_start3A_67 = arith.constant 0 : i32
      %dma_start3A_68 = tpu.memref_slice %arg4[%add3A_41, %dma_start3A_67] : memref<16384x128xf32, #tpu.memory_space<hbm>> -> memref<128x128xf32, #tpu.memory_space<hbm>>
      %dma_start3A_69 = arith.constant 0 : i32
      %dma_start3A_70 = tpu.memref_slice %arg4[%add3A_41, %dma_start3A_69] : memref<16384x128xf32, #tpu.memory_space<hbm>> -> memref<128x128xf32, #tpu.memory_space<hbm>>
      tpu.enqueue_dma source(%arg7 : memref<128x128xf32, #tpu.memory_space<vmem>>) target(%dma_start3A_70 : memref<128x128xf32, #tpu.memory_space<hbm>>) target_semaphore(%run_scoped3A : memref<!tpu.dma_semaphore, #tpu.memory_space<semaphore_mem>>)
      %dma_wait3A_71 = arith.constant 0 : i32
      %dma_wait3A_72 = tpu.memref_slice %arg4[%add3A_41, %dma_wait3A_71] : memref<16384x128xf32, #tpu.memory_space<hbm>> -> memref<128x128xf32, #tpu.memory_space<hbm>>
      %dma_wait3A_73 = arith.constant 0 : i32
      %dma_wait3A_74 = tpu.memref_slice %arg4[%add3A_41, %dma_wait3A_73] : memref<16384x128xf32, #tpu.memory_space<hbm>> -> memref<128x128xf32, #tpu.memory_space<hbm>>
      tpu.wait_dma2 semaphore(%run_scoped3A : memref<!tpu.dma_semaphore, #tpu.memory_space<semaphore_mem>>) src(%arg7 : memref<128x128xf32, #tpu.memory_space<vmem>>) dst(%dma_wait3A_74 : memref<128x128xf32, #tpu.memory_space<hbm>>)
      tpu.yield
    }) : () -> ()
    %dma_start3A_42 = arith.constant 3 : i32
    %dma_start3A_43 = arith.constant 0 : i32
    %dma_start3A_44 = tpu.memref_slice %arg5[%dma_start3A_42, %dma_start3A_43] : memref<4x128xi32, #tpu.memory_space<vmem>> -> memref<1x128xi32, #tpu.memory_space<vmem>>
    %dma_start3A_45 = tpu.memref_squeeze %dma_start3A_44 : memref<1x128xi32, #tpu.memory_space<vmem>> -> memref<128xi32, #tpu.memory_space<vmem>>
    %dma_start3A_46 = arith.constant 0 : i32
    %dma_start3A_47 = arith.constant 0 : i32
    %dma_start3A_48 = tpu.memref_slice %arg2[%dma_start3A_46, %dma_start3A_47] : memref<100000x128xf32, #tpu.memory_space<hbm>> -> memref<100000x128xf32, #tpu.memory_space<hbm>>
    tpu.enqueue_indirect_dma source(%dma_start3A_48 : memref<100000x128xf32, #tpu.memory_space<hbm>>) target(%arg7 : memref<128x128xf32, #tpu.memory_space<vmem>>) offsets(%dma_start3A_45 : memref<128xi32, #tpu.memory_space<vmem>>) semaphore(%arg9 : memref<!tpu.dma_semaphore, #tpu.memory_space<semaphore_mem>>)
    %dma_wait3A_49 = arith.constant 2 : i32
    %dma_wait3A_50 = arith.constant 0 : i32
    %dma_wait3A_51 = tpu.memref_slice %arg5[%dma_wait3A_49, %dma_wait3A_50] : memref<4x128xi32, #tpu.memory_space<vmem>> -> memref<1x128xi32, #tpu.memory_space<vmem>>
    %dma_wait3A_52 = tpu.memref_squeeze %dma_wait3A_51 : memref<1x128xi32, #tpu.memory_space<vmem>> -> memref<128xi32, #tpu.memory_space<vmem>>
    %dma_wait3A_53 = arith.constant 0 : i32
    %dma_wait3A_54 = arith.constant 0 : i32
    %dma_wait3A_55 = tpu.memref_slice %arg2[%dma_wait3A_53, %dma_wait3A_54] : memref<100000x128xf32, #tpu.memory_space<hbm>> -> memref<100000x128xf32, #tpu.memory_space<hbm>>
    tpu.wait_indirect_dma semaphore(%arg8 : memref<!tpu.dma_semaphore, #tpu.memory_space<semaphore_mem>>) src(%dma_wait3A_55 : memref<100000x128xf32, #tpu.memory_space<hbm>>) dst(%arg6 : memref<128x128xf32, #tpu.memory_space<vmem>>)
    %add3A_56 = arith.constant 256 : i32
    %add3A_57 = arith.addi %mul3A_2, %add3A_56 : i32
    "tpu.region"() ({
      %run_scoped3A = tpu.sem_alloc : memref<!tpu.dma_semaphore, #tpu.memory_space<semaphore_mem>>
      %dma_start3A_67 = arith.constant 0 : i32
      %dma_start3A_68 = tpu.memref_slice %arg4[%add3A_57, %dma_start3A_67] : memref<16384x128xf32, #tpu.memory_space<hbm>> -> memref<128x128xf32, #tpu.memory_space<hbm>>
      %dma_start3A_69 = arith.constant 0 : i32
      %dma_start3A_70 = tpu.memref_slice %arg4[%add3A_57, %dma_start3A_69] : memref<16384x128xf32, #tpu.memory_space<hbm>> -> memref<128x128xf32, #tpu.memory_space<hbm>>
      tpu.enqueue_dma source(%arg6 : memref<128x128xf32, #tpu.memory_space<vmem>>) target(%dma_start3A_70 : memref<128x128xf32, #tpu.memory_space<hbm>>) target_semaphore(%run_scoped3A : memref<!tpu.dma_semaphore, #tpu.memory_space<semaphore_mem>>)
      %dma_wait3A_71 = arith.constant 0 : i32
      %dma_wait3A_72 = tpu.memref_slice %arg4[%add3A_57, %dma_wait3A_71] : memref<16384x128xf32, #tpu.memory_space<hbm>> -> memref<128x128xf32, #tpu.memory_space<hbm>>
      %dma_wait3A_73 = arith.constant 0 : i32
      %dma_wait3A_74 = tpu.memref_slice %arg4[%add3A_57, %dma_wait3A_73] : memref<16384x128xf32, #tpu.memory_space<hbm>> -> memref<128x128xf32, #tpu.memory_space<hbm>>
      tpu.wait_dma2 semaphore(%run_scoped3A : memref<!tpu.dma_semaphore, #tpu.memory_space<semaphore_mem>>) src(%arg6 : memref<128x128xf32, #tpu.memory_space<vmem>>) dst(%dma_wait3A_74 : memref<128x128xf32, #tpu.memory_space<hbm>>)
      tpu.yield
    }) : () -> ()
    %dma_wait3A_58 = arith.constant 3 : i32
    %dma_wait3A_59 = arith.constant 0 : i32
    %dma_wait3A_60 = tpu.memref_slice %arg5[%dma_wait3A_58, %dma_wait3A_59] : memref<4x128xi32, #tpu.memory_space<vmem>> -> memref<1x128xi32, #tpu.memory_space<vmem>>
    %dma_wait3A_61 = tpu.memref_squeeze %dma_wait3A_60 : memref<1x128xi32, #tpu.memory_space<vmem>> -> memref<128xi32, #tpu.memory_space<vmem>>
    %dma_wait3A_62 = arith.constant 0 : i32
    %dma_wait3A_63 = arith.constant 0 : i32
    %dma_wait3A_64 = tpu.memref_slice %arg2[%dma_wait3A_62, %dma_wait3A_63] : memref<100000x128xf32, #tpu.memory_space<hbm>> -> memref<100000x128xf32, #tpu.memory_space<hbm>>
    tpu.wait_indirect_dma semaphore(%arg9 : memref<!tpu.dma_semaphore, #tpu.memory_space<semaphore_mem>>) src(%dma_wait3A_64 : memref<100000x128xf32, #tpu.memory_space<hbm>>) dst(%arg7 : memref<128x128xf32, #tpu.memory_space<vmem>>)
    %add3A_65 = arith.constant 384 : i32
    %add3A_66 = arith.addi %mul3A_2, %add3A_65 : i32
    "tpu.region"() ({
      %run_scoped3A = tpu.sem_alloc : memref<!tpu.dma_semaphore, #tpu.memory_space<semaphore_mem>>
      %dma_start3A_67 = arith.constant 0 : i32
      %dma_start3A_68 = tpu.memref_slice %arg4[%add3A_66, %dma_start3A_67] : memref<16384x128xf32, #tpu.memory_space<hbm>> -> memref<128x128xf32, #tpu.memory_space<hbm>>
      %dma_start3A_69 = arith.constant 0 : i32
      %dma_start3A_70 = tpu.memref_slice %arg4[%add3A_66, %dma_start3A_69] : memref<16384x128xf32, #tpu.memory_space<hbm>> -> memref<128x128xf32, #tpu.memory_space<hbm>>
      tpu.enqueue_dma source(%arg7 : memref<128x128xf32, #tpu.memory_space<vmem>>) target(%dma_start3A_70 : memref<128x128xf32, #tpu.memory_space<hbm>>) target_semaphore(%run_scoped3A : memref<!tpu.dma_semaphore, #tpu.memory_space<semaphore_mem>>)
      %dma_wait3A_71 = arith.constant 0 : i32
      %dma_wait3A_72 = tpu.memref_slice %arg4[%add3A_66, %dma_wait3A_71] : memref<16384x128xf32, #tpu.memory_space<hbm>> -> memref<128x128xf32, #tpu.memory_space<hbm>>
      %dma_wait3A_73 = arith.constant 0 : i32
      %dma_wait3A_74 = tpu.memref_slice %arg4[%add3A_66, %dma_wait3A_73] : memref<16384x128xf32, #tpu.memory_space<hbm>> -> memref<128x128xf32, #tpu.memory_space<hbm>>
      tpu.wait_dma2 semaphore(%run_scoped3A : memref<!tpu.dma_semaphore, #tpu.memory_space<semaphore_mem>>) src(%arg7 : memref<128x128xf32, #tpu.memory_space<vmem>>) dst(%dma_wait3A_74 : memref<128x128xf32, #tpu.memory_space<hbm>>)
      tpu.yield
    }) : () -> ()
    return
  }
}

module attributes {stable_mosaic.version = 14 : i64} {
  func.func @_tc_m_body(%arg0: i32, %arg1: memref<2048x128xf32, #tpu.memory_space<vmem>>, %arg2: memref<128x128xf32, #tpu.memory_space<vmem>>, %arg3: memref<2048x128xf32, #tpu.memory_space<vmem>>) attributes {dimension_semantics = [#tpu.dimension_semantics<arbitrary>], iteration_bounds = array<i64: 8>, scalar_prefetch = 0 : i64, scratch_operands = 0 : i64, tpu.core_type = #tpu.core_type<tc>, window_params = [{transform_indices = @transform_0, window_bounds = array<i64: 2048, 128>}, {pipeline_mode = #tpu.pipeline_mode<synchronous>, transform_indices = @transform_1, window_bounds = array<i64: 128, 128>}, {transform_indices = @transform_2, window_bounds = array<i64: 2048, 128>}]} {
    %get3A = arith.constant 0 : index
    %get3A_0 = arith.constant 0 : index
    %get3A_1 = vector.load %arg1[%get3A, %get3A_0] : memref<2048x128xf32, #tpu.memory_space<vmem>>, vector<2048x128xf32>
    %get3A_2 = arith.constant 0 : index
    %get3A_3 = arith.constant 0 : index
    %get3A_4 = vector.load %arg2[%get3A_2, %get3A_3] : memref<128x128xf32, #tpu.memory_space<vmem>>, vector<128x128xf32>
    %dot_general3A = arith.constant dense<0.000000e+00> : vector<2048x128xf32>
    %dot_general3A_5 = tpu.matmul %get3A_1, %get3A_4, %dot_general3A {dimension_numbers = #tpu.dot_dimension_numbers<[1], [0], [0], [1], [0, 0, 1, 1], [], []>, transpose_lhs_hint = false} : vector<2048x128xf32>, vector<128x128xf32>, vector<2048x128xf32> -> vector<2048x128xf32>
    %swap3A = arith.constant 0 : index
    %swap3A_6 = arith.constant 0 : index
    %swap3A_7 = vector.load %arg3[%swap3A, %swap3A_6] : memref<2048x128xf32, #tpu.memory_space<vmem>>, vector<2048x128xf32>
    tpu.vector_store %arg3[%swap3A, %swap3A_6], %dot_general3A_5 {strides = array<i32>} : memref<2048x128xf32, #tpu.memory_space<vmem>>, vector<2048x128xf32>,
    return
  }
  func.func @transform_0(%arg0: i32) -> (i32, i32) {
    %c0_i32 = arith.constant 0 : i32
    %c0_i32_0 = arith.constant 0 : i32
    return %arg0, %c0_i32 : i32, i32
  }
  func.func @transform_1(%arg0: i32) -> (i32, i32) {
    %c0_i32 = arith.constant 0 : i32
    %c0_i32_0 = arith.constant 0 : i32
    %c0_i32_1 = arith.constant 0 : i32
    return %c0_i32, %c0_i32_0 : i32, i32
  }
  func.func @transform_2(%arg0: i32) -> (i32, i32) {
    %c0_i32 = arith.constant 0 : i32
    %c0_i32_0 = arith.constant 0 : i32
    return %arg0, %c0_i32 : i32, i32
  }
}

module attributes {stable_mosaic.version = 14 : i64} {
  func.func @_tc_gru_m_body(%arg0: i32, %arg1: memref<2048x128xf32, #tpu.memory_space<vmem>>, %arg2: memref<2048x128xf32, #tpu.memory_space<vmem>>, %arg3: memref<128x384xf32, #tpu.memory_space<vmem>>, %arg4: memref<128x384xf32, #tpu.memory_space<vmem>>, %arg5: memref<1x384xf32, #tpu.memory_space<vmem>>, %arg6: memref<1x384xf32, #tpu.memory_space<vmem>>, %arg7: memref<128x128xf32, #tpu.memory_space<vmem>>, %arg8: memref<2048x128xf32, #tpu.memory_space<vmem>>, %arg9: memref<2048x128xf32, #tpu.memory_space<vmem>>) attributes {dimension_semantics = [#tpu.dimension_semantics<arbitrary>], iteration_bounds = array<i64: 8>, scalar_prefetch = 0 : i64, scratch_operands = 0 : i64, tpu.core_type = #tpu.core_type<tc>, window_params = [{transform_indices = @transform_0, window_bounds = array<i64: 2048, 128>}, {transform_indices = @transform_1, window_bounds = array<i64: 2048, 128>}, {pipeline_mode = #tpu.pipeline_mode<synchronous>, transform_indices = @transform_2, window_bounds = array<i64: 128, 384>}, {pipeline_mode = #tpu.pipeline_mode<synchronous>, transform_indices = @transform_3, window_bounds = array<i64: 128, 384>}, {pipeline_mode = #tpu.pipeline_mode<synchronous>, transform_indices = @transform_4, window_bounds = array<i64: 1, 384>}, {pipeline_mode = #tpu.pipeline_mode<synchronous>, transform_indices = @transform_5, window_bounds = array<i64: 1, 384>}, {pipeline_mode = #tpu.pipeline_mode<synchronous>, transform_indices = @transform_6, window_bounds = array<i64: 128, 128>}, {transform_indices = @transform_7, window_bounds = array<i64: 2048, 128>}, {transform_indices = @transform_8, window_bounds = array<i64: 2048, 128>}]} {
    %get3A = arith.constant 0 : index
    %get3A_0 = arith.constant 0 : index
    %get3A_1 = vector.load %arg1[%get3A, %get3A_0] : memref<2048x128xf32, #tpu.memory_space<vmem>>, vector<2048x128xf32>
    %get3A_2 = arith.constant 0 : index
    %get3A_3 = arith.constant 0 : index
    %get3A_4 = vector.load %arg2[%get3A_2, %get3A_3] : memref<2048x128xf32, #tpu.memory_space<vmem>>, vector<2048x128xf32>
    %get3A_5 = arith.constant 0 : index
    %get3A_6 = arith.constant 0 : index
    %get3A_7 = vector.load %arg3[%get3A_5, %get3A_6] : memref<128x384xf32, #tpu.memory_space<vmem>>, vector<128x384xf32>
    %dot_general3A = arith.constant dense<0.000000e+00> : vector<2048x384xf32>
    %dot_general3A_8 = tpu.matmul %get3A_4, %get3A_7, %dot_general3A {dimension_numbers = #tpu.dot_dimension_numbers<[1], [0], [0], [1], [0, 0, 1, 1], [], []>, transpose_lhs_hint = false} : vector<2048x128xf32>, vector<128x384xf32>, vector<2048x384xf32> -> vector<2048x384xf32>
    %get3A_9 = arith.constant 0 : index
    %get3A_10 = arith.constant 0 : index
    %get3A_11 = vector.load %arg5[%get3A_9, %get3A_10] : memref<1x384xf32, #tpu.memory_space<vmem>>, vector<1x384xf32>
    %add3A = vector.broadcast %get3A_11 : vector<1x384xf32> to vector<2048x384xf32>
    %add3A_12 = arith.addf %dot_general3A_8, %add3A : vector<2048x384xf32>
    %get3A_13 = arith.constant 0 : index
    %get3A_14 = arith.constant 0 : index
    %get3A_15 = vector.load %arg4[%get3A_13, %get3A_14] : memref<128x384xf32, #tpu.memory_space<vmem>>, vector<128x384xf32>
    %dot_general3A_16 = arith.constant dense<0.000000e+00> : vector<2048x384xf32>
    %dot_general3A_17 = tpu.matmul %get3A_1, %get3A_15, %dot_general3A_16 {dimension_numbers = #tpu.dot_dimension_numbers<[1], [0], [0], [1], [0, 0, 1, 1], [], []>, transpose_lhs_hint = false} : vector<2048x128xf32>, vector<128x384xf32>, vector<2048x384xf32> -> vector<2048x384xf32>
    %get3A_18 = arith.constant 0 : index
    %get3A_19 = arith.constant 0 : index
    %get3A_20 = vector.load %arg6[%get3A_18, %get3A_19] : memref<1x384xf32, #tpu.memory_space<vmem>>, vector<1x384xf32>
    %add3A_21 = vector.broadcast %get3A_20 : vector<1x384xf32> to vector<2048x384xf32>
    %add3A_22 = arith.addf %dot_general3A_17, %add3A_21 : vector<2048x384xf32>
    %slice3A = vector.extract_strided_slice %add3A_12 {offsets = [0, 0], sizes = [2048, 128], strides = [1, 1]} : vector<2048x384xf32> to vector<2048x128xf32>
    %slice3A_23 = vector.extract_strided_slice %add3A_12 {offsets = [0, 128], sizes = [2048, 128], strides = [1, 1]} : vector<2048x384xf32> to vector<2048x128xf32>
    %slice3A_24 = vector.extract_strided_slice %add3A_12 {offsets = [0, 256], sizes = [2048, 128], strides = [1, 1]} : vector<2048x384xf32> to vector<2048x128xf32>
    %slice3A_25 = vector.extract_strided_slice %add3A_22 {offsets = [0, 0], sizes = [2048, 128], strides = [1, 1]} : vector<2048x384xf32> to vector<2048x128xf32>
    %slice3A_26 = vector.extract_strided_slice %add3A_22 {offsets = [0, 128], sizes = [2048, 128], strides = [1, 1]} : vector<2048x384xf32> to vector<2048x128xf32>
    %slice3A_27 = vector.extract_strided_slice %add3A_22 {offsets = [0, 256], sizes = [2048, 128], strides = [1, 1]} : vector<2048x384xf32> to vector<2048x128xf32>
    %add3A_28 = arith.addf %slice3A, %slice3A_25 : vector<2048x128xf32>
    %logistic3A = arith.negf %add3A_28 : vector<2048x128xf32>
    %logistic3A_29 = math.exp %logistic3A : vector<2048x128xf32>
    %logistic3A_30 = arith.constant 1.000000e+00 : f32
    %logistic3A_31 = vector.broadcast %logistic3A_30 : f32 to vector<2048x128xf32>
    %logistic3A_32 = arith.addf %logistic3A_31, %logistic3A_29 : vector<2048x128xf32>
    %logistic3A_33 = arith.divf %logistic3A_31, %logistic3A_32 : vector<2048x128xf32>
    %add3A_34 = arith.addf %slice3A_23, %slice3A_26 : vector<2048x128xf32>
    %logistic3A_35 = arith.negf %add3A_34 : vector<2048x128xf32>
    %logistic3A_36 = math.exp %logistic3A_35 : vector<2048x128xf32>
    %logistic3A_37 = arith.constant 1.000000e+00 : f32
    %logistic3A_38 = vector.broadcast %logistic3A_37 : f32 to vector<2048x128xf32>
    %logistic3A_39 = arith.addf %logistic3A_38, %logistic3A_36 : vector<2048x128xf32>
    %logistic3A_40 = arith.divf %logistic3A_38, %logistic3A_39 : vector<2048x128xf32>
    %mul3A = arith.mulf %logistic3A_33, %slice3A_27 : vector<2048x128xf32>
    %add3A_41 = arith.addf %slice3A_24, %mul3A : vector<2048x128xf32>
    %tanh3A = math.tanh %add3A_41 : vector<2048x128xf32>
    %sub3A = arith.constant 1.000000e+00 : f32
    %sub3A_42 = vector.broadcast %sub3A : f32 to vector<2048x128xf32>
    %sub3A_43 = arith.subf %sub3A_42, %logistic3A_40 : vector<2048x128xf32>
    %mul3A_44 = arith.mulf %sub3A_43, %tanh3A : vector<2048x128xf32>
    %mul3A_45 = arith.mulf %logistic3A_40, %get3A_1 : vector<2048x128xf32>
    %add3A_46 = arith.addf %mul3A_44, %mul3A_45 : vector<2048x128xf32>
    %swap3A = arith.constant 0 : index
    %swap3A_47 = arith.constant 0 : index
    %swap3A_48 = vector.load %arg8[%swap3A, %swap3A_47] : memref<2048x128xf32, #tpu.memory_space<vmem>>, vector<2048x128xf32>
    tpu.vector_store %arg8[%swap3A, %swap3A_47], %add3A_46 {strides = array<i32>} : memref<2048x128xf32, #tpu.memory_space<vmem>>, vector<2048x128xf32>,
    %get3A_49 = arith.constant 0 : index
    %get3A_50 = arith.constant 0 : index
    %get3A_51 = vector.load %arg7[%get3A_49, %get3A_50] : memref<128x128xf32, #tpu.memory_space<vmem>>, vector<128x128xf32>
    %dot_general3A_52 = arith.constant dense<0.000000e+00> : vector<2048x128xf32>
    %dot_general3A_53 = tpu.matmul %add3A_46, %get3A_51, %dot_general3A_52 {dimension_numbers = #tpu.dot_dimension_numbers<[1], [0], [0], [1], [0, 0, 1, 1], [], []>, transpose_lhs_hint = false} : vector<2048x128xf32>, vector<128x128xf32>, vector<2048x128xf32> -> vector<2048x128xf32>
    %swap3A_54 = arith.constant 0 : index
    %swap3A_55 = arith.constant 0 : index
    %swap3A_56 = vector.load %arg9[%swap3A_54, %swap3A_55] : memref<2048x128xf32, #tpu.memory_space<vmem>>, vector<2048x128xf32>
    tpu.vector_store %arg9[%swap3A_54, %swap3A_55], %dot_general3A_53 {strides = array<i32>} : memref<2048x128xf32, #tpu.memory_space<vmem>>, vector<2048x128xf32>,
    return
  }
  func.func @transform_0(%arg0: i32) -> (i32, i32) {
    %c0_i32 = arith.constant 0 : i32
    %c0_i32_0 = arith.constant 0 : i32
    return %arg0, %c0_i32 : i32, i32
  }
  func.func @transform_1(%arg0: i32) -> (i32, i32) {
    %c0_i32 = arith.constant 0 : i32
    %c0_i32_0 = arith.constant 0 : i32
    return %arg0, %c0_i32 : i32, i32
  }
  func.func @transform_2(%arg0: i32) -> (i32, i32) {
    %c0_i32 = arith.constant 0 : i32
    %c0_i32_0 = arith.constant 0 : i32
    %c0_i32_1 = arith.constant 0 : i32
    return %c0_i32, %c0_i32_0 : i32, i32
  }
  func.func @transform_3(%arg0: i32) -> (i32, i32) {
    %c0_i32 = arith.constant 0 : i32
    %c0_i32_0 = arith.constant 0 : i32
    %c0_i32_1 = arith.constant 0 : i32
    return %c0_i32, %c0_i32_0 : i32, i32
  }
  func.func @transform_4(%arg0: i32) -> (i32, i32) {
    %c0_i32 = arith.constant 0 : i32
    %c0_i32_0 = arith.constant 0 : i32
    %c0_i32_1 = arith.constant 0 : i32
    return %c0_i32, %c0_i32_0 : i32, i32
  }
  func.func @transform_5(%arg0: i32) -> (i32, i32) {
    %c0_i32 = arith.constant 0 : i32
    %c0_i32_0 = arith.constant 0 : i32
    %c0_i32_1 = arith.constant 0 : i32
    return %c0_i32, %c0_i32_0 : i32, i32
  }
  func.func @transform_6(%arg0: i32) -> (i32, i32) {
    %c0_i32 = arith.constant 0 : i32
    %c0_i32_0 = arith.constant 0 : i32
    %c0_i32_1 = arith.constant 0 : i32
    return %c0_i32, %c0_i32_0 : i32, i32
  }
  func.func @transform_7(%arg0: i32) -> (i32, i32) {
    %c0_i32 = arith.constant 0 : i32
    %c0_i32_0 = arith.constant 0 : i32
    return %arg0, %c0_i32 : i32, i32
  }
  func.func @transform_8(%arg0: i32) -> (i32, i32) {
    %c0_i32 = arith.constant 0 : i32
    %c0_i32_0 = arith.constant 0 : i32
    return %arg0, %c0_i32 : i32, i32
  }
}

module attributes {stable_mosaic.version = 14 : i64} {
  func.func @_tc_readout_logits_body(%arg0: i32, %arg1: memref<2048x128xf32, #tpu.memory_space<vmem>>, %arg2: memref<2048x1xi32, #tpu.memory_space<vmem>>, %arg3: memref<16x128xf32, #tpu.memory_space<vmem>>, %arg4: memref<8x16xf32, #tpu.memory_space<vmem>>, %arg5: memref<1x128xf32, #tpu.memory_space<vmem>>, %arg6: memref<128x128xf32, #tpu.memory_space<vmem>>, %arg7: memref<128x128xf32, #tpu.memory_space<vmem>>, %arg8: memref<1x128xf32, #tpu.memory_space<vmem>>, %arg9: memref<128x8xf32, #tpu.memory_space<vmem>>, %arg10: memref<1x128xf32, #tpu.memory_space<vmem>>, %arg11: memref<128x128xf32, #tpu.memory_space<vmem>>, %arg12: memref<128x128xf32, #tpu.memory_space<vmem>>, %arg13: memref<1x128xf32, #tpu.memory_space<vmem>>, %arg14: memref<16384x128xf32, #tpu.memory_space<vmem>>, %arg15: memref<16x16384xf32, #tpu.memory_space<vmem>>, %arg16: memref<16x128xf32, #tpu.memory_space<vmem>>) attributes {dimension_semantics = [#tpu.dimension_semantics<arbitrary>], iteration_bounds = array<i64: 15>, scalar_prefetch = 0 : i64, scratch_operands = 1 : i64, tpu.core_type = #tpu.core_type<tc>, window_params = [{transform_indices = @transform_0, window_bounds = array<i64: 2048, 128>}, {transform_indices = @transform_1, window_bounds = array<i64: 2048, 1>}, {pipeline_mode = #tpu.pipeline_mode<synchronous>, transform_indices = @transform_2, window_bounds = array<i64: 16, 128>}, {pipeline_mode = #tpu.pipeline_mode<synchronous>, transform_indices = @transform_3, window_bounds = array<i64: 8, 16>}, {pipeline_mode = #tpu.pipeline_mode<synchronous>, transform_indices = @transform_4, window_bounds = array<i64: 1, 128>}, {pipeline_mode = #tpu.pipeline_mode<synchronous>, transform_indices = @transform_5, window_bounds = array<i64: 128, 128>}, {pipeline_mode = #tpu.pipeline_mode<synchronous>, transform_indices = @transform_6, window_bounds = array<i64: 128, 128>}, {pipeline_mode = #tpu.pipeline_mode<synchronous>, transform_indices = @transform_7, window_bounds = array<i64: 1, 128>}, {pipeline_mode = #tpu.pipeline_mode<synchronous>, transform_indices = @transform_8, window_bounds = array<i64: 128, 8>}, {pipeline_mode = #tpu.pipeline_mode<synchronous>, transform_indices = @transform_9, window_bounds = array<i64: 1, 128>}, {pipeline_mode = #tpu.pipeline_mode<synchronous>, transform_indices = @transform_10, window_bounds = array<i64: 128, 128>}, {pipeline_mode = #tpu.pipeline_mode<synchronous>, transform_indices = @transform_11, window_bounds = array<i64: 128, 128>}, {pipeline_mode = #tpu.pipeline_mode<synchronous>, transform_indices = @transform_12, window_bounds = array<i64: 1, 128>}, {transform_indices = @transform_13, window_bounds = array<i64: 16384, 128>}, {transform_indices = @transform_14, window_bounds = array<i64: 16, 16384>}]} {
    %lt3A = arith.constant 8 : i32
    %lt3A_0 = arith.cmpi slt, %arg0, %lt3A : i32
    %convert_element_type3A = arith.extui %lt3A_0 : i1 to i32
    %cond3A = arith.constant 0 : i32
    %cond3A_1 = arith.cmpi ne, %convert_element_type3A, %cond3A : i32
    scf.if %cond3A_1 {
      %get3A = arith.constant 0 : index
      %get3A_6 = arith.constant 0 : index
      %get3A_7 = vector.load %arg3[%get3A, %get3A_6] : memref<16x128xf32, #tpu.memory_space<vmem>>, vector<16x128xf32>
      %get3A_8 = arith.constant 0 : index
      %get3A_9 = arith.constant 0 : index
      %get3A_10 = vector.load %arg4[%get3A_8, %get3A_9] : memref<8x16xf32, #tpu.memory_space<vmem>>, vector<1x16xf32>
      %get3A_11 = arith.constant 0 : index
      %get3A_12 = arith.constant 0 : index
      %get3A_13 = vector.load %arg5[%get3A_11, %get3A_12] : memref<1x128xf32, #tpu.memory_space<vmem>>, vector<1x128xf32>
      %iota3A = tpu.iota {dimensions = array<i32: 0>} : vector<16x16xi32>
      %iota3A_14 = tpu.iota {dimensions = array<i32: 1>} : vector<16x16xi32>
      %eq3A = arith.cmpi eq, %iota3A, %iota3A_14 : vector<16x16xi32>
      %convert_element_type3A_15 = arith.extui %eq3A : vector<16x16xi1> to vector<16x16xi32>
      %convert_element_type3A_16 = arith.sitofp %convert_element_type3A_15 : vector<16x16xi32> to vector<16x16xf32>
      %gt3A = arith.constant 0.000000e+00 : f32
      %gt3A_17 = vector.broadcast %gt3A : f32 to vector<1x16xf32>
      %gt3A_18 = arith.cmpf ogt, %get3A_10, %gt3A_17 : vector<1x16xf32>
      %iota3A_19 = tpu.iota {dimensions = array<i32: 1>} : vector<1x16xi32>
      %convert_element_type3A_20 = arith.sitofp %iota3A_19 : vector<1x16xi32> to vector<1x16xf32>
      %jit3A = arith.constant -1.000000e+00 : f32
      %broadcast_in_dim3A = vector.broadcast %jit3A : f32 to vector<1x16xf32>
      %select_n3A = arith.select %gt3A_18, %convert_element_type3A_20, %broadcast_in_dim3A : vector<1x16xi1>, vector<1x16xf32>
      %dot_general3A = arith.constant dense<0.000000e+00> : vector<16x1xf32>
      %dot_general3A_21 = tpu.matmul %convert_element_type3A_16, %select_n3A, %dot_general3A {dimension_numbers = #tpu.dot_dimension_numbers<[1], [1], [0], [0], [0, 0, 1, 0], [], []>, precision = #tpu.contract_precision<fp32>, transpose_lhs_hint = false} : vector<16x16xf32>, vector<1x16xf32>, vector<16x1xf32> -> vector<16x1xf32>
      %le3A = arith.cmpi sle, %iota3A, %iota3A_14 : vector<16x16xi32>
      %broadcast_in_dim3A_22 = vector.shape_cast %dot_general3A_21 : vector<16x1xf32> to vector<16x1xf32>
      %broadcast_in_dim3A_23 = vector.broadcast %broadcast_in_dim3A_22 : vector<16x1xf32> to vector<16x16xf32>
      %jit3A_24 = arith.constant -1.000000e+00 : f32
      %broadcast_in_dim3A_25 = vector.broadcast %jit3A_24 : f32 to vector<16x16xf32>
      %select_n3A_26 = arith.select %le3A, %broadcast_in_dim3A_23, %broadcast_in_dim3A_25 : vector<16x16xi1>, vector<16x16xf32>
      %reduce_max3A = arith.constant dense<0xFF800000> : vector<16xf32>
      %reduce_max3A_27 = vector.multi_reduction <maximumf>, %select_n3A_26, %reduce_max3A [0] : vector<16x16xf32> to vector<16xf32>
      %broadcast_in_dim3A_28 = vector.shape_cast %reduce_max3A_27 : vector<16xf32> to vector<1x16xf32>
      %convert_element_type3A_29 = arith.fptosi %broadcast_in_dim3A_28 : vector<1x16xf32> to vector<1x16xi32>
      %eq3A_30 = vector.broadcast %convert_element_type3A_29 : vector<1x16xi32> to vector<16x16xi32>
      %eq3A_31 = arith.cmpi eq, %iota3A, %eq3A_30 : vector<16x16xi32>
      %convert_element_type3A_32 = arith.extui %eq3A_31 : vector<16x16xi1> to vector<16x16xi32>
      %convert_element_type3A_33 = arith.sitofp %convert_element_type3A_32 : vector<16x16xi32> to vector<16x16xf32>
      %dot_general3A_34 = arith.constant dense<0.000000e+00> : vector<16x128xf32>
      %dot_general3A_35 = tpu.matmul %convert_element_type3A_33, %get3A_7, %dot_general3A_34 {dimension_numbers = #tpu.dot_dimension_numbers<[0], [0], [1], [1], [0, 1, 1, 1], [], []>, precision = #tpu.contract_precision<fp32>, transpose_lhs_hint = false} : vector<16x16xf32>, vector<16x128xf32>, vector<16x128xf32> -> vector<16x128xf32>
      %dot_general3A_36 = arith.constant dense<0.000000e+00> : vector<16x1xf32>
      %dot_general3A_37 = tpu.matmul %convert_element_type3A_16, %broadcast_in_dim3A_28, %dot_general3A_36 {dimension_numbers = #tpu.dot_dimension_numbers<[1], [1], [0], [0], [0, 0, 1, 0], [], []>, precision = #tpu.contract_precision<fp32>, transpose_lhs_hint = false} : vector<16x16xf32>, vector<1x16xf32>, vector<16x1xf32> -> vector<16x1xf32>
      %lt3A_38 = arith.constant 0.000000e+00 : f32
      %lt3A_39 = vector.broadcast %lt3A_38 : f32 to vector<16x1xf32>
      %lt3A_40 = arith.cmpf olt, %dot_general3A_37, %lt3A_39 : vector<16x1xf32>
      %broadcast_in_dim3A_41 = vector.shape_cast %get3A_13 : vector<1x128xf32> to vector<1x128xf32>
      %broadcast_in_dim3A_42 = vector.broadcast %broadcast_in_dim3A_41 : vector<1x128xf32> to vector<16x128xf32>
      %broadcast_in_dim3A_43 = vector.shape_cast %lt3A_40 : vector<16x1xi1> to vector<16x1xi1>
      %broadcast_in_dim3A_44 = vector.broadcast %broadcast_in_dim3A_43 : vector<16x1xi1> to vector<16x128xi1>
      %select_n3A_45 = arith.select %broadcast_in_dim3A_44, %broadcast_in_dim3A_42, %dot_general3A_35 : vector<16x128xi1>, vector<16x128xf32>
      %get3A_46 = arith.constant 0 : index
      %get3A_47 = arith.constant 0 : index
      %get3A_48 = vector.load %arg1[%get3A_46, %get3A_47] : memref<2048x128xf32, #tpu.memory_space<vmem>>, vector<2048x128xf32>
      %get3A_49 = arith.constant 0 : index
      %get3A_50 = arith.constant 0 : index
      %get3A_51 = vector.load %arg2[%get3A_49, %get3A_50] : memref<2048x1xi32, #tpu.memory_space<vmem>>, vector<2048x1xi32>
      %iota3A_52 = tpu.iota {dimensions = array<i32: 1>} : vector<2048x16xi32>
      %eq3A_53 = vector.broadcast %get3A_51 : vector<2048x1xi32> to vector<2048x16xi32>
      %eq3A_54 = arith.cmpi eq, %eq3A_53, %iota3A_52 : vector<2048x16xi32>
      %convert_element_type3A_55 = arith.extui %eq3A_54 : vector<2048x16xi1> to vector<2048x16xi32>
      %convert_element_type3A_56 = arith.sitofp %convert_element_type3A_55 : vector<2048x16xi32> to vector<2048x16xf32>
      %dot_general3A_57 = arith.constant dense<0.000000e+00> : vector<2048x128xf32>
      %dot_general3A_58 = tpu.matmul %convert_element_type3A_56, %select_n3A_45, %dot_general3A_57 {dimension_numbers = #tpu.dot_dimension_numbers<[1], [0], [0], [1], [0, 0, 1, 1], [], []>, precision = #tpu.contract_precision<fp32>, transpose_lhs_hint = false} : vector<2048x16xf32>, vector<16x128xf32>, vector<2048x128xf32> -> vector<2048x128xf32>
      %get3A_59 = arith.constant 0 : index
      %get3A_60 = arith.constant 0 : index
      %get3A_61 = vector.load %arg6[%get3A_59, %get3A_60] : memref<128x128xf32, #tpu.memory_space<vmem>>, vector<128x128xf32>
      %dot_general3A_62 = arith.constant dense<0.000000e+00> : vector<2048x128xf32>
      %dot_general3A_63 = tpu.matmul %dot_general3A_58, %get3A_61, %dot_general3A_62 {dimension_numbers = #tpu.dot_dimension_numbers<[1], [0], [0], [1], [0, 0, 1, 1], [], []>, transpose_lhs_hint = false} : vector<2048x128xf32>, vector<128x128xf32>, vector<2048x128xf32> -> vector<2048x128xf32>
      %get3A_64 = arith.constant 0 : index
      %get3A_65 = arith.constant 0 : index
      %get3A_66 = vector.load %arg7[%get3A_64, %get3A_65] : memref<128x128xf32, #tpu.memory_space<vmem>>, vector<128x128xf32>
      %dot_general3A_67 = arith.constant dense<0.000000e+00> : vector<2048x128xf32>
      %dot_general3A_68 = tpu.matmul %get3A_48, %get3A_66, %dot_general3A_67 {dimension_numbers = #tpu.dot_dimension_numbers<[1], [0], [0], [1], [0, 0, 1, 1], [], []>, transpose_lhs_hint = false} : vector<2048x128xf32>, vector<128x128xf32>, vector<2048x128xf32> -> vector<2048x128xf32>
      %add3A = arith.addf %dot_general3A_63, %dot_general3A_68 : vector<2048x128xf32>
      %get3A_69 = arith.constant 0 : index
      %get3A_70 = arith.constant 0 : index
      %get3A_71 = vector.load %arg8[%get3A_69, %get3A_70] : memref<1x128xf32, #tpu.memory_space<vmem>>, vector<1x128xf32>
      %add3A_72 = vector.broadcast %get3A_71 : vector<1x128xf32> to vector<2048x128xf32>
      %add3A_73 = arith.addf %add3A, %add3A_72 : vector<2048x128xf32>
      %logistic3A = arith.negf %add3A_73 : vector<2048x128xf32>
      %logistic3A_74 = math.exp %logistic3A : vector<2048x128xf32>
      %logistic3A_75 = arith.constant 1.000000e+00 : f32
      %logistic3A_76 = vector.broadcast %logistic3A_75 : f32 to vector<2048x128xf32>
      %logistic3A_77 = arith.addf %logistic3A_76, %logistic3A_74 : vector<2048x128xf32>
      %logistic3A_78 = arith.divf %logistic3A_76, %logistic3A_77 : vector<2048x128xf32>
      %get3A_79 = arith.constant 0 : index
      %get3A_80 = arith.constant 0 : index
      %get3A_81 = vector.load %arg9[%get3A_79, %get3A_80] : memref<128x8xf32, #tpu.memory_space<vmem>>, vector<128x8xf32>
      %dot_general3A_82 = arith.constant dense<0.000000e+00> : vector<2048x8xf32>
      %dot_general3A_83 = tpu.matmul %logistic3A_78, %get3A_81, %dot_general3A_82 {dimension_numbers = #tpu.dot_dimension_numbers<[1], [0], [0], [1], [0, 0, 1, 1], [], []>, transpose_lhs_hint = false} : vector<2048x128xf32>, vector<128x8xf32>, vector<2048x8xf32> -> vector<2048x8xf32>
      %slice3A = vector.extract_strided_slice %dot_general3A_83 {offsets = [0, 0], sizes = [2048, 1], strides = [1, 1]} : vector<2048x8xf32> to vector<2048x1xf32>
      %get3A_84 = arith.constant 0 : index
      %get3A_85 = arith.constant 0 : index
      %get3A_86 = vector.load %arg10[%get3A_84, %get3A_85] : memref<1x128xf32, #tpu.memory_space<vmem>>, vector<1x128xf32>
      %slice3A_87 = vector.extract_strided_slice %get3A_86 {offsets = [0, 0], sizes = [1, 1], strides = [1, 1]} : vector<1x128xf32> to vector<1x1xf32>
      %add3A_88 = vector.broadcast %slice3A_87 : vector<1x1xf32> to vector<2048x1xf32>
      %add3A_89 = arith.addf %slice3A, %add3A_88 : vector<2048x1xf32>
      %mul3A = vector.broadcast %add3A_89 : vector<2048x1xf32> to vector<2048x128xf32>
      %mul3A_90 = arith.mulf %mul3A, %get3A_48 : vector<2048x128xf32>
      %dot_general3A_91 = arith.constant dense<0.000000e+00> : vector<16x128xf32>
      %dot_general3A_92 = tpu.matmul %convert_element_type3A_56, %mul3A_90, %dot_general3A_91 {dimension_numbers = #tpu.dot_dimension_numbers<[0], [0], [1], [1], [0, 1, 1, 1], [], []>, precision = #tpu.contract_precision<fp32>, transpose_lhs_hint = false} : vector<2048x16xf32>, vector<2048x128xf32>, vector<16x128xf32> -> vector<16x128xf32>
      %get3A_93 = arith.constant 0 : index
      %get3A_94 = arith.constant 0 : index
      %get3A_95 = vector.load %arg12[%get3A_93, %get3A_94] : memref<128x128xf32, #tpu.memory_space<vmem>>, vector<128x128xf32>
      %dot_general3A_96 = arith.constant dense<0.000000e+00> : vector<16x128xf32>
      %dot_general3A_97 = tpu.matmul %dot_general3A_92, %get3A_95, %dot_general3A_96 {dimension_numbers = #tpu.dot_dimension_numbers<[1], [0], [0], [1], [0, 0, 1, 1], [], []>, transpose_lhs_hint = false} : vector<16x128xf32>, vector<128x128xf32>, vector<16x128xf32> -> vector<16x128xf32>
      %eq3A_98 = arith.constant 0 : i32
      %eq3A_99 = arith.cmpi eq, %arg0, %eq3A_98 : i32
      %convert_element_type3A_100 = arith.extui %eq3A_99 : i1 to i32
      %cond3A_101 = arith.constant 0 : i32
      %cond3A_102 = arith.cmpi ne, %convert_element_type3A_100, %cond3A_101 : i32
      scf.if %cond3A_102 {
        %get3A_108 = arith.constant 0 : index
        %get3A_109 = arith.constant 0 : index
        %get3A_110 = vector.load %arg11[%get3A_108, %get3A_109] : memref<128x128xf32, #tpu.memory_space<vmem>>, vector<128x128xf32>
        %dot_general3A_111 = arith.constant dense<0.000000e+00> : vector<16x128xf32>
        %dot_general3A_112 = tpu.matmul %select_n3A_45, %get3A_110, %dot_general3A_111 {dimension_numbers = #tpu.dot_dimension_numbers<[1], [0], [0], [1], [0, 0, 1, 1], [], []>, transpose_lhs_hint = false} : vector<16x128xf32>, vector<128x128xf32>, vector<16x128xf32> -> vector<16x128xf32>
        %get3A_113 = arith.constant 0 : index
        %get3A_114 = arith.constant 0 : index
        %get3A_115 = vector.load %arg13[%get3A_113, %get3A_114] : memref<1x128xf32, #tpu.memory_space<vmem>>, vector<1x128xf32>
        %add3A_116 = vector.broadcast %get3A_115 : vector<1x128xf32> to vector<16x128xf32>
        %add3A_117 = arith.addf %dot_general3A_112, %add3A_116 : vector<16x128xf32>
        %add3A_118 = arith.addf %add3A_117, %dot_general3A_97 : vector<16x128xf32>
        %swap3A = arith.constant 0 : index
        %swap3A_119 = arith.constant 0 : index
        %swap3A_120 = vector.load %arg16[%swap3A, %swap3A_119] : memref<16x128xf32, #tpu.memory_space<vmem>>, vector<16x128xf32>
        tpu.vector_store %arg16[%swap3A, %swap3A_119], %add3A_118 {strides = array<i32>} : memref<16x128xf32, #tpu.memory_space<vmem>>, vector<16x128xf32>,
      } else {
      }
      %gt3A_103 = arith.constant 0 : i32
      %gt3A_104 = arith.cmpi sgt, %arg0, %gt3A_103 : i32
      %convert_element_type3A_105 = arith.extui %gt3A_104 : i1 to i32
      %cond3A_106 = arith.constant 0 : i32
      %cond3A_107 = arith.cmpi ne, %convert_element_type3A_105, %cond3A_106 : i32
      scf.if %cond3A_107 {
        %get3A_108 = arith.constant 0 : index
        %get3A_109 = arith.constant 0 : index
        %get3A_110 = vector.load %arg16[%get3A_108, %get3A_109] : memref<16x128xf32, #tpu.memory_space<vmem>>, vector<16x128xf32>
        %add3A_111 = arith.addf %get3A_110, %dot_general3A_97 : vector<16x128xf32>
        %swap3A = arith.constant 0 : index
        %swap3A_112 = arith.constant 0 : index
        %swap3A_113 = vector.load %arg16[%swap3A, %swap3A_112] : memref<16x128xf32, #tpu.memory_space<vmem>>, vector<16x128xf32>
        tpu.vector_store %arg16[%swap3A, %swap3A_112], %add3A_111 {strides = array<i32>} : memref<16x128xf32, #tpu.memory_space<vmem>>, vector<16x128xf32>,
      } else {
      }
    } else {
    }
    %ge3A = arith.constant 8 : i32
    %ge3A_2 = arith.cmpi sge, %arg0, %ge3A : i32
    %convert_element_type3A_3 = arith.extui %ge3A_2 : i1 to i32
    %cond3A_4 = arith.constant 0 : i32
    %cond3A_5 = arith.cmpi ne, %convert_element_type3A_3, %cond3A_4 : i32
    scf.if %cond3A_5 {
      %get3A = arith.constant 0 : index
      %get3A_6 = arith.constant 0 : index
      %get3A_7 = vector.load %arg16[%get3A, %get3A_6] : memref<16x128xf32, #tpu.memory_space<vmem>>, vector<16x128xf32>
      %get3A_8 = arith.constant 0 : index
      %get3A_9 = arith.constant 0 : index
      %get3A_10 = vector.load %arg14[%get3A_8, %get3A_9] : memref<16384x128xf32, #tpu.memory_space<vmem>>, vector<16384x128xf32>
      %dot_general3A = arith.constant dense<0.000000e+00> : vector<16x16384xf32>
      %dot_general3A_11 = tpu.matmul %get3A_7, %get3A_10, %dot_general3A {dimension_numbers = #tpu.dot_dimension_numbers<[1], [1], [0], [0], [0, 0, 1, 0], [], []>, transpose_lhs_hint = false} : vector<16x128xf32>, vector<16384x128xf32>, vector<16x16384xf32> -> vector<16x16384xf32>
      %swap3A = arith.constant 0 : index
      %swap3A_12 = arith.constant 0 : index
      %swap3A_13 = vector.load %arg15[%swap3A, %swap3A_12] : memref<16x16384xf32, #tpu.memory_space<vmem>>, vector<16x16384xf32>
      tpu.vector_store %arg15[%swap3A, %swap3A_12], %dot_general3A_11 {strides = array<i32>} : memref<16x16384xf32, #tpu.memory_space<vmem>>, vector<16x16384xf32>,
    } else {
    }
    return
  }
  func.func @transform_0(%arg0: i32) -> (i32, i32) {
    %min3A = arith.constant 7 : i32
    %min3A_0 = arith.minsi %arg0, %min3A : i32
    %c0_i32 = arith.constant 0 : i32
    %c0_i32_1 = arith.constant 0 : i32
    return %min3A_0, %c0_i32 : i32, i32
  }
  func.func @transform_1(%arg0: i32) -> (i32, i32) {
    %min3A = arith.constant 7 : i32
    %min3A_0 = arith.minsi %arg0, %min3A : i32
    %c0_i32 = arith.constant 0 : i32
    %c0_i32_1 = arith.constant 0 : i32
    return %min3A_0, %c0_i32 : i32, i32
  }
  func.func @transform_2(%arg0: i32) -> (i32, i32) {
    %c0_i32 = arith.constant 0 : i32
    %c0_i32_0 = arith.constant 0 : i32
    %c0_i32_1 = arith.constant 0 : i32
    return %c0_i32, %c0_i32_0 : i32, i32
  }
  func.func @transform_3(%arg0: i32) -> (i32, i32) {
    %c0_i32 = arith.constant 0 : i32
    %c0_i32_0 = arith.constant 0 : i32
    %c0_i32_1 = arith.constant 0 : i32
    return %c0_i32, %c0_i32_0 : i32, i32
  }
  func.func @transform_4(%arg0: i32) -> (i32, i32) {
    %c0_i32 = arith.constant 0 : i32
    %c0_i32_0 = arith.constant 0 : i32
    %c0_i32_1 = arith.constant 0 : i32
    return %c0_i32, %c0_i32_0 : i32, i32
  }
  func.func @transform_5(%arg0: i32) -> (i32, i32) {
    %c0_i32 = arith.constant 0 : i32
    %c0_i32_0 = arith.constant 0 : i32
    %c0_i32_1 = arith.constant 0 : i32
    return %c0_i32, %c0_i32_0 : i32, i32
  }
  func.func @transform_6(%arg0: i32) -> (i32, i32) {
    %c0_i32 = arith.constant 0 : i32
    %c0_i32_0 = arith.constant 0 : i32
    %c0_i32_1 = arith.constant 0 : i32
    return %c0_i32, %c0_i32_0 : i32, i32
  }
  func.func @transform_7(%arg0: i32) -> (i32, i32) {
    %c0_i32 = arith.constant 0 : i32
    %c0_i32_0 = arith.constant 0 : i32
    %c0_i32_1 = arith.constant 0 : i32
    return %c0_i32, %c0_i32_0 : i32, i32
  }
  func.func @transform_8(%arg0: i32) -> (i32, i32) {
    %c0_i32 = arith.constant 0 : i32
    %c0_i32_0 = arith.constant 0 : i32
    %c0_i32_1 = arith.constant 0 : i32
    return %c0_i32, %c0_i32_0 : i32, i32
  }
  func.func @transform_9(%arg0: i32) -> (i32, i32) {
    %c0_i32 = arith.constant 0 : i32
    %c0_i32_0 = arith.constant 0 : i32
    %c0_i32_1 = arith.constant 0 : i32
    return %c0_i32, %c0_i32_0 : i32, i32
  }
  func.func @transform_10(%arg0: i32) -> (i32, i32) {
    %c0_i32 = arith.constant 0 : i32
    %c0_i32_0 = arith.constant 0 : i32
    %c0_i32_1 = arith.constant 0 : i32
    return %c0_i32, %c0_i32_0 : i32, i32
  }
  func.func @transform_11(%arg0: i32) -> (i32, i32) {
    %c0_i32 = arith.constant 0 : i32
    %c0_i32_0 = arith.constant 0 : i32
    %c0_i32_1 = arith.constant 0 : i32
    return %c0_i32, %c0_i32_0 : i32, i32
  }
  func.func @transform_12(%arg0: i32) -> (i32, i32) {
    %c0_i32 = arith.constant 0 : i32
    %c0_i32_0 = arith.constant 0 : i32
    %c0_i32_1 = arith.constant 0 : i32
    return %c0_i32, %c0_i32_0 : i32, i32
  }
  func.func @transform_13(%arg0: i32) -> (i32, i32) {
    %sub3A = arith.constant 8 : i32
    %sub3A_0 = arith.subi %arg0, %sub3A : i32
    %max3A = arith.constant 0 : i32
    %max3A_1 = arith.maxsi %sub3A_0, %max3A : i32
    %c0_i32 = arith.constant 0 : i32
    %c0_i32_2 = arith.constant 0 : i32
    return %max3A_1, %c0_i32 : i32, i32
  }
  func.func @transform_14(%arg0: i32) -> (i32, i32) {
    %sub3A = arith.constant 8 : i32
    %sub3A_0 = arith.subi %arg0, %sub3A : i32
    %max3A = arith.constant 0 : i32
    %max3A_1 = arith.maxsi %sub3A_0, %max3A : i32
    %c0_i32 = arith.constant 0 : i32
    %c0_i32_2 = arith.constant 0 : i32
    return %c0_i32, %max3A_1 : i32, i32
  }
}

module attributes {stable_mosaic.version = 14 : i64} {
  func.func @_tc_gru_vn_body(%arg0: i32, %arg1: memref<2048x128xf32, #tpu.memory_space<vmem>>, %arg2: memref<2048x128xf32, #tpu.memory_space<vmem>>, %arg3: memref<128x384xf32, #tpu.memory_space<vmem>>, %arg4: memref<128x384xf32, #tpu.memory_space<vmem>>, %arg5: memref<1x384xf32, #tpu.memory_space<vmem>>, %arg6: memref<1x384xf32, #tpu.memory_space<vmem>>, %arg7: memref<2048x1xi32, #tpu.memory_space<vmem>>, %arg8: memref<2048x1xi32, #tpu.memory_space<vmem>>, %arg9: memref<2048x128xf32, #tpu.memory_space<vmem>>, %arg10: memref<16x128xf32, #tpu.memory_space<vmem>>, %arg11: memref<8x16xf32, #tpu.memory_space<vmem>>) attributes {dimension_semantics = [#tpu.dimension_semantics<arbitrary>], iteration_bounds = array<i64: 8>, scalar_prefetch = 0 : i64, scratch_operands = 0 : i64, tpu.core_type = #tpu.core_type<tc>, window_params = [{transform_indices = @transform_0, window_bounds = array<i64: 2048, 128>}, {transform_indices = @transform_1, window_bounds = array<i64: 2048, 128>}, {pipeline_mode = #tpu.pipeline_mode<synchronous>, transform_indices = @transform_2, window_bounds = array<i64: 128, 384>}, {pipeline_mode = #tpu.pipeline_mode<synchronous>, transform_indices = @transform_3, window_bounds = array<i64: 128, 384>}, {pipeline_mode = #tpu.pipeline_mode<synchronous>, transform_indices = @transform_4, window_bounds = array<i64: 1, 384>}, {pipeline_mode = #tpu.pipeline_mode<synchronous>, transform_indices = @transform_5, window_bounds = array<i64: 1, 384>}, {transform_indices = @transform_6, window_bounds = array<i64: 2048, 1>}, {transform_indices = @transform_7, window_bounds = array<i64: 2048, 1>}, {transform_indices = @transform_8, window_bounds = array<i64: 2048, 128>}, {pipeline_mode = #tpu.pipeline_mode<synchronous>, transform_indices = @transform_9, window_bounds = array<i64: 16, 128>}, {pipeline_mode = #tpu.pipeline_mode<synchronous>, transform_indices = @transform_10, window_bounds = array<i64: 8, 16>}]} {
    %get3A = arith.constant 0 : index
    %get3A_0 = arith.constant 0 : index
    %get3A_1 = vector.load %arg1[%get3A, %get3A_0] : memref<2048x128xf32, #tpu.memory_space<vmem>>, vector<2048x128xf32>
    %get3A_2 = arith.constant 0 : index
    %get3A_3 = arith.constant 0 : index
    %get3A_4 = vector.load %arg2[%get3A_2, %get3A_3] : memref<2048x128xf32, #tpu.memory_space<vmem>>, vector<2048x128xf32>
    %get3A_5 = arith.constant 0 : index
    %get3A_6 = arith.constant 0 : index
    %get3A_7 = vector.load %arg3[%get3A_5, %get3A_6] : memref<128x384xf32, #tpu.memory_space<vmem>>, vector<128x384xf32>
    %dot_general3A = arith.constant dense<0.000000e+00> : vector<2048x384xf32>
    %dot_general3A_8 = tpu.matmul %get3A_4, %get3A_7, %dot_general3A {dimension_numbers = #tpu.dot_dimension_numbers<[1], [0], [0], [1], [0, 0, 1, 1], [], []>, transpose_lhs_hint = false} : vector<2048x128xf32>, vector<128x384xf32>, vector<2048x384xf32> -> vector<2048x384xf32>
    %get3A_9 = arith.constant 0 : index
    %get3A_10 = arith.constant 0 : index
    %get3A_11 = vector.load %arg5[%get3A_9, %get3A_10] : memref<1x384xf32, #tpu.memory_space<vmem>>, vector<1x384xf32>
    %add3A = vector.broadcast %get3A_11 : vector<1x384xf32> to vector<2048x384xf32>
    %add3A_12 = arith.addf %dot_general3A_8, %add3A : vector<2048x384xf32>
    %get3A_13 = arith.constant 0 : index
    %get3A_14 = arith.constant 0 : index
    %get3A_15 = vector.load %arg4[%get3A_13, %get3A_14] : memref<128x384xf32, #tpu.memory_space<vmem>>, vector<128x384xf32>
    %dot_general3A_16 = arith.constant dense<0.000000e+00> : vector<2048x384xf32>
    %dot_general3A_17 = tpu.matmul %get3A_1, %get3A_15, %dot_general3A_16 {dimension_numbers = #tpu.dot_dimension_numbers<[1], [0], [0], [1], [0, 0, 1, 1], [], []>, transpose_lhs_hint = false} : vector<2048x128xf32>, vector<128x384xf32>, vector<2048x384xf32> -> vector<2048x384xf32>
    %get3A_18 = arith.constant 0 : index
    %get3A_19 = arith.constant 0 : index
    %get3A_20 = vector.load %arg6[%get3A_18, %get3A_19] : memref<1x384xf32, #tpu.memory_space<vmem>>, vector<1x384xf32>
    %add3A_21 = vector.broadcast %get3A_20 : vector<1x384xf32> to vector<2048x384xf32>
    %add3A_22 = arith.addf %dot_general3A_17, %add3A_21 : vector<2048x384xf32>
    %slice3A = vector.extract_strided_slice %add3A_12 {offsets = [0, 0], sizes = [2048, 128], strides = [1, 1]} : vector<2048x384xf32> to vector<2048x128xf32>
    %slice3A_23 = vector.extract_strided_slice %add3A_12 {offsets = [0, 128], sizes = [2048, 128], strides = [1, 1]} : vector<2048x384xf32> to vector<2048x128xf32>
    %slice3A_24 = vector.extract_strided_slice %add3A_12 {offsets = [0, 256], sizes = [2048, 128], strides = [1, 1]} : vector<2048x384xf32> to vector<2048x128xf32>
    %slice3A_25 = vector.extract_strided_slice %add3A_22 {offsets = [0, 0], sizes = [2048, 128], strides = [1, 1]} : vector<2048x384xf32> to vector<2048x128xf32>
    %slice3A_26 = vector.extract_strided_slice %add3A_22 {offsets = [0, 128], sizes = [2048, 128], strides = [1, 1]} : vector<2048x384xf32> to vector<2048x128xf32>
    %slice3A_27 = vector.extract_strided_slice %add3A_22 {offsets = [0, 256], sizes = [2048, 128], strides = [1, 1]} : vector<2048x384xf32> to vector<2048x128xf32>
    %add3A_28 = arith.addf %slice3A, %slice3A_25 : vector<2048x128xf32>
    %logistic3A = arith.negf %add3A_28 : vector<2048x128xf32>
    %logistic3A_29 = math.exp %logistic3A : vector<2048x128xf32>
    %logistic3A_30 = arith.constant 1.000000e+00 : f32
    %logistic3A_31 = vector.broadcast %logistic3A_30 : f32 to vector<2048x128xf32>
    %logistic3A_32 = arith.addf %logistic3A_31, %logistic3A_29 : vector<2048x128xf32>
    %logistic3A_33 = arith.divf %logistic3A_31, %logistic3A_32 : vector<2048x128xf32>
    %add3A_34 = arith.addf %slice3A_23, %slice3A_26 : vector<2048x128xf32>
    %logistic3A_35 = arith.negf %add3A_34 : vector<2048x128xf32>
    %logistic3A_36 = math.exp %logistic3A_35 : vector<2048x128xf32>
    %logistic3A_37 = arith.constant 1.000000e+00 : f32
    %logistic3A_38 = vector.broadcast %logistic3A_37 : f32 to vector<2048x128xf32>
    %logistic3A_39 = arith.addf %logistic3A_38, %logistic3A_36 : vector<2048x128xf32>
    %logistic3A_40 = arith.divf %logistic3A_38, %logistic3A_39 : vector<2048x128xf32>
    %mul3A = arith.mulf %logistic3A_33, %slice3A_27 : vector<2048x128xf32>
    %add3A_41 = arith.addf %slice3A_24, %mul3A : vector<2048x128xf32>
    %tanh3A = math.tanh %add3A_41 : vector<2048x128xf32>
    %sub3A = arith.constant 1.000000e+00 : f32
    %sub3A_42 = vector.broadcast %sub3A : f32 to vector<2048x128xf32>
    %sub3A_43 = arith.subf %sub3A_42, %logistic3A_40 : vector<2048x128xf32>
    %mul3A_44 = arith.mulf %sub3A_43, %tanh3A : vector<2048x128xf32>
    %mul3A_45 = arith.mulf %logistic3A_40, %get3A_1 : vector<2048x128xf32>
    %add3A_46 = arith.addf %mul3A_44, %mul3A_45 : vector<2048x128xf32>
    %swap3A = arith.constant 0 : index
    %swap3A_47 = arith.constant 0 : index
    %swap3A_48 = vector.load %arg9[%swap3A, %swap3A_47] : memref<2048x128xf32, #tpu.memory_space<vmem>>, vector<2048x128xf32>
    tpu.vector_store %arg9[%swap3A, %swap3A_47], %add3A_46 {strides = array<i32>} : memref<2048x128xf32, #tpu.memory_space<vmem>>, vector<2048x128xf32>,
    %get3A_49 = arith.constant 0 : index
    %get3A_50 = arith.constant 0 : index
    %get3A_51 = vector.load %arg7[%get3A_49, %get3A_50] : memref<2048x1xi32, #tpu.memory_space<vmem>>, vector<2048x1xi32>
    %iota3A = tpu.iota {dimensions = array<i32: 1>} : vector<2048x16xi32>
    %eq3A = vector.broadcast %get3A_51 : vector<2048x1xi32> to vector<2048x16xi32>
    %eq3A_52 = arith.cmpi eq, %eq3A, %iota3A : vector<2048x16xi32>
    %convert_element_type3A = arith.extui %eq3A_52 : vector<2048x16xi1> to vector<2048x16xi32>
    %convert_element_type3A_53 = arith.sitofp %convert_element_type3A : vector<2048x16xi32> to vector<2048x16xf32>
    %get3A_54 = arith.constant 0 : index
    %get3A_55 = arith.constant 0 : index
    %get3A_56 = vector.load %arg8[%get3A_54, %get3A_55] : memref<2048x1xi32, #tpu.memory_space<vmem>>, vector<2048x1xi32>
    %ne3A = arith.cmpi ne, %get3A_51, %get3A_56 : vector<2048x1xi32>
    %convert_element_type3A_57 = arith.extui %ne3A : vector<2048x1xi1> to vector<2048x1xi32>
    %convert_element_type3A_58 = arith.sitofp %convert_element_type3A_57 : vector<2048x1xi32> to vector<2048x1xf32>
    %mul3A_59 = vector.broadcast %convert_element_type3A_58 : vector<2048x1xf32> to vector<2048x16xf32>
    %mul3A_60 = arith.mulf %convert_element_type3A_53, %mul3A_59 : vector<2048x16xf32>
    %dot_general3A_61 = arith.constant dense<0.000000e+00> : vector<16x128xf32>
    %dot_general3A_62 = tpu.matmul %mul3A_60, %add3A_46, %dot_general3A_61 {dimension_numbers = #tpu.dot_dimension_numbers<[0], [0], [1], [1], [0, 1, 1, 1], [], []>, precision = #tpu.contract_precision<fp32>, transpose_lhs_hint = false} : vector<2048x16xf32>, vector<2048x128xf32>, vector<16x128xf32> -> vector<16x128xf32>
    %reduce_sum3A = arith.constant dense<0.000000e+00> : vector<16xf32>
    %reduce_sum3A_63 = vector.multi_reduction <add>, %convert_element_type3A_53, %reduce_sum3A [0] : vector<2048x16xf32> to vector<16xf32>
    %broadcast_in_dim3A = vector.shape_cast %reduce_sum3A_63 : vector<16xf32> to vector<1x16xf32>
    %broadcast_in_dim3A_64 = vector.shape_cast %broadcast_in_dim3A : vector<1x16xf32> to vector<1x16xf32>
    %broadcast_in_dim3A_65 = vector.broadcast %broadcast_in_dim3A_64 : vector<1x16xf32> to vector<8x16xf32>
    %eq3A_66 = arith.constant 0 : i32
    %eq3A_67 = arith.cmpi eq, %arg0, %eq3A_66 : i32
    %convert_element_type3A_68 = arith.extui %eq3A_67 : i1 to i32
    %cond3A = arith.constant 0 : i32
    %cond3A_69 = arith.cmpi ne, %convert_element_type3A_68, %cond3A : i32
    scf.if %cond3A_69 {
      %swap3A_74 = arith.constant 0 : index
      %swap3A_75 = arith.constant 0 : index
      %swap3A_76 = vector.load %arg10[%swap3A_74, %swap3A_75] : memref<16x128xf32, #tpu.memory_space<vmem>>, vector<16x128xf32>
      tpu.vector_store %arg10[%swap3A_74, %swap3A_75], %dot_general3A_62 {strides = array<i32>} : memref<16x128xf32, #tpu.memory_space<vmem>>, vector<16x128xf32>,
      %swap3A_77 = arith.constant 0 : index
      %swap3A_78 = arith.constant 0 : index
      %swap3A_79 = vector.load %arg11[%swap3A_77, %swap3A_78] : memref<8x16xf32, #tpu.memory_space<vmem>>, vector<8x16xf32>
      tpu.vector_store %arg11[%swap3A_77, %swap3A_78], %broadcast_in_dim3A_65 {strides = array<i32>} : memref<8x16xf32, #tpu.memory_space<vmem>>, vector<8x16xf32>,
    } else {
    }
    %gt3A = arith.constant 0 : i32
    %gt3A_70 = arith.cmpi sgt, %arg0, %gt3A : i32
    %convert_element_type3A_71 = arith.extui %gt3A_70 : i1 to i32
    %cond3A_72 = arith.constant 0 : i32
    %cond3A_73 = arith.cmpi ne, %convert_element_type3A_71, %cond3A_72 : i32
    scf.if %cond3A_73 {
      %get3A_74 = arith.constant 0 : index
      %get3A_75 = arith.constant 0 : index
      %get3A_76 = vector.load %arg10[%get3A_74, %get3A_75] : memref<16x128xf32, #tpu.memory_space<vmem>>, vector<16x128xf32>
      %add3A_77 = arith.addf %get3A_76, %dot_general3A_62 : vector<16x128xf32>
      %swap3A_78 = arith.constant 0 : index
      %swap3A_79 = arith.constant 0 : index
      %swap3A_80 = vector.load %arg10[%swap3A_78, %swap3A_79] : memref<16x128xf32, #tpu.memory_space<vmem>>, vector<16x128xf32>
      tpu.vector_store %arg10[%swap3A_78, %swap3A_79], %add3A_77 {strides = array<i32>} : memref<16x128xf32, #tpu.memory_space<vmem>>, vector<16x128xf32>,
      %get3A_81 = arith.constant 0 : index
      %get3A_82 = arith.constant 0 : index
      %get3A_83 = vector.load %arg11[%get3A_81, %get3A_82] : memref<8x16xf32, #tpu.memory_space<vmem>>, vector<8x16xf32>
      %add3A_84 = arith.addf %get3A_83, %broadcast_in_dim3A_65 : vector<8x16xf32>
      %swap3A_85 = arith.constant 0 : index
      %swap3A_86 = arith.constant 0 : index
      %swap3A_87 = vector.load %arg11[%swap3A_85, %swap3A_86] : memref<8x16xf32, #tpu.memory_space<vmem>>, vector<8x16xf32>
      tpu.vector_store %arg11[%swap3A_85, %swap3A_86], %add3A_84 {strides = array<i32>} : memref<8x16xf32, #tpu.memory_space<vmem>>, vector<8x16xf32>,
    } else {
    }
    return
  }
  func.func @transform_0(%arg0: i32) -> (i32, i32) {
    %c0_i32 = arith.constant 0 : i32
    %c0_i32_0 = arith.constant 0 : i32
    return %arg0, %c0_i32 : i32, i32
  }
  func.func @transform_1(%arg0: i32) -> (i32, i32) {
    %c0_i32 = arith.constant 0 : i32
    %c0_i32_0 = arith.constant 0 : i32
    return %arg0, %c0_i32 : i32, i32
  }
  func.func @transform_2(%arg0: i32) -> (i32, i32) {
    %c0_i32 = arith.constant 0 : i32
    %c0_i32_0 = arith.constant 0 : i32
    %c0_i32_1 = arith.constant 0 : i32
    return %c0_i32, %c0_i32_0 : i32, i32
  }
  func.func @transform_3(%arg0: i32) -> (i32, i32) {
    %c0_i32 = arith.constant 0 : i32
    %c0_i32_0 = arith.constant 0 : i32
    %c0_i32_1 = arith.constant 0 : i32
    return %c0_i32, %c0_i32_0 : i32, i32
  }
  func.func @transform_4(%arg0: i32) -> (i32, i32) {
    %c0_i32 = arith.constant 0 : i32
    %c0_i32_0 = arith.constant 0 : i32
    %c0_i32_1 = arith.constant 0 : i32
    return %c0_i32, %c0_i32_0 : i32, i32
  }
  func.func @transform_5(%arg0: i32) -> (i32, i32) {
    %c0_i32 = arith.constant 0 : i32
    %c0_i32_0 = arith.constant 0 : i32
    %c0_i32_1 = arith.constant 0 : i32
    return %c0_i32, %c0_i32_0 : i32, i32
  }
  func.func @transform_6(%arg0: i32) -> (i32, i32) {
    %c0_i32 = arith.constant 0 : i32
    %c0_i32_0 = arith.constant 0 : i32
    return %arg0, %c0_i32 : i32, i32
  }
  func.func @transform_7(%arg0: i32) -> (i32, i32) {
    %c0_i32 = arith.constant 0 : i32
    %c0_i32_0 = arith.constant 0 : i32
    return %arg0, %c0_i32 : i32, i32
  }
  func.func @transform_8(%arg0: i32) -> (i32, i32) {
    %c0_i32 = arith.constant 0 : i32
    %c0_i32_0 = arith.constant 0 : i32
    return %arg0, %c0_i32 : i32, i32
  }
  func.func @transform_9(%arg0: i32) -> (i32, i32) {
    %c0_i32 = arith.constant 0 : i32
    %c0_i32_0 = arith.constant 0 : i32
    %c0_i32_1 = arith.constant 0 : i32
    return %c0_i32, %c0_i32_0 : i32, i32
  }
  func.func @transform_10(%arg0: i32) -> (i32, i32) {
    %c0_i32 = arith.constant 0 : i32
    %c0_i32_0 = arith.constant 0 : i32
    %c0_i32_1 = arith.constant 0 : i32
    return %c0_i32, %c0_i32_0 : i32, i32
  }
}

</mosaic_0001>

<sc_bundles>
// kernel: kernel.12.cloned.1.call-start
scs
__scs_entry_jumppad:
0x0: {  	(pc) =	sbr.rel $0x88, $3  }
0x1: {  	(tag) =	ssettag $0x0;
	lr =	simm.s32 $0x1  }
0x2: {  	[smem:$0x3F90] =	sst lr;
	_ =	strace $0xD0000000  }
0x3: {  	_ = 	snop  }
0x4: {  	_ = 	snop  }
0x5: {  	_ = 	snop  }
0x6: {  	_ = 	snop  }
0x7: {  	_ = 	snop  }
__scs_overlays_trampoline_lowered:
0x8: {  	[smem:$0x3F9F] =	sst s0  }
0x9: {  	[smem:$0x3FA0] =	sst s1  }
0xa: {  	[smem:$0x3FA1] =	sst s2  }
0xb: {  	[smem:$0x3FA2] =	sst s3  }
0xc: {  	[smem:$0x3FA3] =	sst s4  }
0xd: {  	[smem:$0x3FA4] =	sst s5  }
0xe: {  	[smem:$0x3FA5] =	sst s6  }
0xf: {  	[smem:$0x3FA6] =	sst s7  }
0x10: {  	[smem:$0x3FA7] =	sst s8  }
0x11: {  	[smem:$0x3FA8] =	sst s9;
	s0 =	simm.s32 @!p0 $0x0  }
0x12: {  	s1 =	sld [smem:$0x3F8E];
	s0 =	simm.s32 @p0 $0x1  }
0x13: {  	[smem:$0x3FA9] =	sst s0;
	s0 =	simm.s32 @!p1 $0x0  }
0x14: {  	s2 =	sld [smem:$0x3F8D];
	s0 =	simm.s32 @p1 $0x1  }
0x15: {  	[smem:$0x3FAA] =	sst s0;
	s0 =	simm.s32 @!p2 $0x0  }
0x16: {  	s3 =	sld [smem:$0x3FDB];
	s0 =	simm.s32 @p2 $0x1  }
0x17: {  	s4 =	simm.s32 $0x1BF5;
	[smem:$0x3FAC] =	sst s0  }
0x18: {  	s0 =	sld [smem:$0x3F8F];
	_ =	swait.ge [sflag:s4], $0x0  }
0x19: {  	s7 =	sld [smem:$0x3F90]  }
0x1a: {  	s8 =	sadd.s32 $0xFFFFE003, lr  }
0x1b: {  	s9 =	sadd.s32 $0xFFFFFEF7, lr;
	s5 =	simm.s32 $0xFFFFFFFF;
	p2 =	slt.u32 s8, $0xFFFFF086  }
0x1c: {  	p1 =	slt.u32 s9, $0xF7A;
	s5 =	simm.s32 @!p2 $0x0  }
0x1d: {  	s5 =	simm.s32 @p1 $0x1;
	p0 =	seq.s32 s7, s2  }
0x1e: {  	s7 =	smul.u32 @!p0 $0xF7A, s2;
	p2 =	seq.s32 @!p0 s5, $0x0  }
0x1f: {  	s9 =	smul.u32 $0xF7A, s1;
	s8 =	simm.s32 @!p0 $0x1BF5;
	p2 =	por !p2, p0  }
0x20: {  	[sflag:s8] =	ssyncset.s32 @!p0 $0xFFFFF086;
	s6 =	sadd.s32 @!p0 s3, s7;
	s7 =	simm.s32 @!p0 $0x108  }
0x21: {  	s3 =	sadd.s32 s3, s9;
	s6 =	sadd.s32 @!p0 $0x88, s6;
	s7 =	simm.s32 @p2 $0x1082  }
0x22: {  	[simem:s7], [sflag:s8] =	dma.local @!p0 [hbm:s6], $0xF7A  }
0x23: {  	s9 =	sor.u32 $0xD0000000, s2;
	s6 =	simm.s32 $0x108;
	_ =	swait.ge @!p0 [sflag:s8], $0x0  }
0x24: {  	s3 =	sadd.s32 $0x88, s3;
	s6 =	simm.s32 @!p1 $0x1082;
	[sflag:s4] =	ssyncset.s32 $0xFFFFF086  }
0x25: {  	[simem:s6], [sflag:s4] =	dma.local [hbm:s3], $0xF7A  }
0x26: {  	[smem:$0x3F90] =	sst s1;
	(tag) =	ssettag s2;
	_ =	strace s9  }
0x27: {  	s1 =	sld [smem:$0x3FA0]  }
0x28: {  	s2 =	sld [smem:$0x3FA1]  }
0x29: {  	s4 =	sld [smem:$0x3FA3]  }
0x2a: {  	p0 =	seq.s32 s5, $0x0;
	s5 =	sld [smem:$0x3FA4]  }
0x2b: {  	s6 =	sld [smem:$0x3FA5]  }
0x2c: {  	s7 =	sld [smem:$0x3FA6]  }
0x2d: {  	s3 =	simm.s32 $0x108;
	s8 =	sld [smem:$0x3FA7]  }
0x2e: {  	s3 =	simm.s32 @!p0 $0x1082;
	s9 =	sld [smem:$0x3FA8]  }
0x2f: {  	lr =	sadd.s32 s0, s3;
	s0 =	sld [smem:$0x3F9F]  }
0x30: {  	s3 =	sld [smem:$0x3FA2]  }
0x31: {  	[smem:$0x3FAB] =	sst s10  }
0x32: {  	s10 =	sld [smem:$0x3FA9];
	_ =	sdelay $0x3  }
0x33: {  	p0 =	seq.s32 s10, $0x1;
	s10 =	sld [smem:$0x3FAB];
	_ =	sdelay $0x3  }
0x34: {  	[smem:$0x3FAB] =	sst s10  }
0x35: {  	s10 =	sld [smem:$0x3FAA];
	_ =	sdelay $0x3  }
0x36: {  	p1 =	seq.s32 s10, $0x1;
	s10 =	sld [smem:$0x3FAB];
	_ =	sdelay $0x3  }
0x37: {  	[smem:$0x3FAB] =	sst s10  }
0x38: {  	s10 =	sld [smem:$0x3FAC]  }
0x39: {  	_ = 	snop;
	(pc) =	sbr.ind lr, $3  }
0x3a: {  	_ = 	snop  }
0x3b: {  	_ = 	snop  }
0x3c: {  	p2 =	seq.s32 s10, $0x1;
	s10 =	sld [smem:$0x3FAB]  }
0x3d: {  	_ =	shalt  }
0x3e: {  	_ =	shalt  }
0x3f: {  	_ =	shalt  }
0x40: {  	_ =	shalt  }
0x41: {  	_ =	shalt  }
0x42: {  	_ =	shalt  }
0x43: {  	_ =	shalt  }
0x44: {  	_ =	shalt  }
0x45: {  	_ =	shalt  }
0x46: {  	_ =	shalt  }
0x47: {  	_ =	shalt  }
0x48: {  	_ =	shalt  }
0x49: {  	_ =	shalt  }
0x4a: {  	_ =	shalt  }
0x4b: {  	_ =	shalt  }
0x4c: {  	_ =	shalt  }
0x4d: {  	_ =	shalt  }
0x4e: {  	_ =	shalt  }
0x4f: {  	_ =	shalt  }
0x50: {  	_ =	shalt  }
0x51: {  	_ =	shalt  }
0x52: {  	_ =	shalt  }
0x53: {  	_ =	shalt  }
0x54: {  	_ =	shalt  }
0x55: {  	_ =	shalt  }
0x56: {  	_ =	shalt  }
0x57: {  	_ =	shalt  }
0x58: {  	_ =	shalt  }
0x59: {  	_ =	shalt  }
0x5a: {  	_ =	shalt  }
0x5b: {  	_ =	shalt  }
0x5c: {  	_ =	shalt  }
0x5d: {  	_ =	shalt  }
0x5e: {  	_ =	shalt  }
0x5f: {  	_ =	shalt  }
0x60: {  	_ =	shalt  }
0x61: {  	_ =	shalt  }
0x62: {  	_ =	shalt  }
0x63: {  	_ =	shalt  }
0x64: {  	_ =	shalt  }
0x65: {  	_ =	shalt  }
0x66: {  	_ =	shalt  }
0x67: {  	_ =	shalt  }
0x68: {  	_ =	shalt  }
0x69: {  	_ =	shalt  }
0x6a: {  	_ =	shalt  }
0x6b: {  	_ =	shalt  }
0x6c: {  	_ =	shalt  }
0x6d: {  	_ =	shalt  }
0x6e: {  	_ =	shalt  }
0x6f: {  	_ =	shalt  }
0x70: {  	_ =	shalt  }
0x71: {  	_ =	shalt  }
0x72: {  	_ =	shalt  }
0x73: {  	_ =	shalt  }
0x74: {  	_ =	shalt  }
0x75: {  	_ =	shalt  }
0x76: {  	_ =	shalt  }
0x77: {  	_ =	shalt  }
0x78: {  	_ =	shalt  }
0x79: {  	_ =	shalt  }
0x7a: {  	_ =	shalt  }
0x7b: {  	_ =	shalt  }
0x7c: {  	_ =	shalt  }
0x7d: {  	_ =	shalt  }
0x7e: {  	_ =	shalt  }
0x7f: {  	_ =	shalt  }
0x80: {  	_ =	shalt  }
0x81: {  	_ =	shalt  }
0x82: {  	_ =	shalt  }
0x83: {  	_ =	shalt  }
0x84: {  	_ =	shalt  }
0x85: {  	_ =	shalt  }
0x86: {  	_ =	shalt  }
0x87: {  	_ =	shalt  }
.Lfunc_end0:
.L_simem_size_0:
called_computation.1_lowered:
.L_overlay_start_0:
0x88: {  	s2 =	sld [smem:$0x3FD9]  }
0x89: {  	s3 =	sld [smem:$0x3FFE];
	_ =	sdelay $0x1  }
0x8a: {  	s1 =	srdreg.scid  }
0x8b: {  	s0 =	sand.u32 $0x1, s1  }
0x8c: {  	s17 =	sshll.u32 s0, $0xA;
	s2 =	sadd.s32 s3, s2  }
0x8d: {  	s2 =	sadd.s32 s2, s17  }
0x8e: {  	[smem:$0x3FB7] =	sst s2  }
0x8f: {  	_ = 	snop  }
0x90: {  	s2 =	sld [smem:$0x3FD0];
	(tm) =	ssettm $0x1  }
0x91: {  	s18 =	sld [smem:$0x3FFB];
	_ =	sdelay $0x3  }
0x92: {  	_ =	strace s18  }
0x93: {  	s3 =	sld [smem:$0x3FFC];
	_ =	sdelay $0x3  }
0x94: {  	_ =	strace s3  }
0x95: {  	s3 =	sld [smem:$0x3FFD];
	_ =	sdelay $0x3  }
0x96: {  	_ =	strace s3  }
0x97: {  	_ =	strace $0x8FFFFFFF  }
0x98: {  	s19 =	sld [smem:$0x3FDB];
	_ =	sdelay $0x1  }
0x99: {  	s4 =	simm.s32 $_scs_section_size  }
0x9a: {  	s5 =	simm.s32 $_size__tile_overlayer_lowered;
	s6 =	simm.s32 $_tile_overlayer_lowered  }
0x9b: {  	s22 =	simm.s32 $0x1BFF;
	s21 =	sshll.u32 s6, $0x1;
	s3 =	sadd.s32 s4, s19  }
0x9c: {  	s7 =	simm.s32 $0x0;
	s20 =	sshll.u32 s5, $0x1;
	s5 =	sadd.s32 s21, s3  }
0x9d: {  	[timem:s7], [sflag:s22] =	dma.local [hbm:s5], s20  }
0x9e: {  	_ =	swait.ge [sflag:s22], s20  }
0x9f: {  	s4 =	ssub.s32 $0x0, s20;
	[sflag:s22] =	ssyncset.done $0x0  }
0xa0: {  	[sflag:s22] =	ssyncadd.s32 s4;
	_ =	sdelay $0x1  }
0xa1: {  	s23 =	simm.s32 $0x1B8B  }
0xa2: {  	_ =	swait.ge [sflag:s23], $0x1  }
0xa3: {  	[sflag:s23] =	ssyncset.done $0x0  }
0xa4: {  	s25 =	simm.s32 $0x1B8E;
	s24 =	sld [smem:$0x3FFE];
	[sflag:s23] =	ssyncadd.s32 $0xFFFFFFFF  }
0xa5: {  	s26 =	simm.s32 $execute0_lowered;
	[smem:$0x3FD2] =	sst s25  }
0xa6: {  	s5 =	sshll.u32 s26, $0x1;
	_ =	strace $0x80000049;
	[dreg:$0x1] =	wrdreg $0xFFFFFFFF  }
0xa7: {  	s28 =	simm.s32 $_size_execute0_lowered;
	s3 =	sadd.s32 s3, s5;
	[dreg:$0x0] =	wrdreg $0x0  }
0xa8: {  	s5 =	sshll.u32 s28, $0x1;
	[dreg:$0x2] =	wrdreg s3  }
0xa9: {  	[dreg:$0x3] =	wrdreg s5  }
0xaa: {  	[dreg:$0x4] =	wrdreg $0xC0  }
0xab: {  	_ =	task [dreg:s7], $0x5FFFF  }
0xac: {  	[dreg:$0x1] =	wrdreg $0xFFFFFFFF  }
0xad: {  	[dreg:$0x0] =	wrdreg $0x60  }
0xae: {  	[dreg:$0x2] =	wrdreg s24  }
0xaf: {  	[dreg:$0x3] =	wrdreg s2  }
0xb0: {  	[dreg:$0x4] =	wrdreg $0xE0000  }
0xb1: {  	[dreg:$0x5] =	wrdreg $0x9  }
0xb2: {  	_ =	task.clear_ibuf [dreg:s7], $0x6FFFF;
	_ =	strace $0x90000049  }
0xb3: {  	s29 =	simm.s32 $0x9;
	_ =	strace $0x8000004B  }
0xb4: {  	_ =	swait.ge [sflag:s29], $0x1  }
0xb5: {  	[sflag:s29] =	ssyncadd.s32 $0xFFFFFFFF  }
0xb6: {  	_ =	strace $0x9000004B  }
0xb7: {  	_ =	sfence  }
0xb8: {  	s30 =	sld [smem:$0x0];
	_ =	sdelay $0x2  }
0xb9: {  	s31 =	sshll.u32 s1, $0xD;
	s1 =	sshrl.u32 s1, $0x2  }
0xba: {  	s3 =	sand.u32 $0x4000, s31;
	s1 =	sadd.s32 s1, s30  }
0xbb: {  	s0 =	sor.u32 s3, s0;
	s1 =	sshll.u32 s1, $0x11  }
0xbc: {  	s0 =	sor.u32 s1, s0  }
0xbd: {  	s0 =	sadd.s32 $0x8F2B, s0  }
0xbe: {  	[sflag:s0] =	ssyncadd.remote.s32 $0x1  }
0xbf: {  	_ =	sfence.sel $0xFFFF  }
0xc0: {  	[dreg:$0x0] =	wrdreg $0xFFFFFFFF;
	(pc) =	sbr.abs _section_cstart, $3  }
0xc1: {  	[dreg:$0x1] =	wrdreg $0xFFFFFFFF  }
0xc2: {  	_ =	task.clear_ibuf [dreg:s7], $0x2FFFF;
	_ =	strace $0x9FFFFFFF  }
0xc3: {  	(tm) =	ssettm $0x7FFFFFFF  }
tec
execute0_lowered:
.L_overlay_start_1:
0x0: {  	(tag) =	ssettag $0x1  }
0x1: {  	s0 =	rddreg [dreg:$0x0]  }
0x2: {  	s3 =	rddreg [dreg:$0x1]  }
0x3: {  	s1 =	rddreg [dreg:$0x2];
	s2 =	simm.s32 $0x0;
	s4 =	srdreg.scid  }
0x4: {  	s16 =	stileid.u32;
	s14 =	simm.s32 $0x4;
	s15 =	simm.s32 $0x1000  }
0x5: {  	s17 =	simm.s32 $0x80;
	s18 =	simm.s32 $0x6000;
	s20 =	simm.s32 $0xA000  }
0x6: {  	s21 =	simm.s32 $0x1;
	s23 =	simm.s32 $0x2;
	s26 =	simm.s32 $0x3  }
0x7: {  	s31 =	simm.s32 $0xF00;
	s19 =	simm.s32 $0xF80;
	s22 =	simm.s32 $0x1E80  }
0x8: {  	s25 =	simm.s32 $0x1F80;
	s28 =	simm.s32 $0x0;
	[smem:$0x7FF] =	sst s2  }
0x9: {  	s8 =	sand.u32 $0x1, s4;
	s4 =	sadd.s32 $0x47600, s0;
	s6 =	sshll.u32 s16, $0x9  }
0xa: {  	s29 =	sshll.u32 s16, $0x10;
	s30 =	sshll.u32 s16, $0xD;
	s11 =	sadd.s32 $0x100000, s1  }
0xb: {  	p0 =	sne.s32 s16, $0x0;
	s16 =	simm.s32 $0x2000;
	_ =	strace $0x8000004A  }
0xc: {  	s5 =	ssub.s32 $0x2, s8;
	s7 =	sadd.s32 s6, s0;
	s9 =	sshll.u32 s8, $0x11  }
0xd: {  	s6 =	sadd.s32 s3, s6;
	s24 =	sshll.u32 s8, $0xD;
	s10 =	sshrl.u32 s5, $0x1  }
0xe: {  	s0 =	sadd.s32 s9, s0;
	v0 =	vmov s24;
	s24 =	simm.s32 $0x1F00;
	s13 =	ssub.s32 s5, s10  }
0xf: {  	s5 =	sadd.s32 $0x45600, s7;
	s7 =	sadd.s32 s29, s1;
	s0 =	sadd.s32 s30, s0  }
0x10: {  	s8 =	sadd.s32 $0x4000, s7;
	s9 =	sadd.s32 $0x8000, s7;
	s10 =	sadd.s32 $0xC000, s7  }
0x11: {  	v1 =	vimm.f32 $0.0e+00;
	s12 =	sadd.s32 $0x87600, s0;
	s13 =	smax.u32 s13, $0x1;
	s0 =	simm.s32 $0x1E00  }
.LBB2_1:
0x12: {  	[tilespmem:s2], [sflag:$0x4] =	stream.linear.gather [hbm4b:s5+s2], $0x1000, $0x38;
	[tilespmem:$0x1E400] =	vst v63  }
0x13: {  	_ =	swait.ge [sflag:s14], $0x1000  }
0x14: {  	[sflag:s14] =	ssyncset.done $0x0  }
0x15: {  	[sflag:s14] =	ssyncadd.s32 $0xFFFFF000  }
0x16: {  	[tilespmem:s15], [sflag:$0x4] =	stream.linear.gather [hbm4b:s6+s2], $0x1000, $0x38;
	[tilespmem:$0x1E400] =	vst v63  }
0x17: {  	_ =	swait.ge [sflag:s14], $0x1000  }
0x18: {  	[sflag:s14] =	ssyncset.done $0x0  }
0x19: {  	s29 =	simm.s32 $0x0;
	[sflag:s14] =	ssyncadd.s32 $0xFFFFF000  }
0x1a: {  	v3 =	vld [tilespmem:s29+$0x1000]  }
0x1b: {  	v4 =	vld [tilespmem:s29+$0x1010]  }
0x1c: {  	v6 =	vld [tilespmem:s29+$0x1020]  }
0x1d: {  	v5 =	vld [tilespmem:s29+$0x1030]  }
0x1e: {  	v2 =	vld [tilespmem:s29+$0x1040]  }
0x1f: {  	v7 =	vsub.s32 v3, v0;
	v3 =	vld [tilespmem:s29+$0x1050]  }
0x20: {  	s30 =	simm.s32 $0x200;
	v8 =	vsub.s32 v4, v0;
	v4 =	vld [tilespmem:s29+$0x1060];
	v7 =	vmin.u32 v7, $0x2000  }
.LBB2_2:
0x21: {  	s3 =	sshra.s32 s30, $0x2;
	p1 =	sne.s32 s30, $0x3E00;
	[tilespmem:s29+$0x1000] =	vst v7;
	v7 =	vmin.u32 v8, $0x2000;
	v6 =	vsub.s32 v6, v0;
	v8 =	vld [tilespmem:s29+$0x1070]  }
0x22: {  	v9 =	vld [tilespmem:s3+$0x1000];
	[tilespmem:s29+$0x1010] =	vst v7;
	v6 =	vmin.u32 v6, $0x2000;
	v5 =	vsub.s32 v5, v0  }
0x23: {  	v10 =	vld [tilespmem:s3+$0x1010];
	[tilespmem:s29+$0x1020] =	vst v6;
	v5 =	vmin.u32 v5, $0x2000;
	v2 =	vsub.s32 v2, v0  }
.Ltmp0:
0x24: {  	v6 =	vld [tilespmem:s3+$0x1020];
	[tilespmem:s29+$0x1030] =	vst v5;
	v2 =	vmin.u32 v2, $0x2000;
	v3 =	vsub.s32 v3, v0;
	(pc) =	sbr.rel @p1 .LBB2_2-.Ltmp0, $4  }
0x25: {  	v5 =	vld [tilespmem:s3+$0x1030];
	[tilespmem:s29+$0x1040] =	vst v2;
	v3 =	vmin.u32 v3, $0x2000;
	v4 =	vsub.s32 v4, v0  }
0x26: {  	v2 =	vld [tilespmem:s3+$0x1040];
	[tilespmem:s29+$0x1050] =	vst v3;
	v4 =	vmin.u32 v4, $0x2000;
	v7 =	vsub.s32 v8, v0  }
0x27: {  	v8 =	vsub.s32 v9, v0;
	v3 =	vld [tilespmem:s3+$0x1050];
	[tilespmem:s29+$0x1060] =	vst v4;
	v9 =	vmin.u32 v7, $0x2000  }
0x28: {  	s30 =	sadd.s32 $0x200, s30;
	v7 =	vmin.u32 v8, $0x2000;
	v8 =	vsub.s32 v10, v0;
	v4 =	vld [tilespmem:s3+$0x1060];
	[tilespmem:s29+$0x1070] =	vst v9;
	s29 =	smov.u32 s3  }
0x29: {  	[tilespmem:s29+$0x1000] =	vst v7;
	v62 =	vmin.u32 v8, $0x2000;
	v6 =	vsub.s32 v6, v0;
	v63 =	vld [tilespmem:s29+$0x1070]  }
0x2a: {  	[tilespmem:s29+$0x1010] =	vst v62;
	v6 =	vmin.u32 v6, $0x2000;
	v5 =	vsub.s32 v5, v0  }
0x2b: {  	[tilespmem:s29+$0x1020] =	vst v6;
	v5 =	vmin.u32 v5, $0x2000;
	v2 =	vsub.s32 v2, v0  }
0x2c: {  	[tilespmem:s29+$0x1030] =	vst v5;
	v2 =	vmin.u32 v2, $0x2000;
	v3 =	vsub.s32 v3, v0  }
0x2d: {  	[tilespmem:s29+$0x1040] =	vst v2;
	v2 =	vmin.u32 v3, $0x2000;
	v3 =	vsub.s32 v4, v0  }
0x2e: {  	[tilespmem:s29+$0x1050] =	vst v2;
	v2 =	vmin.u32 v3, $0x2000;
	v3 =	vsub.s32 v63, v0  }
0x2f: {  	[tilespmem:s29+$0x1060] =	vst v2;
	v2 =	vmin.u32 v3, $0x2000  }
0x30: {  	s30 =	simm.s32 $0x200;
	[tilespmem:s29+$0x1070] =	vst v2;
	s29 =	simm.s32 $0x0  }
.LBB2_4:
0x31: {  	p1 =	sne.s32 s30, $0xFE00;
	[tilespmem:s29+$0x2070] =	vst v1  }
0x32: {  	[tilespmem:s29+$0x2000] =	vst v1  }
0x33: {  	[tilespmem:s29+$0x2010] =	vst v1  }
.Ltmp1:
0x34: {  	[tilespmem:s29+$0x2020] =	vst v1;
	(pc) =	sbr.rel @p1 .LBB2_4-.Ltmp1, $4  }
0x35: {  	[tilespmem:s29+$0x2030] =	vst v1  }
0x36: {  	[tilespmem:s29+$0x2040] =	vst v1  }
0x37: {  	[tilespmem:s29+$0x2050] =	vst v1  }
0x38: {  	[tilespmem:s29+$0x2060] =	vst v1;
	s29 =	sshra.s32 s30, $0x2;
	s30 =	sadd.s32 $0x200, s30  }
0x39: {  	[tilespmem:s29+$0x2070] =	vst v1  }
0x3a: {  	[tilespmem:s29+$0x2000] =	vst v1  }
0x3b: {  	[tilespmem:s29+$0x2010] =	vst v1  }
0x3c: {  	[tilespmem:s29+$0x2020] =	vst v1  }
0x3d: {  	[tilespmem:s29+$0x2030] =	vst v1  }
0x3e: {  	[tilespmem:s29+$0x2040] =	vst v1  }
0x3f: {  	[tilespmem:s29+$0x2050] =	vst v1  }
0x40: {  	[tilespmem:s29+$0x2060] =	vst v1  }
0x41: {  	[spmem:s7] =	stream.linear.scatter [tilespmem:s16], [sflag:$0x4], $0x4000, $0x38;
	[tilespmem:$0x1E400] =	vst v63  }
0x42: {  	_ =	swait.ge [sflag:s14], $0x4000  }
0x43: {  	[sflag:s14] =	ssyncset.done $0x0  }
0x44: {  	[sflag:s14] =	ssyncadd.s32 $0xFFFFC000  }
0x45: {  	[spmem:s8] =	stream.linear.scatter [tilespmem:s16], [sflag:$0x4], $0x4000, $0x38;
	[tilespmem:$0x1E400] =	vst v63  }
0x46: {  	_ =	swait.ge [sflag:s14], $0x4000  }
0x47: {  	[sflag:s14] =	ssyncset.done $0x0  }
0x48: {  	[sflag:s14] =	ssyncadd.s32 $0xFFFFC000  }
0x49: {  	[spmem:s9] =	stream.linear.scatter [tilespmem:s16], [sflag:$0x4], $0x4000, $0x38;
	[tilespmem:$0x1E400] =	vst v63  }
0x4a: {  	_ =	swait.ge [sflag:s14], $0x4000  }
0x4b: {  	[sflag:s14] =	ssyncset.done $0x0  }
0x4c: {  	[sflag:s14] =	ssyncadd.s32 $0xFFFFC000  }
0x4d: {  	[spmem:s10] =	stream.linear.scatter [tilespmem:s16], [sflag:$0x4], $0x4000, $0x38;
	[tilespmem:$0x1E400] =	vst v63  }
0x4e: {  	_ =	swait.ge [sflag:s14], $0x4000  }
0x4f: {  	[sflag:s14] =	ssyncset.done $0x0  }
0x50: {  	s3 =	simm.s32 @!p0 $0x2000;
	[sflag:s14] =	ssyncadd.s32 $0xFFFFC000  }
0x51: {  	[spmem:s11] =	stream.linear.scatter @!p0 [tilespmem:s3], [sflag:$0x4], $0x4000, $0x38;
	[tilespmem:$0x1E400] =	vst v63  }
0x52: {  	s3 =	simm.s32 @!p0 $0x4  }
0x53: {  	_ =	swait.ge @!p0 [sflag:s3], $0x4000  }
0x54: {  	[sflag:s3] =	ssyncset.done @!p0 $0x0  }
0x55: {  	[sflag:s3] =	ssyncadd.s32 @!p0 $0xFFFFC000  }
0x56: {  	[bflag:$0x0] =	sbarrier.arrive $0xFFFF  }
0x57: {  	[tilespmem:s16], [sflag:$0x1] =	stream.indirect.gather [hbm4b:s4+s17], $0x80, s2, s17, $0xb8;
	[tilespmem:$0x1E400] =	vst v63  }
0x58: {  	_ = 	snop  }
0x59: {  	[tilespmem:s18], [sflag:$0x2] =	stream.indirect.gather [hbm4b:s4+s17], $0x80, s17, s17, $0xb8;
	[tilespmem:$0x1E400] =	vst v63  }
0x5a: {  	s30 =	simm.s32 $0x100  }
0x5b: {  	[tilespmem:s20], [sflag:$0x3] =	stream.indirect.gather [hbm4b:s4+s17], $0x80, s30, s17, $0xb8;
	[tilespmem:$0x1E400] =	vst v63  }
0x5c: {  	_ =	swait.ge [sflag:s21], $0x4000  }
0x5d: {  	[sflag:s21] =	ssyncset.done $0x0  }
0x5e: {  	[sflag:s21] =	ssyncadd.s32 $0xFFFFC000  }
0x5f: {  	[spmem:s1] =	stream.indirect.scatter.add.f32 [tilespmem:s16], [sflag:$0x4], $0x80, s15, s17, $0xb8;
	[tilespmem:$0x1E400] =	vst v63  }
0x60: {  	_ =	swait.ge [sflag:s14], $0x4000  }
0x61: {  	[sflag:s14] =	ssyncset.done $0x0  }
0x62: {  	s29 =	simm.s32 $0x180;
	[sflag:s14] =	ssyncadd.s32 $0xFFFFC000  }
0x63: {  	[tilespmem:s16], [sflag:$0x1] =	stream.indirect.gather [hbm4b:s4+s17], $0x80, s29, s17, $0xb8;
	[tilespmem:$0x1E400] =	vst v63  }
0x64: {  	_ =	swait.ge [sflag:s23], $0x4000  }
0x65: {  	[sflag:s23] =	ssyncset.done $0x0  }
0x66: {  	s30 =	simm.s32 $0x1080;
	[sflag:s23] =	ssyncadd.s32 $0xFFFFC000  }
0x67: {  	[spmem:s1] =	stream.indirect.scatter.add.f32 [tilespmem:s18], [sflag:$0x4], $0x80, s30, s17, $0xb8;
	[tilespmem:$0x1E400] =	vst v63  }
0x68: {  	_ =	swait.ge [sflag:s14], $0x4000  }
0x69: {  	[sflag:s14] =	ssyncset.done $0x0  }
0x6a: {  	s29 =	simm.s32 $0x200;
	[sflag:s14] =	ssyncadd.s32 $0xFFFFC000  }
0x6b: {  	[tilespmem:s18], [sflag:$0x2] =	stream.indirect.gather [hbm4b:s4+s17], $0x80, s29, s17, $0xb8;
	[tilespmem:$0x1E400] =	vst v63  }
0x6c: {  	_ =	swait.ge [sflag:s26], $0x4000  }
0x6d: {  	[sflag:s26] =	ssyncset.done $0x0  }
0x6e: {  	s30 =	simm.s32 $0x1100;
	[sflag:s26] =	ssyncadd.s32 $0xFFFFC000  }
0x6f: {  	[spmem:s1] =	stream.indirect.scatter.add.f32 [tilespmem:s20], [sflag:$0x4], $0x80, s30, s17, $0xb8;
	[tilespmem:$0x1E400] =	vst v63  }
0x70: {  	_ =	swait.ge [sflag:s14], $0x4000  }
0x71: {  	[sflag:s14] =	ssyncset.done $0x0  }
0x72: {  	s29 =	simm.s32 $0x280;
	[sflag:s14] =	ssyncadd.s32 $0xFFFFC000  }
0x73: {  	[tilespmem:s20], [sflag:$0x3] =	stream.indirect.gather [hbm4b:s4+s17], $0x80, s29, s17, $0xb8;
	[tilespmem:$0x1E400] =	vst v63  }
0x74: {  	_ =	swait.ge [sflag:s21], $0x4000  }
0x75: {  	[sflag:s21] =	ssyncset.done $0x0  }
0x76: {  	s30 =	simm.s32 $0x1180;
	[sflag:s21] =	ssyncadd.s32 $0xFFFFC000  }
0x77: {  	[spmem:s1] =	stream.indirect.scatter.add.f32 [tilespmem:s16], [sflag:$0x4], $0x80, s30, s17, $0xb8;
	[tilespmem:$0x1E400] =	vst v63  }
0x78: {  	_ =	swait.ge [sflag:s14], $0x4000  }
0x79: {  	[sflag:s14] =	ssyncset.done $0x0  }
0x7a: {  	s29 =	simm.s32 $0x300;
	[sflag:s14] =	ssyncadd.s32 $0xFFFFC000  }
0x7b: {  	[tilespmem:s16], [sflag:$0x1] =	stream.indirect.gather [hbm4b:s4+s17], $0x80, s29, s17, $0xb8;
	[tilespmem:$0x1E400] =	vst v63  }
0x7c: {  	_ =	swait.ge [sflag:s23], $0x4000  }
0x7d: {  	[sflag:s23] =	ssyncset.done $0x0  }
0x7e: {  	s30 =	simm.s32 $0x1200;
	[sflag:s23] =	ssyncadd.s32 $0xFFFFC000  }
0x7f: {  	[spmem:s1] =	stream.indirect.scatter.add.f32 [tilespmem:s18], [sflag:$0x4], $0x80, s30, s17, $0xb8;
	[tilespmem:$0x1E400] =	vst v63  }
0x80: {  	_ =	swait.ge [sflag:s14], $0x4000  }
0x81: {  	[sflag:s14] =	ssyncset.done $0x0  }
0x82: {  	s29 =	simm.s32 $0x380;
	[sflag:s14] =	ssyncadd.s32 $0xFFFFC000  }
0x83: {  	[tilespmem:s18], [sflag:$0x2] =	stream.indirect.gather [hbm4b:s4+s17], $0x80, s29, s17, $0xb8;
	[tilespmem:$0x1E400] =	vst v63  }
0x84: {  	_ =	swait.ge [sflag:s26], $0x4000  }
0x85: {  	[sflag:s26] =	ssyncset.done $0x0  }
0x86: {  	s30 =	simm.s32 $0x1280;
	[sflag:s26] =	ssyncadd.s32 $0xFFFFC000  }
0x87: {  	[spmem:s1] =	stream.indirect.scatter.add.f32 [tilespmem:s20], [sflag:$0x4], $0x80, s30, s17, $0xb8;
	[tilespmem:$0x1E400] =	vst v63  }
0x88: {  	_ =	swait.ge [sflag:s14], $0x4000  }
0x89: {  	[sflag:s14] =	ssyncset.done $0x0  }
0x8a: {  	s29 =	simm.s32 $0x400;
	[sflag:s14] =	ssyncadd.s32 $0xFFFFC000  }
0x8b: {  	[tilespmem:s20], [sflag:$0x3] =	stream.indirect.gather [hbm4b:s4+s17], $0x80, s29, s17, $0xb8;
	[tilespmem:$0x1E400] =	vst v63  }
0x8c: {  	_ =	swait.ge [sflag:s21], $0x4000  }
0x8d: {  	[sflag:s21] =	ssyncset.done $0x0  }
0x8e: {  	s30 =	simm.s32 $0x1300;
	[sflag:s21] =	ssyncadd.s32 $0xFFFFC000  }
0x8f: {  	[spmem:s1] =	stream.indirect.scatter.add.f32 [tilespmem:s16], [sflag:$0x4], $0x80, s30, s17, $0xb8;
	[tilespmem:$0x1E400] =	vst v63  }
0x90: {  	_ =	swait.ge [sflag:s14], $0x4000  }
0x91: {  	[sflag:s14] =	ssyncset.done $0x0  }
0x92: {  	s29 =	simm.s32 $0x480;
	[sflag:s14] =	ssyncadd.s32 $0xFFFFC000  }
0x93: {  	[tilespmem:s16], [sflag:$0x1] =	stream.indirect.gather [hbm4b:s4+s17], $0x80, s29, s17, $0xb8;
	[tilespmem:$0x1E400] =	vst v63  }
0x94: {  	_ =	swait.ge [sflag:s23], $0x4000  }
0x95: {  	[sflag:s23] =	ssyncset.done $0x0  }
0x96: {  	s30 =	simm.s32 $0x1380;
	[sflag:s23] =	ssyncadd.s32 $0xFFFFC000  }
0x97: {  	[spmem:s1] =	stream.indirect.scatter.add.f32 [tilespmem:s18], [sflag:$0x4], $0x80, s30, s17, $0xb8;
	[tilespmem:$0x1E400] =	vst v63  }
0x98: {  	_ =	swait.ge [sflag:s14], $0x4000  }
0x99: {  	[sflag:s14] =	ssyncset.done $0x0  }
0x9a: {  	s29 =	simm.s32 $0x500;
	[sflag:s14] =	ssyncadd.s32 $0xFFFFC000  }
0x9b: {  	[tilespmem:s18], [sflag:$0x2] =	stream.indirect.gather [hbm4b:s4+s17], $0x80, s29, s17, $0xb8;
	[tilespmem:$0x1E400] =	vst v63  }
0x9c: {  	_ =	swait.ge [sflag:s26], $0x4000  }
0x9d: {  	[sflag:s26] =	ssyncset.done $0x0  }
0x9e: {  	s30 =	simm.s32 $0x1400;
	[sflag:s26] =	ssyncadd.s32 $0xFFFFC000  }
0x9f: {  	[spmem:s1] =	stream.indirect.scatter.add.f32 [tilespmem:s20], [sflag:$0x4], $0x80, s30, s17, $0xb8;
	[tilespmem:$0x1E400] =	vst v63  }
0xa0: {  	_ =	swait.ge [sflag:s14], $0x4000  }
0xa1: {  	[sflag:s14] =	ssyncset.done $0x0  }
0xa2: {  	s29 =	simm.s32 $0x580;
	[sflag:s14] =	ssyncadd.s32 $0xFFFFC000  }
0xa3: {  	[tilespmem:s20], [sflag:$0x3] =	stream.indirect.gather [hbm4b:s4+s17], $0x80, s29, s17, $0xb8;
	[tilespmem:$0x1E400] =	vst v63  }
0xa4: {  	_ =	swait.ge [sflag:s21], $0x4000  }
0xa5: {  	[sflag:s21] =	ssyncset.done $0x0  }
0xa6: {  	s30 =	simm.s32 $0x1480;
	[sflag:s21] =	ssyncadd.s32 $0xFFFFC000  }
0xa7: {  	[spmem:s1] =	stream.indirect.scatter.add.f32 [tilespmem:s16], [sflag:$0x4], $0x80, s30, s17, $0xb8;
	[tilespmem:$0x1E400] =	vst v63  }
0xa8: {  	_ =	swait.ge [sflag:s14], $0x4000  }
0xa9: {  	[sflag:s14] =	ssyncset.done $0x0  }
0xaa: {  	s29 =	simm.s32 $0x600;
	[sflag:s14] =	ssyncadd.s32 $0xFFFFC000  }
0xab: {  	[tilespmem:s16], [sflag:$0x1] =	stream.indirect.gather [hbm4b:s4+s17], $0x80, s29, s17, $0xb8;
	[tilespmem:$0x1E400] =	vst v63  }
0xac: {  	_ =	swait.ge [sflag:s23], $0x4000  }
0xad: {  	[sflag:s23] =	ssyncset.done $0x0  }
0xae: {  	s30 =	simm.s32 $0x1500;
	[sflag:s23] =	ssyncadd.s32 $0xFFFFC000  }
0xaf: {  	[spmem:s1] =	stream.indirect.scatter.add.f32 [tilespmem:s18], [sflag:$0x4], $0x80, s30, s17, $0xb8;
	[tilespmem:$0x1E400] =	vst v63  }
0xb0: {  	_ =	swait.ge [sflag:s14], $0x4000  }
0xb1: {  	[sflag:s14] =	ssyncset.done $0x0  }
0xb2: {  	s29 =	simm.s32 $0x680;
	[sflag:s14] =	ssyncadd.s32 $0xFFFFC000  }
0xb3: {  	[tilespmem:s18], [sflag:$0x2] =	stream.indirect.gather [hbm4b:s4+s17], $0x80, s29, s17, $0xb8;
	[tilespmem:$0x1E400] =	vst v63  }
0xb4: {  	_ =	swait.ge [sflag:s26], $0x4000  }
0xb5: {  	[sflag:s26] =	ssyncset.done $0x0  }
0xb6: {  	s30 =	simm.s32 $0x1580;
	[sflag:s26] =	ssyncadd.s32 $0xFFFFC000  }
0xb7: {  	[spmem:s1] =	stream.indirect.scatter.add.f32 [tilespmem:s20], [sflag:$0x4], $0x80, s30, s17, $0xb8;
	[tilespmem:$0x1E400] =	vst v63  }
0xb8: {  	_ =	swait.ge [sflag:s14], $0x4000  }
0xb9: {  	[sflag:s14] =	ssyncset.done $0x0  }
0xba: {  	s29 =	simm.s32 $0x700;
	[sflag:s14] =	ssyncadd.s32 $0xFFFFC000  }
0xbb: {  	[tilespmem:s20], [sflag:$0x3] =	stream.indirect.gather [hbm4b:s4+s17], $0x80, s29, s17, $0xb8;
	[tilespmem:$0x1E400] =	vst v63  }
0xbc: {  	_ =	swait.ge [sflag:s21], $0x4000  }
0xbd: {  	[sflag:s21] =	ssyncset.done $0x0  }
0xbe: {  	s30 =	simm.s32 $0x1600;
	[sflag:s21] =	ssyncadd.s32 $0xFFFFC000  }
0xbf: {  	[spmem:s1] =	stream.indirect.scatter.add.f32 [tilespmem:s16], [sflag:$0x4], $0x80, s30, s17, $0xb8;
	[tilespmem:$0x1E400] =	vst v63  }
0xc0: {  	_ =	swait.ge [sflag:s14], $0x4000  }
0xc1: {  	[sflag:s14] =	ssyncset.done $0x0  }
0xc2: {  	s29 =	simm.s32 $0x780;
	[sflag:s14] =	ssyncadd.s32 $0xFFFFC000  }
0xc3: {  	[tilespmem:s16], [sflag:$0x1] =	stream.indirect.gather [hbm4b:s4+s17], $0x80, s29, s17, $0xb8;
	[tilespmem:$0x1E400] =	vst v63  }
0xc4: {  	_ =	swait.ge [sflag:s23], $0x4000  }
0xc5: {  	[sflag:s23] =	ssyncset.done $0x0  }
0xc6: {  	s30 =	simm.s32 $0x1680;
	[sflag:s23] =	ssyncadd.s32 $0xFFFFC000  }
0xc7: {  	[spmem:s1] =	stream.indirect.scatter.add.f32 [tilespmem:s18], [sflag:$0x4], $0x80, s30, s17, $0xb8;
	[tilespmem:$0x1E400] =	vst v63  }
0xc8: {  	_ =	swait.ge [sflag:s14], $0x4000  }
0xc9: {  	[sflag:s14] =	ssyncset.done $0x0  }
0xca: {  	s29 =	simm.s32 $0x800;
	[sflag:s14] =	ssyncadd.s32 $0xFFFFC000  }
0xcb: {  	[tilespmem:s18], [sflag:$0x2] =	stream.indirect.gather [hbm4b:s4+s17], $0x80, s29, s17, $0xb8;
	[tilespmem:$0x1E400] =	vst v63  }
0xcc: {  	_ =	swait.ge [sflag:s26], $0x4000  }
0xcd: {  	[sflag:s26] =	ssyncset.done $0x0  }
0xce: {  	s30 =	simm.s32 $0x1700;
	[sflag:s26] =	ssyncadd.s32 $0xFFFFC000  }
0xcf: {  	[spmem:s1] =	stream.indirect.scatter.add.f32 [tilespmem:s20], [sflag:$0x4], $0x80, s30, s17, $0xb8;
	[tilespmem:$0x1E400] =	vst v63  }
0xd0: {  	_ =	swait.ge [sflag:s14], $0x4000  }
0xd1: {  	[sflag:s14] =	ssyncset.done $0x0  }
0xd2: {  	s29 =	simm.s32 $0x880;
	[sflag:s14] =	ssyncadd.s32 $0xFFFFC000  }
0xd3: {  	[tilespmem:s20], [sflag:$0x3] =	stream.indirect.gather [hbm4b:s4+s17], $0x80, s29, s17, $0xb8;
	[tilespmem:$0x1E400] =	vst v63  }
0xd4: {  	_ =	swait.ge [sflag:s21], $0x4000  }
0xd5: {  	[sflag:s21] =	ssyncset.done $0x0  }
0xd6: {  	s30 =	simm.s32 $0x1780;
	[sflag:s21] =	ssyncadd.s32 $0xFFFFC000  }
0xd7: {  	[spmem:s1] =	stream.indirect.scatter.add.f32 [tilespmem:s16], [sflag:$0x4], $0x80, s30, s17, $0xb8;
	[tilespmem:$0x1E400] =	vst v63  }
0xd8: {  	_ =	swait.ge [sflag:s14], $0x4000  }
0xd9: {  	[sflag:s14] =	ssyncset.done $0x0  }
0xda: {  	s29 =	simm.s32 $0x900;
	[sflag:s14] =	ssyncadd.s32 $0xFFFFC000  }
0xdb: {  	[tilespmem:s16], [sflag:$0x1] =	stream.indirect.gather [hbm4b:s4+s17], $0x80, s29, s17, $0xb8;
	[tilespmem:$0x1E400] =	vst v63  }
0xdc: {  	_ =	swait.ge [sflag:s23], $0x4000  }
0xdd: {  	[sflag:s23] =	ssyncset.done $0x0  }
0xde: {  	s30 =	simm.s32 $0x1800;
	[sflag:s23] =	ssyncadd.s32 $0xFFFFC000  }
0xdf: {  	[spmem:s1] =	stream.indirect.scatter.add.f32 [tilespmem:s18], [sflag:$0x4], $0x80, s30, s17, $0xb8;
	[tilespmem:$0x1E400] =	vst v63  }
0xe0: {  	_ =	swait.ge [sflag:s14], $0x4000  }
0xe1: {  	[sflag:s14] =	ssyncset.done $0x0  }
0xe2: {  	s29 =	simm.s32 $0x980;
	[sflag:s14] =	ssyncadd.s32 $0xFFFFC000  }
0xe3: {  	[tilespmem:s18], [sflag:$0x2] =	stream.indirect.gather [hbm4b:s4+s17], $0x80, s29, s17, $0xb8;
	[tilespmem:$0x1E400] =	vst v63  }
0xe4: {  	_ =	swait.ge [sflag:s26], $0x4000  }
0xe5: {  	[sflag:s26] =	ssyncset.done $0x0  }
0xe6: {  	s30 =	simm.s32 $0x1880;
	[sflag:s26] =	ssyncadd.s32 $0xFFFFC000  }
0xe7: {  	[spmem:s1] =	stream.indirect.scatter.add.f32 [tilespmem:s20], [sflag:$0x4], $0x80, s30, s17, $0xb8;
	[tilespmem:$0x1E400] =	vst v63  }
0xe8: {  	_ =	swait.ge [sflag:s14], $0x4000  }
0xe9: {  	[sflag:s14] =	ssyncset.done $0x0  }
0xea: {  	s29 =	simm.s32 $0xA00;
	[sflag:s14] =	ssyncadd.s32 $0xFFFFC000  }
0xeb: {  	[tilespmem:s20], [sflag:$0x3] =	stream.indirect.gather [hbm4b:s4+s17], $0x80, s29, s17, $0xb8;
	[tilespmem:$0x1E400] =	vst v63  }
0xec: {  	_ =	swait.ge [sflag:s21], $0x4000  }
0xed: {  	[sflag:s21] =	ssyncset.done $0x0  }
0xee: {  	s30 =	simm.s32 $0x1900;
	[sflag:s21] =	ssyncadd.s32 $0xFFFFC000  }
0xef: {  	[spmem:s1] =	stream.indirect.scatter.add.f32 [tilespmem:s16], [sflag:$0x4], $0x80, s30, s17, $0xb8;
	[tilespmem:$0x1E400] =	vst v63  }
0xf0: {  	_ =	swait.ge [sflag:s14], $0x4000  }
0xf1: {  	[sflag:s14] =	ssyncset.done $0x0  }
0xf2: {  	s29 =	simm.s32 $0xA80;
	[sflag:s14] =	ssyncadd.s32 $0xFFFFC000  }
0xf3: {  	[tilespmem:s16], [sflag:$0x1] =	stream.indirect.gather [hbm4b:s4+s17], $0x80, s29, s17, $0xb8;
	[tilespmem:$0x1E400] =	vst v63  }
0xf4: {  	_ =	swait.ge [sflag:s23], $0x4000  }
0xf5: {  	[sflag:s23] =	ssyncset.done $0x0  }
0xf6: {  	s30 =	simm.s32 $0x1980;
	[sflag:s23] =	ssyncadd.s32 $0xFFFFC000  }
0xf7: {  	[spmem:s1] =	stream.indirect.scatter.add.f32 [tilespmem:s18], [sflag:$0x4], $0x80, s30, s17, $0xb8;
	[tilespmem:$0x1E400] =	vst v63  }
0xf8: {  	_ =	swait.ge [sflag:s14], $0x4000  }
0xf9: {  	[sflag:s14] =	ssyncset.done $0x0  }
0xfa: {  	s29 =	simm.s32 $0xB00;
	[sflag:s14] =	ssyncadd.s32 $0xFFFFC000  }
0xfb: {  	[tilespmem:s18], [sflag:$0x2] =	stream.indirect.gather [hbm4b:s4+s17], $0x80, s29, s17, $0xb8;
	[tilespmem:$0x1E400] =	vst v63  }
0xfc: {  	_ =	swait.ge [sflag:s26], $0x4000  }
0xfd: {  	[sflag:s26] =	ssyncset.done $0x0  }
0xfe: {  	s30 =	simm.s32 $0x1A00;
	[sflag:s26] =	ssyncadd.s32 $0xFFFFC000  }
0xff: {  	[spmem:s1] =	stream.indirect.scatter.add.f32 [tilespmem:s20], [sflag:$0x4], $0x80, s30, s17, $0xb8;
	[tilespmem:$0x1E400] =	vst v63  }
0x100: {  	_ =	swait.ge [sflag:s14], $0x4000  }
0x101: {  	[sflag:s14] =	ssyncset.done $0x0  }
0x102: {  	s29 =	simm.s32 $0xB80;
	[sflag:s14] =	ssyncadd.s32 $0xFFFFC000  }
0x103: {  	[tilespmem:s20], [sflag:$0x3] =	stream.indirect.gather [hbm4b:s4+s17], $0x80, s29, s17, $0xb8;
	[tilespmem:$0x1E400] =	vst v63  }
0x104: {  	_ =	swait.ge [sflag:s21], $0x4000  }
0x105: {  	[sflag:s21] =	ssyncset.done $0x0  }
0x106: {  	s30 =	simm.s32 $0x1A80;
	[sflag:s21] =	ssyncadd.s32 $0xFFFFC000  }
0x107: {  	[spmem:s1] =	stream.indirect.scatter.add.f32 [tilespmem:s16], [sflag:$0x4], $0x80, s30, s17, $0xb8;
	[tilespmem:$0x1E400] =	vst v63  }
0x108: {  	_ =	swait.ge [sflag:s14], $0x4000  }
0x109: {  	[sflag:s14] =	ssyncset.done $0x0  }
0x10a: {  	s29 =	simm.s32 $0xC00;
	[sflag:s14] =	ssyncadd.s32 $0xFFFFC000  }
0x10b: {  	[tilespmem:s16], [sflag:$0x1] =	stream.indirect.gather [hbm4b:s4+s17], $0x80, s29, s17, $0xb8;
	[tilespmem:$0x1E400] =	vst v63  }
0x10c: {  	_ =	swait.ge [sflag:s23], $0x4000  }
0x10d: {  	[sflag:s23] =	ssyncset.done $0x0  }
0x10e: {  	s30 =	simm.s32 $0x1B00;
	[sflag:s23] =	ssyncadd.s32 $0xFFFFC000  }
0x10f: {  	[spmem:s1] =	stream.indirect.scatter.add.f32 [tilespmem:s18], [sflag:$0x4], $0x80, s30, s17, $0xb8;
	[tilespmem:$0x1E400] =	vst v63  }
0x110: {  	_ =	swait.ge [sflag:s14], $0x4000  }
0x111: {  	[sflag:s14] =	ssyncset.done $0x0  }
0x112: {  	s29 =	simm.s32 $0xC80;
	[sflag:s14] =	ssyncadd.s32 $0xFFFFC000  }
0x113: {  	[tilespmem:s18], [sflag:$0x2] =	stream.indirect.gather [hbm4b:s4+s17], $0x80, s29, s17, $0xb8;
	[tilespmem:$0x1E400] =	vst v63  }
0x114: {  	_ =	swait.ge [sflag:s26], $0x4000  }
0x115: {  	[sflag:s26] =	ssyncset.done $0x0  }
0x116: {  	s30 =	simm.s32 $0x1B80;
	[sflag:s26] =	ssyncadd.s32 $0xFFFFC000  }
0x117: {  	[spmem:s1] =	stream.indirect.scatter.add.f32 [tilespmem:s20], [sflag:$0x4], $0x80, s30, s17, $0xb8;
	[tilespmem:$0x1E400] =	vst v63  }
0x118: {  	_ =	swait.ge [sflag:s14], $0x4000  }
0x119: {  	[sflag:s14] =	ssyncset.done $0x0  }
0x11a: {  	s29 =	simm.s32 $0xD00;
	[sflag:s14] =	ssyncadd.s32 $0xFFFFC000  }
0x11b: {  	[tilespmem:s20], [sflag:$0x3] =	stream.indirect.gather [hbm4b:s4+s17], $0x80, s29, s17, $0xb8;
	[tilespmem:$0x1E400] =	vst v63  }
0x11c: {  	_ =	swait.ge [sflag:s21], $0x4000  }
0x11d: {  	[sflag:s21] =	ssyncset.done $0x0  }
0x11e: {  	s30 =	simm.s32 $0x1C00;
	[sflag:s21] =	ssyncadd.s32 $0xFFFFC000  }
0x11f: {  	[spmem:s1] =	stream.indirect.scatter.add.f32 [tilespmem:s16], [sflag:$0x4], $0x80, s30, s17, $0xb8;
	[tilespmem:$0x1E400] =	vst v63  }
0x120: {  	_ =	swait.ge [sflag:s14], $0x4000  }
0x121: {  	[sflag:s14] =	ssyncset.done $0x0  }
0x122: {  	s29 =	simm.s32 $0xD80;
	[sflag:s14] =	ssyncadd.s32 $0xFFFFC000  }
0x123: {  	[tilespmem:s16], [sflag:$0x1] =	stream.indirect.gather [hbm4b:s4+s17], $0x80, s29, s17, $0xb8;
	[tilespmem:$0x1E400] =	vst v63  }
0x124: {  	_ =	swait.ge [sflag:s23], $0x4000  }
0x125: {  	[sflag:s23] =	ssyncset.done $0x0  }
0x126: {  	s30 =	simm.s32 $0x1C80;
	[sflag:s23] =	ssyncadd.s32 $0xFFFFC000  }
0x127: {  	[spmem:s1] =	stream.indirect.scatter.add.f32 [tilespmem:s18], [sflag:$0x4], $0x80, s30, s17, $0xb8;
	[tilespmem:$0x1E400] =	vst v63  }
0x128: {  	_ =	swait.ge [sflag:s14], $0x4000  }
0x129: {  	[sflag:s14] =	ssyncset.done $0x0  }
0x12a: {  	s29 =	simm.s32 $0xE00;
	[sflag:s14] =	ssyncadd.s32 $0xFFFFC000  }
0x12b: {  	[tilespmem:s18], [sflag:$0x2] =	stream.indirect.gather [hbm4b:s4+s17], $0x80, s29, s17, $0xb8;
	[tilespmem:$0x1E400] =	vst v63  }
0x12c: {  	_ =	swait.ge [sflag:s26], $0x4000  }
0x12d: {  	[sflag:s26] =	ssyncset.done $0x0  }
0x12e: {  	s30 =	simm.s32 $0x1D00;
	[sflag:s26] =	ssyncadd.s32 $0xFFFFC000  }
0x12f: {  	[spmem:s1] =	stream.indirect.scatter.add.f32 [tilespmem:s20], [sflag:$0x4], $0x80, s30, s17, $0xb8;
	[tilespmem:$0x1E400] =	vst v63  }
0x130: {  	_ =	swait.ge [sflag:s14], $0x4000  }
0x131: {  	[sflag:s14] =	ssyncset.done $0x0  }
0x132: {  	s29 =	simm.s32 $0xE80;
	[sflag:s14] =	ssyncadd.s32 $0xFFFFC000  }
0x133: {  	[tilespmem:s20], [sflag:$0x3] =	stream.indirect.gather [hbm4b:s4+s17], $0x80, s29, s17, $0xb8;
	[tilespmem:$0x1E400] =	vst v63  }
0x134: {  	_ =	swait.ge [sflag:s21], $0x4000  }
0x135: {  	[sflag:s21] =	ssyncset.done $0x0  }
0x136: {  	s30 =	simm.s32 $0x1D80;
	[sflag:s21] =	ssyncadd.s32 $0xFFFFC000  }
0x137: {  	[spmem:s1] =	stream.indirect.scatter.add.f32 [tilespmem:s16], [sflag:$0x4], $0x80, s30, s17, $0xb8;
	[tilespmem:$0x1E400] =	vst v63  }
0x138: {  	_ =	swait.ge [sflag:s14], $0x4000  }
0x139: {  	[sflag:s14] =	ssyncset.done $0x0  }
0x13a: {  	[sflag:s14] =	ssyncadd.s32 $0xFFFFC000  }
0x13b: {  	[tilespmem:s16], [sflag:$0x1] =	stream.indirect.gather [hbm4b:s4+s17], $0x80, s31, s17, $0xb8;
	[tilespmem:$0x1E400] =	vst v63  }
0x13c: {  	_ =	swait.ge [sflag:s23], $0x4000  }
0x13d: {  	[sflag:s23] =	ssyncset.done $0x0  }
0x13e: {  	[sflag:s23] =	ssyncadd.s32 $0xFFFFC000  }
0x13f: {  	[spmem:s1] =	stream.indirect.scatter.add.f32 [tilespmem:s18], [sflag:$0x4], $0x80, s0, s17, $0xb8;
	[tilespmem:$0x1E400] =	vst v63  }
0x140: {  	_ =	swait.ge [sflag:s14], $0x4000  }
0x141: {  	[sflag:s14] =	ssyncset.done $0x0  }
0x142: {  	[sflag:s14] =	ssyncadd.s32 $0xFFFFC000  }
0x143: {  	[tilespmem:s18], [sflag:$0x2] =	stream.indirect.gather [hbm4b:s4+s17], $0x80, s19, s17, $0xb8;
	[tilespmem:$0x1E400] =	vst v63  }
0x144: {  	_ =	swait.ge [sflag:s26], $0x4000  }
0x145: {  	[sflag:s26] =	ssyncset.done $0x0  }
0x146: {  	[sflag:s26] =	ssyncadd.s32 $0xFFFFC000  }
0x147: {  	[spmem:s1] =	stream.indirect.scatter.add.f32 [tilespmem:s20], [sflag:$0x4], $0x80, s22, s17, $0xb8;
	[tilespmem:$0x1E400] =	vst v63  }
0x148: {  	_ =	swait.ge [sflag:s14], $0x4000  }
0x149: {  	[sflag:s14] =	ssyncset.done $0x0  }
0x14a: {  	[sflag:s14] =	ssyncadd.s32 $0xFFFFC000  }
0x14b: {  	_ =	swait.ge [sflag:s21], $0x4000  }
0x14c: {  	[sflag:s21] =	ssyncset.done $0x0  }
0x14d: {  	[sflag:s21] =	ssyncadd.s32 $0xFFFFC000  }
0x14e: {  	[spmem:s1] =	stream.indirect.scatter.add.f32 [tilespmem:s16], [sflag:$0x4], $0x80, s24, s17, $0xb8;
	[tilespmem:$0x1E400] =	vst v63  }
0x14f: {  	_ =	swait.ge [sflag:s14], $0x4000  }
0x150: {  	[sflag:s14] =	ssyncset.done $0x0  }
0x151: {  	[sflag:s14] =	ssyncadd.s32 $0xFFFFC000  }
0x152: {  	_ =	swait.ge [sflag:s23], $0x4000  }
0x153: {  	[sflag:s23] =	ssyncset.done $0x0  }
0x154: {  	[sflag:s23] =	ssyncadd.s32 $0xFFFFC000  }
0x155: {  	[spmem:s1] =	stream.indirect.scatter.add.f32 [tilespmem:s18], [sflag:$0x4], $0x80, s25, s17, $0xb8;
	[tilespmem:$0x1E400] =	vst v63  }
0x156: {  	s29 =	stileid.u32;
	_ =	swait.ge [sflag:s14], $0x4000  }
0x157: {  	s28 =	sadd.s32 $0x1, s28;
	s3 =	sshll.u32 s29, $0x6;
	[sflag:s14] =	ssyncset.done $0x0  }
0x158: {  	p1 =	sne.s32 s28, s13;
	s3 =	sor.u32 $0x1C04, s3;
	[sflag:s14] =	ssyncadd.s32 $0xFFFFC000  }
.Ltmp2:
0x159: {  	s30 =	sshrl.u32 s7, $0x3;
	[bflag:$0x0] =	sbarrier.arrive $0xFFFF;
	(pc) =	sbr.rel @p1 .LBB2_1-.Ltmp2, $4  }
0x15a: {  	[hbm:s12], [sflag:s3] =	dma.local [spmem:s30], $0x2000  }
0x15b: {  	_ =	swait.ge [sflag:s14], $0x2000  }
0x15c: {  	[sflag:s14] =	ssyncset.done $0x0  }
0x15d: {  	[sflag:s14] =	ssyncadd.s32 $0xFFFFE000  }
0x15e: {  	_ =	sfence.sel $0x180000  }
0x15f: {  	[bflag:$0x0] =	sbarrier.arrive $0xFFFF  }
0x160: {  	_ =	strace $0x9000004A  }
0x161: {  	[bflag:$0x2] =	sbarrier.arrive $0xFFFF  }
0x162: {  	s0 =	rddreg [dreg:$0x3]  }
0x163: {  	s0 =	sadd.s32 @!p0 $0x100000, s0  }
0x164: {  	[sflag:s0] =	ssyncadd.tile.s32 @!p0 $0x1;
	_ =	shalt  }
.Lfunc_end2:
_tile_overlayer_lowered:
.L_overlay_start_2:
0x165: {  	(tag) =	ssettag $0x2  }
0x166: {  	s0 =	rddreg [dreg:$0x0];
	s2 =	stileid.u32  }
0x167: {  	s1 =	rddreg [dreg:$0x1];
	p0 =	sne.s32 s2, $0x0  }
0x168: {  	s3 =	rddreg [dreg:$0x2];
	[bflag:$0x3] =	sbarrier.arrive $0xFFFF;
	s2 =	simm.s32 @!p0 $0x1C04  }
0x169: {  	[timem:s3], [sflag:s2] =	dma.local @!p0 [hbm:s0], s1  }
0x16a: {  	s0 =	simm.s32 @!p0 $0x4  }
0x16b: {  	_ =	swait.ge @!p0 [sflag:s0], s1  }
0x16c: {  	s1 =	ssub.s32 @!p0 $0x0, s1;
	[sflag:s0] =	ssyncset.done @!p0 $0x0  }
0x16d: {  	[sflag:s0] =	ssyncadd.s32 @!p0 s1  }
0x16e: {  	[bflag:$0x3] =	sbarrier.arrive $0xFFFF  }
0x16f: {  	_ =	shalt  }

// kernel: kernel.15.cloned.1.call-start
scs
__scs_entry_jumppad:
0x0: {  	(pc) =	sbr.rel $0x88, $3  }
0x1: {  	(tag) =	ssettag $0x0;
	lr =	simm.s32 $0x1  }
0x2: {  	[smem:$0x3F90] =	sst lr;
	_ =	strace $0xD0000000  }
0x3: {  	_ = 	snop  }
0x4: {  	_ = 	snop  }
0x5: {  	_ = 	snop  }
0x6: {  	_ = 	snop  }
0x7: {  	_ = 	snop  }
__scs_overlays_trampoline_lowered:
0x8: {  	[smem:$0x3F9F] =	sst s0  }
0x9: {  	[smem:$0x3FA0] =	sst s1  }
0xa: {  	[smem:$0x3FA1] =	sst s2  }
0xb: {  	[smem:$0x3FA2] =	sst s3  }
0xc: {  	[smem:$0x3FA3] =	sst s4  }
0xd: {  	[smem:$0x3FA4] =	sst s5  }
0xe: {  	[smem:$0x3FA5] =	sst s6  }
0xf: {  	[smem:$0x3FA6] =	sst s7  }
0x10: {  	[smem:$0x3FA7] =	sst s8  }
0x11: {  	[smem:$0x3FA8] =	sst s9;
	s0 =	simm.s32 @!p0 $0x0  }
0x12: {  	s1 =	sld [smem:$0x3F8E];
	s0 =	simm.s32 @p0 $0x1  }
0x13: {  	[smem:$0x3FA9] =	sst s0;
	s0 =	simm.s32 @!p1 $0x0  }
0x14: {  	s2 =	sld [smem:$0x3F8D];
	s0 =	simm.s32 @p1 $0x1  }
0x15: {  	[smem:$0x3FAA] =	sst s0;
	s0 =	simm.s32 @!p2 $0x0  }
0x16: {  	s3 =	sld [smem:$0x3FDB];
	s0 =	simm.s32 @p2 $0x1  }
0x17: {  	s4 =	simm.s32 $0x1BF5;
	[smem:$0x3FAC] =	sst s0  }
0x18: {  	s0 =	sld [smem:$0x3F8F];
	_ =	swait.ge [sflag:s4], $0x0  }
0x19: {  	s7 =	sld [smem:$0x3F90]  }
0x1a: {  	s8 =	sadd.s32 $0xFFFFE003, lr  }
0x1b: {  	s9 =	sadd.s32 $0xFFFFFEF7, lr;
	s5 =	simm.s32 $0xFFFFFFFF;
	p2 =	slt.u32 s8, $0xFFFFF086  }
0x1c: {  	p1 =	slt.u32 s9, $0xF7A;
	s5 =	simm.s32 @!p2 $0x0  }
0x1d: {  	s5 =	simm.s32 @p1 $0x1;
	p0 =	seq.s32 s7, s2  }
0x1e: {  	s7 =	smul.u32 @!p0 $0xF7A, s2;
	p2 =	seq.s32 @!p0 s5, $0x0  }
0x1f: {  	s9 =	smul.u32 $0xF7A, s1;
	s8 =	simm.s32 @!p0 $0x1BF5;
	p2 =	por !p2, p0  }
0x20: {  	[sflag:s8] =	ssyncset.s32 @!p0 $0xFFFFF086;
	s6 =	sadd.s32 @!p0 s3, s7;
	s7 =	simm.s32 @!p0 $0x108  }
0x21: {  	s3 =	sadd.s32 s3, s9;
	s6 =	sadd.s32 @!p0 $0x88, s6;
	s7 =	simm.s32 @p2 $0x1082  }
0x22: {  	[simem:s7], [sflag:s8] =	dma.local @!p0 [hbm:s6], $0xF7A  }
0x23: {  	s9 =	sor.u32 $0xD0000000, s2;
	s6 =	simm.s32 $0x108;
	_ =	swait.ge @!p0 [sflag:s8], $0x0  }
0x24: {  	s3 =	sadd.s32 $0x88, s3;
	s6 =	simm.s32 @!p1 $0x1082;
	[sflag:s4] =	ssyncset.s32 $0xFFFFF086  }
0x25: {  	[simem:s6], [sflag:s4] =	dma.local [hbm:s3], $0xF7A  }
0x26: {  	[smem:$0x3F90] =	sst s1;
	(tag) =	ssettag s2;
	_ =	strace s9  }
0x27: {  	s1 =	sld [smem:$0x3FA0]  }
0x28: {  	s2 =	sld [smem:$0x3FA1]  }
0x29: {  	s4 =	sld [smem:$0x3FA3]  }
0x2a: {  	p0 =	seq.s32 s5, $0x0;
	s5 =	sld [smem:$0x3FA4]  }
0x2b: {  	s6 =	sld [smem:$0x3FA5]  }
0x2c: {  	s7 =	sld [smem:$0x3FA6]  }
0x2d: {  	s3 =	simm.s32 $0x108;
	s8 =	sld [smem:$0x3FA7]  }
0x2e: {  	s3 =	simm.s32 @!p0 $0x1082;
	s9 =	sld [smem:$0x3FA8]  }
0x2f: {  	lr =	sadd.s32 s0, s3;
	s0 =	sld [smem:$0x3F9F]  }
0x30: {  	s3 =	sld [smem:$0x3FA2]  }
0x31: {  	[smem:$0x3FAB] =	sst s10  }
0x32: {  	s10 =	sld [smem:$0x3FA9];
	_ =	sdelay $0x3  }
0x33: {  	p0 =	seq.s32 s10, $0x1;
	s10 =	sld [smem:$0x3FAB];
	_ =	sdelay $0x3  }
0x34: {  	[smem:$0x3FAB] =	sst s10  }
0x35: {  	s10 =	sld [smem:$0x3FAA];
	_ =	sdelay $0x3  }
0x36: {  	p1 =	seq.s32 s10, $0x1;
	s10 =	sld [smem:$0x3FAB];
	_ =	sdelay $0x3  }
0x37: {  	[smem:$0x3FAB] =	sst s10  }
0x38: {  	s10 =	sld [smem:$0x3FAC]  }
0x39: {  	_ = 	snop;
	(pc) =	sbr.ind lr, $3  }
0x3a: {  	_ = 	snop  }
0x3b: {  	_ = 	snop  }
0x3c: {  	p2 =	seq.s32 s10, $0x1;
	s10 =	sld [smem:$0x3FAB]  }
0x3d: {  	_ =	shalt  }
0x3e: {  	_ =	shalt  }
0x3f: {  	_ =	shalt  }
0x40: {  	_ =	shalt  }
0x41: {  	_ =	shalt  }
0x42: {  	_ =	shalt  }
0x43: {  	_ =	shalt  }
0x44: {  	_ =	shalt  }
0x45: {  	_ =	shalt  }
0x46: {  	_ =	shalt  }
0x47: {  	_ =	shalt  }
0x48: {  	_ =	shalt  }
0x49: {  	_ =	shalt  }
0x4a: {  	_ =	shalt  }
0x4b: {  	_ =	shalt  }
0x4c: {  	_ =	shalt  }
0x4d: {  	_ =	shalt  }
0x4e: {  	_ =	shalt  }
0x4f: {  	_ =	shalt  }
0x50: {  	_ =	shalt  }
0x51: {  	_ =	shalt  }
0x52: {  	_ =	shalt  }
0x53: {  	_ =	shalt  }
0x54: {  	_ =	shalt  }
0x55: {  	_ =	shalt  }
0x56: {  	_ =	shalt  }
0x57: {  	_ =	shalt  }
0x58: {  	_ =	shalt  }
0x59: {  	_ =	shalt  }
0x5a: {  	_ =	shalt  }
0x5b: {  	_ =	shalt  }
0x5c: {  	_ =	shalt  }
0x5d: {  	_ =	shalt  }
0x5e: {  	_ =	shalt  }
0x5f: {  	_ =	shalt  }
0x60: {  	_ =	shalt  }
0x61: {  	_ =	shalt  }
0x62: {  	_ =	shalt  }
0x63: {  	_ =	shalt  }
0x64: {  	_ =	shalt  }
0x65: {  	_ =	shalt  }
0x66: {  	_ =	shalt  }
0x67: {  	_ =	shalt  }
0x68: {  	_ =	shalt  }
0x69: {  	_ =	shalt  }
0x6a: {  	_ =	shalt  }
0x6b: {  	_ =	shalt  }
0x6c: {  	_ =	shalt  }
0x6d: {  	_ =	shalt  }
0x6e: {  	_ =	shalt  }
0x6f: {  	_ =	shalt  }
0x70: {  	_ =	shalt  }
0x71: {  	_ =	shalt  }
0x72: {  	_ =	shalt  }
0x73: {  	_ =	shalt  }
0x74: {  	_ =	shalt  }
0x75: {  	_ =	shalt  }
0x76: {  	_ =	shalt  }
0x77: {  	_ =	shalt  }
0x78: {  	_ =	shalt  }
0x79: {  	_ =	shalt  }
0x7a: {  	_ =	shalt  }
0x7b: {  	_ =	shalt  }
0x7c: {  	_ =	shalt  }
0x7d: {  	_ =	shalt  }
0x7e: {  	_ =	shalt  }
0x7f: {  	_ =	shalt  }
0x80: {  	_ =	shalt  }
0x81: {  	_ =	shalt  }
0x82: {  	_ =	shalt  }
0x83: {  	_ =	shalt  }
0x84: {  	_ =	shalt  }
0x85: {  	_ =	shalt  }
0x86: {  	_ =	shalt  }
0x87: {  	_ =	shalt  }
.Lfunc_end0:
.L_simem_size_0:
called_computation.2_lowered:
.L_overlay_start_0:
0x88: {  	s2 =	sld [smem:$0x3FD9]  }
0x89: {  	s3 =	sld [smem:$0x3FFE];
	_ =	sdelay $0x1  }
0x8a: {  	s1 =	srdreg.scid  }
0x8b: {  	s0 =	sand.u32 $0x1, s1  }
0x8c: {  	s17 =	sshll.u32 s0, $0xA;
	s2 =	sadd.s32 s3, s2  }
0x8d: {  	s2 =	sadd.s32 s2, s17  }
0x8e: {  	[smem:$0x3FB7] =	sst s2  }
0x8f: {  	_ = 	snop  }
0x90: {  	s2 =	sld [smem:$0x3FD0];
	(tm) =	ssettm $0x1  }
0x91: {  	s18 =	sld [smem:$0x3FFB];
	_ =	sdelay $0x3  }
0x92: {  	_ =	strace s18  }
0x93: {  	s3 =	sld [smem:$0x3FFC];
	_ =	sdelay $0x3  }
0x94: {  	_ =	strace s3  }
0x95: {  	s3 =	sld [smem:$0x3FFD];
	_ =	sdelay $0x3  }
0x96: {  	_ =	strace s3  }
0x97: {  	_ =	strace $0x8FFFFFFF  }
0x98: {  	s19 =	sld [smem:$0x3FDB];
	_ =	sdelay $0x1  }
0x99: {  	s4 =	simm.s32 $_scs_section_size  }
0x9a: {  	s5 =	simm.s32 $_size__tile_overlayer_lowered;
	s6 =	simm.s32 $_tile_overlayer_lowered  }
0x9b: {  	s22 =	simm.s32 $0x1BFF;
	s21 =	sshll.u32 s6, $0x1;
	s3 =	sadd.s32 s4, s19  }
0x9c: {  	s7 =	simm.s32 $0x0;
	s20 =	sshll.u32 s5, $0x1;
	s5 =	sadd.s32 s21, s3  }
0x9d: {  	[timem:s7], [sflag:s22] =	dma.local [hbm:s5], s20  }
0x9e: {  	_ =	swait.ge [sflag:s22], s20  }
0x9f: {  	s4 =	ssub.s32 $0x0, s20;
	[sflag:s22] =	ssyncset.done $0x0  }
0xa0: {  	[sflag:s22] =	ssyncadd.s32 s4;
	_ =	sdelay $0x1  }
0xa1: {  	s23 =	simm.s32 $0x1B8B  }
0xa2: {  	_ =	swait.ge [sflag:s23], $0x1  }
0xa3: {  	[sflag:s23] =	ssyncset.done $0x0  }
0xa4: {  	s25 =	simm.s32 $0x1B8E;
	s24 =	sld [smem:$0x3FFE];
	[sflag:s23] =	ssyncadd.s32 $0xFFFFFFFF  }
0xa5: {  	s26 =	simm.s32 $execute0_lowered;
	[smem:$0x3FD2] =	sst s25  }
0xa6: {  	s5 =	sshll.u32 s26, $0x1;
	_ =	strace $0x8000004C;
	[dreg:$0x1] =	wrdreg $0xFFFFFFFF  }
0xa7: {  	s28 =	simm.s32 $_size_execute0_lowered;
	s3 =	sadd.s32 s3, s5;
	[dreg:$0x0] =	wrdreg $0x0  }
0xa8: {  	s5 =	sshll.u32 s28, $0x1;
	[dreg:$0x2] =	wrdreg s3  }
0xa9: {  	[dreg:$0x3] =	wrdreg s5  }
0xaa: {  	[dreg:$0x4] =	wrdreg $0xC0  }
0xab: {  	_ =	task [dreg:s7], $0x5FFFF  }
0xac: {  	[dreg:$0x1] =	wrdreg $0xFFFFFFFF  }
0xad: {  	[dreg:$0x0] =	wrdreg $0x60  }
0xae: {  	[dreg:$0x2] =	wrdreg s24  }
0xaf: {  	[dreg:$0x3] =	wrdreg s2  }
0xb0: {  	[dreg:$0x4] =	wrdreg $0xE0000  }
0xb1: {  	[dreg:$0x5] =	wrdreg $0x9  }
0xb2: {  	_ =	task.clear_ibuf [dreg:s7], $0x6FFFF;
	_ =	strace $0x9000004C  }
0xb3: {  	s29 =	simm.s32 $0x9;
	_ =	strace $0x8000004E  }
0xb4: {  	_ =	swait.ge [sflag:s29], $0x1  }
0xb5: {  	[sflag:s29] =	ssyncadd.s32 $0xFFFFFFFF  }
0xb6: {  	_ =	strace $0x9000004E  }
0xb7: {  	_ =	sfence  }
0xb8: {  	s30 =	sld [smem:$0x0];
	_ =	sdelay $0x2  }
0xb9: {  	s31 =	sshll.u32 s1, $0xD;
	s1 =	sshrl.u32 s1, $0x2  }
0xba: {  	s3 =	sand.u32 $0x4000, s31;
	s1 =	sadd.s32 s1, s30  }
0xbb: {  	s0 =	sor.u32 s3, s0;
	s1 =	sshll.u32 s1, $0x11  }
0xbc: {  	s0 =	sor.u32 s1, s0  }
0xbd: {  	s0 =	sadd.s32 $0x8F2B, s0  }
0xbe: {  	[sflag:s0] =	ssyncadd.remote.s32 $0x1  }
0xbf: {  	_ =	sfence.sel $0xFFFF  }
0xc0: {  	[dreg:$0x0] =	wrdreg $0xFFFFFFFF;
	(pc) =	sbr.abs _section_cstart, $3  }
0xc1: {  	[dreg:$0x1] =	wrdreg $0xFFFFFFFF  }
0xc2: {  	_ =	task.clear_ibuf [dreg:s7], $0x2FFFF;
	_ =	strace $0x9FFFFFFF  }
0xc3: {  	(tm) =	ssettm $0x7FFFFFFF  }
tec
execute0_lowered:
.L_overlay_start_1:
0x0: {  	(tag) =	ssettag $0x1  }
0x1: {  	s0 =	rddreg [dreg:$0x0]  }
0x2: {  	s3 =	rddreg [dreg:$0x1]  }
0x3: {  	s1 =	rddreg [dreg:$0x2];
	s2 =	simm.s32 $0x0;
	s4 =	srdreg.scid  }
0x4: {  	s16 =	stileid.u32;
	s14 =	simm.s32 $0x4;
	s15 =	simm.s32 $0x1000  }
0x5: {  	s17 =	simm.s32 $0x80;
	s18 =	simm.s32 $0x6000;
	s20 =	simm.s32 $0xA000  }
0x6: {  	s21 =	simm.s32 $0x1;
	s23 =	simm.s32 $0x2;
	s26 =	simm.s32 $0x3  }
0x7: {  	s31 =	simm.s32 $0xF00;
	s19 =	simm.s32 $0xF80;
	s22 =	simm.s32 $0x1E80  }
0x8: {  	s25 =	simm.s32 $0x1F80;
	s28 =	simm.s32 $0x0;
	[smem:$0x7FF] =	sst s2  }
0x9: {  	s8 =	sand.u32 $0x1, s4;
	s4 =	sadd.s32 $0x4E00, s0;
	s6 =	sshll.u32 s16, $0x9  }
0xa: {  	s29 =	sshll.u32 s16, $0x10;
	s30 =	sshll.u32 s16, $0xD;
	s11 =	sadd.s32 $0x100000, s1  }
0xb: {  	p0 =	sne.s32 s16, $0x0;
	s16 =	simm.s32 $0x2000;
	_ =	strace $0x8000004D  }
0xc: {  	s5 =	ssub.s32 $0x2, s8;
	s7 =	sadd.s32 s6, s0;
	s9 =	sshll.u32 s8, $0x11  }
0xd: {  	s6 =	sadd.s32 s3, s6;
	s24 =	sshll.u32 s8, $0xD;
	s10 =	sshrl.u32 s5, $0x1  }
0xe: {  	s0 =	sadd.s32 s9, s0;
	v0 =	vmov s24;
	s24 =	simm.s32 $0x1F00;
	s13 =	ssub.s32 s5, s10  }
0xf: {  	s5 =	sadd.s32 $0x45600, s7;
	s7 =	sadd.s32 s29, s1;
	s0 =	sadd.s32 s30, s0  }
0x10: {  	s8 =	sadd.s32 $0x4000, s7;
	s9 =	sadd.s32 $0x8000, s7;
	s10 =	sadd.s32 $0xC000, s7  }
0x11: {  	v1 =	vimm.f32 $0.0e+00;
	s12 =	sadd.s32 $0x87600, s0;
	s13 =	smax.u32 s13, $0x1;
	s0 =	simm.s32 $0x1E00  }
.LBB2_1:
0x12: {  	[tilespmem:s2], [sflag:$0x4] =	stream.linear.gather [hbm4b:s5+s2], $0x1000, $0x38;
	[tilespmem:$0x1E400] =	vst v63  }
0x13: {  	_ =	swait.ge [sflag:s14], $0x1000  }
0x14: {  	[sflag:s14] =	ssyncset.done $0x0  }
0x15: {  	[sflag:s14] =	ssyncadd.s32 $0xFFFFF000  }
0x16: {  	[tilespmem:s15], [sflag:$0x4] =	stream.linear.gather [hbm4b:s6+s2], $0x1000, $0x38;
	[tilespmem:$0x1E400] =	vst v63  }
0x17: {  	_ =	swait.ge [sflag:s14], $0x1000  }
0x18: {  	[sflag:s14] =	ssyncset.done $0x0  }
0x19: {  	s29 =	simm.s32 $0x0;
	[sflag:s14] =	ssyncadd.s32 $0xFFFFF000  }
0x1a: {  	v3 =	vld [tilespmem:s29+$0x1000]  }
0x1b: {  	v4 =	vld [tilespmem:s29+$0x1010]  }
0x1c: {  	v6 =	vld [tilespmem:s29+$0x1020]  }
0x1d: {  	v5 =	vld [tilespmem:s29+$0x1030]  }
0x1e: {  	v2 =	vld [tilespmem:s29+$0x1040]  }
0x1f: {  	v7 =	vsub.s32 v3, v0;
	v3 =	vld [tilespmem:s29+$0x1050]  }
0x20: {  	s30 =	simm.s32 $0x200;
	v8 =	vsub.s32 v4, v0;
	v4 =	vld [tilespmem:s29+$0x1060];
	v7 =	vmin.u32 v7, $0x2000  }
.LBB2_2:
0x21: {  	s3 =	sshra.s32 s30, $0x2;
	p1 =	sne.s32 s30, $0x3E00;
	[tilespmem:s29+$0x1000] =	vst v7;
	v7 =	vmin.u32 v8, $0x2000;
	v6 =	vsub.s32 v6, v0;
	v8 =	vld [tilespmem:s29+$0x1070]  }
0x22: {  	v9 =	vld [tilespmem:s3+$0x1000];
	[tilespmem:s29+$0x1010] =	vst v7;
	v6 =	vmin.u32 v6, $0x2000;
	v5 =	vsub.s32 v5, v0  }
0x23: {  	v10 =	vld [tilespmem:s3+$0x1010];
	[tilespmem:s29+$0x1020] =	vst v6;
	v5 =	vmin.u32 v5, $0x2000;
	v2 =	vsub.s32 v2, v0  }
.Ltmp0:
0x24: {  	v6 =	vld [tilespmem:s3+$0x1020];
	[tilespmem:s29+$0x1030] =	vst v5;
	v2 =	vmin.u32 v2, $0x2000;
	v3 =	vsub.s32 v3, v0;
	(pc) =	sbr.rel @p1 .LBB2_2-.Ltmp0, $4  }
0x25: {  	v5 =	vld [tilespmem:s3+$0x1030];
	[tilespmem:s29+$0x1040] =	vst v2;
	v3 =	vmin.u32 v3, $0x2000;
	v4 =	vsub.s32 v4, v0  }
0x26: {  	v2 =	vld [tilespmem:s3+$0x1040];
	[tilespmem:s29+$0x1050] =	vst v3;
	v4 =	vmin.u32 v4, $0x2000;
	v7 =	vsub.s32 v8, v0  }
0x27: {  	v8 =	vsub.s32 v9, v0;
	v3 =	vld [tilespmem:s3+$0x1050];
	[tilespmem:s29+$0x1060] =	vst v4;
	v9 =	vmin.u32 v7, $0x2000  }
0x28: {  	s30 =	sadd.s32 $0x200, s30;
	v7 =	vmin.u32 v8, $0x2000;
	v8 =	vsub.s32 v10, v0;
	v4 =	vld [tilespmem:s3+$0x1060];
	[tilespmem:s29+$0x1070] =	vst v9;
	s29 =	smov.u32 s3  }
0x29: {  	[tilespmem:s29+$0x1000] =	vst v7;
	v62 =	vmin.u32 v8, $0x2000;
	v6 =	vsub.s32 v6, v0;
	v63 =	vld [tilespmem:s29+$0x1070]  }
0x2a: {  	[tilespmem:s29+$0x1010] =	vst v62;
	v6 =	vmin.u32 v6, $0x2000;
	v5 =	vsub.s32 v5, v0  }
0x2b: {  	[tilespmem:s29+$0x1020] =	vst v6;
	v5 =	vmin.u32 v5, $0x2000;
	v2 =	vsub.s32 v2, v0  }
0x2c: {  	[tilespmem:s29+$0x1030] =	vst v5;
	v2 =	vmin.u32 v2, $0x2000;
	v3 =	vsub.s32 v3, v0  }
0x2d: {  	[tilespmem:s29+$0x1040] =	vst v2;
	v2 =	vmin.u32 v3, $0x2000;
	v3 =	vsub.s32 v4, v0  }
0x2e: {  	[tilespmem:s29+$0x1050] =	vst v2;
	v2 =	vmin.u32 v3, $0x2000;
	v3 =	vsub.s32 v63, v0  }
0x2f: {  	[tilespmem:s29+$0x1060] =	vst v2;
	v2 =	vmin.u32 v3, $0x2000  }
0x30: {  	s30 =	simm.s32 $0x200;
	[tilespmem:s29+$0x1070] =	vst v2;
	s29 =	simm.s32 $0x0  }
.LBB2_4:
0x31: {  	p1 =	sne.s32 s30, $0xFE00;
	[tilespmem:s29+$0x2070] =	vst v1  }
0x32: {  	[tilespmem:s29+$0x2000] =	vst v1  }
0x33: {  	[tilespmem:s29+$0x2010] =	vst v1  }
.Ltmp1:
0x34: {  	[tilespmem:s29+$0x2020] =	vst v1;
	(pc) =	sbr.rel @p1 .LBB2_4-.Ltmp1, $4  }
0x35: {  	[tilespmem:s29+$0x2030] =	vst v1  }
0x36: {  	[tilespmem:s29+$0x2040] =	vst v1  }
0x37: {  	[tilespmem:s29+$0x2050] =	vst v1  }
0x38: {  	[tilespmem:s29+$0x2060] =	vst v1;
	s29 =	sshra.s32 s30, $0x2;
	s30 =	sadd.s32 $0x200, s30  }
0x39: {  	[tilespmem:s29+$0x2070] =	vst v1  }
0x3a: {  	[tilespmem:s29+$0x2000] =	vst v1  }
0x3b: {  	[tilespmem:s29+$0x2010] =	vst v1  }
0x3c: {  	[tilespmem:s29+$0x2020] =	vst v1  }
0x3d: {  	[tilespmem:s29+$0x2030] =	vst v1  }
0x3e: {  	[tilespmem:s29+$0x2040] =	vst v1  }
0x3f: {  	[tilespmem:s29+$0x2050] =	vst v1  }
0x40: {  	[tilespmem:s29+$0x2060] =	vst v1  }
0x41: {  	[spmem:s7] =	stream.linear.scatter [tilespmem:s16], [sflag:$0x4], $0x4000, $0x38;
	[tilespmem:$0x1E400] =	vst v63  }
0x42: {  	_ =	swait.ge [sflag:s14], $0x4000  }
0x43: {  	[sflag:s14] =	ssyncset.done $0x0  }
0x44: {  	[sflag:s14] =	ssyncadd.s32 $0xFFFFC000  }
0x45: {  	[spmem:s8] =	stream.linear.scatter [tilespmem:s16], [sflag:$0x4], $0x4000, $0x38;
	[tilespmem:$0x1E400] =	vst v63  }
0x46: {  	_ =	swait.ge [sflag:s14], $0x4000  }
0x47: {  	[sflag:s14] =	ssyncset.done $0x0  }
0x48: {  	[sflag:s14] =	ssyncadd.s32 $0xFFFFC000  }
0x49: {  	[spmem:s9] =	stream.linear.scatter [tilespmem:s16], [sflag:$0x4], $0x4000, $0x38;
	[tilespmem:$0x1E400] =	vst v63  }
0x4a: {  	_ =	swait.ge [sflag:s14], $0x4000  }
0x4b: {  	[sflag:s14] =	ssyncset.done $0x0  }
0x4c: {  	[sflag:s14] =	ssyncadd.s32 $0xFFFFC000  }
0x4d: {  	[spmem:s10] =	stream.linear.scatter [tilespmem:s16], [sflag:$0x4], $0x4000, $0x38;
	[tilespmem:$0x1E400] =	vst v63  }
0x4e: {  	_ =	swait.ge [sflag:s14], $0x4000  }
0x4f: {  	[sflag:s14] =	ssyncset.done $0x0  }
0x50: {  	s3 =	simm.s32 @!p0 $0x2000;
	[sflag:s14] =	ssyncadd.s32 $0xFFFFC000  }
0x51: {  	[spmem:s11] =	stream.linear.scatter @!p0 [tilespmem:s3], [sflag:$0x4], $0x4000, $0x38;
	[tilespmem:$0x1E400] =	vst v63  }
0x52: {  	s3 =	simm.s32 @!p0 $0x4  }
0x53: {  	_ =	swait.ge @!p0 [sflag:s3], $0x4000  }
0x54: {  	[sflag:s3] =	ssyncset.done @!p0 $0x0  }
0x55: {  	[sflag:s3] =	ssyncadd.s32 @!p0 $0xFFFFC000  }
0x56: {  	[bflag:$0x0] =	sbarrier.arrive $0xFFFF  }
0x57: {  	[tilespmem:s16], [sflag:$0x1] =	stream.indirect.gather [hbm4b:s4+s17], $0x80, s2, s17, $0xb8;
	[tilespmem:$0x1E400] =	vst v63  }
0x58: {  	_ = 	snop  }
0x59: {  	[tilespmem:s18], [sflag:$0x2] =	stream.indirect.gather [hbm4b:s4+s17], $0x80, s17, s17, $0xb8;
	[tilespmem:$0x1E400] =	vst v63  }
0x5a: {  	s30 =	simm.s32 $0x100  }
0x5b: {  	[tilespmem:s20], [sflag:$0x3] =	stream.indirect.gather [hbm4b:s4+s17], $0x80, s30, s17, $0xb8;
	[tilespmem:$0x1E400] =	vst v63  }
0x5c: {  	_ =	swait.ge [sflag:s21], $0x4000  }
0x5d: {  	[sflag:s21] =	ssyncset.done $0x0  }
0x5e: {  	[sflag:s21] =	ssyncadd.s32 $0xFFFFC000  }
0x5f: {  	[spmem:s1] =	stream.indirect.scatter.add.f32 [tilespmem:s16], [sflag:$0x4], $0x80, s15, s17, $0xb8;
	[tilespmem:$0x1E400] =	vst v63  }
0x60: {  	_ =	swait.ge [sflag:s14], $0x4000  }
0x61: {  	[sflag:s14] =	ssyncset.done $0x0  }
0x62: {  	s29 =	simm.s32 $0x180;
	[sflag:s14] =	ssyncadd.s32 $0xFFFFC000  }
0x63: {  	[tilespmem:s16], [sflag:$0x1] =	stream.indirect.gather [hbm4b:s4+s17], $0x80, s29, s17, $0xb8;
	[tilespmem:$0x1E400] =	vst v63  }
0x64: {  	_ =	swait.ge [sflag:s23], $0x4000  }
0x65: {  	[sflag:s23] =	ssyncset.done $0x0  }
0x66: {  	s30 =	simm.s32 $0x1080;
	[sflag:s23] =	ssyncadd.s32 $0xFFFFC000  }
0x67: {  	[spmem:s1] =	stream.indirect.scatter.add.f32 [tilespmem:s18], [sflag:$0x4], $0x80, s30, s17, $0xb8;
	[tilespmem:$0x1E400] =	vst v63  }
0x68: {  	_ =	swait.ge [sflag:s14], $0x4000  }
0x69: {  	[sflag:s14] =	ssyncset.done $0x0  }
0x6a: {  	s29 =	simm.s32 $0x200;
	[sflag:s14] =	ssyncadd.s32 $0xFFFFC000  }
0x6b: {  	[tilespmem:s18], [sflag:$0x2] =	stream.indirect.gather [hbm4b:s4+s17], $0x80, s29, s17, $0xb8;
	[tilespmem:$0x1E400] =	vst v63  }
0x6c: {  	_ =	swait.ge [sflag:s26], $0x4000  }
0x6d: {  	[sflag:s26] =	ssyncset.done $0x0  }
0x6e: {  	s30 =	simm.s32 $0x1100;
	[sflag:s26] =	ssyncadd.s32 $0xFFFFC000  }
0x6f: {  	[spmem:s1] =	stream.indirect.scatter.add.f32 [tilespmem:s20], [sflag:$0x4], $0x80, s30, s17, $0xb8;
	[tilespmem:$0x1E400] =	vst v63  }
0x70: {  	_ =	swait.ge [sflag:s14], $0x4000  }
0x71: {  	[sflag:s14] =	ssyncset.done $0x0  }
0x72: {  	s29 =	simm.s32 $0x280;
	[sflag:s14] =	ssyncadd.s32 $0xFFFFC000  }
0x73: {  	[tilespmem:s20], [sflag:$0x3] =	stream.indirect.gather [hbm4b:s4+s17], $0x80, s29, s17, $0xb8;
	[tilespmem:$0x1E400] =	vst v63  }
0x74: {  	_ =	swait.ge [sflag:s21], $0x4000  }
0x75: {  	[sflag:s21] =	ssyncset.done $0x0  }
0x76: {  	s30 =	simm.s32 $0x1180;
	[sflag:s21] =	ssyncadd.s32 $0xFFFFC000  }
0x77: {  	[spmem:s1] =	stream.indirect.scatter.add.f32 [tilespmem:s16], [sflag:$0x4], $0x80, s30, s17, $0xb8;
	[tilespmem:$0x1E400] =	vst v63  }
0x78: {  	_ =	swait.ge [sflag:s14], $0x4000  }
0x79: {  	[sflag:s14] =	ssyncset.done $0x0  }
0x7a: {  	s29 =	simm.s32 $0x300;
	[sflag:s14] =	ssyncadd.s32 $0xFFFFC000  }
0x7b: {  	[tilespmem:s16], [sflag:$0x1] =	stream.indirect.gather [hbm4b:s4+s17], $0x80, s29, s17, $0xb8;
	[tilespmem:$0x1E400] =	vst v63  }
0x7c: {  	_ =	swait.ge [sflag:s23], $0x4000  }
0x7d: {  	[sflag:s23] =	ssyncset.done $0x0  }
0x7e: {  	s30 =	simm.s32 $0x1200;
	[sflag:s23] =	ssyncadd.s32 $0xFFFFC000  }
0x7f: {  	[spmem:s1] =	stream.indirect.scatter.add.f32 [tilespmem:s18], [sflag:$0x4], $0x80, s30, s17, $0xb8;
	[tilespmem:$0x1E400] =	vst v63  }
0x80: {  	_ =	swait.ge [sflag:s14], $0x4000  }
0x81: {  	[sflag:s14] =	ssyncset.done $0x0  }
0x82: {  	s29 =	simm.s32 $0x380;
	[sflag:s14] =	ssyncadd.s32 $0xFFFFC000  }
0x83: {  	[tilespmem:s18], [sflag:$0x2] =	stream.indirect.gather [hbm4b:s4+s17], $0x80, s29, s17, $0xb8;
	[tilespmem:$0x1E400] =	vst v63  }
0x84: {  	_ =	swait.ge [sflag:s26], $0x4000  }
0x85: {  	[sflag:s26] =	ssyncset.done $0x0  }
0x86: {  	s30 =	simm.s32 $0x1280;
	[sflag:s26] =	ssyncadd.s32 $0xFFFFC000  }
0x87: {  	[spmem:s1] =	stream.indirect.scatter.add.f32 [tilespmem:s20], [sflag:$0x4], $0x80, s30, s17, $0xb8;
	[tilespmem:$0x1E400] =	vst v63  }
0x88: {  	_ =	swait.ge [sflag:s14], $0x4000  }
0x89: {  	[sflag:s14] =	ssyncset.done $0x0  }
0x8a: {  	s29 =	simm.s32 $0x400;
	[sflag:s14] =	ssyncadd.s32 $0xFFFFC000  }
0x8b: {  	[tilespmem:s20], [sflag:$0x3] =	stream.indirect.gather [hbm4b:s4+s17], $0x80, s29, s17, $0xb8;
	[tilespmem:$0x1E400] =	vst v63  }
0x8c: {  	_ =	swait.ge [sflag:s21], $0x4000  }
0x8d: {  	[sflag:s21] =	ssyncset.done $0x0  }
0x8e: {  	s30 =	simm.s32 $0x1300;
	[sflag:s21] =	ssyncadd.s32 $0xFFFFC000  }
0x8f: {  	[spmem:s1] =	stream.indirect.scatter.add.f32 [tilespmem:s16], [sflag:$0x4], $0x80, s30, s17, $0xb8;
	[tilespmem:$0x1E400] =	vst v63  }
0x90: {  	_ =	swait.ge [sflag:s14], $0x4000  }
0x91: {  	[sflag:s14] =	ssyncset.done $0x0  }
0x92: {  	s29 =	simm.s32 $0x480;
	[sflag:s14] =	ssyncadd.s32 $0xFFFFC000  }
0x93: {  	[tilespmem:s16], [sflag:$0x1] =	stream.indirect.gather [hbm4b:s4+s17], $0x80, s29, s17, $0xb8;
	[tilespmem:$0x1E400] =	vst v63  }
0x94: {  	_ =	swait.ge [sflag:s23], $0x4000  }
0x95: {  	[sflag:s23] =	ssyncset.done $0x0  }
0x96: {  	s30 =	simm.s32 $0x1380;
	[sflag:s23] =	ssyncadd.s32 $0xFFFFC000  }
0x97: {  	[spmem:s1] =	stream.indirect.scatter.add.f32 [tilespmem:s18], [sflag:$0x4], $0x80, s30, s17, $0xb8;
	[tilespmem:$0x1E400] =	vst v63  }
0x98: {  	_ =	swait.ge [sflag:s14], $0x4000  }
0x99: {  	[sflag:s14] =	ssyncset.done $0x0  }
0x9a: {  	s29 =	simm.s32 $0x500;
	[sflag:s14] =	ssyncadd.s32 $0xFFFFC000  }
0x9b: {  	[tilespmem:s18], [sflag:$0x2] =	stream.indirect.gather [hbm4b:s4+s17], $0x80, s29, s17, $0xb8;
	[tilespmem:$0x1E400] =	vst v63  }
0x9c: {  	_ =	swait.ge [sflag:s26], $0x4000  }
0x9d: {  	[sflag:s26] =	ssyncset.done $0x0  }
0x9e: {  	s30 =	simm.s32 $0x1400;
	[sflag:s26] =	ssyncadd.s32 $0xFFFFC000  }
0x9f: {  	[spmem:s1] =	stream.indirect.scatter.add.f32 [tilespmem:s20], [sflag:$0x4], $0x80, s30, s17, $0xb8;
	[tilespmem:$0x1E400] =	vst v63  }
0xa0: {  	_ =	swait.ge [sflag:s14], $0x4000  }
0xa1: {  	[sflag:s14] =	ssyncset.done $0x0  }
0xa2: {  	s29 =	simm.s32 $0x580;
	[sflag:s14] =	ssyncadd.s32 $0xFFFFC000  }
0xa3: {  	[tilespmem:s20], [sflag:$0x3] =	stream.indirect.gather [hbm4b:s4+s17], $0x80, s29, s17, $0xb8;
	[tilespmem:$0x1E400] =	vst v63  }
0xa4: {  	_ =	swait.ge [sflag:s21], $0x4000  }
0xa5: {  	[sflag:s21] =	ssyncset.done $0x0  }
0xa6: {  	s30 =	simm.s32 $0x1480;
	[sflag:s21] =	ssyncadd.s32 $0xFFFFC000  }
0xa7: {  	[spmem:s1] =	stream.indirect.scatter.add.f32 [tilespmem:s16], [sflag:$0x4], $0x80, s30, s17, $0xb8;
	[tilespmem:$0x1E400] =	vst v63  }
0xa8: {  	_ =	swait.ge [sflag:s14], $0x4000  }
0xa9: {  	[sflag:s14] =	ssyncset.done $0x0  }
0xaa: {  	s29 =	simm.s32 $0x600;
	[sflag:s14] =	ssyncadd.s32 $0xFFFFC000  }
0xab: {  	[tilespmem:s16], [sflag:$0x1] =	stream.indirect.gather [hbm4b:s4+s17], $0x80, s29, s17, $0xb8;
	[tilespmem:$0x1E400] =	vst v63  }
0xac: {  	_ =	swait.ge [sflag:s23], $0x4000  }
0xad: {  	[sflag:s23] =	ssyncset.done $0x0  }
0xae: {  	s30 =	simm.s32 $0x1500;
	[sflag:s23] =	ssyncadd.s32 $0xFFFFC000  }
0xaf: {  	[spmem:s1] =	stream.indirect.scatter.add.f32 [tilespmem:s18], [sflag:$0x4], $0x80, s30, s17, $0xb8;
	[tilespmem:$0x1E400] =	vst v63  }
0xb0: {  	_ =	swait.ge [sflag:s14], $0x4000  }
0xb1: {  	[sflag:s14] =	ssyncset.done $0x0  }
0xb2: {  	s29 =	simm.s32 $0x680;
	[sflag:s14] =	ssyncadd.s32 $0xFFFFC000  }
0xb3: {  	[tilespmem:s18], [sflag:$0x2] =	stream.indirect.gather [hbm4b:s4+s17], $0x80, s29, s17, $0xb8;
	[tilespmem:$0x1E400] =	vst v63  }
0xb4: {  	_ =	swait.ge [sflag:s26], $0x4000  }
0xb5: {  	[sflag:s26] =	ssyncset.done $0x0  }
0xb6: {  	s30 =	simm.s32 $0x1580;
	[sflag:s26] =	ssyncadd.s32 $0xFFFFC000  }
0xb7: {  	[spmem:s1] =	stream.indirect.scatter.add.f32 [tilespmem:s20], [sflag:$0x4], $0x80, s30, s17, $0xb8;
	[tilespmem:$0x1E400] =	vst v63  }
0xb8: {  	_ =	swait.ge [sflag:s14], $0x4000  }
0xb9: {  	[sflag:s14] =	ssyncset.done $0x0  }
0xba: {  	s29 =	simm.s32 $0x700;
	[sflag:s14] =	ssyncadd.s32 $0xFFFFC000  }
0xbb: {  	[tilespmem:s20], [sflag:$0x3] =	stream.indirect.gather [hbm4b:s4+s17], $0x80, s29, s17, $0xb8;
	[tilespmem:$0x1E400] =	vst v63  }
0xbc: {  	_ =	swait.ge [sflag:s21], $0x4000  }
0xbd: {  	[sflag:s21] =	ssyncset.done $0x0  }
0xbe: {  	s30 =	simm.s32 $0x1600;
	[sflag:s21] =	ssyncadd.s32 $0xFFFFC000  }
0xbf: {  	[spmem:s1] =	stream.indirect.scatter.add.f32 [tilespmem:s16], [sflag:$0x4], $0x80, s30, s17, $0xb8;
	[tilespmem:$0x1E400] =	vst v63  }
0xc0: {  	_ =	swait.ge [sflag:s14], $0x4000  }
0xc1: {  	[sflag:s14] =	ssyncset.done $0x0  }
0xc2: {  	s29 =	simm.s32 $0x780;
	[sflag:s14] =	ssyncadd.s32 $0xFFFFC000  }
0xc3: {  	[tilespmem:s16], [sflag:$0x1] =	stream.indirect.gather [hbm4b:s4+s17], $0x80, s29, s17, $0xb8;
	[tilespmem:$0x1E400] =	vst v63  }
0xc4: {  	_ =	swait.ge [sflag:s23], $0x4000  }
0xc5: {  	[sflag:s23] =	ssyncset.done $0x0  }
0xc6: {  	s30 =	simm.s32 $0x1680;
	[sflag:s23] =	ssyncadd.s32 $0xFFFFC000  }
0xc7: {  	[spmem:s1] =	stream.indirect.scatter.add.f32 [tilespmem:s18], [sflag:$0x4], $0x80, s30, s17, $0xb8;
	[tilespmem:$0x1E400] =	vst v63  }
0xc8: {  	_ =	swait.ge [sflag:s14], $0x4000  }
0xc9: {  	[sflag:s14] =	ssyncset.done $0x0  }
0xca: {  	s29 =	simm.s32 $0x800;
	[sflag:s14] =	ssyncadd.s32 $0xFFFFC000  }
0xcb: {  	[tilespmem:s18], [sflag:$0x2] =	stream.indirect.gather [hbm4b:s4+s17], $0x80, s29, s17, $0xb8;
	[tilespmem:$0x1E400] =	vst v63  }
0xcc: {  	_ =	swait.ge [sflag:s26], $0x4000  }
0xcd: {  	[sflag:s26] =	ssyncset.done $0x0  }
0xce: {  	s30 =	simm.s32 $0x1700;
	[sflag:s26] =	ssyncadd.s32 $0xFFFFC000  }
0xcf: {  	[spmem:s1] =	stream.indirect.scatter.add.f32 [tilespmem:s20], [sflag:$0x4], $0x80, s30, s17, $0xb8;
	[tilespmem:$0x1E400] =	vst v63  }
0xd0: {  	_ =	swait.ge [sflag:s14], $0x4000  }
0xd1: {  	[sflag:s14] =	ssyncset.done $0x0  }
0xd2: {  	s29 =	simm.s32 $0x880;
	[sflag:s14] =	ssyncadd.s32 $0xFFFFC000  }
0xd3: {  	[tilespmem:s20], [sflag:$0x3] =	stream.indirect.gather [hbm4b:s4+s17], $0x80, s29, s17, $0xb8;
	[tilespmem:$0x1E400] =	vst v63  }
0xd4: {  	_ =	swait.ge [sflag:s21], $0x4000  }
0xd5: {  	[sflag:s21] =	ssyncset.done $0x0  }
0xd6: {  	s30 =	simm.s32 $0x1780;
	[sflag:s21] =	ssyncadd.s32 $0xFFFFC000  }
0xd7: {  	[spmem:s1] =	stream.indirect.scatter.add.f32 [tilespmem:s16], [sflag:$0x4], $0x80, s30, s17, $0xb8;
	[tilespmem:$0x1E400] =	vst v63  }
0xd8: {  	_ =	swait.ge [sflag:s14], $0x4000  }
0xd9: {  	[sflag:s14] =	ssyncset.done $0x0  }
0xda: {  	s29 =	simm.s32 $0x900;
	[sflag:s14] =	ssyncadd.s32 $0xFFFFC000  }
0xdb: {  	[tilespmem:s16], [sflag:$0x1] =	stream.indirect.gather [hbm4b:s4+s17], $0x80, s29, s17, $0xb8;
	[tilespmem:$0x1E400] =	vst v63  }
0xdc: {  	_ =	swait.ge [sflag:s23], $0x4000  }
0xdd: {  	[sflag:s23] =	ssyncset.done $0x0  }
0xde: {  	s30 =	simm.s32 $0x1800;
	[sflag:s23] =	ssyncadd.s32 $0xFFFFC000  }
0xdf: {  	[spmem:s1] =	stream.indirect.scatter.add.f32 [tilespmem:s18], [sflag:$0x4], $0x80, s30, s17, $0xb8;
	[tilespmem:$0x1E400] =	vst v63  }
0xe0: {  	_ =	swait.ge [sflag:s14], $0x4000  }
0xe1: {  	[sflag:s14] =	ssyncset.done $0x0  }
0xe2: {  	s29 =	simm.s32 $0x980;
	[sflag:s14] =	ssyncadd.s32 $0xFFFFC000  }
0xe3: {  	[tilespmem:s18], [sflag:$0x2] =	stream.indirect.gather [hbm4b:s4+s17], $0x80, s29, s17, $0xb8;
	[tilespmem:$0x1E400] =	vst v63  }
0xe4: {  	_ =	swait.ge [sflag:s26], $0x4000  }
0xe5: {  	[sflag:s26] =	ssyncset.done $0x0  }
0xe6: {  	s30 =	simm.s32 $0x1880;
	[sflag:s26] =	ssyncadd.s32 $0xFFFFC000  }
0xe7: {  	[spmem:s1] =	stream.indirect.scatter.add.f32 [tilespmem:s20], [sflag:$0x4], $0x80, s30, s17, $0xb8;
	[tilespmem:$0x1E400] =	vst v63  }
0xe8: {  	_ =	swait.ge [sflag:s14], $0x4000  }
0xe9: {  	[sflag:s14] =	ssyncset.done $0x0  }
0xea: {  	s29 =	simm.s32 $0xA00;
	[sflag:s14] =	ssyncadd.s32 $0xFFFFC000  }
0xeb: {  	[tilespmem:s20], [sflag:$0x3] =	stream.indirect.gather [hbm4b:s4+s17], $0x80, s29, s17, $0xb8;
	[tilespmem:$0x1E400] =	vst v63  }
0xec: {  	_ =	swait.ge [sflag:s21], $0x4000  }
0xed: {  	[sflag:s21] =	ssyncset.done $0x0  }
0xee: {  	s30 =	simm.s32 $0x1900;
	[sflag:s21] =	ssyncadd.s32 $0xFFFFC000  }
0xef: {  	[spmem:s1] =	stream.indirect.scatter.add.f32 [tilespmem:s16], [sflag:$0x4], $0x80, s30, s17, $0xb8;
	[tilespmem:$0x1E400] =	vst v63  }
0xf0: {  	_ =	swait.ge [sflag:s14], $0x4000  }
0xf1: {  	[sflag:s14] =	ssyncset.done $0x0  }
0xf2: {  	s29 =	simm.s32 $0xA80;
	[sflag:s14] =	ssyncadd.s32 $0xFFFFC000  }
0xf3: {  	[tilespmem:s16], [sflag:$0x1] =	stream.indirect.gather [hbm4b:s4+s17], $0x80, s29, s17, $0xb8;
	[tilespmem:$0x1E400] =	vst v63  }
0xf4: {  	_ =	swait.ge [sflag:s23], $0x4000  }
0xf5: {  	[sflag:s23] =	ssyncset.done $0x0  }
0xf6: {  	s30 =	simm.s32 $0x1980;
	[sflag:s23] =	ssyncadd.s32 $0xFFFFC000  }
0xf7: {  	[spmem:s1] =	stream.indirect.scatter.add.f32 [tilespmem:s18], [sflag:$0x4], $0x80, s30, s17, $0xb8;
	[tilespmem:$0x1E400] =	vst v63  }
0xf8: {  	_ =	swait.ge [sflag:s14], $0x4000  }
0xf9: {  	[sflag:s14] =	ssyncset.done $0x0  }
0xfa: {  	s29 =	simm.s32 $0xB00;
	[sflag:s14] =	ssyncadd.s32 $0xFFFFC000  }
0xfb: {  	[tilespmem:s18], [sflag:$0x2] =	stream.indirect.gather [hbm4b:s4+s17], $0x80, s29, s17, $0xb8;
	[tilespmem:$0x1E400] =	vst v63  }
0xfc: {  	_ =	swait.ge [sflag:s26], $0x4000  }
0xfd: {  	[sflag:s26] =	ssyncset.done $0x0  }
0xfe: {  	s30 =	simm.s32 $0x1A00;
	[sflag:s26] =	ssyncadd.s32 $0xFFFFC000  }
0xff: {  	[spmem:s1] =	stream.indirect.scatter.add.f32 [tilespmem:s20], [sflag:$0x4], $0x80, s30, s17, $0xb8;
	[tilespmem:$0x1E400] =	vst v63  }
0x100: {  	_ =	swait.ge [sflag:s14], $0x4000  }
0x101: {  	[sflag:s14] =	ssyncset.done $0x0  }
0x102: {  	s29 =	simm.s32 $0xB80;
	[sflag:s14] =	ssyncadd.s32 $0xFFFFC000  }
0x103: {  	[tilespmem:s20], [sflag:$0x3] =	stream.indirect.gather [hbm4b:s4+s17], $0x80, s29, s17, $0xb8;
	[tilespmem:$0x1E400] =	vst v63  }
0x104: {  	_ =	swait.ge [sflag:s21], $0x4000  }
0x105: {  	[sflag:s21] =	ssyncset.done $0x0  }
0x106: {  	s30 =	simm.s32 $0x1A80;
	[sflag:s21] =	ssyncadd.s32 $0xFFFFC000  }
0x107: {  	[spmem:s1] =	stream.indirect.scatter.add.f32 [tilespmem:s16], [sflag:$0x4], $0x80, s30, s17, $0xb8;
	[tilespmem:$0x1E400] =	vst v63  }
0x108: {  	_ =	swait.ge [sflag:s14], $0x4000  }
0x109: {  	[sflag:s14] =	ssyncset.done $0x0  }
0x10a: {  	s29 =	simm.s32 $0xC00;
	[sflag:s14] =	ssyncadd.s32 $0xFFFFC000  }
0x10b: {  	[tilespmem:s16], [sflag:$0x1] =	stream.indirect.gather [hbm4b:s4+s17], $0x80, s29, s17, $0xb8;
	[tilespmem:$0x1E400] =	vst v63  }
0x10c: {  	_ =	swait.ge [sflag:s23], $0x4000  }
0x10d: {  	[sflag:s23] =	ssyncset.done $0x0  }
0x10e: {  	s30 =	simm.s32 $0x1B00;
	[sflag:s23] =	ssyncadd.s32 $0xFFFFC000  }
0x10f: {  	[spmem:s1] =	stream.indirect.scatter.add.f32 [tilespmem:s18], [sflag:$0x4], $0x80, s30, s17, $0xb8;
	[tilespmem:$0x1E400] =	vst v63  }
0x110: {  	_ =	swait.ge [sflag:s14], $0x4000  }
0x111: {  	[sflag:s14] =	ssyncset.done $0x0  }
0x112: {  	s29 =	simm.s32 $0xC80;
	[sflag:s14] =	ssyncadd.s32 $0xFFFFC000  }
0x113: {  	[tilespmem:s18], [sflag:$0x2] =	stream.indirect.gather [hbm4b:s4+s17], $0x80, s29, s17, $0xb8;
	[tilespmem:$0x1E400] =	vst v63  }
0x114: {  	_ =	swait.ge [sflag:s26], $0x4000  }
0x115: {  	[sflag:s26] =	ssyncset.done $0x0  }
0x116: {  	s30 =	simm.s32 $0x1B80;
	[sflag:s26] =	ssyncadd.s32 $0xFFFFC000  }
0x117: {  	[spmem:s1] =	stream.indirect.scatter.add.f32 [tilespmem:s20], [sflag:$0x4], $0x80, s30, s17, $0xb8;
	[tilespmem:$0x1E400] =	vst v63  }
0x118: {  	_ =	swait.ge [sflag:s14], $0x4000  }
0x119: {  	[sflag:s14] =	ssyncset.done $0x0  }
0x11a: {  	s29 =	simm.s32 $0xD00;
	[sflag:s14] =	ssyncadd.s32 $0xFFFFC000  }
0x11b: {  	[tilespmem:s20], [sflag:$0x3] =	stream.indirect.gather [hbm4b:s4+s17], $0x80, s29, s17, $0xb8;
	[tilespmem:$0x1E400] =	vst v63  }
0x11c: {  	_ =	swait.ge [sflag:s21], $0x4000  }
0x11d: {  	[sflag:s21] =	ssyncset.done $0x0  }
0x11e: {  	s30 =	simm.s32 $0x1C00;
	[sflag:s21] =	ssyncadd.s32 $0xFFFFC000  }
0x11f: {  	[spmem:s1] =	stream.indirect.scatter.add.f32 [tilespmem:s16], [sflag:$0x4], $0x80, s30, s17, $0xb8;
	[tilespmem:$0x1E400] =	vst v63  }
0x120: {  	_ =	swait.ge [sflag:s14], $0x4000  }
0x121: {  	[sflag:s14] =	ssyncset.done $0x0  }
0x122: {  	s29 =	simm.s32 $0xD80;
	[sflag:s14] =	ssyncadd.s32 $0xFFFFC000  }
0x123: {  	[tilespmem:s16], [sflag:$0x1] =	stream.indirect.gather [hbm4b:s4+s17], $0x80, s29, s17, $0xb8;
	[tilespmem:$0x1E400] =	vst v63  }
0x124: {  	_ =	swait.ge [sflag:s23], $0x4000  }
0x125: {  	[sflag:s23] =	ssyncset.done $0x0  }
0x126: {  	s30 =	simm.s32 $0x1C80;
	[sflag:s23] =	ssyncadd.s32 $0xFFFFC000  }
0x127: {  	[spmem:s1] =	stream.indirect.scatter.add.f32 [tilespmem:s18], [sflag:$0x4], $0x80, s30, s17, $0xb8;
	[tilespmem:$0x1E400] =	vst v63  }
0x128: {  	_ =	swait.ge [sflag:s14], $0x4000  }
0x129: {  	[sflag:s14] =	ssyncset.done $0x0  }
0x12a: {  	s29 =	simm.s32 $0xE00;
	[sflag:s14] =	ssyncadd.s32 $0xFFFFC000  }
0x12b: {  	[tilespmem:s18], [sflag:$0x2] =	stream.indirect.gather [hbm4b:s4+s17], $0x80, s29, s17, $0xb8;
	[tilespmem:$0x1E400] =	vst v63  }
0x12c: {  	_ =	swait.ge [sflag:s26], $0x4000  }
0x12d: {  	[sflag:s26] =	ssyncset.done $0x0  }
0x12e: {  	s30 =	simm.s32 $0x1D00;
	[sflag:s26] =	ssyncadd.s32 $0xFFFFC000  }
0x12f: {  	[spmem:s1] =	stream.indirect.scatter.add.f32 [tilespmem:s20], [sflag:$0x4], $0x80, s30, s17, $0xb8;
	[tilespmem:$0x1E400] =	vst v63  }
0x130: {  	_ =	swait.ge [sflag:s14], $0x4000  }
0x131: {  	[sflag:s14] =	ssyncset.done $0x0  }
0x132: {  	s29 =	simm.s32 $0xE80;
	[sflag:s14] =	ssyncadd.s32 $0xFFFFC000  }
0x133: {  	[tilespmem:s20], [sflag:$0x3] =	stream.indirect.gather [hbm4b:s4+s17], $0x80, s29, s17, $0xb8;
	[tilespmem:$0x1E400] =	vst v63  }
0x134: {  	_ =	swait.ge [sflag:s21], $0x4000  }
0x135: {  	[sflag:s21] =	ssyncset.done $0x0  }
0x136: {  	s30 =	simm.s32 $0x1D80;
	[sflag:s21] =	ssyncadd.s32 $0xFFFFC000  }
0x137: {  	[spmem:s1] =	stream.indirect.scatter.add.f32 [tilespmem:s16], [sflag:$0x4], $0x80, s30, s17, $0xb8;
	[tilespmem:$0x1E400] =	vst v63  }
0x138: {  	_ =	swait.ge [sflag:s14], $0x4000  }
0x139: {  	[sflag:s14] =	ssyncset.done $0x0  }
0x13a: {  	[sflag:s14] =	ssyncadd.s32 $0xFFFFC000  }
0x13b: {  	[tilespmem:s16], [sflag:$0x1] =	stream.indirect.gather [hbm4b:s4+s17], $0x80, s31, s17, $0xb8;
	[tilespmem:$0x1E400] =	vst v63  }
0x13c: {  	_ =	swait.ge [sflag:s23], $0x4000  }
0x13d: {  	[sflag:s23] =	ssyncset.done $0x0  }
0x13e: {  	[sflag:s23] =	ssyncadd.s32 $0xFFFFC000  }
0x13f: {  	[spmem:s1] =	stream.indirect.scatter.add.f32 [tilespmem:s18], [sflag:$0x4], $0x80, s0, s17, $0xb8;
	[tilespmem:$0x1E400] =	vst v63  }
0x140: {  	_ =	swait.ge [sflag:s14], $0x4000  }
0x141: {  	[sflag:s14] =	ssyncset.done $0x0  }
0x142: {  	[sflag:s14] =	ssyncadd.s32 $0xFFFFC000  }
0x143: {  	[tilespmem:s18], [sflag:$0x2] =	stream.indirect.gather [hbm4b:s4+s17], $0x80, s19, s17, $0xb8;
	[tilespmem:$0x1E400] =	vst v63  }
0x144: {  	_ =	swait.ge [sflag:s26], $0x4000  }
0x145: {  	[sflag:s26] =	ssyncset.done $0x0  }
0x146: {  	[sflag:s26] =	ssyncadd.s32 $0xFFFFC000  }
0x147: {  	[spmem:s1] =	stream.indirect.scatter.add.f32 [tilespmem:s20], [sflag:$0x4], $0x80, s22, s17, $0xb8;
	[tilespmem:$0x1E400] =	vst v63  }
0x148: {  	_ =	swait.ge [sflag:s14], $0x4000  }
0x149: {  	[sflag:s14] =	ssyncset.done $0x0  }
0x14a: {  	[sflag:s14] =	ssyncadd.s32 $0xFFFFC000  }
0x14b: {  	_ =	swait.ge [sflag:s21], $0x4000  }
0x14c: {  	[sflag:s21] =	ssyncset.done $0x0  }
0x14d: {  	[sflag:s21] =	ssyncadd.s32 $0xFFFFC000  }
0x14e: {  	[spmem:s1] =	stream.indirect.scatter.add.f32 [tilespmem:s16], [sflag:$0x4], $0x80, s24, s17, $0xb8;
	[tilespmem:$0x1E400] =	vst v63  }
0x14f: {  	_ =	swait.ge [sflag:s14], $0x4000  }
0x150: {  	[sflag:s14] =	ssyncset.done $0x0  }
0x151: {  	[sflag:s14] =	ssyncadd.s32 $0xFFFFC000  }
0x152: {  	_ =	swait.ge [sflag:s23], $0x4000  }
0x153: {  	[sflag:s23] =	ssyncset.done $0x0  }
0x154: {  	[sflag:s23] =	ssyncadd.s32 $0xFFFFC000  }
0x155: {  	[spmem:s1] =	stream.indirect.scatter.add.f32 [tilespmem:s18], [sflag:$0x4], $0x80, s25, s17, $0xb8;
	[tilespmem:$0x1E400] =	vst v63  }
0x156: {  	s29 =	stileid.u32;
	_ =	swait.ge [sflag:s14], $0x4000  }
0x157: {  	s28 =	sadd.s32 $0x1, s28;
	s3 =	sshll.u32 s29, $0x6;
	[sflag:s14] =	ssyncset.done $0x0  }
0x158: {  	p1 =	sne.s32 s28, s13;
	s3 =	sor.u32 $0x1C04, s3;
	[sflag:s14] =	ssyncadd.s32 $0xFFFFC000  }
.Ltmp2:
0x159: {  	s30 =	sshrl.u32 s7, $0x3;
	[bflag:$0x0] =	sbarrier.arrive $0xFFFF;
	(pc) =	sbr.rel @p1 .LBB2_1-.Ltmp2, $4  }
0x15a: {  	[hbm:s12], [sflag:s3] =	dma.local [spmem:s30], $0x2000  }
0x15b: {  	_ =	swait.ge [sflag:s14], $0x2000  }
0x15c: {  	[sflag:s14] =	ssyncset.done $0x0  }
0x15d: {  	[sflag:s14] =	ssyncadd.s32 $0xFFFFE000  }
0x15e: {  	_ =	sfence.sel $0x180000  }
0x15f: {  	[bflag:$0x0] =	sbarrier.arrive $0xFFFF  }
0x160: {  	_ =	strace $0x9000004D  }
0x161: {  	[bflag:$0x2] =	sbarrier.arrive $0xFFFF  }
0x162: {  	s0 =	rddreg [dreg:$0x3]  }
0x163: {  	s0 =	sadd.s32 @!p0 $0x100000, s0  }
0x164: {  	[sflag:s0] =	ssyncadd.tile.s32 @!p0 $0x1;
	_ =	shalt  }
.Lfunc_end2:
_tile_overlayer_lowered:
.L_overlay_start_2:
0x165: {  	(tag) =	ssettag $0x2  }
0x166: {  	s0 =	rddreg [dreg:$0x0];
	s2 =	stileid.u32  }
0x167: {  	s1 =	rddreg [dreg:$0x1];
	p0 =	sne.s32 s2, $0x0  }
0x168: {  	s3 =	rddreg [dreg:$0x2];
	[bflag:$0x3] =	sbarrier.arrive $0xFFFF;
	s2 =	simm.s32 @!p0 $0x1C04  }
0x169: {  	[timem:s3], [sflag:s2] =	dma.local @!p0 [hbm:s0], s1  }
0x16a: {  	s0 =	simm.s32 @!p0 $0x4  }
0x16b: {  	_ =	swait.ge @!p0 [sflag:s0], s1  }
0x16c: {  	s1 =	ssub.s32 @!p0 $0x0, s1;
	[sflag:s0] =	ssyncset.done @!p0 $0x0  }
0x16d: {  	[sflag:s0] =	ssyncadd.s32 @!p0 s1  }
0x16e: {  	[bflag:$0x3] =	sbarrier.arrive $0xFFFF  }
0x16f: {  	_ =	shalt  }

// kernel: kernel.9.cloned.1.call-start
scs
__scs_entry_jumppad:
0x0: {  	(pc) =	sbr.rel $0x88, $3  }
0x1: {  	(tag) =	ssettag $0x0;
	lr =	simm.s32 $0x1  }
0x2: {  	[smem:$0x3F90] =	sst lr;
	_ =	strace $0xD0000000  }
0x3: {  	_ = 	snop  }
0x4: {  	_ = 	snop  }
0x5: {  	_ = 	snop  }
0x6: {  	_ = 	snop  }
0x7: {  	_ = 	snop  }
__scs_overlays_trampoline_lowered:
0x8: {  	[smem:$0x3F9F] =	sst s0  }
0x9: {  	[smem:$0x3FA0] =	sst s1  }
0xa: {  	[smem:$0x3FA1] =	sst s2  }
0xb: {  	[smem:$0x3FA2] =	sst s3  }
0xc: {  	[smem:$0x3FA3] =	sst s4  }
0xd: {  	[smem:$0x3FA4] =	sst s5  }
0xe: {  	[smem:$0x3FA5] =	sst s6  }
0xf: {  	[smem:$0x3FA6] =	sst s7  }
0x10: {  	[smem:$0x3FA7] =	sst s8  }
0x11: {  	[smem:$0x3FA8] =	sst s9;
	s0 =	simm.s32 @!p0 $0x0  }
0x12: {  	s1 =	sld [smem:$0x3F8E];
	s0 =	simm.s32 @p0 $0x1  }
0x13: {  	[smem:$0x3FA9] =	sst s0;
	s0 =	simm.s32 @!p1 $0x0  }
0x14: {  	s2 =	sld [smem:$0x3F8D];
	s0 =	simm.s32 @p1 $0x1  }
0x15: {  	[smem:$0x3FAA] =	sst s0;
	s0 =	simm.s32 @!p2 $0x0  }
0x16: {  	s3 =	sld [smem:$0x3FDB];
	s0 =	simm.s32 @p2 $0x1  }
0x17: {  	s4 =	simm.s32 $0x1BF5;
	[smem:$0x3FAC] =	sst s0  }
0x18: {  	s0 =	sld [smem:$0x3F8F];
	_ =	swait.ge [sflag:s4], $0x0  }
0x19: {  	s7 =	sld [smem:$0x3F90]  }
0x1a: {  	s8 =	sadd.s32 $0xFFFFE003, lr  }
0x1b: {  	s9 =	sadd.s32 $0xFFFFFEF7, lr;
	s5 =	simm.s32 $0xFFFFFFFF;
	p2 =	slt.u32 s8, $0xFFFFF086  }
0x1c: {  	p1 =	slt.u32 s9, $0xF7A;
	s5 =	simm.s32 @!p2 $0x0  }
0x1d: {  	s5 =	simm.s32 @p1 $0x1;
	p0 =	seq.s32 s7, s2  }
0x1e: {  	s7 =	smul.u32 @!p0 $0xF7A, s2;
	p2 =	seq.s32 @!p0 s5, $0x0  }
0x1f: {  	s9 =	smul.u32 $0xF7A, s1;
	s8 =	simm.s32 @!p0 $0x1BF5;
	p2 =	por !p2, p0  }
0x20: {  	[sflag:s8] =	ssyncset.s32 @!p0 $0xFFFFF086;
	s6 =	sadd.s32 @!p0 s3, s7;
	s7 =	simm.s32 @!p0 $0x108  }
0x21: {  	s3 =	sadd.s32 s3, s9;
	s6 =	sadd.s32 @!p0 $0x88, s6;
	s7 =	simm.s32 @p2 $0x1082  }
0x22: {  	[simem:s7], [sflag:s8] =	dma.local @!p0 [hbm:s6], $0xF7A  }
0x23: {  	s9 =	sor.u32 $0xD0000000, s2;
	s6 =	simm.s32 $0x108;
	_ =	swait.ge @!p0 [sflag:s8], $0x0  }
0x24: {  	s3 =	sadd.s32 $0x88, s3;
	s6 =	simm.s32 @!p1 $0x1082;
	[sflag:s4] =	ssyncset.s32 $0xFFFFF086  }
0x25: {  	[simem:s6], [sflag:s4] =	dma.local [hbm:s3], $0xF7A  }
0x26: {  	[smem:$0x3F90] =	sst s1;
	(tag) =	ssettag s2;
	_ =	strace s9  }
0x27: {  	s1 =	sld [smem:$0x3FA0]  }
0x28: {  	s2 =	sld [smem:$0x3FA1]  }
0x29: {  	s4 =	sld [smem:$0x3FA3]  }
0x2a: {  	p0 =	seq.s32 s5, $0x0;
	s5 =	sld [smem:$0x3FA4]  }
0x2b: {  	s6 =	sld [smem:$0x3FA5]  }
0x2c: {  	s7 =	sld [smem:$0x3FA6]  }
0x2d: {  	s3 =	simm.s32 $0x108;
	s8 =	sld [smem:$0x3FA7]  }
0x2e: {  	s3 =	simm.s32 @!p0 $0x1082;
	s9 =	sld [smem:$0x3FA8]  }
0x2f: {  	lr =	sadd.s32 s0, s3;
	s0 =	sld [smem:$0x3F9F]  }
0x30: {  	s3 =	sld [smem:$0x3FA2]  }
0x31: {  	[smem:$0x3FAB] =	sst s10  }
0x32: {  	s10 =	sld [smem:$0x3FA9];
	_ =	sdelay $0x3  }
0x33: {  	p0 =	seq.s32 s10, $0x1;
	s10 =	sld [smem:$0x3FAB];
	_ =	sdelay $0x3  }
0x34: {  	[smem:$0x3FAB] =	sst s10  }
0x35: {  	s10 =	sld [smem:$0x3FAA];
	_ =	sdelay $0x3  }
0x36: {  	p1 =	seq.s32 s10, $0x1;
	s10 =	sld [smem:$0x3FAB];
	_ =	sdelay $0x3  }
0x37: {  	[smem:$0x3FAB] =	sst s10  }
0x38: {  	s10 =	sld [smem:$0x3FAC]  }
0x39: {  	_ = 	snop;
	(pc) =	sbr.ind lr, $3  }
0x3a: {  	_ = 	snop  }
0x3b: {  	_ = 	snop  }
0x3c: {  	p2 =	seq.s32 s10, $0x1;
	s10 =	sld [smem:$0x3FAB]  }
0x3d: {  	_ =	shalt  }
0x3e: {  	_ =	shalt  }
0x3f: {  	_ =	shalt  }
0x40: {  	_ =	shalt  }
0x41: {  	_ =	shalt  }
0x42: {  	_ =	shalt  }
0x43: {  	_ =	shalt  }
0x44: {  	_ =	shalt  }
0x45: {  	_ =	shalt  }
0x46: {  	_ =	shalt  }
0x47: {  	_ =	shalt  }
0x48: {  	_ =	shalt  }
0x49: {  	_ =	shalt  }
0x4a: {  	_ =	shalt  }
0x4b: {  	_ =	shalt  }
0x4c: {  	_ =	shalt  }
0x4d: {  	_ =	shalt  }
0x4e: {  	_ =	shalt  }
0x4f: {  	_ =	shalt  }
0x50: {  	_ =	shalt  }
0x51: {  	_ =	shalt  }
0x52: {  	_ =	shalt  }
0x53: {  	_ =	shalt  }
0x54: {  	_ =	shalt  }
0x55: {  	_ =	shalt  }
0x56: {  	_ =	shalt  }
0x57: {  	_ =	shalt  }
0x58: {  	_ =	shalt  }
0x59: {  	_ =	shalt  }
0x5a: {  	_ =	shalt  }
0x5b: {  	_ =	shalt  }
0x5c: {  	_ =	shalt  }
0x5d: {  	_ =	shalt  }
0x5e: {  	_ =	shalt  }
0x5f: {  	_ =	shalt  }
0x60: {  	_ =	shalt  }
0x61: {  	_ =	shalt  }
0x62: {  	_ =	shalt  }
0x63: {  	_ =	shalt  }
0x64: {  	_ =	shalt  }
0x65: {  	_ =	shalt  }
0x66: {  	_ =	shalt  }
0x67: {  	_ =	shalt  }
0x68: {  	_ =	shalt  }
0x69: {  	_ =	shalt  }
0x6a: {  	_ =	shalt  }
0x6b: {  	_ =	shalt  }
0x6c: {  	_ =	shalt  }
0x6d: {  	_ =	shalt  }
0x6e: {  	_ =	shalt  }
0x6f: {  	_ =	shalt  }
0x70: {  	_ =	shalt  }
0x71: {  	_ =	shalt  }
0x72: {  	_ =	shalt  }
0x73: {  	_ =	shalt  }
0x74: {  	_ =	shalt  }
0x75: {  	_ =	shalt  }
0x76: {  	_ =	shalt  }
0x77: {  	_ =	shalt  }
0x78: {  	_ =	shalt  }
0x79: {  	_ =	shalt  }
0x7a: {  	_ =	shalt  }
0x7b: {  	_ =	shalt  }
0x7c: {  	_ =	shalt  }
0x7d: {  	_ =	shalt  }
0x7e: {  	_ =	shalt  }
0x7f: {  	_ =	shalt  }
0x80: {  	_ =	shalt  }
0x81: {  	_ =	shalt  }
0x82: {  	_ =	shalt  }
0x83: {  	_ =	shalt  }
0x84: {  	_ =	shalt  }
0x85: {  	_ =	shalt  }
0x86: {  	_ =	shalt  }
0x87: {  	_ =	shalt  }
.Lfunc_end0:
.L_simem_size_0:
called_computation_lowered:
.L_overlay_start_0:
0x88: {  	s2 =	sld [smem:$0x3FD9]  }
0x89: {  	s3 =	sld [smem:$0x3FFE];
	_ =	sdelay $0x1  }
0x8a: {  	s1 =	srdreg.scid  }
0x8b: {  	s0 =	sand.u32 $0x1, s1  }
0x8c: {  	s17 =	sshll.u32 s0, $0xA;
	s2 =	sadd.s32 s3, s2  }
0x8d: {  	s2 =	sadd.s32 s2, s17  }
0x8e: {  	[smem:$0x3FB7] =	sst s2  }
0x8f: {  	_ = 	snop  }
0x90: {  	s2 =	sld [smem:$0x3FC6];
	(tm) =	ssettm $0x1  }
0x91: {  	s18 =	sld [smem:$0x3FFB];
	_ =	sdelay $0x3  }
0x92: {  	_ =	strace s18  }
0x93: {  	s3 =	sld [smem:$0x3FFC];
	_ =	sdelay $0x3  }
0x94: {  	_ =	strace s3  }
0x95: {  	s3 =	sld [smem:$0x3FFD];
	_ =	sdelay $0x3  }
0x96: {  	_ =	strace s3  }
0x97: {  	_ =	strace $0x8FFFFFFF  }
0x98: {  	s19 =	sld [smem:$0x3FDB];
	_ =	sdelay $0x1  }
0x99: {  	s4 =	simm.s32 $_scs_section_size  }
0x9a: {  	s5 =	simm.s32 $_size__tile_overlayer_lowered;
	s6 =	simm.s32 $_tile_overlayer_lowered  }
0x9b: {  	s22 =	simm.s32 $0x1BFF;
	s21 =	sshll.u32 s6, $0x1;
	s3 =	sadd.s32 s4, s19  }
0x9c: {  	s7 =	simm.s32 $0x0;
	s20 =	sshll.u32 s5, $0x1;
	s5 =	sadd.s32 s21, s3  }
0x9d: {  	[timem:s7], [sflag:s22] =	dma.local [hbm:s5], s20  }
0x9e: {  	_ =	swait.ge [sflag:s22], s20  }
0x9f: {  	s4 =	ssub.s32 $0x0, s20;
	[sflag:s22] =	ssyncset.done $0x0  }
0xa0: {  	[sflag:s22] =	ssyncadd.s32 s4;
	_ =	sdelay $0x1  }
0xa1: {  	s23 =	simm.s32 $0x1B8B  }
0xa2: {  	_ =	swait.ge [sflag:s23], $0x1  }
0xa3: {  	[sflag:s23] =	ssyncset.done $0x0  }
0xa4: {  	s25 =	simm.s32 $0x1B8E;
	s24 =	sld [smem:$0x3FFE];
	[sflag:s23] =	ssyncadd.s32 $0xFFFFFFFF  }
0xa5: {  	s26 =	simm.s32 $execute0_lowered;
	[smem:$0x3FD2] =	sst s25  }
0xa6: {  	s5 =	sshll.u32 s26, $0x1;
	_ =	strace $0x80000046;
	[dreg:$0x1] =	wrdreg $0xFFFFFFFF  }
0xa7: {  	s28 =	simm.s32 $_size_execute0_lowered;
	s3 =	sadd.s32 s3, s5;
	[dreg:$0x0] =	wrdreg $0x0  }
0xa8: {  	s5 =	sshll.u32 s28, $0x1;
	[dreg:$0x2] =	wrdreg s3  }
0xa9: {  	[dreg:$0x3] =	wrdreg s5  }
0xaa: {  	[dreg:$0x4] =	wrdreg $0xC0  }
0xab: {  	_ =	task [dreg:s7], $0x5FFFF  }
0xac: {  	[dreg:$0x1] =	wrdreg $0xFFFFFFFF  }
0xad: {  	[dreg:$0x0] =	wrdreg $0x60  }
0xae: {  	[dreg:$0x2] =	wrdreg s2  }
0xaf: {  	[dreg:$0x3] =	wrdreg s24  }
0xb0: {  	[dreg:$0x4] =	wrdreg $0x9  }
0xb1: {  	_ =	task.clear_ibuf [dreg:s7], $0x5FFFF;
	_ =	strace $0x90000046  }
0xb2: {  	s29 =	simm.s32 $0x9;
	_ =	strace $0x80000048  }
0xb3: {  	_ =	swait.ge [sflag:s29], $0x1  }
0xb4: {  	[sflag:s29] =	ssyncadd.s32 $0xFFFFFFFF  }
0xb5: {  	_ =	strace $0x90000048  }
0xb6: {  	_ =	sfence  }
0xb7: {  	s30 =	sld [smem:$0x0];
	_ =	sdelay $0x2  }
0xb8: {  	s31 =	sshll.u32 s1, $0xD;
	s1 =	sshrl.u32 s1, $0x2  }
0xb9: {  	s3 =	sand.u32 $0x4000, s31;
	s1 =	sadd.s32 s1, s30  }
0xba: {  	s0 =	sor.u32 s3, s0;
	s1 =	sshll.u32 s1, $0x11  }
0xbb: {  	s0 =	sor.u32 s1, s0  }
0xbc: {  	s0 =	sadd.s32 $0x8F2B, s0  }
0xbd: {  	[sflag:s0] =	ssyncadd.remote.s32 $0x1  }
0xbe: {  	_ =	sfence.sel $0xFFFF  }
0xbf: {  	[dreg:$0x0] =	wrdreg $0xFFFFFFFF;
	(pc) =	sbr.abs _section_cstart, $3  }
0xc0: {  	[dreg:$0x1] =	wrdreg $0xFFFFFFFF  }
0xc1: {  	_ =	task.clear_ibuf [dreg:s7], $0x2FFFF;
	_ =	strace $0x9FFFFFFF  }
0xc2: {  	(tm) =	ssettm $0x7FFFFFFF  }
0xc3: {  	_ =	shalt  }
tec
execute0_lowered:
.L_overlay_start_1:
0x0: {  	(tag) =	ssettag $0x1  }
0x1: {  	s1 =	rddreg [dreg:$0x0];
	s0 =	srdreg.scid  }
0x2: {  	s10 =	rddreg [dreg:$0x1];
	s16 =	sand.u32 $0x1, s0  }
0x3: {  	s2 =	stileid.u32;
	s3 =	simm.s32 $0x0;
	s4 =	sshll.u32 s16, $0x6  }
0x4: {  	s0 =	rddreg [dreg:$0x2];
	s5 =	sshll.u32 s2, $0x7;
	s4 =	sadd.s32 s4, s10  }
0x5: {  	[smem:$0x7FF] =	sst s3;
	s4 =	sadd.s32 s5, s4  }
0x6: {  	_ =	strace $0x80000047;
	s5 =	sadd.s32 $0x4E00, s4;
	s4 =	simm.s32 $0x3  }
0x7: {  	[tilespmem:s3], [sflag:$0x3] =	stream.linear.gather [hbm4b:s5+s3], $0x200, $0x38;
	[tilespmem:$0x8200] =	vst v63  }
0x8: {  	_ =	swait.ge [sflag:s4], $0x200  }
0x9: {  	s6 =	simm.s32 $0x80;
	[sflag:s4] =	ssyncset.done $0x0  }
0xa: {  	s7 =	simm.s32 $0x200;
	s8 =	simm.s32 $0x4200;
	[sflag:s4] =	ssyncadd.s32 $0xFFFFFE00  }
0xb: {  	[tilespmem:s7], [sflag:$0x1] =	stream.indirect.gather [hbm4b:s1+s6], $0x80, s3, s6, $0xb8;
	[tilespmem:$0x8200] =	vst v63  }
0xc: {  	s9 =	simm.s32 $0x1;
	s11 =	sshll.u32 s2, $0xE;
	s12 =	sshll.u32 s16, $0xD  }
0xd: {  	[tilespmem:s8], [sflag:$0x2] =	stream.indirect.gather [hbm4b:s1+s6], $0x80, s6, s6, $0xb8;
	[tilespmem:$0x8200] =	vst v63  }
0xe: {  	s11 =	sor.u32 s12, s11;
	_ =	swait.ge [sflag:s9], $0x4000  }
0xf: {  	s17 =	sadd.s32 s11, s10;
	[sflag:s9] =	ssyncset.done $0x0  }
0x10: {  	s10 =	sadd.s32 $0x5600, s17;
	[sflag:s9] =	ssyncadd.s32 $0xFFFFC000  }
0x11: {  	[hbm4b:s10+s3] =	stream.linear.scatter [tilespmem:s7], [sflag:$0x3], $0x4000, $0x38;
	[tilespmem:$0x8200] =	vst v63  }
0x12: {  	_ =	swait.ge [sflag:s4], $0x4000  }
0x13: {  	[sflag:s4] =	ssyncset.done $0x0  }
0x14: {  	s12 =	simm.s32 $0x2;
	s11 =	simm.s32 $0x100;
	[sflag:s4] =	ssyncadd.s32 $0xFFFFC000  }
0x15: {  	[tilespmem:s7], [sflag:$0x1] =	stream.indirect.gather [hbm4b:s1+s6], $0x80, s11, s6, $0xb8;
	[tilespmem:$0x8200] =	vst v63  }
0x16: {  	_ =	swait.ge [sflag:s12], $0x4000  }
0x17: {  	[sflag:s12] =	ssyncset.done $0x0  }
0x18: {  	s13 =	sadd.s32 $0x5E00, s17;
	[sflag:s12] =	ssyncadd.s32 $0xFFFFC000  }
0x19: {  	[hbm4b:s13+s3] =	stream.linear.scatter [tilespmem:s8], [sflag:$0x3], $0x4000, $0x38;
	[tilespmem:$0x8200] =	vst v63  }
0x1a: {  	_ =	swait.ge [sflag:s4], $0x4000  }
0x1b: {  	[sflag:s4] =	ssyncset.done $0x0  }
0x1c: {  	s14 =	simm.s32 $0x180;
	[sflag:s4] =	ssyncadd.s32 $0xFFFFC000  }
0x1d: {  	[tilespmem:s8], [sflag:$0x2] =	stream.indirect.gather [hbm4b:s1+s6], $0x80, s14, s6, $0xb8;
	[tilespmem:$0x8200] =	vst v63  }
0x1e: {  	_ =	swait.ge [sflag:s9], $0x4000  }
0x1f: {  	[sflag:s9] =	ssyncset.done $0x0  }
0x20: {  	s16 =	ssub.s32 $0x2, s16;
	s15 =	sadd.s32 $0x6600, s17;
	[sflag:s9] =	ssyncadd.s32 $0xFFFFC000  }
0x21: {  	[hbm4b:s15+s3] =	stream.linear.scatter [tilespmem:s7], [sflag:$0x3], $0x4000, $0x38;
	[tilespmem:$0x8200] =	vst v63  }
0x22: {  	s18 =	sshrl.u32 s16, $0x1;
	_ =	swait.ge [sflag:s4], $0x4000  }
0x23: {  	s18 =	ssub.s32 s16, s18;
	[sflag:s4] =	ssyncset.done $0x0  }
0x24: {  	s31 =	smax.u32 s18, $0x1;
	[sflag:s4] =	ssyncadd.s32 $0xFFFFC000  }
0x25: {  	p0 =	sne.s32 s31, $0x1;
	_ =	swait.ge [sflag:s12], $0x4000  }
.Ltmp0:
0x26: {  	[sflag:s12] =	ssyncset.done $0x0;
	(pc) =	sbr.rel @!p0 .LBB2_2-.Ltmp0, $4  }
0x27: {  	s16 =	sadd.s32 $0x6E00, s17;
	[sflag:s12] =	ssyncadd.s32 $0xFFFFC000  }
0x28: {  	[hbm4b:s16+s3] =	stream.linear.scatter [tilespmem:s8], [sflag:$0x3], $0x4000, $0x38;
	[tilespmem:$0x8200] =	vst v63  }
0x29: {  	_ =	swait.ge [sflag:s4], $0x4000  }
0x2a: {  	s17 =	sadd.s32 $0xFFFFFFFF, s31;
	[sflag:s4] =	ssyncset.done $0x0  }
.LBB2_1:
0x2b: {  	p0 =	sne.s32 s17, $0x1;
	s17 =	sadd.s32 $0xFFFFFFFF, s17;
	[sflag:s4] =	ssyncadd.s32 $0xFFFFC000  }
0x2c: {  	[tilespmem:s3], [sflag:$0x3] =	stream.linear.gather [hbm4b:s5+s3], $0x200, $0x38;
	[tilespmem:$0x8200] =	vst v63  }
0x2d: {  	_ =	swait.ge [sflag:s4], $0x200  }
0x2e: {  	[sflag:s4] =	ssyncset.done $0x0  }
0x2f: {  	[sflag:s4] =	ssyncadd.s32 $0xFFFFFE00  }
0x30: {  	[tilespmem:s7], [sflag:$0x1] =	stream.indirect.gather [hbm4b:s1+s6], $0x80, s3, s6, $0xb8;
	[tilespmem:$0x8200] =	vst v63  }
0x31: {  	_ = 	snop  }
0x32: {  	[tilespmem:s8], [sflag:$0x2] =	stream.indirect.gather [hbm4b:s1+s6], $0x80, s6, s6, $0xb8;
	[tilespmem:$0x8200] =	vst v63  }
0x33: {  	_ =	swait.ge [sflag:s9], $0x4000  }
0x34: {  	[sflag:s9] =	ssyncset.done $0x0  }
0x35: {  	[sflag:s9] =	ssyncadd.s32 $0xFFFFC000  }
0x36: {  	[hbm4b:s10+s3] =	stream.linear.scatter [tilespmem:s7], [sflag:$0x3], $0x4000, $0x38;
	[tilespmem:$0x8200] =	vst v63  }
0x37: {  	_ =	swait.ge [sflag:s4], $0x4000  }
0x38: {  	[sflag:s4] =	ssyncset.done $0x0  }
0x39: {  	[sflag:s4] =	ssyncadd.s32 $0xFFFFC000  }
0x3a: {  	[tilespmem:s7], [sflag:$0x1] =	stream.indirect.gather [hbm4b:s1+s6], $0x80, s11, s6, $0xb8;
	[tilespmem:$0x8200] =	vst v63  }
0x3b: {  	_ =	swait.ge [sflag:s12], $0x4000  }
0x3c: {  	[sflag:s12] =	ssyncset.done $0x0  }
0x3d: {  	[sflag:s12] =	ssyncadd.s32 $0xFFFFC000  }
0x3e: {  	[hbm4b:s13+s3] =	stream.linear.scatter [tilespmem:s8], [sflag:$0x3], $0x4000, $0x38;
	[tilespmem:$0x8200] =	vst v63  }
0x3f: {  	_ =	swait.ge [sflag:s4], $0x4000  }
0x40: {  	[sflag:s4] =	ssyncset.done $0x0  }
0x41: {  	[sflag:s4] =	ssyncadd.s32 $0xFFFFC000  }
0x42: {  	[tilespmem:s8], [sflag:$0x2] =	stream.indirect.gather [hbm4b:s1+s6], $0x80, s14, s6, $0xb8;
	[tilespmem:$0x8200] =	vst v63  }
0x43: {  	_ =	swait.ge [sflag:s9], $0x4000  }
0x44: {  	[sflag:s9] =	ssyncset.done $0x0  }
0x45: {  	[sflag:s9] =	ssyncadd.s32 $0xFFFFC000  }
0x46: {  	[hbm4b:s15+s3] =	stream.linear.scatter [tilespmem:s7], [sflag:$0x3], $0x4000, $0x38;
	[tilespmem:$0x8200] =	vst v63  }
0x47: {  	_ =	swait.ge [sflag:s4], $0x4000  }
0x48: {  	[sflag:s4] =	ssyncset.done $0x0  }
0x49: {  	[sflag:s4] =	ssyncadd.s32 $0xFFFFC000  }
0x4a: {  	_ =	swait.ge [sflag:s12], $0x4000  }
.Ltmp1:
0x4b: {  	[sflag:s12] =	ssyncset.done $0x0;
	(pc) =	sbr.rel @p0 .LBB2_1-.Ltmp1, $4  }
0x4c: {  	[sflag:s12] =	ssyncadd.s32 $0xFFFFC000  }
0x4d: {  	[hbm4b:s16+s3] =	stream.linear.scatter [tilespmem:s8], [sflag:$0x3], $0x4000, $0x38;
	[tilespmem:$0x8200] =	vst v63  }
0x4e: {  	_ =	swait.ge [sflag:s4], $0x4000  }
0x4f: {  	[sflag:s4] =	ssyncset.done $0x0  }
.LBB2_2:
0x50: {  	[sflag:s4] =	ssyncadd.s32 $0xFFFFC000  }
0x51: {  	_ =	sfence.sel $0x180000  }
0x52: {  	[bflag:$0x0] =	sbarrier.arrive $0xFFFF  }
0x53: {  	p0 =	sne.s32 s2, $0x0;
	_ =	strace $0x90000047  }
0x54: {  	s0 =	sadd.s32 @!p0 $0x100000, s0;
	[bflag:$0x2] =	sbarrier.arrive $0xFFFF  }
0x55: {  	[sflag:s0] =	ssyncadd.tile.s32 @!p0 $0x1;
	_ =	shalt  }
.Lfunc_end2:
_tile_overlayer_lowered:
.L_overlay_start_2:
0x56: {  	(tag) =	ssettag $0x2  }
0x57: {  	s0 =	rddreg [dreg:$0x0];
	s2 =	stileid.u32  }
0x58: {  	s1 =	rddreg [dreg:$0x1];
	p0 =	sne.s32 s2, $0x0  }
0x59: {  	s3 =	rddreg [dreg:$0x2];
	[bflag:$0x3] =	sbarrier.arrive $0xFFFF;
	s2 =	simm.s32 @!p0 $0x1C03  }
0x5a: {  	[timem:s3], [sflag:s2] =	dma.local @!p0 [hbm:s0], s1  }
0x5b: {  	s0 =	simm.s32 @!p0 $0x3  }
0x5c: {  	_ =	swait.ge @!p0 [sflag:s0], s1  }
0x5d: {  	s1 =	ssub.s32 @!p0 $0x0, s1;
	[sflag:s0] =	ssyncset.done @!p0 $0x0  }
0x5e: {  	[sflag:s0] =	ssyncadd.s32 @!p0 s1  }
0x5f: {  	[bflag:$0x3] =	sbarrier.arrive $0xFFFF  }
0x60: {  	_ =	shalt  }

</sc_bundles>
